<compile_context>
chip_gen: v7x
topology: tpu7x:2x2x1
jax: 0.10.2.dev20260603
libtpu: 0.0.44.dev20260713+nightly
codegen_flags: <defaults>
</compile_context>

<pallas_src>
import functools

import jax
import jax.numpy as jnp
import numpy as np
from jax import lax
from jax.experimental import pallas as pl
from jax.experimental.pallas import tpu as pltpu, tpu_sc as plsc

N = 10000
E = 320000
D = 128

NC = 2
NS = 16
NW = NC * NS

CHUNK = 64
SEG = 40
NSEG = 4
K = NSEG * SEG
NBUF = 4
DCHUNK = 128
K_DEG = 80
E_PAD = NW * K * CHUNK
N_PAD = 10240
Z = N_PAD // NS

def _sc_degree_body(dst_hbm, out0_hbm, out1_hbm, dst_v, ones_v, zbuf_v,
                    acc_sh, sem):
    c = lax.axis_index("c")
    s = lax.axis_index("s")
    w = c * NS + s

    @pl.loop(0, Z // 16)
    def _(i):
        zbuf_v[pl.ds(i * 16, 16)] = jnp.zeros((16,), jnp.float32)

    @pl.loop(0, DCHUNK // 16)
    def _(i):
        ones_v[pl.ds(i * 16, 16)] = jnp.ones((16,), jnp.float32)

    z0 = pl.multiple_of(s * Z, 8)
    pltpu.sync_copy(zbuf_v, acc_sh.at[pl.ds(z0, Z)])
    plsc.subcore_barrier()

    pltpu.sync_copy(dst_hbm.at[pl.ds(w * (K_DEG * DCHUNK), K_DEG * DCHUNK)], dst_v)

    @pl.loop(0, K_DEG)
    def _(j):
        pltpu.sync_copy(ones_v, acc_sh.at[dst_v.at[pl.ds(j * DCHUNK, DCHUNK)]],
                        add=True)

    plsc.subcore_barrier()

    @pl.when(c == 0)
    def _():
        pltpu.sync_copy(acc_sh.at[pl.ds(z0, Z)], out0_hbm.at[pl.ds(z0, Z)])

    @pl.when(c == 1)
    def _():
        pltpu.sync_copy(acc_sh.at[pl.ds(z0, Z)], out1_hbm.at[pl.ds(z0, Z)])


def _sc_aggregate_body(g_hbm, src_hbm, dst_hbm, out0_hbm, out1_hbm,
                       src_v, dst_v, zrows, rows_c, rows_d, acc_sh,
                       gs0, gs1, gs2, gs3, ss0, ss1, ss2, ss3):
    c = lax.axis_index("c")
    s = lax.axis_index("s")
    w = c * NS + s

    @pl.loop(0, 2 * CHUNK)
    def _(i):
        for u in range(D // 16):
            zrows[i, pl.ds(u * 16, 16)] = jnp.zeros((16,), jnp.float32)

    @pl.loop(0, Z // (2 * CHUNK))
    def _(i):
        pltpu.sync_copy(
            zrows,
            acc_sh.at[pl.ds(pl.multiple_of(s * Z + i * 2 * CHUNK, 8), 2 * CHUNK)])

    plsc.subcore_barrier()

    rows = [zrows.at[pl.ds(0, CHUNK)], zrows.at[pl.ds(CHUNK, CHUNK)],
            rows_c, rows_d]
    gsems = [gs0, gs1, gs2, gs3]
    ssems = [ss0, ss1, ss2, ss3]

    def src_at(j):
        return src_v.at[pl.ds(j * CHUNK, CHUNK)]

    def dst_at(j):
        return dst_v.at[pl.ds(j * CHUNK, CHUNK)]

    for t in range(NSEG):
        off = w * K + t * SEG
        pltpu.sync_copy(src_hbm.at[pl.ds(off * CHUNK, SEG * CHUNK)], src_v)
        pltpu.sync_copy(dst_hbm.at[pl.ds(off * CHUNK, SEG * CHUNK)], dst_v)
        for b in range(NBUF):
            pltpu.async_copy(g_hbm.at[src_at(b)], rows[b], gsems[b])

        @pl.loop(0, SEG, step=NBUF)
        def _(j):
            for b in range(NBUF):
                pltpu.make_async_copy(g_hbm.at[src_at(j + b)], rows[b],
                                      gsems[b]).wait()
                pltpu.async_copy(rows[b], acc_sh.at[dst_at(j + b)], ssems[b],
                                 add=True)
            for b in range(NBUF):
                @pl.when(j + NBUF + b < SEG)
                def _():
                    pltpu.make_async_copy(rows[b], acc_sh.at[dst_at(j + b)],
                                          ssems[b]).wait()
                    pltpu.async_copy(g_hbm.at[src_at(j + NBUF + b)], rows[b],
                                     gsems[b])

        for b in range(NBUF):
            pltpu.make_async_copy(rows[b],
                                  acc_sh.at[dst_at(SEG - NBUF + b)],
                                  ssems[b]).wait()

    plsc.subcore_barrier()
    z0 = pl.multiple_of(s * Z, 8)

    @pl.when(c == 0)
    def _():
        pltpu.sync_copy(acc_sh.at[pl.ds(z0, Z)], out0_hbm.at[pl.ds(z0, Z)])

    @pl.when(c == 1)
    def _():
        pltpu.sync_copy(acc_sh.at[pl.ds(z0, Z)], out1_hbm.at[pl.ds(z0, Z)])


@functools.cache
def _build_sc_kernels():
    mesh = plsc.VectorSubcoreMesh(core_axis_name="c", subcore_axis_name="s",
                                  num_cores=NC, num_subcores=NS)
    deg = pl.kernel(
        _sc_degree_body,
        out_type=[jax.ShapeDtypeStruct((N_PAD,), jnp.float32),
                  jax.ShapeDtypeStruct((N_PAD,), jnp.float32)],
        mesh=mesh,
        scratch_types=[
            pltpu.VMEM((K_DEG * DCHUNK,), jnp.int32),
            pltpu.VMEM((DCHUNK,), jnp.float32),
            pltpu.VMEM((Z,), jnp.float32),
            pltpu.VMEM_SHARED((N_PAD,), jnp.float32),
            pltpu.SemaphoreType.DMA,
        ],
    )
    agg = pl.kernel(
        _sc_aggregate_body,
        out_type=[jax.ShapeDtypeStruct((N_PAD, D), jnp.float32),
                  jax.ShapeDtypeStruct((N_PAD, D), jnp.float32)],
        mesh=mesh,
        scratch_types=[
            pltpu.VMEM((SEG * CHUNK,), jnp.int32),
            pltpu.VMEM((SEG * CHUNK,), jnp.int32),
            pltpu.VMEM((2 * CHUNK, D), jnp.float32),
            pltpu.VMEM((CHUNK, D), jnp.float32),
            pltpu.VMEM((CHUNK, D), jnp.float32),
            pltpu.VMEM_SHARED((N_PAD, D), jnp.float32),
            pltpu.SemaphoreType.DMA,
            pltpu.SemaphoreType.DMA,
            pltpu.SemaphoreType.DMA,
            pltpu.SemaphoreType.DMA,
            pltpu.SemaphoreType.DMA,
            pltpu.SemaphoreType.DMA,
            pltpu.SemaphoreType.DMA,
            pltpu.SemaphoreType.DMA,
        ],
    )
    return deg, agg


def _sc_degree(dst_p):
    return _build_sc_kernels()[0](dst_p)


def _sc_aggregate(g, src_p, dst_p):
    return _build_sc_kernels()[1](g, src_p, dst_p)


BLK = 1000


def _tc1_body(x_ref, w_ref, p0_ref, p1_ref, g_ref, dis_ref):
    deg = p0_ref[...] + p1_ref[...] + 1.0
    dis = lax.rsqrt(deg)
    h = jnp.dot(x_ref[...], w_ref[...], preferred_element_type=jnp.float32)
    g_ref[...] = h * dis
    dis_ref[...] = dis


def _tc2_body(a0_ref, a1_ref, g_ref, dis_ref, b_ref, w_ref, g2_ref):
    dis = dis_ref[...]
    z = (a0_ref[...] + a1_ref[...] + g_ref[...]) * dis + b_ref[...]
    z = jnp.maximum(z, 0.0)
    h = jnp.dot(z, w_ref[...], preferred_element_type=jnp.float32)
    g2_ref[...] = h * dis


def _tc3_body(a0_ref, a1_ref, g_ref, dis_ref, b_ref, o_ref):
    t = (a0_ref[...] + a1_ref[...] + g_ref[...]) * dis_ref[...] + b_ref[...]
    m = jnp.max(t, axis=1, keepdims=True)
    lse = jnp.log(jnp.sum(jnp.exp(t - m), axis=1, keepdims=True))
    o_ref[...] = t - m - lse


def _row_spec(width):
    return pl.BlockSpec((BLK, width), lambda i: (i, 0))


def _full_spec(shape):
    return pl.BlockSpec(shape, lambda i: tuple(0 for _ in shape))


def _build_tc(interpret=False):
    tc1 = pl.pallas_call(
        _tc1_body,
        grid=(N // BLK,),
        in_specs=[_row_spec(D), _full_spec((D, D)), _row_spec(1), _row_spec(1)],
        out_specs=[_row_spec(D), _row_spec(1)],
        out_shape=[jax.ShapeDtypeStruct((N, D), jnp.float32),
                   jax.ShapeDtypeStruct((N, 1), jnp.float32)],
        interpret=interpret,
    )
    tc2 = pl.pallas_call(
        _tc2_body,
        grid=(N // BLK,),
        in_specs=[_row_spec(D), _row_spec(D), _row_spec(D), _row_spec(1),
                  _full_spec((1, D)), _full_spec((D, D))],
        out_specs=_row_spec(D),
        out_shape=jax.ShapeDtypeStruct((N, D), jnp.float32),
        interpret=interpret,
    )
    tc3 = pl.pallas_call(
        _tc3_body,
        grid=(N // BLK,),
        in_specs=[_row_spec(D), _row_spec(D), _row_spec(D), _row_spec(1),
                  _full_spec((1, D))],
        out_specs=_row_spec(D),
        out_shape=jax.ShapeDtypeStruct((N, D), jnp.float32),
        interpret=interpret,
    )
    return tc1, tc2, tc3


_tc1, _tc2, _tc3 = _build_tc()


def kernel(x, edge_index, W1, b1, W2, b2):
    src = edge_index[0].astype(jnp.int32)
    dst = edge_index[1].astype(jnp.int32)
    pad = E_PAD - E
    pad_idx = np.arange(pad, dtype=np.int32)
    src_pad = pad_idx % N
    dst_pad = N + pad_idx % (N_PAD - N)
    src_p = jnp.concatenate([src, jnp.asarray(src_pad)])
    dst_p = jnp.concatenate([dst, jnp.asarray(dst_pad)])

    p0, p1 = _sc_degree(dst_p)

    g1, dis = _tc1(x, W1, p0[:, None], p1[:, None])

    a0, a1 = _sc_aggregate(g1, src_p, dst_p)
    g2 = _tc2(a0, a1, g1, dis, b1[None, :], W2)

    a0, a1 = _sc_aggregate(g2, src_p, dst_p)
    return _tc3(a0, a1, g2, dis, b2[None, :])

# --- scband reference (transcript-rebuilt; emitter-appended) ---
"""Pipeline reference for scband-gnnmodel-37632503447782 (READ-ONLY COPY).

The authoritative reference and input builder live on the scoring server;
editing this copy changes nothing except your own understanding.
"""

import jax, jax.numpy as jnp
import numpy as np

N_NODES = 10000
N_EDGES = 320000
D_IN = 128
D_HID = 128
D_OUT = 128


def gcn_conv(x, edge_index, W, b, num_nodes):
    # GCNConv with self-loops and symmetric normalization:
    # out = D_hat^{-1/2} A_hat D_hat^{-1/2} X W + b
    src = edge_index[0]
    dst = edge_index[1]
    loop = jnp.arange(num_nodes, dtype=edge_index.dtype)
    src = jnp.concatenate([src, loop])
    dst = jnp.concatenate([dst, loop])
    deg = jnp.zeros((num_nodes,), dtype=x.dtype).at[dst].add(1.0)
    deg_inv_sqrt = jnp.where(deg > 0, 1.0 / jnp.sqrt(deg), 0.0)
    norm = deg_inv_sqrt[src] * deg_inv_sqrt[dst]
    h = x @ W
    msg = h[src] * norm[:, None]
    out = jnp.zeros((num_nodes, W.shape[1]), dtype=x.dtype).at[dst].add(msg)
    return out + b


def setup_inputs(seed: int = 0) -> dict:
    key = jax.random.key(seed)
    k_x, k_e, k_w1, k_b1, k_w2, k_b2 = jax.random.split(key, 6)
    x = jax.random.normal(k_x, (N_NODES, D_IN), dtype=jnp.float32)
    edge_index = jax.random.randint(k_e, (2, N_EDGES), 0, N_NODES, dtype=jnp.int64)
    W1 = jax.random.normal(k_w1, (D_IN, D_HID), dtype=jnp.float32) * (1.0 / np.sqrt(D_IN))
    b1 = jnp.zeros((D_HID,), dtype=jnp.float32)
    W2 = jax.random.normal(k_w2, (D_HID, D_OUT), dtype=jnp.float32) * (1.0 / np.sqrt(D_HID))
    b2 = jnp.zeros((D_OUT,), dtype=jnp.float32)
    return {"x": x, "edge_index": edge_index, "W1": W1, "b1": b1, "W2": W2, "b2": b2}


def reference(x, edge_index, W1, b1, W2, b2):
    h = gcn_conv(x, edge_index, W1, b1, N_NODES)
    h = jax.nn.relu(h)
    # dropout is identity in eval mode
    h = gcn_conv(h, edge_index, W2, b2, N_NODES)
    return jax.nn.log_softmax(h, axis=1)

if __name__ == "__main__":
    import jax
    _d = setup_inputs()
    print(jax.jit(kernel)(*tuple(_d.values())))

</pallas_src>

<mosaic_0001>
#map = affine_map<(d0, d1) -> (0, 0)>
#map1 = affine_map<(d0, d1) -> (0)>
module attributes {stable_mosaic.version = 14 : i64} {
  func.func @_sc_aggregate_body(%arg0: i32, %arg1: i32, %arg2: memref<10000x128xf32, #tpu.memory_space<hbm>>, %arg3: memref<327680xi32, #tpu.memory_space<hbm>>, %arg4: memref<327680xi32, #tpu.memory_space<hbm>>, %arg5: memref<10240x128xf32, #tpu.memory_space<hbm>>, %arg6: memref<10240x128xf32, #tpu.memory_space<hbm>>, %arg7: memref<2560xi32, #tpu.memory_space<vmem>>, %arg8: memref<2560xi32, #tpu.memory_space<vmem>>, %arg9: memref<128x128xf32, #tpu.memory_space<vmem>>, %arg10: memref<64x128xf32, #tpu.memory_space<vmem>>, %arg11: memref<64x128xf32, #tpu.memory_space<vmem>>, %arg12: memref<10240x128xf32, #tpu.memory_space<vmem_shared>>, %arg13: memref<!tpu.dma_semaphore, #tpu.memory_space<semaphore_mem>>, %arg14: memref<!tpu.dma_semaphore, #tpu.memory_space<semaphore_mem>>, %arg15: memref<!tpu.dma_semaphore, #tpu.memory_space<semaphore_mem>>, %arg16: memref<!tpu.dma_semaphore, #tpu.memory_space<semaphore_mem>>, %arg17: memref<!tpu.dma_semaphore, #tpu.memory_space<semaphore_mem>>, %arg18: memref<!tpu.dma_semaphore, #tpu.memory_space<semaphore_mem>>, %arg19: memref<!tpu.dma_semaphore, #tpu.memory_space<semaphore_mem>>, %arg20: memref<!tpu.dma_semaphore, #tpu.memory_space<semaphore_mem>>) attributes {dimension_semantics = [#tpu.dimension_semantics<core_parallel>, #tpu.dimension_semantics<subcore_parallel>], iteration_bounds = array<i64: 2, 16>, scalar_prefetch = 0 : i64, scratch_operands = 14 : i64, tpu.core_type = #tpu.core_type<sc_vector_subcore>, window_params = [{transform_indices = #map}, {transform_indices = #map1}, {transform_indices = #map1}, {transform_indices = #map}, {transform_indices = #map}]} {
    %mul3A = arith.constant 16 : i32
    %mul3A_0 = arith.muli %arg0, %mul3A : i32
    %add3A = arith.addi %mul3A_0, %arg1 : i32
    %scan3A = arith.constant 0 : i32
    %scan3A_1 = arith.constant 128 : i32
    %scan3A_2 = arith.addi %scan3A, %scan3A_1 : i32
    %scan3A_3 = arith.constant 1 : i32
    scf.for %scan3A_278 = %scan3A to %scan3A_2 step %scan3A_3  : i32 {
      %mul3A_279 = arith.constant 1 : i32
      %mul3A_280 = arith.muli %scan3A_278, %mul3A_279 : i32
      %add3A_281 = arith.constant 0 : i32
      %add3A_282 = arith.addi %add3A_281, %mul3A_280 : i32
      %broadcast_in_dim3A = arith.constant 0.000000e+00 : f32
      %broadcast_in_dim3A_283 = vector.broadcast %broadcast_in_dim3A : f32 to vector<16xf32>
      %swap3A = arith.index_cast %add3A_282 : i32 to index
      %swap3A_284 = arith.constant 0 : index
      %swap3A_285 = tpu.vector_load %arg9[%swap3A, %swap3A_284] {strides = array<i32>} : memref<128x128xf32, #tpu.memory_space<vmem>>, vector<1x16xf32>,
      %swap3A_286 = vector.shape_cast %swap3A_285 : vector<1x16xf32> to vector<16xf32>
      %swap3A_287 = vector.shape_cast %broadcast_in_dim3A_283 : vector<16xf32> to vector<1x16xf32>
      tpu.vector_store %arg9[%swap3A, %swap3A_284], %swap3A_287 {strides = array<i32>} : memref<128x128xf32, #tpu.memory_space<vmem>>, vector<1x16xf32>,
      %broadcast_in_dim3A_288 = arith.constant 0.000000e+00 : f32
      %broadcast_in_dim3A_289 = vector.broadcast %broadcast_in_dim3A_288 : f32 to vector<16xf32>
      %swap3A_290 = arith.index_cast %add3A_282 : i32 to index
      %swap3A_291 = arith.constant 16 : index
      %swap3A_292 = tpu.vector_load %arg9[%swap3A_290, %swap3A_291] {strides = array<i32>} : memref<128x128xf32, #tpu.memory_space<vmem>>, vector<1x16xf32>,
      %swap3A_293 = vector.shape_cast %swap3A_292 : vector<1x16xf32> to vector<16xf32>
      %swap3A_294 = vector.shape_cast %broadcast_in_dim3A_289 : vector<16xf32> to vector<1x16xf32>
      tpu.vector_store %arg9[%swap3A_290, %swap3A_291], %swap3A_294 {strides = array<i32>} : memref<128x128xf32, #tpu.memory_space<vmem>>, vector<1x16xf32>,
      %broadcast_in_dim3A_295 = arith.constant 0.000000e+00 : f32
      %broadcast_in_dim3A_296 = vector.broadcast %broadcast_in_dim3A_295 : f32 to vector<16xf32>
      %swap3A_297 = arith.index_cast %add3A_282 : i32 to index
      %swap3A_298 = arith.constant 32 : index
      %swap3A_299 = tpu.vector_load %arg9[%swap3A_297, %swap3A_298] {strides = array<i32>} : memref<128x128xf32, #tpu.memory_space<vmem>>, vector<1x16xf32>,
      %swap3A_300 = vector.shape_cast %swap3A_299 : vector<1x16xf32> to vector<16xf32>
      %swap3A_301 = vector.shape_cast %broadcast_in_dim3A_296 : vector<16xf32> to vector<1x16xf32>
      tpu.vector_store %arg9[%swap3A_297, %swap3A_298], %swap3A_301 {strides = array<i32>} : memref<128x128xf32, #tpu.memory_space<vmem>>, vector<1x16xf32>,
      %broadcast_in_dim3A_302 = arith.constant 0.000000e+00 : f32
      %broadcast_in_dim3A_303 = vector.broadcast %broadcast_in_dim3A_302 : f32 to vector<16xf32>
      %swap3A_304 = arith.index_cast %add3A_282 : i32 to index
      %swap3A_305 = arith.constant 48 : index
      %swap3A_306 = tpu.vector_load %arg9[%swap3A_304, %swap3A_305] {strides = array<i32>} : memref<128x128xf32, #tpu.memory_space<vmem>>, vector<1x16xf32>,
      %swap3A_307 = vector.shape_cast %swap3A_306 : vector<1x16xf32> to vector<16xf32>
      %swap3A_308 = vector.shape_cast %broadcast_in_dim3A_303 : vector<16xf32> to vector<1x16xf32>
      tpu.vector_store %arg9[%swap3A_304, %swap3A_305], %swap3A_308 {strides = array<i32>} : memref<128x128xf32, #tpu.memory_space<vmem>>, vector<1x16xf32>,
      %broadcast_in_dim3A_309 = arith.constant 0.000000e+00 : f32
      %broadcast_in_dim3A_310 = vector.broadcast %broadcast_in_dim3A_309 : f32 to vector<16xf32>
      %swap3A_311 = arith.index_cast %add3A_282 : i32 to index
      %swap3A_312 = arith.constant 64 : index
      %swap3A_313 = tpu.vector_load %arg9[%swap3A_311, %swap3A_312] {strides = array<i32>} : memref<128x128xf32, #tpu.memory_space<vmem>>, vector<1x16xf32>,
      %swap3A_314 = vector.shape_cast %swap3A_313 : vector<1x16xf32> to vector<16xf32>
      %swap3A_315 = vector.shape_cast %broadcast_in_dim3A_310 : vector<16xf32> to vector<1x16xf32>
      tpu.vector_store %arg9[%swap3A_311, %swap3A_312], %swap3A_315 {strides = array<i32>} : memref<128x128xf32, #tpu.memory_space<vmem>>, vector<1x16xf32>,
      %broadcast_in_dim3A_316 = arith.constant 0.000000e+00 : f32
      %broadcast_in_dim3A_317 = vector.broadcast %broadcast_in_dim3A_316 : f32 to vector<16xf32>
      %swap3A_318 = arith.index_cast %add3A_282 : i32 to index
      %swap3A_319 = arith.constant 80 : index
      %swap3A_320 = tpu.vector_load %arg9[%swap3A_318, %swap3A_319] {strides = array<i32>} : memref<128x128xf32, #tpu.memory_space<vmem>>, vector<1x16xf32>,
      %swap3A_321 = vector.shape_cast %swap3A_320 : vector<1x16xf32> to vector<16xf32>
      %swap3A_322 = vector.shape_cast %broadcast_in_dim3A_317 : vector<16xf32> to vector<1x16xf32>
      tpu.vector_store %arg9[%swap3A_318, %swap3A_319], %swap3A_322 {strides = array<i32>} : memref<128x128xf32, #tpu.memory_space<vmem>>, vector<1x16xf32>,
      %broadcast_in_dim3A_323 = arith.constant 0.000000e+00 : f32
      %broadcast_in_dim3A_324 = vector.broadcast %broadcast_in_dim3A_323 : f32 to vector<16xf32>
      %swap3A_325 = arith.index_cast %add3A_282 : i32 to index
      %swap3A_326 = arith.constant 96 : index
      %swap3A_327 = tpu.vector_load %arg9[%swap3A_325, %swap3A_326] {strides = array<i32>} : memref<128x128xf32, #tpu.memory_space<vmem>>, vector<1x16xf32>,
      %swap3A_328 = vector.shape_cast %swap3A_327 : vector<1x16xf32> to vector<16xf32>
      %swap3A_329 = vector.shape_cast %broadcast_in_dim3A_324 : vector<16xf32> to vector<1x16xf32>
      tpu.vector_store %arg9[%swap3A_325, %swap3A_326], %swap3A_329 {strides = array<i32>} : memref<128x128xf32, #tpu.memory_space<vmem>>, vector<1x16xf32>,
      %broadcast_in_dim3A_330 = arith.constant 0.000000e+00 : f32
      %broadcast_in_dim3A_331 = vector.broadcast %broadcast_in_dim3A_330 : f32 to vector<16xf32>
      %swap3A_332 = arith.index_cast %add3A_282 : i32 to index
      %swap3A_333 = arith.constant 112 : index
      %swap3A_334 = tpu.vector_load %arg9[%swap3A_332, %swap3A_333] {strides = array<i32>} : memref<128x128xf32, #tpu.memory_space<vmem>>, vector<1x16xf32>,
      %swap3A_335 = vector.shape_cast %swap3A_334 : vector<1x16xf32> to vector<16xf32>
      %swap3A_336 = vector.shape_cast %broadcast_in_dim3A_331 : vector<16xf32> to vector<1x16xf32>
      tpu.vector_store %arg9[%swap3A_332, %swap3A_333], %swap3A_336 {strides = array<i32>} : memref<128x128xf32, #tpu.memory_space<vmem>>, vector<1x16xf32>,
    }
    %scan3A_4 = arith.constant 128 : i32
    %scan3A_5 = arith.constant 0 : i32
    %scan3A_6 = arith.constant 5 : i32
    %scan3A_7 = arith.addi %scan3A_5, %scan3A_6 : i32
    %scan3A_8 = arith.constant 1 : i32
    scf.for %scan3A_278 = %scan3A_5 to %scan3A_7 step %scan3A_8  : i32 {
      %mul3A_279 = arith.constant 1 : i32
      %mul3A_280 = arith.muli %scan3A_278, %mul3A_279 : i32
      %add3A_281 = arith.constant 0 : i32
      %add3A_282 = arith.addi %add3A_281, %mul3A_280 : i32
      %mul3A_283 = arith.constant 640 : i32
      %mul3A_284 = arith.muli %arg1, %mul3A_283 : i32
      %mul3A_285 = arith.constant 2 : i32
      %mul3A_286 = arith.muli %add3A_282, %mul3A_285 : i32
      %mul3A_287 = arith.constant 64 : i32
      %mul3A_288 = arith.muli %mul3A_286, %mul3A_287 : i32
      %add3A_289 = arith.addi %mul3A_284, %mul3A_288 : i32
      %multiple_of3A_290 = tpu.assume_multiple %add3A_289, 8 : i32
      "tpu.region"() ({
        %run_scoped3A = tpu.sem_alloc : memref<!tpu.dma_semaphore, #tpu.memory_space<semaphore_mem>>
        %dma_start3A_291 = arith.constant 0 : i32
        %dma_start3A_292 = tpu.memref_slice %arg12[%multiple_of3A_290, %dma_start3A_291] : memref<10240x128xf32, #tpu.memory_space<vmem_shared>> -> memref<128x128xf32, #tpu.memory_space<vmem_shared>>
        %dma_start3A_293 = arith.constant 0 : i32
        %dma_start3A_294 = tpu.memref_slice %arg12[%multiple_of3A_290, %dma_start3A_293] : memref<10240x128xf32, #tpu.memory_space<vmem_shared>> -> memref<128x128xf32, #tpu.memory_space<vmem_shared>>
        tpu.enqueue_dma source(%arg9 : memref<128x128xf32, #tpu.memory_space<vmem>>) target(%dma_start3A_294 : memref<128x128xf32, #tpu.memory_space<vmem_shared>>) target_semaphore(%run_scoped3A : memref<!tpu.dma_semaphore, #tpu.memory_space<semaphore_mem>>)
        %dma_wait3A_295 = arith.constant 0 : i32
        %dma_wait3A_296 = tpu.memref_slice %arg12[%multiple_of3A_290, %dma_wait3A_295] : memref<10240x128xf32, #tpu.memory_space<vmem_shared>> -> memref<128x128xf32, #tpu.memory_space<vmem_shared>>
        %dma_wait3A_297 = arith.constant 0 : i32
        %dma_wait3A_298 = tpu.memref_slice %arg12[%multiple_of3A_290, %dma_wait3A_297] : memref<10240x128xf32, #tpu.memory_space<vmem_shared>> -> memref<128x128xf32, #tpu.memory_space<vmem_shared>>
        tpu.wait_dma2 semaphore(%run_scoped3A : memref<!tpu.dma_semaphore, #tpu.memory_space<semaphore_mem>>) src(%arg9 : memref<128x128xf32, #tpu.memory_space<vmem>>) dst(%dma_wait3A_298 : memref<128x128xf32, #tpu.memory_space<vmem_shared>>)
        tpu.yield
      }) : () -> ()
    }
    %scan3A_9 = arith.constant 5 : i32
    %barrier3A = arith.constant 0 : index
    tpu.barrier barrier_id(%barrier3A)
    %mul3A_10 = arith.constant 160 : i32
    %mul3A_11 = arith.muli %add3A, %mul3A_10 : i32
    %add3A_12 = arith.constant 0 : i32
    %add3A_13 = arith.addi %mul3A_11, %add3A_12 : i32
    %mul3A_14 = arith.constant 64 : i32
    %mul3A_15 = arith.muli %add3A_13, %mul3A_14 : i32
    "tpu.region"() ({
      %run_scoped3A = tpu.sem_alloc : memref<!tpu.dma_semaphore, #tpu.memory_space<semaphore_mem>>
      %dma_start3A_278 = tpu.memref_slice %arg3[%mul3A_15] : memref<327680xi32, #tpu.memory_space<hbm>> -> memref<2560xi32, #tpu.memory_space<hbm>>
      %dma_start3A_279 = tpu.memref_slice %arg3[%mul3A_15] : memref<327680xi32, #tpu.memory_space<hbm>> -> memref<2560xi32, #tpu.memory_space<hbm>>
      tpu.enqueue_dma source(%dma_start3A_279 : memref<2560xi32, #tpu.memory_space<hbm>>) target(%arg7 : memref<2560xi32, #tpu.memory_space<vmem>>) target_semaphore(%run_scoped3A : memref<!tpu.dma_semaphore, #tpu.memory_space<semaphore_mem>>)
      %dma_wait3A_280 = tpu.memref_slice %arg3[%mul3A_15] : memref<327680xi32, #tpu.memory_space<hbm>> -> memref<2560xi32, #tpu.memory_space<hbm>>
      %dma_wait3A_281 = tpu.memref_slice %arg3[%mul3A_15] : memref<327680xi32, #tpu.memory_space<hbm>> -> memref<2560xi32, #tpu.memory_space<hbm>>
      tpu.wait_dma2 semaphore(%run_scoped3A : memref<!tpu.dma_semaphore, #tpu.memory_space<semaphore_mem>>) src(%dma_wait3A_281 : memref<2560xi32, #tpu.memory_space<hbm>>) dst(%arg7 : memref<2560xi32, #tpu.memory_space<vmem>>)
      tpu.yield
    }) : () -> ()
    %mul3A_16 = arith.constant 64 : i32
    %mul3A_17 = arith.muli %add3A_13, %mul3A_16 : i32
    "tpu.region"() ({
      %run_scoped3A = tpu.sem_alloc : memref<!tpu.dma_semaphore, #tpu.memory_space<semaphore_mem>>
      %dma_start3A_278 = tpu.memref_slice %arg4[%mul3A_17] : memref<327680xi32, #tpu.memory_space<hbm>> -> memref<2560xi32, #tpu.memory_space<hbm>>
      %dma_start3A_279 = tpu.memref_slice %arg4[%mul3A_17] : memref<327680xi32, #tpu.memory_space<hbm>> -> memref<2560xi32, #tpu.memory_space<hbm>>
      tpu.enqueue_dma source(%dma_start3A_279 : memref<2560xi32, #tpu.memory_space<hbm>>) target(%arg8 : memref<2560xi32, #tpu.memory_space<vmem>>) target_semaphore(%run_scoped3A : memref<!tpu.dma_semaphore, #tpu.memory_space<semaphore_mem>>)
      %dma_wait3A_280 = tpu.memref_slice %arg4[%mul3A_17] : memref<327680xi32, #tpu.memory_space<hbm>> -> memref<2560xi32, #tpu.memory_space<hbm>>
      %dma_wait3A_281 = tpu.memref_slice %arg4[%mul3A_17] : memref<327680xi32, #tpu.memory_space<hbm>> -> memref<2560xi32, #tpu.memory_space<hbm>>
      tpu.wait_dma2 semaphore(%run_scoped3A : memref<!tpu.dma_semaphore, #tpu.memory_space<semaphore_mem>>) src(%dma_wait3A_281 : memref<2560xi32, #tpu.memory_space<hbm>>) dst(%arg8 : memref<2560xi32, #tpu.memory_space<vmem>>)
      tpu.yield
    }) : () -> ()
    %dma_start3A = arith.constant 0 : i32
    %dma_start3A_18 = arith.constant 0 : i32
    %dma_start3A_19 = tpu.memref_slice %arg9[%dma_start3A, %dma_start3A_18] : memref<128x128xf32, #tpu.memory_space<vmem>> -> memref<64x128xf32, #tpu.memory_space<vmem>>
    %dma_start3A_20 = arith.constant 0 : i32
    %dma_start3A_21 = tpu.memref_slice %arg7[%dma_start3A_20] : memref<2560xi32, #tpu.memory_space<vmem>> -> memref<64xi32, #tpu.memory_space<vmem>>
    %dma_start3A_22 = arith.constant 0 : i32
    %dma_start3A_23 = arith.constant 0 : i32
    %dma_start3A_24 = tpu.memref_slice %arg2[%dma_start3A_22, %dma_start3A_23] : memref<10000x128xf32, #tpu.memory_space<hbm>> -> memref<10000x128xf32, #tpu.memory_space<hbm>>
    tpu.enqueue_indirect_dma source(%dma_start3A_24 : memref<10000x128xf32, #tpu.memory_space<hbm>>) target(%dma_start3A_19 : memref<64x128xf32, #tpu.memory_space<vmem>>) offsets(%dma_start3A_21 : memref<64xi32, #tpu.memory_space<vmem>>) semaphore(%arg13 : memref<!tpu.dma_semaphore, #tpu.memory_space<semaphore_mem>>)
    %dma_start3A_25 = arith.constant 64 : i32
    %dma_start3A_26 = arith.constant 0 : i32
    %dma_start3A_27 = tpu.memref_slice %arg9[%dma_start3A_25, %dma_start3A_26] : memref<128x128xf32, #tpu.memory_space<vmem>> -> memref<64x128xf32, #tpu.memory_space<vmem>>
    %dma_start3A_28 = arith.constant 64 : i32
    %dma_start3A_29 = tpu.memref_slice %arg7[%dma_start3A_28] : memref<2560xi32, #tpu.memory_space<vmem>> -> memref<64xi32, #tpu.memory_space<vmem>>
    %dma_start3A_30 = arith.constant 0 : i32
    %dma_start3A_31 = arith.constant 0 : i32
    %dma_start3A_32 = tpu.memref_slice %arg2[%dma_start3A_30, %dma_start3A_31] : memref<10000x128xf32, #tpu.memory_space<hbm>> -> memref<10000x128xf32, #tpu.memory_space<hbm>>
    tpu.enqueue_indirect_dma source(%dma_start3A_32 : memref<10000x128xf32, #tpu.memory_space<hbm>>) target(%dma_start3A_27 : memref<64x128xf32, #tpu.memory_space<vmem>>) offsets(%dma_start3A_29 : memref<64xi32, #tpu.memory_space<vmem>>) semaphore(%arg14 : memref<!tpu.dma_semaphore, #tpu.memory_space<semaphore_mem>>)
    %dma_start3A_33 = arith.constant 128 : i32
    %dma_start3A_34 = tpu.memref_slice %arg7[%dma_start3A_33] : memref<2560xi32, #tpu.memory_space<vmem>> -> memref<64xi32, #tpu.memory_space<vmem>>
    %dma_start3A_35 = arith.constant 0 : i32
    %dma_start3A_36 = arith.constant 0 : i32
    %dma_start3A_37 = tpu.memref_slice %arg2[%dma_start3A_35, %dma_start3A_36] : memref<10000x128xf32, #tpu.memory_space<hbm>> -> memref<10000x128xf32, #tpu.memory_space<hbm>>
    tpu.enqueue_indirect_dma source(%dma_start3A_37 : memref<10000x128xf32, #tpu.memory_space<hbm>>) target(%arg10 : memref<64x128xf32, #tpu.memory_space<vmem>>) offsets(%dma_start3A_34 : memref<64xi32, #tpu.memory_space<vmem>>) semaphore(%arg15 : memref<!tpu.dma_semaphore, #tpu.memory_space<semaphore_mem>>)
    %dma_start3A_38 = arith.constant 192 : i32
    %dma_start3A_39 = tpu.memref_slice %arg7[%dma_start3A_38] : memref<2560xi32, #tpu.memory_space<vmem>> -> memref<64xi32, #tpu.memory_space<vmem>>
    %dma_start3A_40 = arith.constant 0 : i32
    %dma_start3A_41 = arith.constant 0 : i32
    %dma_start3A_42 = tpu.memref_slice %arg2[%dma_start3A_40, %dma_start3A_41] : memref<10000x128xf32, #tpu.memory_space<hbm>> -> memref<10000x128xf32, #tpu.memory_space<hbm>>
    tpu.enqueue_indirect_dma source(%dma_start3A_42 : memref<10000x128xf32, #tpu.memory_space<hbm>>) target(%arg11 : memref<64x128xf32, #tpu.memory_space<vmem>>) offsets(%dma_start3A_39 : memref<64xi32, #tpu.memory_space<vmem>>) semaphore(%arg16 : memref<!tpu.dma_semaphore, #tpu.memory_space<semaphore_mem>>)
    %scan3A_43 = arith.constant 0 : i32
    %scan3A_44 = arith.constant 10 : i32
    %scan3A_45 = arith.addi %scan3A_43, %scan3A_44 : i32
    %scan3A_46 = arith.constant 1 : i32
    scf.for %scan3A_278 = %scan3A_43 to %scan3A_45 step %scan3A_46  : i32 {
      %mul3A_279 = arith.constant 4 : i32
      %mul3A_280 = arith.muli %scan3A_278, %mul3A_279 : i32
      %add3A_281 = arith.constant 0 : i32
      %add3A_282 = arith.addi %add3A_281, %mul3A_280 : i32
      %add3A_283 = arith.constant 0 : i32
      %add3A_284 = arith.addi %add3A_282, %add3A_283 : i32
      %mul3A_285 = arith.constant 64 : i32
      %mul3A_286 = arith.muli %add3A_284, %mul3A_285 : i32
      %dma_wait3A_287 = arith.constant 0 : i32
      %dma_wait3A_288 = arith.constant 0 : i32
      %dma_wait3A_289 = tpu.memref_slice %arg9[%dma_wait3A_287, %dma_wait3A_288] : memref<128x128xf32, #tpu.memory_space<vmem>> -> memref<64x128xf32, #tpu.memory_space<vmem>>
      %dma_wait3A_290 = tpu.memref_slice %arg7[%mul3A_286] : memref<2560xi32, #tpu.memory_space<vmem>> -> memref<64xi32, #tpu.memory_space<vmem>>
      %dma_wait3A_291 = arith.constant 0 : i32
      %dma_wait3A_292 = arith.constant 0 : i32
      %dma_wait3A_293 = tpu.memref_slice %arg2[%dma_wait3A_291, %dma_wait3A_292] : memref<10000x128xf32, #tpu.memory_space<hbm>> -> memref<10000x128xf32, #tpu.memory_space<hbm>>
      tpu.wait_indirect_dma semaphore(%arg13 : memref<!tpu.dma_semaphore, #tpu.memory_space<semaphore_mem>>) src(%dma_wait3A_293 : memref<10000x128xf32, #tpu.memory_space<hbm>>) dst(%dma_wait3A_289 : memref<64x128xf32, #tpu.memory_space<vmem>>)
      %add3A_294 = arith.constant 0 : i32
      %add3A_295 = arith.addi %add3A_282, %add3A_294 : i32
      %mul3A_296 = arith.constant 64 : i32
      %mul3A_297 = arith.muli %add3A_295, %mul3A_296 : i32
      %dma_start3A_298 = arith.constant 0 : i32
      %dma_start3A_299 = arith.constant 0 : i32
      %dma_start3A_300 = tpu.memref_slice %arg9[%dma_start3A_298, %dma_start3A_299] : memref<128x128xf32, #tpu.memory_space<vmem>> -> memref<64x128xf32, #tpu.memory_space<vmem>>
      %dma_start3A_301 = tpu.memref_slice %arg8[%mul3A_297] : memref<2560xi32, #tpu.memory_space<vmem>> -> memref<64xi32, #tpu.memory_space<vmem>>
      %dma_start3A_302 = arith.constant 0 : i32
      %dma_start3A_303 = arith.constant 0 : i32
      %dma_start3A_304 = tpu.memref_slice %arg12[%dma_start3A_302, %dma_start3A_303] : memref<10240x128xf32, #tpu.memory_space<vmem_shared>> -> memref<10240x128xf32, #tpu.memory_space<vmem_shared>>
      tpu.enqueue_indirect_dma source(%dma_start3A_300 : memref<64x128xf32, #tpu.memory_space<vmem>>) target(%dma_start3A_304 : memref<10240x128xf32, #tpu.memory_space<vmem_shared>>) offsets(%dma_start3A_301 : memref<64xi32, #tpu.memory_space<vmem>>) semaphore(%arg17 : memref<!tpu.dma_semaphore, #tpu.memory_space<semaphore_mem>>) {add = true}
      %add3A_305 = arith.constant 1 : i32
      %add3A_306 = arith.addi %add3A_282, %add3A_305 : i32
      %mul3A_307 = arith.constant 64 : i32
      %mul3A_308 = arith.muli %add3A_306, %mul3A_307 : i32
      %dma_wait3A_309 = arith.constant 64 : i32
      %dma_wait3A_310 = arith.constant 0 : i32
      %dma_wait3A_311 = tpu.memref_slice %arg9[%dma_wait3A_309, %dma_wait3A_310] : memref<128x128xf32, #tpu.memory_space<vmem>> -> memref<64x128xf32, #tpu.memory_space<vmem>>
      %dma_wait3A_312 = tpu.memref_slice %arg7[%mul3A_308] : memref<2560xi32, #tpu.memory_space<vmem>> -> memref<64xi32, #tpu.memory_space<vmem>>
      %dma_wait3A_313 = arith.constant 0 : i32
      %dma_wait3A_314 = arith.constant 0 : i32
      %dma_wait3A_315 = tpu.memref_slice %arg2[%dma_wait3A_313, %dma_wait3A_314] : memref<10000x128xf32, #tpu.memory_space<hbm>> -> memref<10000x128xf32, #tpu.memory_space<hbm>>
      tpu.wait_indirect_dma semaphore(%arg14 : memref<!tpu.dma_semaphore, #tpu.memory_space<semaphore_mem>>) src(%dma_wait3A_315 : memref<10000x128xf32, #tpu.memory_space<hbm>>) dst(%dma_wait3A_311 : memref<64x128xf32, #tpu.memory_space<vmem>>)
      %add3A_316 = arith.constant 1 : i32
      %add3A_317 = arith.addi %add3A_282, %add3A_316 : i32
      %mul3A_318 = arith.constant 64 : i32
      %mul3A_319 = arith.muli %add3A_317, %mul3A_318 : i32
      %dma_start3A_320 = arith.constant 64 : i32
      %dma_start3A_321 = arith.constant 0 : i32
      %dma_start3A_322 = tpu.memref_slice %arg9[%dma_start3A_320, %dma_start3A_321] : memref<128x128xf32, #tpu.memory_space<vmem>> -> memref<64x128xf32, #tpu.memory_space<vmem>>
      %dma_start3A_323 = tpu.memref_slice %arg8[%mul3A_319] : memref<2560xi32, #tpu.memory_space<vmem>> -> memref<64xi32, #tpu.memory_space<vmem>>
      %dma_start3A_324 = arith.constant 0 : i32
      %dma_start3A_325 = arith.constant 0 : i32
      %dma_start3A_326 = tpu.memref_slice %arg12[%dma_start3A_324, %dma_start3A_325] : memref<10240x128xf32, #tpu.memory_space<vmem_shared>> -> memref<10240x128xf32, #tpu.memory_space<vmem_shared>>
      tpu.enqueue_indirect_dma source(%dma_start3A_322 : memref<64x128xf32, #tpu.memory_space<vmem>>) target(%dma_start3A_326 : memref<10240x128xf32, #tpu.memory_space<vmem_shared>>) offsets(%dma_start3A_323 : memref<64xi32, #tpu.memory_space<vmem>>) semaphore(%arg18 : memref<!tpu.dma_semaphore, #tpu.memory_space<semaphore_mem>>) {add = true}
      %add3A_327 = arith.constant 2 : i32
      %add3A_328 = arith.addi %add3A_282, %add3A_327 : i32
      %mul3A_329 = arith.constant 64 : i32
      %mul3A_330 = arith.muli %add3A_328, %mul3A_329 : i32
      %dma_wait3A_331 = tpu.memref_slice %arg7[%mul3A_330] : memref<2560xi32, #tpu.memory_space<vmem>> -> memref<64xi32, #tpu.memory_space<vmem>>
      %dma_wait3A_332 = arith.constant 0 : i32
      %dma_wait3A_333 = arith.constant 0 : i32
      %dma_wait3A_334 = tpu.memref_slice %arg2[%dma_wait3A_332, %dma_wait3A_333] : memref<10000x128xf32, #tpu.memory_space<hbm>> -> memref<10000x128xf32, #tpu.memory_space<hbm>>
      tpu.wait_indirect_dma semaphore(%arg15 : memref<!tpu.dma_semaphore, #tpu.memory_space<semaphore_mem>>) src(%dma_wait3A_334 : memref<10000x128xf32, #tpu.memory_space<hbm>>) dst(%arg10 : memref<64x128xf32, #tpu.memory_space<vmem>>)
      %add3A_335 = arith.constant 2 : i32
      %add3A_336 = arith.addi %add3A_282, %add3A_335 : i32
      %mul3A_337 = arith.constant 64 : i32
      %mul3A_338 = arith.muli %add3A_336, %mul3A_337 : i32
      %dma_start3A_339 = tpu.memref_slice %arg8[%mul3A_338] : memref<2560xi32, #tpu.memory_space<vmem>> -> memref<64xi32, #tpu.memory_space<vmem>>
      %dma_start3A_340 = arith.constant 0 : i32
      %dma_start3A_341 = arith.constant 0 : i32
      %dma_start3A_342 = tpu.memref_slice %arg12[%dma_start3A_340, %dma_start3A_341] : memref<10240x128xf32, #tpu.memory_space<vmem_shared>> -> memref<10240x128xf32, #tpu.memory_space<vmem_shared>>
      tpu.enqueue_indirect_dma source(%arg10 : memref<64x128xf32, #tpu.memory_space<vmem>>) target(%dma_start3A_342 : memref<10240x128xf32, #tpu.memory_space<vmem_shared>>) offsets(%dma_start3A_339 : memref<64xi32, #tpu.memory_space<vmem>>) semaphore(%arg19 : memref<!tpu.dma_semaphore, #tpu.memory_space<semaphore_mem>>) {add = true}
      %add3A_343 = arith.constant 3 : i32
      %add3A_344 = arith.addi %add3A_282, %add3A_343 : i32
      %mul3A_345 = arith.constant 64 : i32
      %mul3A_346 = arith.muli %add3A_344, %mul3A_345 : i32
      %dma_wait3A_347 = tpu.memref_slice %arg7[%mul3A_346] : memref<2560xi32, #tpu.memory_space<vmem>> -> memref<64xi32, #tpu.memory_space<vmem>>
      %dma_wait3A_348 = arith.constant 0 : i32
      %dma_wait3A_349 = arith.constant 0 : i32
      %dma_wait3A_350 = tpu.memref_slice %arg2[%dma_wait3A_348, %dma_wait3A_349] : memref<10000x128xf32, #tpu.memory_space<hbm>> -> memref<10000x128xf32, #tpu.memory_space<hbm>>
      tpu.wait_indirect_dma semaphore(%arg16 : memref<!tpu.dma_semaphore, #tpu.memory_space<semaphore_mem>>) src(%dma_wait3A_350 : memref<10000x128xf32, #tpu.memory_space<hbm>>) dst(%arg11 : memref<64x128xf32, #tpu.memory_space<vmem>>)
      %add3A_351 = arith.constant 3 : i32
      %add3A_352 = arith.addi %add3A_282, %add3A_351 : i32
      %mul3A_353 = arith.constant 64 : i32
      %mul3A_354 = arith.muli %add3A_352, %mul3A_353 : i32
      %dma_start3A_355 = tpu.memref_slice %arg8[%mul3A_354] : memref<2560xi32, #tpu.memory_space<vmem>> -> memref<64xi32, #tpu.memory_space<vmem>>
      %dma_start3A_356 = arith.constant 0 : i32
      %dma_start3A_357 = arith.constant 0 : i32
      %dma_start3A_358 = tpu.memref_slice %arg12[%dma_start3A_356, %dma_start3A_357] : memref<10240x128xf32, #tpu.memory_space<vmem_shared>> -> memref<10240x128xf32, #tpu.memory_space<vmem_shared>>
      tpu.enqueue_indirect_dma source(%arg11 : memref<64x128xf32, #tpu.memory_space<vmem>>) target(%dma_start3A_358 : memref<10240x128xf32, #tpu.memory_space<vmem_shared>>) offsets(%dma_start3A_355 : memref<64xi32, #tpu.memory_space<vmem>>) semaphore(%arg20 : memref<!tpu.dma_semaphore, #tpu.memory_space<semaphore_mem>>) {add = true}
      %add3A_359 = arith.constant 4 : i32
      %add3A_360 = arith.addi %add3A_282, %add3A_359 : i32
      %add3A_361 = arith.constant 0 : i32
      %add3A_362 = arith.addi %add3A_360, %add3A_361 : i32
      %lt3A = arith.constant 40 : i32
      %lt3A_363 = arith.cmpi slt, %add3A_362, %lt3A : i32
      %convert_element_type3A_364 = arith.extui %lt3A_363 : i1 to i32
      %cond3A_365 = arith.constant 0 : i32
      %cond3A_366 = arith.cmpi ne, %convert_element_type3A_364, %cond3A_365 : i32
      scf.if %cond3A_366 {
        %add3A_394 = arith.constant 0 : i32
        %add3A_395 = arith.addi %add3A_282, %add3A_394 : i32
        %mul3A_396 = arith.constant 64 : i32
        %mul3A_397 = arith.muli %add3A_395, %mul3A_396 : i32
        %dma_wait3A_398 = arith.constant 0 : i32
        %dma_wait3A_399 = arith.constant 0 : i32
        %dma_wait3A_400 = tpu.memref_slice %arg9[%dma_wait3A_398, %dma_wait3A_399] : memref<128x128xf32, #tpu.memory_space<vmem>> -> memref<64x128xf32, #tpu.memory_space<vmem>>
        %dma_wait3A_401 = tpu.memref_slice %arg8[%mul3A_397] : memref<2560xi32, #tpu.memory_space<vmem>> -> memref<64xi32, #tpu.memory_space<vmem>>
        %dma_wait3A_402 = arith.constant 0 : i32
        %dma_wait3A_403 = arith.constant 0 : i32
        %dma_wait3A_404 = tpu.memref_slice %arg12[%dma_wait3A_402, %dma_wait3A_403] : memref<10240x128xf32, #tpu.memory_space<vmem_shared>> -> memref<10240x128xf32, #tpu.memory_space<vmem_shared>>
        tpu.wait_indirect_dma semaphore(%arg17 : memref<!tpu.dma_semaphore, #tpu.memory_space<semaphore_mem>>) src(%dma_wait3A_400 : memref<64x128xf32, #tpu.memory_space<vmem>>) dst(%dma_wait3A_404 : memref<10240x128xf32, #tpu.memory_space<vmem_shared>>)
        %add3A_405 = arith.constant 4 : i32
        %add3A_406 = arith.addi %add3A_282, %add3A_405 : i32
        %add3A_407 = arith.constant 0 : i32
        %add3A_408 = arith.addi %add3A_406, %add3A_407 : i32
        %mul3A_409 = arith.constant 64 : i32
        %mul3A_410 = arith.muli %add3A_408, %mul3A_409 : i32
        %dma_start3A_411 = arith.constant 0 : i32
        %dma_start3A_412 = arith.constant 0 : i32
        %dma_start3A_413 = tpu.memref_slice %arg9[%dma_start3A_411, %dma_start3A_412] : memref<128x128xf32, #tpu.memory_space<vmem>> -> memref<64x128xf32, #tpu.memory_space<vmem>>
        %dma_start3A_414 = tpu.memref_slice %arg7[%mul3A_410] : memref<2560xi32, #tpu.memory_space<vmem>> -> memref<64xi32, #tpu.memory_space<vmem>>
        %dma_start3A_415 = arith.constant 0 : i32
        %dma_start3A_416 = arith.constant 0 : i32
        %dma_start3A_417 = tpu.memref_slice %arg2[%dma_start3A_415, %dma_start3A_416] : memref<10000x128xf32, #tpu.memory_space<hbm>> -> memref<10000x128xf32, #tpu.memory_space<hbm>>
        tpu.enqueue_indirect_dma source(%dma_start3A_417 : memref<10000x128xf32, #tpu.memory_space<hbm>>) target(%dma_start3A_413 : memref<64x128xf32, #tpu.memory_space<vmem>>) offsets(%dma_start3A_414 : memref<64xi32, #tpu.memory_space<vmem>>) semaphore(%arg13 : memref<!tpu.dma_semaphore, #tpu.memory_space<semaphore_mem>>)
      } else {
      }
      %add3A_367 = arith.constant 4 : i32
      %add3A_368 = arith.addi %add3A_282, %add3A_367 : i32
      %add3A_369 = arith.constant 1 : i32
      %add3A_370 = arith.addi %add3A_368, %add3A_369 : i32
      %lt3A_371 = arith.constant 40 : i32
      %lt3A_372 = arith.cmpi slt, %add3A_370, %lt3A_371 : i32
      %convert_element_type3A_373 = arith.extui %lt3A_372 : i1 to i32
      %cond3A_374 = arith.constant 0 : i32
      %cond3A_375 = arith.cmpi ne, %convert_element_type3A_373, %cond3A_374 : i32
      scf.if %cond3A_375 {
        %add3A_394 = arith.constant 1 : i32
        %add3A_395 = arith.addi %add3A_282, %add3A_394 : i32
        %mul3A_396 = arith.constant 64 : i32
        %mul3A_397 = arith.muli %add3A_395, %mul3A_396 : i32
        %dma_wait3A_398 = arith.constant 64 : i32
        %dma_wait3A_399 = arith.constant 0 : i32
        %dma_wait3A_400 = tpu.memref_slice %arg9[%dma_wait3A_398, %dma_wait3A_399] : memref<128x128xf32, #tpu.memory_space<vmem>> -> memref<64x128xf32, #tpu.memory_space<vmem>>
        %dma_wait3A_401 = tpu.memref_slice %arg8[%mul3A_397] : memref<2560xi32, #tpu.memory_space<vmem>> -> memref<64xi32, #tpu.memory_space<vmem>>
        %dma_wait3A_402 = arith.constant 0 : i32
        %dma_wait3A_403 = arith.constant 0 : i32
        %dma_wait3A_404 = tpu.memref_slice %arg12[%dma_wait3A_402, %dma_wait3A_403] : memref<10240x128xf32, #tpu.memory_space<vmem_shared>> -> memref<10240x128xf32, #tpu.memory_space<vmem_shared>>
        tpu.wait_indirect_dma semaphore(%arg18 : memref<!tpu.dma_semaphore, #tpu.memory_space<semaphore_mem>>) src(%dma_wait3A_400 : memref<64x128xf32, #tpu.memory_space<vmem>>) dst(%dma_wait3A_404 : memref<10240x128xf32, #tpu.memory_space<vmem_shared>>)
        %add3A_405 = arith.constant 4 : i32
        %add3A_406 = arith.addi %add3A_282, %add3A_405 : i32
        %add3A_407 = arith.constant 1 : i32
        %add3A_408 = arith.addi %add3A_406, %add3A_407 : i32
        %mul3A_409 = arith.constant 64 : i32
        %mul3A_410 = arith.muli %add3A_408, %mul3A_409 : i32
        %dma_start3A_411 = arith.constant 64 : i32
        %dma_start3A_412 = arith.constant 0 : i32
        %dma_start3A_413 = tpu.memref_slice %arg9[%dma_start3A_411, %dma_start3A_412] : memref<128x128xf32, #tpu.memory_space<vmem>> -> memref<64x128xf32, #tpu.memory_space<vmem>>
        %dma_start3A_414 = tpu.memref_slice %arg7[%mul3A_410] : memref<2560xi32, #tpu.memory_space<vmem>> -> memref<64xi32, #tpu.memory_space<vmem>>
        %dma_start3A_415 = arith.constant 0 : i32
        %dma_start3A_416 = arith.constant 0 : i32
        %dma_start3A_417 = tpu.memref_slice %arg2[%dma_start3A_415, %dma_start3A_416] : memref<10000x128xf32, #tpu.memory_space<hbm>> -> memref<10000x128xf32, #tpu.memory_space<hbm>>
        tpu.enqueue_indirect_dma source(%dma_start3A_417 : memref<10000x128xf32, #tpu.memory_space<hbm>>) target(%dma_start3A_413 : memref<64x128xf32, #tpu.memory_space<vmem>>) offsets(%dma_start3A_414 : memref<64xi32, #tpu.memory_space<vmem>>) semaphore(%arg14 : memref<!tpu.dma_semaphore, #tpu.memory_space<semaphore_mem>>)
      } else {
      }
      %add3A_376 = arith.constant 4 : i32
      %add3A_377 = arith.addi %add3A_282, %add3A_376 : i32
      %add3A_378 = arith.constant 2 : i32
      %add3A_379 = arith.addi %add3A_377, %add3A_378 : i32
      %lt3A_380 = arith.constant 40 : i32
      %lt3A_381 = arith.cmpi slt, %add3A_379, %lt3A_380 : i32
      %convert_element_type3A_382 = arith.extui %lt3A_381 : i1 to i32
      %cond3A_383 = arith.constant 0 : i32
      %cond3A_384 = arith.cmpi ne, %convert_element_type3A_382, %cond3A_383 : i32
      scf.if %cond3A_384 {
        %add3A_394 = arith.constant 2 : i32
        %add3A_395 = arith.addi %add3A_282, %add3A_394 : i32
        %mul3A_396 = arith.constant 64 : i32
        %mul3A_397 = arith.muli %add3A_395, %mul3A_396 : i32
        %dma_wait3A_398 = tpu.memref_slice %arg8[%mul3A_397] : memref<2560xi32, #tpu.memory_space<vmem>> -> memref<64xi32, #tpu.memory_space<vmem>>
        %dma_wait3A_399 = arith.constant 0 : i32
        %dma_wait3A_400 = arith.constant 0 : i32
        %dma_wait3A_401 = tpu.memref_slice %arg12[%dma_wait3A_399, %dma_wait3A_400] : memref<10240x128xf32, #tpu.memory_space<vmem_shared>> -> memref<10240x128xf32, #tpu.memory_space<vmem_shared>>
        tpu.wait_indirect_dma semaphore(%arg19 : memref<!tpu.dma_semaphore, #tpu.memory_space<semaphore_mem>>) src(%arg10 : memref<64x128xf32, #tpu.memory_space<vmem>>) dst(%dma_wait3A_401 : memref<10240x128xf32, #tpu.memory_space<vmem_shared>>)
        %add3A_402 = arith.constant 4 : i32
        %add3A_403 = arith.addi %add3A_282, %add3A_402 : i32
        %add3A_404 = arith.constant 2 : i32
        %add3A_405 = arith.addi %add3A_403, %add3A_404 : i32
        %mul3A_406 = arith.constant 64 : i32
        %mul3A_407 = arith.muli %add3A_405, %mul3A_406 : i32
        %dma_start3A_408 = tpu.memref_slice %arg7[%mul3A_407] : memref<2560xi32, #tpu.memory_space<vmem>> -> memref<64xi32, #tpu.memory_space<vmem>>
        %dma_start3A_409 = arith.constant 0 : i32
        %dma_start3A_410 = arith.constant 0 : i32
        %dma_start3A_411 = tpu.memref_slice %arg2[%dma_start3A_409, %dma_start3A_410] : memref<10000x128xf32, #tpu.memory_space<hbm>> -> memref<10000x128xf32, #tpu.memory_space<hbm>>
        tpu.enqueue_indirect_dma source(%dma_start3A_411 : memref<10000x128xf32, #tpu.memory_space<hbm>>) target(%arg10 : memref<64x128xf32, #tpu.memory_space<vmem>>) offsets(%dma_start3A_408 : memref<64xi32, #tpu.memory_space<vmem>>) semaphore(%arg15 : memref<!tpu.dma_semaphore, #tpu.memory_space<semaphore_mem>>)
      } else {
      }
      %add3A_385 = arith.constant 4 : i32
      %add3A_386 = arith.addi %add3A_282, %add3A_385 : i32
      %add3A_387 = arith.constant 3 : i32
      %add3A_388 = arith.addi %add3A_386, %add3A_387 : i32
      %lt3A_389 = arith.constant 40 : i32
      %lt3A_390 = arith.cmpi slt, %add3A_388, %lt3A_389 : i32
      %convert_element_type3A_391 = arith.extui %lt3A_390 : i1 to i32
      %cond3A_392 = arith.constant 0 : i32
      %cond3A_393 = arith.cmpi ne, %convert_element_type3A_391, %cond3A_392 : i32
      scf.if %cond3A_393 {
        %add3A_394 = arith.constant 3 : i32
        %add3A_395 = arith.addi %add3A_282, %add3A_394 : i32
        %mul3A_396 = arith.constant 64 : i32
        %mul3A_397 = arith.muli %add3A_395, %mul3A_396 : i32
        %dma_wait3A_398 = tpu.memref_slice %arg8[%mul3A_397] : memref<2560xi32, #tpu.memory_space<vmem>> -> memref<64xi32, #tpu.memory_space<vmem>>
        %dma_wait3A_399 = arith.constant 0 : i32
        %dma_wait3A_400 = arith.constant 0 : i32
        %dma_wait3A_401 = tpu.memref_slice %arg12[%dma_wait3A_399, %dma_wait3A_400] : memref<10240x128xf32, #tpu.memory_space<vmem_shared>> -> memref<10240x128xf32, #tpu.memory_space<vmem_shared>>
        tpu.wait_indirect_dma semaphore(%arg20 : memref<!tpu.dma_semaphore, #tpu.memory_space<semaphore_mem>>) src(%arg11 : memref<64x128xf32, #tpu.memory_space<vmem>>) dst(%dma_wait3A_401 : memref<10240x128xf32, #tpu.memory_space<vmem_shared>>)
        %add3A_402 = arith.constant 4 : i32
        %add3A_403 = arith.addi %add3A_282, %add3A_402 : i32
        %add3A_404 = arith.constant 3 : i32
        %add3A_405 = arith.addi %add3A_403, %add3A_404 : i32
        %mul3A_406 = arith.constant 64 : i32
        %mul3A_407 = arith.muli %add3A_405, %mul3A_406 : i32
        %dma_start3A_408 = tpu.memref_slice %arg7[%mul3A_407] : memref<2560xi32, #tpu.memory_space<vmem>> -> memref<64xi32, #tpu.memory_space<vmem>>
        %dma_start3A_409 = arith.constant 0 : i32
        %dma_start3A_410 = arith.constant 0 : i32
        %dma_start3A_411 = tpu.memref_slice %arg2[%dma_start3A_409, %dma_start3A_410] : memref<10000x128xf32, #tpu.memory_space<hbm>> -> memref<10000x128xf32, #tpu.memory_space<hbm>>
        tpu.enqueue_indirect_dma source(%dma_start3A_411 : memref<10000x128xf32, #tpu.memory_space<hbm>>) target(%arg11 : memref<64x128xf32, #tpu.memory_space<vmem>>) offsets(%dma_start3A_408 : memref<64xi32, #tpu.memory_space<vmem>>) semaphore(%arg16 : memref<!tpu.dma_semaphore, #tpu.memory_space<semaphore_mem>>)
      } else {
      }
    }
    %scan3A_47 = arith.constant 10 : i32
    %dma_wait3A = arith.constant 0 : i32
    %dma_wait3A_48 = arith.constant 0 : i32
    %dma_wait3A_49 = tpu.memref_slice %arg9[%dma_wait3A, %dma_wait3A_48] : memref<128x128xf32, #tpu.memory_space<vmem>> -> memref<64x128xf32, #tpu.memory_space<vmem>>
    %dma_wait3A_50 = arith.constant 2304 : i32
    %dma_wait3A_51 = tpu.memref_slice %arg8[%dma_wait3A_50] : memref<2560xi32, #tpu.memory_space<vmem>> -> memref<64xi32, #tpu.memory_space<vmem>>
    %dma_wait3A_52 = arith.constant 0 : i32
    %dma_wait3A_53 = arith.constant 0 : i32
    %dma_wait3A_54 = tpu.memref_slice %arg12[%dma_wait3A_52, %dma_wait3A_53] : memref<10240x128xf32, #tpu.memory_space<vmem_shared>> -> memref<10240x128xf32, #tpu.memory_space<vmem_shared>>
    tpu.wait_indirect_dma semaphore(%arg17 : memref<!tpu.dma_semaphore, #tpu.memory_space<semaphore_mem>>) src(%dma_wait3A_49 : memref<64x128xf32, #tpu.memory_space<vmem>>) dst(%dma_wait3A_54 : memref<10240x128xf32, #tpu.memory_space<vmem_shared>>)
    %dma_wait3A_55 = arith.constant 64 : i32
    %dma_wait3A_56 = arith.constant 0 : i32
    %dma_wait3A_57 = tpu.memref_slice %arg9[%dma_wait3A_55, %dma_wait3A_56] : memref<128x128xf32, #tpu.memory_space<vmem>> -> memref<64x128xf32, #tpu.memory_space<vmem>>
    %dma_wait3A_58 = arith.constant 2368 : i32
    %dma_wait3A_59 = tpu.memref_slice %arg8[%dma_wait3A_58] : memref<2560xi32, #tpu.memory_space<vmem>> -> memref<64xi32, #tpu.memory_space<vmem>>
    %dma_wait3A_60 = arith.constant 0 : i32
    %dma_wait3A_61 = arith.constant 0 : i32
    %dma_wait3A_62 = tpu.memref_slice %arg12[%dma_wait3A_60, %dma_wait3A_61] : memref<10240x128xf32, #tpu.memory_space<vmem_shared>> -> memref<10240x128xf32, #tpu.memory_space<vmem_shared>>
    tpu.wait_indirect_dma semaphore(%arg18 : memref<!tpu.dma_semaphore, #tpu.memory_space<semaphore_mem>>) src(%dma_wait3A_57 : memref<64x128xf32, #tpu.memory_space<vmem>>) dst(%dma_wait3A_62 : memref<10240x128xf32, #tpu.memory_space<vmem_shared>>)
    %dma_wait3A_63 = arith.constant 2432 : i32
    %dma_wait3A_64 = tpu.memref_slice %arg8[%dma_wait3A_63] : memref<2560xi32, #tpu.memory_space<vmem>> -> memref<64xi32, #tpu.memory_space<vmem>>
    %dma_wait3A_65 = arith.constant 0 : i32
    %dma_wait3A_66 = arith.constant 0 : i32
    %dma_wait3A_67 = tpu.memref_slice %arg12[%dma_wait3A_65, %dma_wait3A_66] : memref<10240x128xf32, #tpu.memory_space<vmem_shared>> -> memref<10240x128xf32, #tpu.memory_space<vmem_shared>>
    tpu.wait_indirect_dma semaphore(%arg19 : memref<!tpu.dma_semaphore, #tpu.memory_space<semaphore_mem>>) src(%arg10 : memref<64x128xf32, #tpu.memory_space<vmem>>) dst(%dma_wait3A_67 : memref<10240x128xf32, #tpu.memory_space<vmem_shared>>)
    %dma_wait3A_68 = arith.constant 2496 : i32
    %dma_wait3A_69 = tpu.memref_slice %arg8[%dma_wait3A_68] : memref<2560xi32, #tpu.memory_space<vmem>> -> memref<64xi32, #tpu.memory_space<vmem>>
    %dma_wait3A_70 = arith.constant 0 : i32
    %dma_wait3A_71 = arith.constant 0 : i32
    %dma_wait3A_72 = tpu.memref_slice %arg12[%dma_wait3A_70, %dma_wait3A_71] : memref<10240x128xf32, #tpu.memory_space<vmem_shared>> -> memref<10240x128xf32, #tpu.memory_space<vmem_shared>>
    tpu.wait_indirect_dma semaphore(%arg20 : memref<!tpu.dma_semaphore, #tpu.memory_space<semaphore_mem>>) src(%arg11 : memref<64x128xf32, #tpu.memory_space<vmem>>) dst(%dma_wait3A_72 : memref<10240x128xf32, #tpu.memory_space<vmem_shared>>)
    %mul3A_73 = arith.constant 160 : i32
    %mul3A_74 = arith.muli %add3A, %mul3A_73 : i32
    %add3A_75 = arith.constant 40 : i32
    %add3A_76 = arith.addi %mul3A_74, %add3A_75 : i32
    %mul3A_77 = arith.constant 64 : i32
    %mul3A_78 = arith.muli %add3A_76, %mul3A_77 : i32
    "tpu.region"() ({
      %run_scoped3A = tpu.sem_alloc : memref<!tpu.dma_semaphore, #tpu.memory_space<semaphore_mem>>
      %dma_start3A_278 = tpu.memref_slice %arg3[%mul3A_78] : memref<327680xi32, #tpu.memory_space<hbm>> -> memref<2560xi32, #tpu.memory_space<hbm>>
      %dma_start3A_279 = tpu.memref_slice %arg3[%mul3A_78] : memref<327680xi32, #tpu.memory_space<hbm>> -> memref<2560xi32, #tpu.memory_space<hbm>>
      tpu.enqueue_dma source(%dma_start3A_279 : memref<2560xi32, #tpu.memory_space<hbm>>) target(%arg7 : memref<2560xi32, #tpu.memory_space<vmem>>) target_semaphore(%run_scoped3A : memref<!tpu.dma_semaphore, #tpu.memory_space<semaphore_mem>>)
      %dma_wait3A_280 = tpu.memref_slice %arg3[%mul3A_78] : memref<327680xi32, #tpu.memory_space<hbm>> -> memref<2560xi32, #tpu.memory_space<hbm>>
      %dma_wait3A_281 = tpu.memref_slice %arg3[%mul3A_78] : memref<327680xi32, #tpu.memory_space<hbm>> -> memref<2560xi32, #tpu.memory_space<hbm>>
      tpu.wait_dma2 semaphore(%run_scoped3A : memref<!tpu.dma_semaphore, #tpu.memory_space<semaphore_mem>>) src(%dma_wait3A_281 : memref<2560xi32, #tpu.memory_space<hbm>>) dst(%arg7 : memref<2560xi32, #tpu.memory_space<vmem>>)
      tpu.yield
    }) : () -> ()
    %mul3A_79 = arith.constant 64 : i32
    %mul3A_80 = arith.muli %add3A_76, %mul3A_79 : i32
    "tpu.region"() ({
      %run_scoped3A = tpu.sem_alloc : memref<!tpu.dma_semaphore, #tpu.memory_space<semaphore_mem>>
      %dma_start3A_278 = tpu.memref_slice %arg4[%mul3A_80] : memref<327680xi32, #tpu.memory_space<hbm>> -> memref<2560xi32, #tpu.memory_space<hbm>>
      %dma_start3A_279 = tpu.memref_slice %arg4[%mul3A_80] : memref<327680xi32, #tpu.memory_space<hbm>> -> memref<2560xi32, #tpu.memory_space<hbm>>
      tpu.enqueue_dma source(%dma_start3A_279 : memref<2560xi32, #tpu.memory_space<hbm>>) target(%arg8 : memref<2560xi32, #tpu.memory_space<vmem>>) target_semaphore(%run_scoped3A : memref<!tpu.dma_semaphore, #tpu.memory_space<semaphore_mem>>)
      %dma_wait3A_280 = tpu.memref_slice %arg4[%mul3A_80] : memref<327680xi32, #tpu.memory_space<hbm>> -> memref<2560xi32, #tpu.memory_space<hbm>>
      %dma_wait3A_281 = tpu.memref_slice %arg4[%mul3A_80] : memref<327680xi32, #tpu.memory_space<hbm>> -> memref<2560xi32, #tpu.memory_space<hbm>>
      tpu.wait_dma2 semaphore(%run_scoped3A : memref<!tpu.dma_semaphore, #tpu.memory_space<semaphore_mem>>) src(%dma_wait3A_281 : memref<2560xi32, #tpu.memory_space<hbm>>) dst(%arg8 : memref<2560xi32, #tpu.memory_space<vmem>>)
      tpu.yield
    }) : () -> ()
    %dma_start3A_81 = arith.constant 0 : i32
    %dma_start3A_82 = arith.constant 0 : i32
    %dma_start3A_83 = tpu.memref_slice %arg9[%dma_start3A_81, %dma_start3A_82] : memref<128x128xf32, #tpu.memory_space<vmem>> -> memref<64x128xf32, #tpu.memory_space<vmem>>
    %dma_start3A_84 = arith.constant 0 : i32
    %dma_start3A_85 = tpu.memref_slice %arg7[%dma_start3A_84] : memref<2560xi32, #tpu.memory_space<vmem>> -> memref<64xi32, #tpu.memory_space<vmem>>
    %dma_start3A_86 = arith.constant 0 : i32
    %dma_start3A_87 = arith.constant 0 : i32
    %dma_start3A_88 = tpu.memref_slice %arg2[%dma_start3A_86, %dma_start3A_87] : memref<10000x128xf32, #tpu.memory_space<hbm>> -> memref<10000x128xf32, #tpu.memory_space<hbm>>
    tpu.enqueue_indirect_dma source(%dma_start3A_88 : memref<10000x128xf32, #tpu.memory_space<hbm>>) target(%dma_start3A_83 : memref<64x128xf32, #tpu.memory_space<vmem>>) offsets(%dma_start3A_85 : memref<64xi32, #tpu.memory_space<vmem>>) semaphore(%arg13 : memref<!tpu.dma_semaphore, #tpu.memory_space<semaphore_mem>>)
    %dma_start3A_89 = arith.constant 64 : i32
    %dma_start3A_90 = arith.constant 0 : i32
    %dma_start3A_91 = tpu.memref_slice %arg9[%dma_start3A_89, %dma_start3A_90] : memref<128x128xf32, #tpu.memory_space<vmem>> -> memref<64x128xf32, #tpu.memory_space<vmem>>
    %dma_start3A_92 = arith.constant 64 : i32
    %dma_start3A_93 = tpu.memref_slice %arg7[%dma_start3A_92] : memref<2560xi32, #tpu.memory_space<vmem>> -> memref<64xi32, #tpu.memory_space<vmem>>
    %dma_start3A_94 = arith.constant 0 : i32
    %dma_start3A_95 = arith.constant 0 : i32
    %dma_start3A_96 = tpu.memref_slice %arg2[%dma_start3A_94, %dma_start3A_95] : memref<10000x128xf32, #tpu.memory_space<hbm>> -> memref<10000x128xf32, #tpu.memory_space<hbm>>
    tpu.enqueue_indirect_dma source(%dma_start3A_96 : memref<10000x128xf32, #tpu.memory_space<hbm>>) target(%dma_start3A_91 : memref<64x128xf32, #tpu.memory_space<vmem>>) offsets(%dma_start3A_93 : memref<64xi32, #tpu.memory_space<vmem>>) semaphore(%arg14 : memref<!tpu.dma_semaphore, #tpu.memory_space<semaphore_mem>>)
    %dma_start3A_97 = arith.constant 128 : i32
    %dma_start3A_98 = tpu.memref_slice %arg7[%dma_start3A_97] : memref<2560xi32, #tpu.memory_space<vmem>> -> memref<64xi32, #tpu.memory_space<vmem>>
    %dma_start3A_99 = arith.constant 0 : i32
    %dma_start3A_100 = arith.constant 0 : i32
    %dma_start3A_101 = tpu.memref_slice %arg2[%dma_start3A_99, %dma_start3A_100] : memref<10000x128xf32, #tpu.memory_space<hbm>> -> memref<10000x128xf32, #tpu.memory_space<hbm>>
    tpu.enqueue_indirect_dma source(%dma_start3A_101 : memref<10000x128xf32, #tpu.memory_space<hbm>>) target(%arg10 : memref<64x128xf32, #tpu.memory_space<vmem>>) offsets(%dma_start3A_98 : memref<64xi32, #tpu.memory_space<vmem>>) semaphore(%arg15 : memref<!tpu.dma_semaphore, #tpu.memory_space<semaphore_mem>>)
    %dma_start3A_102 = arith.constant 192 : i32
    %dma_start3A_103 = tpu.memref_slice %arg7[%dma_start3A_102] : memref<2560xi32, #tpu.memory_space<vmem>> -> memref<64xi32, #tpu.memory_space<vmem>>
    %dma_start3A_104 = arith.constant 0 : i32
    %dma_start3A_105 = arith.constant 0 : i32
    %dma_start3A_106 = tpu.memref_slice %arg2[%dma_start3A_104, %dma_start3A_105] : memref<10000x128xf32, #tpu.memory_space<hbm>> -> memref<10000x128xf32, #tpu.memory_space<hbm>>
    tpu.enqueue_indirect_dma source(%dma_start3A_106 : memref<10000x128xf32, #tpu.memory_space<hbm>>) target(%arg11 : memref<64x128xf32, #tpu.memory_space<vmem>>) offsets(%dma_start3A_103 : memref<64xi32, #tpu.memory_space<vmem>>) semaphore(%arg16 : memref<!tpu.dma_semaphore, #tpu.memory_space<semaphore_mem>>)
    %scan3A_107 = arith.constant 0 : i32
    %scan3A_108 = arith.constant 10 : i32
    %scan3A_109 = arith.addi %scan3A_107, %scan3A_108 : i32
    %scan3A_110 = arith.constant 1 : i32
    scf.for %scan3A_278 = %scan3A_107 to %scan3A_109 step %scan3A_110  : i32 {
      %mul3A_279 = arith.constant 4 : i32
      %mul3A_280 = arith.muli %scan3A_278, %mul3A_279 : i32
      %add3A_281 = arith.constant 0 : i32
      %add3A_282 = arith.addi %add3A_281, %mul3A_280 : i32
      %add3A_283 = arith.constant 0 : i32
      %add3A_284 = arith.addi %add3A_282, %add3A_283 : i32
      %mul3A_285 = arith.constant 64 : i32
      %mul3A_286 = arith.muli %add3A_284, %mul3A_285 : i32
      %dma_wait3A_287 = arith.constant 0 : i32
      %dma_wait3A_288 = arith.constant 0 : i32
      %dma_wait3A_289 = tpu.memref_slice %arg9[%dma_wait3A_287, %dma_wait3A_288] : memref<128x128xf32, #tpu.memory_space<vmem>> -> memref<64x128xf32, #tpu.memory_space<vmem>>
      %dma_wait3A_290 = tpu.memref_slice %arg7[%mul3A_286] : memref<2560xi32, #tpu.memory_space<vmem>> -> memref<64xi32, #tpu.memory_space<vmem>>
      %dma_wait3A_291 = arith.constant 0 : i32
      %dma_wait3A_292 = arith.constant 0 : i32
      %dma_wait3A_293 = tpu.memref_slice %arg2[%dma_wait3A_291, %dma_wait3A_292] : memref<10000x128xf32, #tpu.memory_space<hbm>> -> memref<10000x128xf32, #tpu.memory_space<hbm>>
      tpu.wait_indirect_dma semaphore(%arg13 : memref<!tpu.dma_semaphore, #tpu.memory_space<semaphore_mem>>) src(%dma_wait3A_293 : memref<10000x128xf32, #tpu.memory_space<hbm>>) dst(%dma_wait3A_289 : memref<64x128xf32, #tpu.memory_space<vmem>>)
      %add3A_294 = arith.constant 0 : i32
      %add3A_295 = arith.addi %add3A_282, %add3A_294 : i32
      %mul3A_296 = arith.constant 64 : i32
      %mul3A_297 = arith.muli %add3A_295, %mul3A_296 : i32
      %dma_start3A_298 = arith.constant 0 : i32
      %dma_start3A_299 = arith.constant 0 : i32
      %dma_start3A_300 = tpu.memref_slice %arg9[%dma_start3A_298, %dma_start3A_299] : memref<128x128xf32, #tpu.memory_space<vmem>> -> memref<64x128xf32, #tpu.memory_space<vmem>>
      %dma_start3A_301 = tpu.memref_slice %arg8[%mul3A_297] : memref<2560xi32, #tpu.memory_space<vmem>> -> memref<64xi32, #tpu.memory_space<vmem>>
      %dma_start3A_302 = arith.constant 0 : i32
      %dma_start3A_303 = arith.constant 0 : i32
      %dma_start3A_304 = tpu.memref_slice %arg12[%dma_start3A_302, %dma_start3A_303] : memref<10240x128xf32, #tpu.memory_space<vmem_shared>> -> memref<10240x128xf32, #tpu.memory_space<vmem_shared>>
      tpu.enqueue_indirect_dma source(%dma_start3A_300 : memref<64x128xf32, #tpu.memory_space<vmem>>) target(%dma_start3A_304 : memref<10240x128xf32, #tpu.memory_space<vmem_shared>>) offsets(%dma_start3A_301 : memref<64xi32, #tpu.memory_space<vmem>>) semaphore(%arg17 : memref<!tpu.dma_semaphore, #tpu.memory_space<semaphore_mem>>) {add = true}
      %add3A_305 = arith.constant 1 : i32
      %add3A_306 = arith.addi %add3A_282, %add3A_305 : i32
      %mul3A_307 = arith.constant 64 : i32
      %mul3A_308 = arith.muli %add3A_306, %mul3A_307 : i32
      %dma_wait3A_309 = arith.constant 64 : i32
      %dma_wait3A_310 = arith.constant 0 : i32
      %dma_wait3A_311 = tpu.memref_slice %arg9[%dma_wait3A_309, %dma_wait3A_310] : memref<128x128xf32, #tpu.memory_space<vmem>> -> memref<64x128xf32, #tpu.memory_space<vmem>>
      %dma_wait3A_312 = tpu.memref_slice %arg7[%mul3A_308] : memref<2560xi32, #tpu.memory_space<vmem>> -> memref<64xi32, #tpu.memory_space<vmem>>
      %dma_wait3A_313 = arith.constant 0 : i32
      %dma_wait3A_314 = arith.constant 0 : i32
      %dma_wait3A_315 = tpu.memref_slice %arg2[%dma_wait3A_313, %dma_wait3A_314] : memref<10000x128xf32, #tpu.memory_space<hbm>> -> memref<10000x128xf32, #tpu.memory_space<hbm>>
      tpu.wait_indirect_dma semaphore(%arg14 : memref<!tpu.dma_semaphore, #tpu.memory_space<semaphore_mem>>) src(%dma_wait3A_315 : memref<10000x128xf32, #tpu.memory_space<hbm>>) dst(%dma_wait3A_311 : memref<64x128xf32, #tpu.memory_space<vmem>>)
      %add3A_316 = arith.constant 1 : i32
      %add3A_317 = arith.addi %add3A_282, %add3A_316 : i32
      %mul3A_318 = arith.constant 64 : i32
      %mul3A_319 = arith.muli %add3A_317, %mul3A_318 : i32
      %dma_start3A_320 = arith.constant 64 : i32
      %dma_start3A_321 = arith.constant 0 : i32
      %dma_start3A_322 = tpu.memref_slice %arg9[%dma_start3A_320, %dma_start3A_321] : memref<128x128xf32, #tpu.memory_space<vmem>> -> memref<64x128xf32, #tpu.memory_space<vmem>>
      %dma_start3A_323 = tpu.memref_slice %arg8[%mul3A_319] : memref<2560xi32, #tpu.memory_space<vmem>> -> memref<64xi32, #tpu.memory_space<vmem>>
      %dma_start3A_324 = arith.constant 0 : i32
      %dma_start3A_325 = arith.constant 0 : i32
      %dma_start3A_326 = tpu.memref_slice %arg12[%dma_start3A_324, %dma_start3A_325] : memref<10240x128xf32, #tpu.memory_space<vmem_shared>> -> memref<10240x128xf32, #tpu.memory_space<vmem_shared>>
      tpu.enqueue_indirect_dma source(%dma_start3A_322 : memref<64x128xf32, #tpu.memory_space<vmem>>) target(%dma_start3A_326 : memref<10240x128xf32, #tpu.memory_space<vmem_shared>>) offsets(%dma_start3A_323 : memref<64xi32, #tpu.memory_space<vmem>>) semaphore(%arg18 : memref<!tpu.dma_semaphore, #tpu.memory_space<semaphore_mem>>) {add = true}
      %add3A_327 = arith.constant 2 : i32
      %add3A_328 = arith.addi %add3A_282, %add3A_327 : i32
      %mul3A_329 = arith.constant 64 : i32
      %mul3A_330 = arith.muli %add3A_328, %mul3A_329 : i32
      %dma_wait3A_331 = tpu.memref_slice %arg7[%mul3A_330] : memref<2560xi32, #tpu.memory_space<vmem>> -> memref<64xi32, #tpu.memory_space<vmem>>
      %dma_wait3A_332 = arith.constant 0 : i32
      %dma_wait3A_333 = arith.constant 0 : i32
      %dma_wait3A_334 = tpu.memref_slice %arg2[%dma_wait3A_332, %dma_wait3A_333] : memref<10000x128xf32, #tpu.memory_space<hbm>> -> memref<10000x128xf32, #tpu.memory_space<hbm>>
      tpu.wait_indirect_dma semaphore(%arg15 : memref<!tpu.dma_semaphore, #tpu.memory_space<semaphore_mem>>) src(%dma_wait3A_334 : memref<10000x128xf32, #tpu.memory_space<hbm>>) dst(%arg10 : memref<64x128xf32, #tpu.memory_space<vmem>>)
      %add3A_335 = arith.constant 2 : i32
      %add3A_336 = arith.addi %add3A_282, %add3A_335 : i32
      %mul3A_337 = arith.constant 64 : i32
      %mul3A_338 = arith.muli %add3A_336, %mul3A_337 : i32
      %dma_start3A_339 = tpu.memref_slice %arg8[%mul3A_338] : memref<2560xi32, #tpu.memory_space<vmem>> -> memref<64xi32, #tpu.memory_space<vmem>>
      %dma_start3A_340 = arith.constant 0 : i32
      %dma_start3A_341 = arith.constant 0 : i32
      %dma_start3A_342 = tpu.memref_slice %arg12[%dma_start3A_340, %dma_start3A_341] : memref<10240x128xf32, #tpu.memory_space<vmem_shared>> -> memref<10240x128xf32, #tpu.memory_space<vmem_shared>>
      tpu.enqueue_indirect_dma source(%arg10 : memref<64x128xf32, #tpu.memory_space<vmem>>) target(%dma_start3A_342 : memref<10240x128xf32, #tpu.memory_space<vmem_shared>>) offsets(%dma_start3A_339 : memref<64xi32, #tpu.memory_space<vmem>>) semaphore(%arg19 : memref<!tpu.dma_semaphore, #tpu.memory_space<semaphore_mem>>) {add = true}
      %add3A_343 = arith.constant 3 : i32
      %add3A_344 = arith.addi %add3A_282, %add3A_343 : i32
      %mul3A_345 = arith.constant 64 : i32
      %mul3A_346 = arith.muli %add3A_344, %mul3A_345 : i32
      %dma_wait3A_347 = tpu.memref_slice %arg7[%mul3A_346] : memref<2560xi32, #tpu.memory_space<vmem>> -> memref<64xi32, #tpu.memory_space<vmem>>
      %dma_wait3A_348 = arith.constant 0 : i32
      %dma_wait3A_349 = arith.constant 0 : i32
      %dma_wait3A_350 = tpu.memref_slice %arg2[%dma_wait3A_348, %dma_wait3A_349] : memref<10000x128xf32, #tpu.memory_space<hbm>> -> memref<10000x128xf32, #tpu.memory_space<hbm>>
      tpu.wait_indirect_dma semaphore(%arg16 : memref<!tpu.dma_semaphore, #tpu.memory_space<semaphore_mem>>) src(%dma_wait3A_350 : memref<10000x128xf32, #tpu.memory_space<hbm>>) dst(%arg11 : memref<64x128xf32, #tpu.memory_space<vmem>>)
      %add3A_351 = arith.constant 3 : i32
      %add3A_352 = arith.addi %add3A_282, %add3A_351 : i32
      %mul3A_353 = arith.constant 64 : i32
      %mul3A_354 = arith.muli %add3A_352, %mul3A_353 : i32
      %dma_start3A_355 = tpu.memref_slice %arg8[%mul3A_354] : memref<2560xi32, #tpu.memory_space<vmem>> -> memref<64xi32, #tpu.memory_space<vmem>>
      %dma_start3A_356 = arith.constant 0 : i32
      %dma_start3A_357 = arith.constant 0 : i32
      %dma_start3A_358 = tpu.memref_slice %arg12[%dma_start3A_356, %dma_start3A_357] : memref<10240x128xf32, #tpu.memory_space<vmem_shared>> -> memref<10240x128xf32, #tpu.memory_space<vmem_shared>>
      tpu.enqueue_indirect_dma source(%arg11 : memref<64x128xf32, #tpu.memory_space<vmem>>) target(%dma_start3A_358 : memref<10240x128xf32, #tpu.memory_space<vmem_shared>>) offsets(%dma_start3A_355 : memref<64xi32, #tpu.memory_space<vmem>>) semaphore(%arg20 : memref<!tpu.dma_semaphore, #tpu.memory_space<semaphore_mem>>) {add = true}
      %add3A_359 = arith.constant 4 : i32
      %add3A_360 = arith.addi %add3A_282, %add3A_359 : i32
      %add3A_361 = arith.constant 0 : i32
      %add3A_362 = arith.addi %add3A_360, %add3A_361 : i32
      %lt3A = arith.constant 40 : i32
      %lt3A_363 = arith.cmpi slt, %add3A_362, %lt3A : i32
      %convert_element_type3A_364 = arith.extui %lt3A_363 : i1 to i32
      %cond3A_365 = arith.constant 0 : i32
      %cond3A_366 = arith.cmpi ne, %convert_element_type3A_364, %cond3A_365 : i32
      scf.if %cond3A_366 {
        %add3A_394 = arith.constant 0 : i32
        %add3A_395 = arith.addi %add3A_282, %add3A_394 : i32
        %mul3A_396 = arith.constant 64 : i32
        %mul3A_397 = arith.muli %add3A_395, %mul3A_396 : i32
        %dma_wait3A_398 = arith.constant 0 : i32
        %dma_wait3A_399 = arith.constant 0 : i32
        %dma_wait3A_400 = tpu.memref_slice %arg9[%dma_wait3A_398, %dma_wait3A_399] : memref<128x128xf32, #tpu.memory_space<vmem>> -> memref<64x128xf32, #tpu.memory_space<vmem>>
        %dma_wait3A_401 = tpu.memref_slice %arg8[%mul3A_397] : memref<2560xi32, #tpu.memory_space<vmem>> -> memref<64xi32, #tpu.memory_space<vmem>>
        %dma_wait3A_402 = arith.constant 0 : i32
        %dma_wait3A_403 = arith.constant 0 : i32
        %dma_wait3A_404 = tpu.memref_slice %arg12[%dma_wait3A_402, %dma_wait3A_403] : memref<10240x128xf32, #tpu.memory_space<vmem_shared>> -> memref<10240x128xf32, #tpu.memory_space<vmem_shared>>
        tpu.wait_indirect_dma semaphore(%arg17 : memref<!tpu.dma_semaphore, #tpu.memory_space<semaphore_mem>>) src(%dma_wait3A_400 : memref<64x128xf32, #tpu.memory_space<vmem>>) dst(%dma_wait3A_404 : memref<10240x128xf32, #tpu.memory_space<vmem_shared>>)
        %add3A_405 = arith.constant 4 : i32
        %add3A_406 = arith.addi %add3A_282, %add3A_405 : i32
        %add3A_407 = arith.constant 0 : i32
        %add3A_408 = arith.addi %add3A_406, %add3A_407 : i32
        %mul3A_409 = arith.constant 64 : i32
        %mul3A_410 = arith.muli %add3A_408, %mul3A_409 : i32
        %dma_start3A_411 = arith.constant 0 : i32
        %dma_start3A_412 = arith.constant 0 : i32
        %dma_start3A_413 = tpu.memref_slice %arg9[%dma_start3A_411, %dma_start3A_412] : memref<128x128xf32, #tpu.memory_space<vmem>> -> memref<64x128xf32, #tpu.memory_space<vmem>>
        %dma_start3A_414 = tpu.memref_slice %arg7[%mul3A_410] : memref<2560xi32, #tpu.memory_space<vmem>> -> memref<64xi32, #tpu.memory_space<vmem>>
        %dma_start3A_415 = arith.constant 0 : i32
        %dma_start3A_416 = arith.constant 0 : i32
        %dma_start3A_417 = tpu.memref_slice %arg2[%dma_start3A_415, %dma_start3A_416] : memref<10000x128xf32, #tpu.memory_space<hbm>> -> memref<10000x128xf32, #tpu.memory_space<hbm>>
        tpu.enqueue_indirect_dma source(%dma_start3A_417 : memref<10000x128xf32, #tpu.memory_space<hbm>>) target(%dma_start3A_413 : memref<64x128xf32, #tpu.memory_space<vmem>>) offsets(%dma_start3A_414 : memref<64xi32, #tpu.memory_space<vmem>>) semaphore(%arg13 : memref<!tpu.dma_semaphore, #tpu.memory_space<semaphore_mem>>)
      } else {
      }
      %add3A_367 = arith.constant 4 : i32
      %add3A_368 = arith.addi %add3A_282, %add3A_367 : i32
      %add3A_369 = arith.constant 1 : i32
      %add3A_370 = arith.addi %add3A_368, %add3A_369 : i32
      %lt3A_371 = arith.constant 40 : i32
      %lt3A_372 = arith.cmpi slt, %add3A_370, %lt3A_371 : i32
      %convert_element_type3A_373 = arith.extui %lt3A_372 : i1 to i32
      %cond3A_374 = arith.constant 0 : i32
      %cond3A_375 = arith.cmpi ne, %convert_element_type3A_373, %cond3A_374 : i32
      scf.if %cond3A_375 {
        %add3A_394 = arith.constant 1 : i32
        %add3A_395 = arith.addi %add3A_282, %add3A_394 : i32
        %mul3A_396 = arith.constant 64 : i32
        %mul3A_397 = arith.muli %add3A_395, %mul3A_396 : i32
        %dma_wait3A_398 = arith.constant 64 : i32
        %dma_wait3A_399 = arith.constant 0 : i32
        %dma_wait3A_400 = tpu.memref_slice %arg9[%dma_wait3A_398, %dma_wait3A_399] : memref<128x128xf32, #tpu.memory_space<vmem>> -> memref<64x128xf32, #tpu.memory_space<vmem>>
        %dma_wait3A_401 = tpu.memref_slice %arg8[%mul3A_397] : memref<2560xi32, #tpu.memory_space<vmem>> -> memref<64xi32, #tpu.memory_space<vmem>>
        %dma_wait3A_402 = arith.constant 0 : i32
        %dma_wait3A_403 = arith.constant 0 : i32
        %dma_wait3A_404 = tpu.memref_slice %arg12[%dma_wait3A_402, %dma_wait3A_403] : memref<10240x128xf32, #tpu.memory_space<vmem_shared>> -> memref<10240x128xf32, #tpu.memory_space<vmem_shared>>
        tpu.wait_indirect_dma semaphore(%arg18 : memref<!tpu.dma_semaphore, #tpu.memory_space<semaphore_mem>>) src(%dma_wait3A_400 : memref<64x128xf32, #tpu.memory_space<vmem>>) dst(%dma_wait3A_404 : memref<10240x128xf32, #tpu.memory_space<vmem_shared>>)
        %add3A_405 = arith.constant 4 : i32
        %add3A_406 = arith.addi %add3A_282, %add3A_405 : i32
        %add3A_407 = arith.constant 1 : i32
        %add3A_408 = arith.addi %add3A_406, %add3A_407 : i32
        %mul3A_409 = arith.constant 64 : i32
        %mul3A_410 = arith.muli %add3A_408, %mul3A_409 : i32
        %dma_start3A_411 = arith.constant 64 : i32
        %dma_start3A_412 = arith.constant 0 : i32
        %dma_start3A_413 = tpu.memref_slice %arg9[%dma_start3A_411, %dma_start3A_412] : memref<128x128xf32, #tpu.memory_space<vmem>> -> memref<64x128xf32, #tpu.memory_space<vmem>>
        %dma_start3A_414 = tpu.memref_slice %arg7[%mul3A_410] : memref<2560xi32, #tpu.memory_space<vmem>> -> memref<64xi32, #tpu.memory_space<vmem>>
        %dma_start3A_415 = arith.constant 0 : i32
        %dma_start3A_416 = arith.constant 0 : i32
        %dma_start3A_417 = tpu.memref_slice %arg2[%dma_start3A_415, %dma_start3A_416] : memref<10000x128xf32, #tpu.memory_space<hbm>> -> memref<10000x128xf32, #tpu.memory_space<hbm>>
        tpu.enqueue_indirect_dma source(%dma_start3A_417 : memref<10000x128xf32, #tpu.memory_space<hbm>>) target(%dma_start3A_413 : memref<64x128xf32, #tpu.memory_space<vmem>>) offsets(%dma_start3A_414 : memref<64xi32, #tpu.memory_space<vmem>>) semaphore(%arg14 : memref<!tpu.dma_semaphore, #tpu.memory_space<semaphore_mem>>)
      } else {
      }
      %add3A_376 = arith.constant 4 : i32
      %add3A_377 = arith.addi %add3A_282, %add3A_376 : i32
      %add3A_378 = arith.constant 2 : i32
      %add3A_379 = arith.addi %add3A_377, %add3A_378 : i32
      %lt3A_380 = arith.constant 40 : i32
      %lt3A_381 = arith.cmpi slt, %add3A_379, %lt3A_380 : i32
      %convert_element_type3A_382 = arith.extui %lt3A_381 : i1 to i32
      %cond3A_383 = arith.constant 0 : i32
      %cond3A_384 = arith.cmpi ne, %convert_element_type3A_382, %cond3A_383 : i32
      scf.if %cond3A_384 {
        %add3A_394 = arith.constant 2 : i32
        %add3A_395 = arith.addi %add3A_282, %add3A_394 : i32
        %mul3A_396 = arith.constant 64 : i32
        %mul3A_397 = arith.muli %add3A_395, %mul3A_396 : i32
        %dma_wait3A_398 = tpu.memref_slice %arg8[%mul3A_397] : memref<2560xi32, #tpu.memory_space<vmem>> -> memref<64xi32, #tpu.memory_space<vmem>>
        %dma_wait3A_399 = arith.constant 0 : i32
        %dma_wait3A_400 = arith.constant 0 : i32
        %dma_wait3A_401 = tpu.memref_slice %arg12[%dma_wait3A_399, %dma_wait3A_400] : memref<10240x128xf32, #tpu.memory_space<vmem_shared>> -> memref<10240x128xf32, #tpu.memory_space<vmem_shared>>
        tpu.wait_indirect_dma semaphore(%arg19 : memref<!tpu.dma_semaphore, #tpu.memory_space<semaphore_mem>>) src(%arg10 : memref<64x128xf32, #tpu.memory_space<vmem>>) dst(%dma_wait3A_401 : memref<10240x128xf32, #tpu.memory_space<vmem_shared>>)
        %add3A_402 = arith.constant 4 : i32
        %add3A_403 = arith.addi %add3A_282, %add3A_402 : i32
        %add3A_404 = arith.constant 2 : i32
        %add3A_405 = arith.addi %add3A_403, %add3A_404 : i32
        %mul3A_406 = arith.constant 64 : i32
        %mul3A_407 = arith.muli %add3A_405, %mul3A_406 : i32
        %dma_start3A_408 = tpu.memref_slice %arg7[%mul3A_407] : memref<2560xi32, #tpu.memory_space<vmem>> -> memref<64xi32, #tpu.memory_space<vmem>>
        %dma_start3A_409 = arith.constant 0 : i32
        %dma_start3A_410 = arith.constant 0 : i32
        %dma_start3A_411 = tpu.memref_slice %arg2[%dma_start3A_409, %dma_start3A_410] : memref<10000x128xf32, #tpu.memory_space<hbm>> -> memref<10000x128xf32, #tpu.memory_space<hbm>>
        tpu.enqueue_indirect_dma source(%dma_start3A_411 : memref<10000x128xf32, #tpu.memory_space<hbm>>) target(%arg10 : memref<64x128xf32, #tpu.memory_space<vmem>>) offsets(%dma_start3A_408 : memref<64xi32, #tpu.memory_space<vmem>>) semaphore(%arg15 : memref<!tpu.dma_semaphore, #tpu.memory_space<semaphore_mem>>)
      } else {
      }
      %add3A_385 = arith.constant 4 : i32
      %add3A_386 = arith.addi %add3A_282, %add3A_385 : i32
      %add3A_387 = arith.constant 3 : i32
      %add3A_388 = arith.addi %add3A_386, %add3A_387 : i32
      %lt3A_389 = arith.constant 40 : i32
      %lt3A_390 = arith.cmpi slt, %add3A_388, %lt3A_389 : i32
      %convert_element_type3A_391 = arith.extui %lt3A_390 : i1 to i32
      %cond3A_392 = arith.constant 0 : i32
      %cond3A_393 = arith.cmpi ne, %convert_element_type3A_391, %cond3A_392 : i32
      scf.if %cond3A_393 {
        %add3A_394 = arith.constant 3 : i32
        %add3A_395 = arith.addi %add3A_282, %add3A_394 : i32
        %mul3A_396 = arith.constant 64 : i32
        %mul3A_397 = arith.muli %add3A_395, %mul3A_396 : i32
        %dma_wait3A_398 = tpu.memref_slice %arg8[%mul3A_397] : memref<2560xi32, #tpu.memory_space<vmem>> -> memref<64xi32, #tpu.memory_space<vmem>>
        %dma_wait3A_399 = arith.constant 0 : i32
        %dma_wait3A_400 = arith.constant 0 : i32
        %dma_wait3A_401 = tpu.memref_slice %arg12[%dma_wait3A_399, %dma_wait3A_400] : memref<10240x128xf32, #tpu.memory_space<vmem_shared>> -> memref<10240x128xf32, #tpu.memory_space<vmem_shared>>
        tpu.wait_indirect_dma semaphore(%arg20 : memref<!tpu.dma_semaphore, #tpu.memory_space<semaphore_mem>>) src(%arg11 : memref<64x128xf32, #tpu.memory_space<vmem>>) dst(%dma_wait3A_401 : memref<10240x128xf32, #tpu.memory_space<vmem_shared>>)
        %add3A_402 = arith.constant 4 : i32
        %add3A_403 = arith.addi %add3A_282, %add3A_402 : i32
        %add3A_404 = arith.constant 3 : i32
        %add3A_405 = arith.addi %add3A_403, %add3A_404 : i32
        %mul3A_406 = arith.constant 64 : i32
        %mul3A_407 = arith.muli %add3A_405, %mul3A_406 : i32
        %dma_start3A_408 = tpu.memref_slice %arg7[%mul3A_407] : memref<2560xi32, #tpu.memory_space<vmem>> -> memref<64xi32, #tpu.memory_space<vmem>>
        %dma_start3A_409 = arith.constant 0 : i32
        %dma_start3A_410 = arith.constant 0 : i32
        %dma_start3A_411 = tpu.memref_slice %arg2[%dma_start3A_409, %dma_start3A_410] : memref<10000x128xf32, #tpu.memory_space<hbm>> -> memref<10000x128xf32, #tpu.memory_space<hbm>>
        tpu.enqueue_indirect_dma source(%dma_start3A_411 : memref<10000x128xf32, #tpu.memory_space<hbm>>) target(%arg11 : memref<64x128xf32, #tpu.memory_space<vmem>>) offsets(%dma_start3A_408 : memref<64xi32, #tpu.memory_space<vmem>>) semaphore(%arg16 : memref<!tpu.dma_semaphore, #tpu.memory_space<semaphore_mem>>)
      } else {
      }
    }
    %scan3A_111 = arith.constant 10 : i32
    %dma_wait3A_112 = arith.constant 0 : i32
    %dma_wait3A_113 = arith.constant 0 : i32
    %dma_wait3A_114 = tpu.memref_slice %arg9[%dma_wait3A_112, %dma_wait3A_113] : memref<128x128xf32, #tpu.memory_space<vmem>> -> memref<64x128xf32, #tpu.memory_space<vmem>>
    %dma_wait3A_115 = arith.constant 2304 : i32
    %dma_wait3A_116 = tpu.memref_slice %arg8[%dma_wait3A_115] : memref<2560xi32, #tpu.memory_space<vmem>> -> memref<64xi32, #tpu.memory_space<vmem>>
    %dma_wait3A_117 = arith.constant 0 : i32
    %dma_wait3A_118 = arith.constant 0 : i32
    %dma_wait3A_119 = tpu.memref_slice %arg12[%dma_wait3A_117, %dma_wait3A_118] : memref<10240x128xf32, #tpu.memory_space<vmem_shared>> -> memref<10240x128xf32, #tpu.memory_space<vmem_shared>>
    tpu.wait_indirect_dma semaphore(%arg17 : memref<!tpu.dma_semaphore, #tpu.memory_space<semaphore_mem>>) src(%dma_wait3A_114 : memref<64x128xf32, #tpu.memory_space<vmem>>) dst(%dma_wait3A_119 : memref<10240x128xf32, #tpu.memory_space<vmem_shared>>)
    %dma_wait3A_120 = arith.constant 64 : i32
    %dma_wait3A_121 = arith.constant 0 : i32
    %dma_wait3A_122 = tpu.memref_slice %arg9[%dma_wait3A_120, %dma_wait3A_121] : memref<128x128xf32, #tpu.memory_space<vmem>> -> memref<64x128xf32, #tpu.memory_space<vmem>>
    %dma_wait3A_123 = arith.constant 2368 : i32
    %dma_wait3A_124 = tpu.memref_slice %arg8[%dma_wait3A_123] : memref<2560xi32, #tpu.memory_space<vmem>> -> memref<64xi32, #tpu.memory_space<vmem>>
    %dma_wait3A_125 = arith.constant 0 : i32
    %dma_wait3A_126 = arith.constant 0 : i32
    %dma_wait3A_127 = tpu.memref_slice %arg12[%dma_wait3A_125, %dma_wait3A_126] : memref<10240x128xf32, #tpu.memory_space<vmem_shared>> -> memref<10240x128xf32, #tpu.memory_space<vmem_shared>>
    tpu.wait_indirect_dma semaphore(%arg18 : memref<!tpu.dma_semaphore, #tpu.memory_space<semaphore_mem>>) src(%dma_wait3A_122 : memref<64x128xf32, #tpu.memory_space<vmem>>) dst(%dma_wait3A_127 : memref<10240x128xf32, #tpu.memory_space<vmem_shared>>)
    %dma_wait3A_128 = arith.constant 2432 : i32
    %dma_wait3A_129 = tpu.memref_slice %arg8[%dma_wait3A_128] : memref<2560xi32, #tpu.memory_space<vmem>> -> memref<64xi32, #tpu.memory_space<vmem>>
    %dma_wait3A_130 = arith.constant 0 : i32
    %dma_wait3A_131 = arith.constant 0 : i32
    %dma_wait3A_132 = tpu.memref_slice %arg12[%dma_wait3A_130, %dma_wait3A_131] : memref<10240x128xf32, #tpu.memory_space<vmem_shared>> -> memref<10240x128xf32, #tpu.memory_space<vmem_shared>>
    tpu.wait_indirect_dma semaphore(%arg19 : memref<!tpu.dma_semaphore, #tpu.memory_space<semaphore_mem>>) src(%arg10 : memref<64x128xf32, #tpu.memory_space<vmem>>) dst(%dma_wait3A_132 : memref<10240x128xf32, #tpu.memory_space<vmem_shared>>)
    %dma_wait3A_133 = arith.constant 2496 : i32
    %dma_wait3A_134 = tpu.memref_slice %arg8[%dma_wait3A_133] : memref<2560xi32, #tpu.memory_space<vmem>> -> memref<64xi32, #tpu.memory_space<vmem>>
    %dma_wait3A_135 = arith.constant 0 : i32
    %dma_wait3A_136 = arith.constant 0 : i32
    %dma_wait3A_137 = tpu.memref_slice %arg12[%dma_wait3A_135, %dma_wait3A_136] : memref<10240x128xf32, #tpu.memory_space<vmem_shared>> -> memref<10240x128xf32, #tpu.memory_space<vmem_shared>>
    tpu.wait_indirect_dma semaphore(%arg20 : memref<!tpu.dma_semaphore, #tpu.memory_space<semaphore_mem>>) src(%arg11 : memref<64x128xf32, #tpu.memory_space<vmem>>) dst(%dma_wait3A_137 : memref<10240x128xf32, #tpu.memory_space<vmem_shared>>)
    %mul3A_138 = arith.constant 160 : i32
    %mul3A_139 = arith.muli %add3A, %mul3A_138 : i32
    %add3A_140 = arith.constant 80 : i32
    %add3A_141 = arith.addi %mul3A_139, %add3A_140 : i32
    %mul3A_142 = arith.constant 64 : i32
    %mul3A_143 = arith.muli %add3A_141, %mul3A_142 : i32
    "tpu.region"() ({
      %run_scoped3A = tpu.sem_alloc : memref<!tpu.dma_semaphore, #tpu.memory_space<semaphore_mem>>
      %dma_start3A_278 = tpu.memref_slice %arg3[%mul3A_143] : memref<327680xi32, #tpu.memory_space<hbm>> -> memref<2560xi32, #tpu.memory_space<hbm>>
      %dma_start3A_279 = tpu.memref_slice %arg3[%mul3A_143] : memref<327680xi32, #tpu.memory_space<hbm>> -> memref<2560xi32, #tpu.memory_space<hbm>>
      tpu.enqueue_dma source(%dma_start3A_279 : memref<2560xi32, #tpu.memory_space<hbm>>) target(%arg7 : memref<2560xi32, #tpu.memory_space<vmem>>) target_semaphore(%run_scoped3A : memref<!tpu.dma_semaphore, #tpu.memory_space<semaphore_mem>>)
      %dma_wait3A_280 = tpu.memref_slice %arg3[%mul3A_143] : memref<327680xi32, #tpu.memory_space<hbm>> -> memref<2560xi32, #tpu.memory_space<hbm>>
      %dma_wait3A_281 = tpu.memref_slice %arg3[%mul3A_143] : memref<327680xi32, #tpu.memory_space<hbm>> -> memref<2560xi32, #tpu.memory_space<hbm>>
      tpu.wait_dma2 semaphore(%run_scoped3A : memref<!tpu.dma_semaphore, #tpu.memory_space<semaphore_mem>>) src(%dma_wait3A_281 : memref<2560xi32, #tpu.memory_space<hbm>>) dst(%arg7 : memref<2560xi32, #tpu.memory_space<vmem>>)
      tpu.yield
    }) : () -> ()
    %mul3A_144 = arith.constant 64 : i32
    %mul3A_145 = arith.muli %add3A_141, %mul3A_144 : i32
    "tpu.region"() ({
      %run_scoped3A = tpu.sem_alloc : memref<!tpu.dma_semaphore, #tpu.memory_space<semaphore_mem>>
      %dma_start3A_278 = tpu.memref_slice %arg4[%mul3A_145] : memref<327680xi32, #tpu.memory_space<hbm>> -> memref<2560xi32, #tpu.memory_space<hbm>>
      %dma_start3A_279 = tpu.memref_slice %arg4[%mul3A_145] : memref<327680xi32, #tpu.memory_space<hbm>> -> memref<2560xi32, #tpu.memory_space<hbm>>
      tpu.enqueue_dma source(%dma_start3A_279 : memref<2560xi32, #tpu.memory_space<hbm>>) target(%arg8 : memref<2560xi32, #tpu.memory_space<vmem>>) target_semaphore(%run_scoped3A : memref<!tpu.dma_semaphore, #tpu.memory_space<semaphore_mem>>)
      %dma_wait3A_280 = tpu.memref_slice %arg4[%mul3A_145] : memref<327680xi32, #tpu.memory_space<hbm>> -> memref<2560xi32, #tpu.memory_space<hbm>>
      %dma_wait3A_281 = tpu.memref_slice %arg4[%mul3A_145] : memref<327680xi32, #tpu.memory_space<hbm>> -> memref<2560xi32, #tpu.memory_space<hbm>>
      tpu.wait_dma2 semaphore(%run_scoped3A : memref<!tpu.dma_semaphore, #tpu.memory_space<semaphore_mem>>) src(%dma_wait3A_281 : memref<2560xi32, #tpu.memory_space<hbm>>) dst(%arg8 : memref<2560xi32, #tpu.memory_space<vmem>>)
      tpu.yield
    }) : () -> ()
    %dma_start3A_146 = arith.constant 0 : i32
    %dma_start3A_147 = arith.constant 0 : i32
    %dma_start3A_148 = tpu.memref_slice %arg9[%dma_start3A_146, %dma_start3A_147] : memref<128x128xf32, #tpu.memory_space<vmem>> -> memref<64x128xf32, #tpu.memory_space<vmem>>
    %dma_start3A_149 = arith.constant 0 : i32
    %dma_start3A_150 = tpu.memref_slice %arg7[%dma_start3A_149] : memref<2560xi32, #tpu.memory_space<vmem>> -> memref<64xi32, #tpu.memory_space<vmem>>
    %dma_start3A_151 = arith.constant 0 : i32
    %dma_start3A_152 = arith.constant 0 : i32
    %dma_start3A_153 = tpu.memref_slice %arg2[%dma_start3A_151, %dma_start3A_152] : memref<10000x128xf32, #tpu.memory_space<hbm>> -> memref<10000x128xf32, #tpu.memory_space<hbm>>
    tpu.enqueue_indirect_dma source(%dma_start3A_153 : memref<10000x128xf32, #tpu.memory_space<hbm>>) target(%dma_start3A_148 : memref<64x128xf32, #tpu.memory_space<vmem>>) offsets(%dma_start3A_150 : memref<64xi32, #tpu.memory_space<vmem>>) semaphore(%arg13 : memref<!tpu.dma_semaphore, #tpu.memory_space<semaphore_mem>>)
    %dma_start3A_154 = arith.constant 64 : i32
    %dma_start3A_155 = arith.constant 0 : i32
    %dma_start3A_156 = tpu.memref_slice %arg9[%dma_start3A_154, %dma_start3A_155] : memref<128x128xf32, #tpu.memory_space<vmem>> -> memref<64x128xf32, #tpu.memory_space<vmem>>
    %dma_start3A_157 = arith.constant 64 : i32
    %dma_start3A_158 = tpu.memref_slice %arg7[%dma_start3A_157] : memref<2560xi32, #tpu.memory_space<vmem>> -> memref<64xi32, #tpu.memory_space<vmem>>
    %dma_start3A_159 = arith.constant 0 : i32
    %dma_start3A_160 = arith.constant 0 : i32
    %dma_start3A_161 = tpu.memref_slice %arg2[%dma_start3A_159, %dma_start3A_160] : memref<10000x128xf32, #tpu.memory_space<hbm>> -> memref<10000x128xf32, #tpu.memory_space<hbm>>
    tpu.enqueue_indirect_dma source(%dma_start3A_161 : memref<10000x128xf32, #tpu.memory_space<hbm>>) target(%dma_start3A_156 : memref<64x128xf32, #tpu.memory_space<vmem>>) offsets(%dma_start3A_158 : memref<64xi32, #tpu.memory_space<vmem>>) semaphore(%arg14 : memref<!tpu.dma_semaphore, #tpu.memory_space<semaphore_mem>>)
    %dma_start3A_162 = arith.constant 128 : i32
    %dma_start3A_163 = tpu.memref_slice %arg7[%dma_start3A_162] : memref<2560xi32, #tpu.memory_space<vmem>> -> memref<64xi32, #tpu.memory_space<vmem>>
    %dma_start3A_164 = arith.constant 0 : i32
    %dma_start3A_165 = arith.constant 0 : i32
    %dma_start3A_166 = tpu.memref_slice %arg2[%dma_start3A_164, %dma_start3A_165] : memref<10000x128xf32, #tpu.memory_space<hbm>> -> memref<10000x128xf32, #tpu.memory_space<hbm>>
    tpu.enqueue_indirect_dma source(%dma_start3A_166 : memref<10000x128xf32, #tpu.memory_space<hbm>>) target(%arg10 : memref<64x128xf32, #tpu.memory_space<vmem>>) offsets(%dma_start3A_163 : memref<64xi32, #tpu.memory_space<vmem>>) semaphore(%arg15 : memref<!tpu.dma_semaphore, #tpu.memory_space<semaphore_mem>>)
    %dma_start3A_167 = arith.constant 192 : i32
    %dma_start3A_168 = tpu.memref_slice %arg7[%dma_start3A_167] : memref<2560xi32, #tpu.memory_space<vmem>> -> memref<64xi32, #tpu.memory_space<vmem>>
    %dma_start3A_169 = arith.constant 0 : i32
    %dma_start3A_170 = arith.constant 0 : i32
    %dma_start3A_171 = tpu.memref_slice %arg2[%dma_start3A_169, %dma_start3A_170] : memref<10000x128xf32, #tpu.memory_space<hbm>> -> memref<10000x128xf32, #tpu.memory_space<hbm>>
    tpu.enqueue_indirect_dma source(%dma_start3A_171 : memref<10000x128xf32, #tpu.memory_space<hbm>>) target(%arg11 : memref<64x128xf32, #tpu.memory_space<vmem>>) offsets(%dma_start3A_168 : memref<64xi32, #tpu.memory_space<vmem>>) semaphore(%arg16 : memref<!tpu.dma_semaphore, #tpu.memory_space<semaphore_mem>>)
    %scan3A_172 = arith.constant 0 : i32
    %scan3A_173 = arith.constant 10 : i32
    %scan3A_174 = arith.addi %scan3A_172, %scan3A_173 : i32
    %scan3A_175 = arith.constant 1 : i32
    scf.for %scan3A_278 = %scan3A_172 to %scan3A_174 step %scan3A_175  : i32 {
      %mul3A_279 = arith.constant 4 : i32
      %mul3A_280 = arith.muli %scan3A_278, %mul3A_279 : i32
      %add3A_281 = arith.constant 0 : i32
      %add3A_282 = arith.addi %add3A_281, %mul3A_280 : i32
      %add3A_283 = arith.constant 0 : i32
      %add3A_284 = arith.addi %add3A_282, %add3A_283 : i32
      %mul3A_285 = arith.constant 64 : i32
      %mul3A_286 = arith.muli %add3A_284, %mul3A_285 : i32
      %dma_wait3A_287 = arith.constant 0 : i32
      %dma_wait3A_288 = arith.constant 0 : i32
      %dma_wait3A_289 = tpu.memref_slice %arg9[%dma_wait3A_287, %dma_wait3A_288] : memref<128x128xf32, #tpu.memory_space<vmem>> -> memref<64x128xf32, #tpu.memory_space<vmem>>
      %dma_wait3A_290 = tpu.memref_slice %arg7[%mul3A_286] : memref<2560xi32, #tpu.memory_space<vmem>> -> memref<64xi32, #tpu.memory_space<vmem>>
      %dma_wait3A_291 = arith.constant 0 : i32
      %dma_wait3A_292 = arith.constant 0 : i32
      %dma_wait3A_293 = tpu.memref_slice %arg2[%dma_wait3A_291, %dma_wait3A_292] : memref<10000x128xf32, #tpu.memory_space<hbm>> -> memref<10000x128xf32, #tpu.memory_space<hbm>>
      tpu.wait_indirect_dma semaphore(%arg13 : memref<!tpu.dma_semaphore, #tpu.memory_space<semaphore_mem>>) src(%dma_wait3A_293 : memref<10000x128xf32, #tpu.memory_space<hbm>>) dst(%dma_wait3A_289 : memref<64x128xf32, #tpu.memory_space<vmem>>)
      %add3A_294 = arith.constant 0 : i32
      %add3A_295 = arith.addi %add3A_282, %add3A_294 : i32
      %mul3A_296 = arith.constant 64 : i32
      %mul3A_297 = arith.muli %add3A_295, %mul3A_296 : i32
      %dma_start3A_298 = arith.constant 0 : i32
      %dma_start3A_299 = arith.constant 0 : i32
      %dma_start3A_300 = tpu.memref_slice %arg9[%dma_start3A_298, %dma_start3A_299] : memref<128x128xf32, #tpu.memory_space<vmem>> -> memref<64x128xf32, #tpu.memory_space<vmem>>
      %dma_start3A_301 = tpu.memref_slice %arg8[%mul3A_297] : memref<2560xi32, #tpu.memory_space<vmem>> -> memref<64xi32, #tpu.memory_space<vmem>>
      %dma_start3A_302 = arith.constant 0 : i32
      %dma_start3A_303 = arith.constant 0 : i32
      %dma_start3A_304 = tpu.memref_slice %arg12[%dma_start3A_302, %dma_start3A_303] : memref<10240x128xf32, #tpu.memory_space<vmem_shared>> -> memref<10240x128xf32, #tpu.memory_space<vmem_shared>>
      tpu.enqueue_indirect_dma source(%dma_start3A_300 : memref<64x128xf32, #tpu.memory_space<vmem>>) target(%dma_start3A_304 : memref<10240x128xf32, #tpu.memory_space<vmem_shared>>) offsets(%dma_start3A_301 : memref<64xi32, #tpu.memory_space<vmem>>) semaphore(%arg17 : memref<!tpu.dma_semaphore, #tpu.memory_space<semaphore_mem>>) {add = true}
      %add3A_305 = arith.constant 1 : i32
      %add3A_306 = arith.addi %add3A_282, %add3A_305 : i32
      %mul3A_307 = arith.constant 64 : i32
      %mul3A_308 = arith.muli %add3A_306, %mul3A_307 : i32
      %dma_wait3A_309 = arith.constant 64 : i32
      %dma_wait3A_310 = arith.constant 0 : i32
      %dma_wait3A_311 = tpu.memref_slice %arg9[%dma_wait3A_309, %dma_wait3A_310] : memref<128x128xf32, #tpu.memory_space<vmem>> -> memref<64x128xf32, #tpu.memory_space<vmem>>
      %dma_wait3A_312 = tpu.memref_slice %arg7[%mul3A_308] : memref<2560xi32, #tpu.memory_space<vmem>> -> memref<64xi32, #tpu.memory_space<vmem>>
      %dma_wait3A_313 = arith.constant 0 : i32
      %dma_wait3A_314 = arith.constant 0 : i32
      %dma_wait3A_315 = tpu.memref_slice %arg2[%dma_wait3A_313, %dma_wait3A_314] : memref<10000x128xf32, #tpu.memory_space<hbm>> -> memref<10000x128xf32, #tpu.memory_space<hbm>>
      tpu.wait_indirect_dma semaphore(%arg14 : memref<!tpu.dma_semaphore, #tpu.memory_space<semaphore_mem>>) src(%dma_wait3A_315 : memref<10000x128xf32, #tpu.memory_space<hbm>>) dst(%dma_wait3A_311 : memref<64x128xf32, #tpu.memory_space<vmem>>)
      %add3A_316 = arith.constant 1 : i32
      %add3A_317 = arith.addi %add3A_282, %add3A_316 : i32
      %mul3A_318 = arith.constant 64 : i32
      %mul3A_319 = arith.muli %add3A_317, %mul3A_318 : i32
      %dma_start3A_320 = arith.constant 64 : i32
      %dma_start3A_321 = arith.constant 0 : i32
      %dma_start3A_322 = tpu.memref_slice %arg9[%dma_start3A_320, %dma_start3A_321] : memref<128x128xf32, #tpu.memory_space<vmem>> -> memref<64x128xf32, #tpu.memory_space<vmem>>
      %dma_start3A_323 = tpu.memref_slice %arg8[%mul3A_319] : memref<2560xi32, #tpu.memory_space<vmem>> -> memref<64xi32, #tpu.memory_space<vmem>>
      %dma_start3A_324 = arith.constant 0 : i32
      %dma_start3A_325 = arith.constant 0 : i32
      %dma_start3A_326 = tpu.memref_slice %arg12[%dma_start3A_324, %dma_start3A_325] : memref<10240x128xf32, #tpu.memory_space<vmem_shared>> -> memref<10240x128xf32, #tpu.memory_space<vmem_shared>>
      tpu.enqueue_indirect_dma source(%dma_start3A_322 : memref<64x128xf32, #tpu.memory_space<vmem>>) target(%dma_start3A_326 : memref<10240x128xf32, #tpu.memory_space<vmem_shared>>) offsets(%dma_start3A_323 : memref<64xi32, #tpu.memory_space<vmem>>) semaphore(%arg18 : memref<!tpu.dma_semaphore, #tpu.memory_space<semaphore_mem>>) {add = true}
      %add3A_327 = arith.constant 2 : i32
      %add3A_328 = arith.addi %add3A_282, %add3A_327 : i32
      %mul3A_329 = arith.constant 64 : i32
      %mul3A_330 = arith.muli %add3A_328, %mul3A_329 : i32
      %dma_wait3A_331 = tpu.memref_slice %arg7[%mul3A_330] : memref<2560xi32, #tpu.memory_space<vmem>> -> memref<64xi32, #tpu.memory_space<vmem>>
      %dma_wait3A_332 = arith.constant 0 : i32
      %dma_wait3A_333 = arith.constant 0 : i32
      %dma_wait3A_334 = tpu.memref_slice %arg2[%dma_wait3A_332, %dma_wait3A_333] : memref<10000x128xf32, #tpu.memory_space<hbm>> -> memref<10000x128xf32, #tpu.memory_space<hbm>>
      tpu.wait_indirect_dma semaphore(%arg15 : memref<!tpu.dma_semaphore, #tpu.memory_space<semaphore_mem>>) src(%dma_wait3A_334 : memref<10000x128xf32, #tpu.memory_space<hbm>>) dst(%arg10 : memref<64x128xf32, #tpu.memory_space<vmem>>)
      %add3A_335 = arith.constant 2 : i32
      %add3A_336 = arith.addi %add3A_282, %add3A_335 : i32
      %mul3A_337 = arith.constant 64 : i32
      %mul3A_338 = arith.muli %add3A_336, %mul3A_337 : i32
      %dma_start3A_339 = tpu.memref_slice %arg8[%mul3A_338] : memref<2560xi32, #tpu.memory_space<vmem>> -> memref<64xi32, #tpu.memory_space<vmem>>
      %dma_start3A_340 = arith.constant 0 : i32
      %dma_start3A_341 = arith.constant 0 : i32
      %dma_start3A_342 = tpu.memref_slice %arg12[%dma_start3A_340, %dma_start3A_341] : memref<10240x128xf32, #tpu.memory_space<vmem_shared>> -> memref<10240x128xf32, #tpu.memory_space<vmem_shared>>
      tpu.enqueue_indirect_dma source(%arg10 : memref<64x128xf32, #tpu.memory_space<vmem>>) target(%dma_start3A_342 : memref<10240x128xf32, #tpu.memory_space<vmem_shared>>) offsets(%dma_start3A_339 : memref<64xi32, #tpu.memory_space<vmem>>) semaphore(%arg19 : memref<!tpu.dma_semaphore, #tpu.memory_space<semaphore_mem>>) {add = true}
      %add3A_343 = arith.constant 3 : i32
      %add3A_344 = arith.addi %add3A_282, %add3A_343 : i32
      %mul3A_345 = arith.constant 64 : i32
      %mul3A_346 = arith.muli %add3A_344, %mul3A_345 : i32
      %dma_wait3A_347 = tpu.memref_slice %arg7[%mul3A_346] : memref<2560xi32, #tpu.memory_space<vmem>> -> memref<64xi32, #tpu.memory_space<vmem>>
      %dma_wait3A_348 = arith.constant 0 : i32
      %dma_wait3A_349 = arith.constant 0 : i32
      %dma_wait3A_350 = tpu.memref_slice %arg2[%dma_wait3A_348, %dma_wait3A_349] : memref<10000x128xf32, #tpu.memory_space<hbm>> -> memref<10000x128xf32, #tpu.memory_space<hbm>>
      tpu.wait_indirect_dma semaphore(%arg16 : memref<!tpu.dma_semaphore, #tpu.memory_space<semaphore_mem>>) src(%dma_wait3A_350 : memref<10000x128xf32, #tpu.memory_space<hbm>>) dst(%arg11 : memref<64x128xf32, #tpu.memory_space<vmem>>)
      %add3A_351 = arith.constant 3 : i32
      %add3A_352 = arith.addi %add3A_282, %add3A_351 : i32
      %mul3A_353 = arith.constant 64 : i32
      %mul3A_354 = arith.muli %add3A_352, %mul3A_353 : i32
      %dma_start3A_355 = tpu.memref_slice %arg8[%mul3A_354] : memref<2560xi32, #tpu.memory_space<vmem>> -> memref<64xi32, #tpu.memory_space<vmem>>
      %dma_start3A_356 = arith.constant 0 : i32
      %dma_start3A_357 = arith.constant 0 : i32
      %dma_start3A_358 = tpu.memref_slice %arg12[%dma_start3A_356, %dma_start3A_357] : memref<10240x128xf32, #tpu.memory_space<vmem_shared>> -> memref<10240x128xf32, #tpu.memory_space<vmem_shared>>
      tpu.enqueue_indirect_dma source(%arg11 : memref<64x128xf32, #tpu.memory_space<vmem>>) target(%dma_start3A_358 : memref<10240x128xf32, #tpu.memory_space<vmem_shared>>) offsets(%dma_start3A_355 : memref<64xi32, #tpu.memory_space<vmem>>) semaphore(%arg20 : memref<!tpu.dma_semaphore, #tpu.memory_space<semaphore_mem>>) {add = true}
      %add3A_359 = arith.constant 4 : i32
      %add3A_360 = arith.addi %add3A_282, %add3A_359 : i32
      %add3A_361 = arith.constant 0 : i32
      %add3A_362 = arith.addi %add3A_360, %add3A_361 : i32
      %lt3A = arith.constant 40 : i32
      %lt3A_363 = arith.cmpi slt, %add3A_362, %lt3A : i32
      %convert_element_type3A_364 = arith.extui %lt3A_363 : i1 to i32
      %cond3A_365 = arith.constant 0 : i32
      %cond3A_366 = arith.cmpi ne, %convert_element_type3A_364, %cond3A_365 : i32
      scf.if %cond3A_366 {
        %add3A_394 = arith.constant 0 : i32
        %add3A_395 = arith.addi %add3A_282, %add3A_394 : i32
        %mul3A_396 = arith.constant 64 : i32
        %mul3A_397 = arith.muli %add3A_395, %mul3A_396 : i32
        %dma_wait3A_398 = arith.constant 0 : i32
        %dma_wait3A_399 = arith.constant 0 : i32
        %dma_wait3A_400 = tpu.memref_slice %arg9[%dma_wait3A_398, %dma_wait3A_399] : memref<128x128xf32, #tpu.memory_space<vmem>> -> memref<64x128xf32, #tpu.memory_space<vmem>>
        %dma_wait3A_401 = tpu.memref_slice %arg8[%mul3A_397] : memref<2560xi32, #tpu.memory_space<vmem>> -> memref<64xi32, #tpu.memory_space<vmem>>
        %dma_wait3A_402 = arith.constant 0 : i32
        %dma_wait3A_403 = arith.constant 0 : i32
        %dma_wait3A_404 = tpu.memref_slice %arg12[%dma_wait3A_402, %dma_wait3A_403] : memref<10240x128xf32, #tpu.memory_space<vmem_shared>> -> memref<10240x128xf32, #tpu.memory_space<vmem_shared>>
        tpu.wait_indirect_dma semaphore(%arg17 : memref<!tpu.dma_semaphore, #tpu.memory_space<semaphore_mem>>) src(%dma_wait3A_400 : memref<64x128xf32, #tpu.memory_space<vmem>>) dst(%dma_wait3A_404 : memref<10240x128xf32, #tpu.memory_space<vmem_shared>>)
        %add3A_405 = arith.constant 4 : i32
        %add3A_406 = arith.addi %add3A_282, %add3A_405 : i32
        %add3A_407 = arith.constant 0 : i32
        %add3A_408 = arith.addi %add3A_406, %add3A_407 : i32
        %mul3A_409 = arith.constant 64 : i32
        %mul3A_410 = arith.muli %add3A_408, %mul3A_409 : i32
        %dma_start3A_411 = arith.constant 0 : i32
        %dma_start3A_412 = arith.constant 0 : i32
        %dma_start3A_413 = tpu.memref_slice %arg9[%dma_start3A_411, %dma_start3A_412] : memref<128x128xf32, #tpu.memory_space<vmem>> -> memref<64x128xf32, #tpu.memory_space<vmem>>
        %dma_start3A_414 = tpu.memref_slice %arg7[%mul3A_410] : memref<2560xi32, #tpu.memory_space<vmem>> -> memref<64xi32, #tpu.memory_space<vmem>>
        %dma_start3A_415 = arith.constant 0 : i32
        %dma_start3A_416 = arith.constant 0 : i32
        %dma_start3A_417 = tpu.memref_slice %arg2[%dma_start3A_415, %dma_start3A_416] : memref<10000x128xf32, #tpu.memory_space<hbm>> -> memref<10000x128xf32, #tpu.memory_space<hbm>>
        tpu.enqueue_indirect_dma source(%dma_start3A_417 : memref<10000x128xf32, #tpu.memory_space<hbm>>) target(%dma_start3A_413 : memref<64x128xf32, #tpu.memory_space<vmem>>) offsets(%dma_start3A_414 : memref<64xi32, #tpu.memory_space<vmem>>) semaphore(%arg13 : memref<!tpu.dma_semaphore, #tpu.memory_space<semaphore_mem>>)
      } else {
      }
      %add3A_367 = arith.constant 4 : i32
      %add3A_368 = arith.addi %add3A_282, %add3A_367 : i32
      %add3A_369 = arith.constant 1 : i32
      %add3A_370 = arith.addi %add3A_368, %add3A_369 : i32
      %lt3A_371 = arith.constant 40 : i32
      %lt3A_372 = arith.cmpi slt, %add3A_370, %lt3A_371 : i32
      %convert_element_type3A_373 = arith.extui %lt3A_372 : i1 to i32
      %cond3A_374 = arith.constant 0 : i32
      %cond3A_375 = arith.cmpi ne, %convert_element_type3A_373, %cond3A_374 : i32
      scf.if %cond3A_375 {
        %add3A_394 = arith.constant 1 : i32
        %add3A_395 = arith.addi %add3A_282, %add3A_394 : i32
        %mul3A_396 = arith.constant 64 : i32
        %mul3A_397 = arith.muli %add3A_395, %mul3A_396 : i32
        %dma_wait3A_398 = arith.constant 64 : i32
        %dma_wait3A_399 = arith.constant 0 : i32
        %dma_wait3A_400 = tpu.memref_slice %arg9[%dma_wait3A_398, %dma_wait3A_399] : memref<128x128xf32, #tpu.memory_space<vmem>> -> memref<64x128xf32, #tpu.memory_space<vmem>>
        %dma_wait3A_401 = tpu.memref_slice %arg8[%mul3A_397] : memref<2560xi32, #tpu.memory_space<vmem>> -> memref<64xi32, #tpu.memory_space<vmem>>
        %dma_wait3A_402 = arith.constant 0 : i32
        %dma_wait3A_403 = arith.constant 0 : i32
        %dma_wait3A_404 = tpu.memref_slice %arg12[%dma_wait3A_402, %dma_wait3A_403] : memref<10240x128xf32, #tpu.memory_space<vmem_shared>> -> memref<10240x128xf32, #tpu.memory_space<vmem_shared>>
        tpu.wait_indirect_dma semaphore(%arg18 : memref<!tpu.dma_semaphore, #tpu.memory_space<semaphore_mem>>) src(%dma_wait3A_400 : memref<64x128xf32, #tpu.memory_space<vmem>>) dst(%dma_wait3A_404 : memref<10240x128xf32, #tpu.memory_space<vmem_shared>>)
        %add3A_405 = arith.constant 4 : i32
        %add3A_406 = arith.addi %add3A_282, %add3A_405 : i32
        %add3A_407 = arith.constant 1 : i32
        %add3A_408 = arith.addi %add3A_406, %add3A_407 : i32
        %mul3A_409 = arith.constant 64 : i32
        %mul3A_410 = arith.muli %add3A_408, %mul3A_409 : i32
        %dma_start3A_411 = arith.constant 64 : i32
        %dma_start3A_412 = arith.constant 0 : i32
        %dma_start3A_413 = tpu.memref_slice %arg9[%dma_start3A_411, %dma_start3A_412] : memref<128x128xf32, #tpu.memory_space<vmem>> -> memref<64x128xf32, #tpu.memory_space<vmem>>
        %dma_start3A_414 = tpu.memref_slice %arg7[%mul3A_410] : memref<2560xi32, #tpu.memory_space<vmem>> -> memref<64xi32, #tpu.memory_space<vmem>>
        %dma_start3A_415 = arith.constant 0 : i32
        %dma_start3A_416 = arith.constant 0 : i32
        %dma_start3A_417 = tpu.memref_slice %arg2[%dma_start3A_415, %dma_start3A_416] : memref<10000x128xf32, #tpu.memory_space<hbm>> -> memref<10000x128xf32, #tpu.memory_space<hbm>>
        tpu.enqueue_indirect_dma source(%dma_start3A_417 : memref<10000x128xf32, #tpu.memory_space<hbm>>) target(%dma_start3A_413 : memref<64x128xf32, #tpu.memory_space<vmem>>) offsets(%dma_start3A_414 : memref<64xi32, #tpu.memory_space<vmem>>) semaphore(%arg14 : memref<!tpu.dma_semaphore, #tpu.memory_space<semaphore_mem>>)
      } else {
      }
      %add3A_376 = arith.constant 4 : i32
      %add3A_377 = arith.addi %add3A_282, %add3A_376 : i32
      %add3A_378 = arith.constant 2 : i32
      %add3A_379 = arith.addi %add3A_377, %add3A_378 : i32
      %lt3A_380 = arith.constant 40 : i32
      %lt3A_381 = arith.cmpi slt, %add3A_379, %lt3A_380 : i32
      %convert_element_type3A_382 = arith.extui %lt3A_381 : i1 to i32
      %cond3A_383 = arith.constant 0 : i32
      %cond3A_384 = arith.cmpi ne, %convert_element_type3A_382, %cond3A_383 : i32
      scf.if %cond3A_384 {
        %add3A_394 = arith.constant 2 : i32
        %add3A_395 = arith.addi %add3A_282, %add3A_394 : i32
        %mul3A_396 = arith.constant 64 : i32
        %mul3A_397 = arith.muli %add3A_395, %mul3A_396 : i32
        %dma_wait3A_398 = tpu.memref_slice %arg8[%mul3A_397] : memref<2560xi32, #tpu.memory_space<vmem>> -> memref<64xi32, #tpu.memory_space<vmem>>
        %dma_wait3A_399 = arith.constant 0 : i32
        %dma_wait3A_400 = arith.constant 0 : i32
        %dma_wait3A_401 = tpu.memref_slice %arg12[%dma_wait3A_399, %dma_wait3A_400] : memref<10240x128xf32, #tpu.memory_space<vmem_shared>> -> memref<10240x128xf32, #tpu.memory_space<vmem_shared>>
        tpu.wait_indirect_dma semaphore(%arg19 : memref<!tpu.dma_semaphore, #tpu.memory_space<semaphore_mem>>) src(%arg10 : memref<64x128xf32, #tpu.memory_space<vmem>>) dst(%dma_wait3A_401 : memref<10240x128xf32, #tpu.memory_space<vmem_shared>>)
        %add3A_402 = arith.constant 4 : i32
        %add3A_403 = arith.addi %add3A_282, %add3A_402 : i32
        %add3A_404 = arith.constant 2 : i32
        %add3A_405 = arith.addi %add3A_403, %add3A_404 : i32
        %mul3A_406 = arith.constant 64 : i32
        %mul3A_407 = arith.muli %add3A_405, %mul3A_406 : i32
        %dma_start3A_408 = tpu.memref_slice %arg7[%mul3A_407] : memref<2560xi32, #tpu.memory_space<vmem>> -> memref<64xi32, #tpu.memory_space<vmem>>
        %dma_start3A_409 = arith.constant 0 : i32
        %dma_start3A_410 = arith.constant 0 : i32
        %dma_start3A_411 = tpu.memref_slice %arg2[%dma_start3A_409, %dma_start3A_410] : memref<10000x128xf32, #tpu.memory_space<hbm>> -> memref<10000x128xf32, #tpu.memory_space<hbm>>
        tpu.enqueue_indirect_dma source(%dma_start3A_411 : memref<10000x128xf32, #tpu.memory_space<hbm>>) target(%arg10 : memref<64x128xf32, #tpu.memory_space<vmem>>) offsets(%dma_start3A_408 : memref<64xi32, #tpu.memory_space<vmem>>) semaphore(%arg15 : memref<!tpu.dma_semaphore, #tpu.memory_space<semaphore_mem>>)
      } else {
      }
      %add3A_385 = arith.constant 4 : i32
      %add3A_386 = arith.addi %add3A_282, %add3A_385 : i32
      %add3A_387 = arith.constant 3 : i32
      %add3A_388 = arith.addi %add3A_386, %add3A_387 : i32
      %lt3A_389 = arith.constant 40 : i32
      %lt3A_390 = arith.cmpi slt, %add3A_388, %lt3A_389 : i32
      %convert_element_type3A_391 = arith.extui %lt3A_390 : i1 to i32
      %cond3A_392 = arith.constant 0 : i32
      %cond3A_393 = arith.cmpi ne, %convert_element_type3A_391, %cond3A_392 : i32
      scf.if %cond3A_393 {
        %add3A_394 = arith.constant 3 : i32
        %add3A_395 = arith.addi %add3A_282, %add3A_394 : i32
        %mul3A_396 = arith.constant 64 : i32
        %mul3A_397 = arith.muli %add3A_395, %mul3A_396 : i32
        %dma_wait3A_398 = tpu.memref_slice %arg8[%mul3A_397] : memref<2560xi32, #tpu.memory_space<vmem>> -> memref<64xi32, #tpu.memory_space<vmem>>
        %dma_wait3A_399 = arith.constant 0 : i32
        %dma_wait3A_400 = arith.constant 0 : i32
        %dma_wait3A_401 = tpu.memref_slice %arg12[%dma_wait3A_399, %dma_wait3A_400] : memref<10240x128xf32, #tpu.memory_space<vmem_shared>> -> memref<10240x128xf32, #tpu.memory_space<vmem_shared>>
        tpu.wait_indirect_dma semaphore(%arg20 : memref<!tpu.dma_semaphore, #tpu.memory_space<semaphore_mem>>) src(%arg11 : memref<64x128xf32, #tpu.memory_space<vmem>>) dst(%dma_wait3A_401 : memref<10240x128xf32, #tpu.memory_space<vmem_shared>>)
        %add3A_402 = arith.constant 4 : i32
        %add3A_403 = arith.addi %add3A_282, %add3A_402 : i32
        %add3A_404 = arith.constant 3 : i32
        %add3A_405 = arith.addi %add3A_403, %add3A_404 : i32
        %mul3A_406 = arith.constant 64 : i32
        %mul3A_407 = arith.muli %add3A_405, %mul3A_406 : i32
        %dma_start3A_408 = tpu.memref_slice %arg7[%mul3A_407] : memref<2560xi32, #tpu.memory_space<vmem>> -> memref<64xi32, #tpu.memory_space<vmem>>
        %dma_start3A_409 = arith.constant 0 : i32
        %dma_start3A_410 = arith.constant 0 : i32
        %dma_start3A_411 = tpu.memref_slice %arg2[%dma_start3A_409, %dma_start3A_410] : memref<10000x128xf32, #tpu.memory_space<hbm>> -> memref<10000x128xf32, #tpu.memory_space<hbm>>
        tpu.enqueue_indirect_dma source(%dma_start3A_411 : memref<10000x128xf32, #tpu.memory_space<hbm>>) target(%arg11 : memref<64x128xf32, #tpu.memory_space<vmem>>) offsets(%dma_start3A_408 : memref<64xi32, #tpu.memory_space<vmem>>) semaphore(%arg16 : memref<!tpu.dma_semaphore, #tpu.memory_space<semaphore_mem>>)
      } else {
      }
    }
    %scan3A_176 = arith.constant 10 : i32
    %dma_wait3A_177 = arith.constant 0 : i32
    %dma_wait3A_178 = arith.constant 0 : i32
    %dma_wait3A_179 = tpu.memref_slice %arg9[%dma_wait3A_177, %dma_wait3A_178] : memref<128x128xf32, #tpu.memory_space<vmem>> -> memref<64x128xf32, #tpu.memory_space<vmem>>
    %dma_wait3A_180 = arith.constant 2304 : i32
    %dma_wait3A_181 = tpu.memref_slice %arg8[%dma_wait3A_180] : memref<2560xi32, #tpu.memory_space<vmem>> -> memref<64xi32, #tpu.memory_space<vmem>>
    %dma_wait3A_182 = arith.constant 0 : i32
    %dma_wait3A_183 = arith.constant 0 : i32
    %dma_wait3A_184 = tpu.memref_slice %arg12[%dma_wait3A_182, %dma_wait3A_183] : memref<10240x128xf32, #tpu.memory_space<vmem_shared>> -> memref<10240x128xf32, #tpu.memory_space<vmem_shared>>
    tpu.wait_indirect_dma semaphore(%arg17 : memref<!tpu.dma_semaphore, #tpu.memory_space<semaphore_mem>>) src(%dma_wait3A_179 : memref<64x128xf32, #tpu.memory_space<vmem>>) dst(%dma_wait3A_184 : memref<10240x128xf32, #tpu.memory_space<vmem_shared>>)
    %dma_wait3A_185 = arith.constant 64 : i32
    %dma_wait3A_186 = arith.constant 0 : i32
    %dma_wait3A_187 = tpu.memref_slice %arg9[%dma_wait3A_185, %dma_wait3A_186] : memref<128x128xf32, #tpu.memory_space<vmem>> -> memref<64x128xf32, #tpu.memory_space<vmem>>
    %dma_wait3A_188 = arith.constant 2368 : i32
    %dma_wait3A_189 = tpu.memref_slice %arg8[%dma_wait3A_188] : memref<2560xi32, #tpu.memory_space<vmem>> -> memref<64xi32, #tpu.memory_space<vmem>>
    %dma_wait3A_190 = arith.constant 0 : i32
    %dma_wait3A_191 = arith.constant 0 : i32
    %dma_wait3A_192 = tpu.memref_slice %arg12[%dma_wait3A_190, %dma_wait3A_191] : memref<10240x128xf32, #tpu.memory_space<vmem_shared>> -> memref<10240x128xf32, #tpu.memory_space<vmem_shared>>
    tpu.wait_indirect_dma semaphore(%arg18 : memref<!tpu.dma_semaphore, #tpu.memory_space<semaphore_mem>>) src(%dma_wait3A_187 : memref<64x128xf32, #tpu.memory_space<vmem>>) dst(%dma_wait3A_192 : memref<10240x128xf32, #tpu.memory_space<vmem_shared>>)
    %dma_wait3A_193 = arith.constant 2432 : i32
    %dma_wait3A_194 = tpu.memref_slice %arg8[%dma_wait3A_193] : memref<2560xi32, #tpu.memory_space<vmem>> -> memref<64xi32, #tpu.memory_space<vmem>>
    %dma_wait3A_195 = arith.constant 0 : i32
    %dma_wait3A_196 = arith.constant 0 : i32
    %dma_wait3A_197 = tpu.memref_slice %arg12[%dma_wait3A_195, %dma_wait3A_196] : memref<10240x128xf32, #tpu.memory_space<vmem_shared>> -> memref<10240x128xf32, #tpu.memory_space<vmem_shared>>
    tpu.wait_indirect_dma semaphore(%arg19 : memref<!tpu.dma_semaphore, #tpu.memory_space<semaphore_mem>>) src(%arg10 : memref<64x128xf32, #tpu.memory_space<vmem>>) dst(%dma_wait3A_197 : memref<10240x128xf32, #tpu.memory_space<vmem_shared>>)
    %dma_wait3A_198 = arith.constant 2496 : i32
    %dma_wait3A_199 = tpu.memref_slice %arg8[%dma_wait3A_198] : memref<2560xi32, #tpu.memory_space<vmem>> -> memref<64xi32, #tpu.memory_space<vmem>>
    %dma_wait3A_200 = arith.constant 0 : i32
    %dma_wait3A_201 = arith.constant 0 : i32
    %dma_wait3A_202 = tpu.memref_slice %arg12[%dma_wait3A_200, %dma_wait3A_201] : memref<10240x128xf32, #tpu.memory_space<vmem_shared>> -> memref<10240x128xf32, #tpu.memory_space<vmem_shared>>
    tpu.wait_indirect_dma semaphore(%arg20 : memref<!tpu.dma_semaphore, #tpu.memory_space<semaphore_mem>>) src(%arg11 : memref<64x128xf32, #tpu.memory_space<vmem>>) dst(%dma_wait3A_202 : memref<10240x128xf32, #tpu.memory_space<vmem_shared>>)
    %mul3A_203 = arith.constant 160 : i32
    %mul3A_204 = arith.muli %add3A, %mul3A_203 : i32
    %add3A_205 = arith.constant 120 : i32
    %add3A_206 = arith.addi %mul3A_204, %add3A_205 : i32
    %mul3A_207 = arith.constant 64 : i32
    %mul3A_208 = arith.muli %add3A_206, %mul3A_207 : i32
    "tpu.region"() ({
      %run_scoped3A = tpu.sem_alloc : memref<!tpu.dma_semaphore, #tpu.memory_space<semaphore_mem>>
      %dma_start3A_278 = tpu.memref_slice %arg3[%mul3A_208] : memref<327680xi32, #tpu.memory_space<hbm>> -> memref<2560xi32, #tpu.memory_space<hbm>>
      %dma_start3A_279 = tpu.memref_slice %arg3[%mul3A_208] : memref<327680xi32, #tpu.memory_space<hbm>> -> memref<2560xi32, #tpu.memory_space<hbm>>
      tpu.enqueue_dma source(%dma_start3A_279 : memref<2560xi32, #tpu.memory_space<hbm>>) target(%arg7 : memref<2560xi32, #tpu.memory_space<vmem>>) target_semaphore(%run_scoped3A : memref<!tpu.dma_semaphore, #tpu.memory_space<semaphore_mem>>)
      %dma_wait3A_280 = tpu.memref_slice %arg3[%mul3A_208] : memref<327680xi32, #tpu.memory_space<hbm>> -> memref<2560xi32, #tpu.memory_space<hbm>>
      %dma_wait3A_281 = tpu.memref_slice %arg3[%mul3A_208] : memref<327680xi32, #tpu.memory_space<hbm>> -> memref<2560xi32, #tpu.memory_space<hbm>>
      tpu.wait_dma2 semaphore(%run_scoped3A : memref<!tpu.dma_semaphore, #tpu.memory_space<semaphore_mem>>) src(%dma_wait3A_281 : memref<2560xi32, #tpu.memory_space<hbm>>) dst(%arg7 : memref<2560xi32, #tpu.memory_space<vmem>>)
      tpu.yield
    }) : () -> ()
    %mul3A_209 = arith.constant 64 : i32
    %mul3A_210 = arith.muli %add3A_206, %mul3A_209 : i32
    "tpu.region"() ({
      %run_scoped3A = tpu.sem_alloc : memref<!tpu.dma_semaphore, #tpu.memory_space<semaphore_mem>>
      %dma_start3A_278 = tpu.memref_slice %arg4[%mul3A_210] : memref<327680xi32, #tpu.memory_space<hbm>> -> memref<2560xi32, #tpu.memory_space<hbm>>
      %dma_start3A_279 = tpu.memref_slice %arg4[%mul3A_210] : memref<327680xi32, #tpu.memory_space<hbm>> -> memref<2560xi32, #tpu.memory_space<hbm>>
      tpu.enqueue_dma source(%dma_start3A_279 : memref<2560xi32, #tpu.memory_space<hbm>>) target(%arg8 : memref<2560xi32, #tpu.memory_space<vmem>>) target_semaphore(%run_scoped3A : memref<!tpu.dma_semaphore, #tpu.memory_space<semaphore_mem>>)
      %dma_wait3A_280 = tpu.memref_slice %arg4[%mul3A_210] : memref<327680xi32, #tpu.memory_space<hbm>> -> memref<2560xi32, #tpu.memory_space<hbm>>
      %dma_wait3A_281 = tpu.memref_slice %arg4[%mul3A_210] : memref<327680xi32, #tpu.memory_space<hbm>> -> memref<2560xi32, #tpu.memory_space<hbm>>
      tpu.wait_dma2 semaphore(%run_scoped3A : memref<!tpu.dma_semaphore, #tpu.memory_space<semaphore_mem>>) src(%dma_wait3A_281 : memref<2560xi32, #tpu.memory_space<hbm>>) dst(%arg8 : memref<2560xi32, #tpu.memory_space<vmem>>)
      tpu.yield
    }) : () -> ()
    %dma_start3A_211 = arith.constant 0 : i32
    %dma_start3A_212 = arith.constant 0 : i32
    %dma_start3A_213 = tpu.memref_slice %arg9[%dma_start3A_211, %dma_start3A_212] : memref<128x128xf32, #tpu.memory_space<vmem>> -> memref<64x128xf32, #tpu.memory_space<vmem>>
    %dma_start3A_214 = arith.constant 0 : i32
    %dma_start3A_215 = tpu.memref_slice %arg7[%dma_start3A_214] : memref<2560xi32, #tpu.memory_space<vmem>> -> memref<64xi32, #tpu.memory_space<vmem>>
    %dma_start3A_216 = arith.constant 0 : i32
    %dma_start3A_217 = arith.constant 0 : i32
    %dma_start3A_218 = tpu.memref_slice %arg2[%dma_start3A_216, %dma_start3A_217] : memref<10000x128xf32, #tpu.memory_space<hbm>> -> memref<10000x128xf32, #tpu.memory_space<hbm>>
    tpu.enqueue_indirect_dma source(%dma_start3A_218 : memref<10000x128xf32, #tpu.memory_space<hbm>>) target(%dma_start3A_213 : memref<64x128xf32, #tpu.memory_space<vmem>>) offsets(%dma_start3A_215 : memref<64xi32, #tpu.memory_space<vmem>>) semaphore(%arg13 : memref<!tpu.dma_semaphore, #tpu.memory_space<semaphore_mem>>)
    %dma_start3A_219 = arith.constant 64 : i32
    %dma_start3A_220 = arith.constant 0 : i32
    %dma_start3A_221 = tpu.memref_slice %arg9[%dma_start3A_219, %dma_start3A_220] : memref<128x128xf32, #tpu.memory_space<vmem>> -> memref<64x128xf32, #tpu.memory_space<vmem>>
    %dma_start3A_222 = arith.constant 64 : i32
    %dma_start3A_223 = tpu.memref_slice %arg7[%dma_start3A_222] : memref<2560xi32, #tpu.memory_space<vmem>> -> memref<64xi32, #tpu.memory_space<vmem>>
    %dma_start3A_224 = arith.constant 0 : i32
    %dma_start3A_225 = arith.constant 0 : i32
    %dma_start3A_226 = tpu.memref_slice %arg2[%dma_start3A_224, %dma_start3A_225] : memref<10000x128xf32, #tpu.memory_space<hbm>> -> memref<10000x128xf32, #tpu.memory_space<hbm>>
    tpu.enqueue_indirect_dma source(%dma_start3A_226 : memref<10000x128xf32, #tpu.memory_space<hbm>>) target(%dma_start3A_221 : memref<64x128xf32, #tpu.memory_space<vmem>>) offsets(%dma_start3A_223 : memref<64xi32, #tpu.memory_space<vmem>>) semaphore(%arg14 : memref<!tpu.dma_semaphore, #tpu.memory_space<semaphore_mem>>)
    %dma_start3A_227 = arith.constant 128 : i32
    %dma_start3A_228 = tpu.memref_slice %arg7[%dma_start3A_227] : memref<2560xi32, #tpu.memory_space<vmem>> -> memref<64xi32, #tpu.memory_space<vmem>>
    %dma_start3A_229 = arith.constant 0 : i32
    %dma_start3A_230 = arith.constant 0 : i32
    %dma_start3A_231 = tpu.memref_slice %arg2[%dma_start3A_229, %dma_start3A_230] : memref<10000x128xf32, #tpu.memory_space<hbm>> -> memref<10000x128xf32, #tpu.memory_space<hbm>>
    tpu.enqueue_indirect_dma source(%dma_start3A_231 : memref<10000x128xf32, #tpu.memory_space<hbm>>) target(%arg10 : memref<64x128xf32, #tpu.memory_space<vmem>>) offsets(%dma_start3A_228 : memref<64xi32, #tpu.memory_space<vmem>>) semaphore(%arg15 : memref<!tpu.dma_semaphore, #tpu.memory_space<semaphore_mem>>)
    %dma_start3A_232 = arith.constant 192 : i32
    %dma_start3A_233 = tpu.memref_slice %arg7[%dma_start3A_232] : memref<2560xi32, #tpu.memory_space<vmem>> -> memref<64xi32, #tpu.memory_space<vmem>>
    %dma_start3A_234 = arith.constant 0 : i32
    %dma_start3A_235 = arith.constant 0 : i32
    %dma_start3A_236 = tpu.memref_slice %arg2[%dma_start3A_234, %dma_start3A_235] : memref<10000x128xf32, #tpu.memory_space<hbm>> -> memref<10000x128xf32, #tpu.memory_space<hbm>>
    tpu.enqueue_indirect_dma source(%dma_start3A_236 : memref<10000x128xf32, #tpu.memory_space<hbm>>) target(%arg11 : memref<64x128xf32, #tpu.memory_space<vmem>>) offsets(%dma_start3A_233 : memref<64xi32, #tpu.memory_space<vmem>>) semaphore(%arg16 : memref<!tpu.dma_semaphore, #tpu.memory_space<semaphore_mem>>)
    %scan3A_237 = arith.constant 0 : i32
    %scan3A_238 = arith.constant 10 : i32
    %scan3A_239 = arith.addi %scan3A_237, %scan3A_238 : i32
    %scan3A_240 = arith.constant 1 : i32
    scf.for %scan3A_278 = %scan3A_237 to %scan3A_239 step %scan3A_240  : i32 {
      %mul3A_279 = arith.constant 4 : i32
      %mul3A_280 = arith.muli %scan3A_278, %mul3A_279 : i32
      %add3A_281 = arith.constant 0 : i32
      %add3A_282 = arith.addi %add3A_281, %mul3A_280 : i32
      %add3A_283 = arith.constant 0 : i32
      %add3A_284 = arith.addi %add3A_282, %add3A_283 : i32
      %mul3A_285 = arith.constant 64 : i32
      %mul3A_286 = arith.muli %add3A_284, %mul3A_285 : i32
      %dma_wait3A_287 = arith.constant 0 : i32
      %dma_wait3A_288 = arith.constant 0 : i32
      %dma_wait3A_289 = tpu.memref_slice %arg9[%dma_wait3A_287, %dma_wait3A_288] : memref<128x128xf32, #tpu.memory_space<vmem>> -> memref<64x128xf32, #tpu.memory_space<vmem>>
      %dma_wait3A_290 = tpu.memref_slice %arg7[%mul3A_286] : memref<2560xi32, #tpu.memory_space<vmem>> -> memref<64xi32, #tpu.memory_space<vmem>>
      %dma_wait3A_291 = arith.constant 0 : i32
      %dma_wait3A_292 = arith.constant 0 : i32
      %dma_wait3A_293 = tpu.memref_slice %arg2[%dma_wait3A_291, %dma_wait3A_292] : memref<10000x128xf32, #tpu.memory_space<hbm>> -> memref<10000x128xf32, #tpu.memory_space<hbm>>
      tpu.wait_indirect_dma semaphore(%arg13 : memref<!tpu.dma_semaphore, #tpu.memory_space<semaphore_mem>>) src(%dma_wait3A_293 : memref<10000x128xf32, #tpu.memory_space<hbm>>) dst(%dma_wait3A_289 : memref<64x128xf32, #tpu.memory_space<vmem>>)
      %add3A_294 = arith.constant 0 : i32
      %add3A_295 = arith.addi %add3A_282, %add3A_294 : i32
      %mul3A_296 = arith.constant 64 : i32
      %mul3A_297 = arith.muli %add3A_295, %mul3A_296 : i32
      %dma_start3A_298 = arith.constant 0 : i32
      %dma_start3A_299 = arith.constant 0 : i32
      %dma_start3A_300 = tpu.memref_slice %arg9[%dma_start3A_298, %dma_start3A_299] : memref<128x128xf32, #tpu.memory_space<vmem>> -> memref<64x128xf32, #tpu.memory_space<vmem>>
      %dma_start3A_301 = tpu.memref_slice %arg8[%mul3A_297] : memref<2560xi32, #tpu.memory_space<vmem>> -> memref<64xi32, #tpu.memory_space<vmem>>
      %dma_start3A_302 = arith.constant 0 : i32
      %dma_start3A_303 = arith.constant 0 : i32
      %dma_start3A_304 = tpu.memref_slice %arg12[%dma_start3A_302, %dma_start3A_303] : memref<10240x128xf32, #tpu.memory_space<vmem_shared>> -> memref<10240x128xf32, #tpu.memory_space<vmem_shared>>
      tpu.enqueue_indirect_dma source(%dma_start3A_300 : memref<64x128xf32, #tpu.memory_space<vmem>>) target(%dma_start3A_304 : memref<10240x128xf32, #tpu.memory_space<vmem_shared>>) offsets(%dma_start3A_301 : memref<64xi32, #tpu.memory_space<vmem>>) semaphore(%arg17 : memref<!tpu.dma_semaphore, #tpu.memory_space<semaphore_mem>>) {add = true}
      %add3A_305 = arith.constant 1 : i32
      %add3A_306 = arith.addi %add3A_282, %add3A_305 : i32
      %mul3A_307 = arith.constant 64 : i32
      %mul3A_308 = arith.muli %add3A_306, %mul3A_307 : i32
      %dma_wait3A_309 = arith.constant 64 : i32
      %dma_wait3A_310 = arith.constant 0 : i32
      %dma_wait3A_311 = tpu.memref_slice %arg9[%dma_wait3A_309, %dma_wait3A_310] : memref<128x128xf32, #tpu.memory_space<vmem>> -> memref<64x128xf32, #tpu.memory_space<vmem>>
      %dma_wait3A_312 = tpu.memref_slice %arg7[%mul3A_308] : memref<2560xi32, #tpu.memory_space<vmem>> -> memref<64xi32, #tpu.memory_space<vmem>>
      %dma_wait3A_313 = arith.constant 0 : i32
      %dma_wait3A_314 = arith.constant 0 : i32
      %dma_wait3A_315 = tpu.memref_slice %arg2[%dma_wait3A_313, %dma_wait3A_314] : memref<10000x128xf32, #tpu.memory_space<hbm>> -> memref<10000x128xf32, #tpu.memory_space<hbm>>
      tpu.wait_indirect_dma semaphore(%arg14 : memref<!tpu.dma_semaphore, #tpu.memory_space<semaphore_mem>>) src(%dma_wait3A_315 : memref<10000x128xf32, #tpu.memory_space<hbm>>) dst(%dma_wait3A_311 : memref<64x128xf32, #tpu.memory_space<vmem>>)
      %add3A_316 = arith.constant 1 : i32
      %add3A_317 = arith.addi %add3A_282, %add3A_316 : i32
      %mul3A_318 = arith.constant 64 : i32
      %mul3A_319 = arith.muli %add3A_317, %mul3A_318 : i32
      %dma_start3A_320 = arith.constant 64 : i32
      %dma_start3A_321 = arith.constant 0 : i32
      %dma_start3A_322 = tpu.memref_slice %arg9[%dma_start3A_320, %dma_start3A_321] : memref<128x128xf32, #tpu.memory_space<vmem>> -> memref<64x128xf32, #tpu.memory_space<vmem>>
      %dma_start3A_323 = tpu.memref_slice %arg8[%mul3A_319] : memref<2560xi32, #tpu.memory_space<vmem>> -> memref<64xi32, #tpu.memory_space<vmem>>
      %dma_start3A_324 = arith.constant 0 : i32
      %dma_start3A_325 = arith.constant 0 : i32
      %dma_start3A_326 = tpu.memref_slice %arg12[%dma_start3A_324, %dma_start3A_325] : memref<10240x128xf32, #tpu.memory_space<vmem_shared>> -> memref<10240x128xf32, #tpu.memory_space<vmem_shared>>
      tpu.enqueue_indirect_dma source(%dma_start3A_322 : memref<64x128xf32, #tpu.memory_space<vmem>>) target(%dma_start3A_326 : memref<10240x128xf32, #tpu.memory_space<vmem_shared>>) offsets(%dma_start3A_323 : memref<64xi32, #tpu.memory_space<vmem>>) semaphore(%arg18 : memref<!tpu.dma_semaphore, #tpu.memory_space<semaphore_mem>>) {add = true}
      %add3A_327 = arith.constant 2 : i32
      %add3A_328 = arith.addi %add3A_282, %add3A_327 : i32
      %mul3A_329 = arith.constant 64 : i32
      %mul3A_330 = arith.muli %add3A_328, %mul3A_329 : i32
      %dma_wait3A_331 = tpu.memref_slice %arg7[%mul3A_330] : memref<2560xi32, #tpu.memory_space<vmem>> -> memref<64xi32, #tpu.memory_space<vmem>>
      %dma_wait3A_332 = arith.constant 0 : i32
      %dma_wait3A_333 = arith.constant 0 : i32
      %dma_wait3A_334 = tpu.memref_slice %arg2[%dma_wait3A_332, %dma_wait3A_333] : memref<10000x128xf32, #tpu.memory_space<hbm>> -> memref<10000x128xf32, #tpu.memory_space<hbm>>
      tpu.wait_indirect_dma semaphore(%arg15 : memref<!tpu.dma_semaphore, #tpu.memory_space<semaphore_mem>>) src(%dma_wait3A_334 : memref<10000x128xf32, #tpu.memory_space<hbm>>) dst(%arg10 : memref<64x128xf32, #tpu.memory_space<vmem>>)
      %add3A_335 = arith.constant 2 : i32
      %add3A_336 = arith.addi %add3A_282, %add3A_335 : i32
      %mul3A_337 = arith.constant 64 : i32
      %mul3A_338 = arith.muli %add3A_336, %mul3A_337 : i32
      %dma_start3A_339 = tpu.memref_slice %arg8[%mul3A_338] : memref<2560xi32, #tpu.memory_space<vmem>> -> memref<64xi32, #tpu.memory_space<vmem>>
      %dma_start3A_340 = arith.constant 0 : i32
      %dma_start3A_341 = arith.constant 0 : i32
      %dma_start3A_342 = tpu.memref_slice %arg12[%dma_start3A_340, %dma_start3A_341] : memref<10240x128xf32, #tpu.memory_space<vmem_shared>> -> memref<10240x128xf32, #tpu.memory_space<vmem_shared>>
      tpu.enqueue_indirect_dma source(%arg10 : memref<64x128xf32, #tpu.memory_space<vmem>>) target(%dma_start3A_342 : memref<10240x128xf32, #tpu.memory_space<vmem_shared>>) offsets(%dma_start3A_339 : memref<64xi32, #tpu.memory_space<vmem>>) semaphore(%arg19 : memref<!tpu.dma_semaphore, #tpu.memory_space<semaphore_mem>>) {add = true}
      %add3A_343 = arith.constant 3 : i32
      %add3A_344 = arith.addi %add3A_282, %add3A_343 : i32
      %mul3A_345 = arith.constant 64 : i32
      %mul3A_346 = arith.muli %add3A_344, %mul3A_345 : i32
      %dma_wait3A_347 = tpu.memref_slice %arg7[%mul3A_346] : memref<2560xi32, #tpu.memory_space<vmem>> -> memref<64xi32, #tpu.memory_space<vmem>>
      %dma_wait3A_348 = arith.constant 0 : i32
      %dma_wait3A_349 = arith.constant 0 : i32
      %dma_wait3A_350 = tpu.memref_slice %arg2[%dma_wait3A_348, %dma_wait3A_349] : memref<10000x128xf32, #tpu.memory_space<hbm>> -> memref<10000x128xf32, #tpu.memory_space<hbm>>
      tpu.wait_indirect_dma semaphore(%arg16 : memref<!tpu.dma_semaphore, #tpu.memory_space<semaphore_mem>>) src(%dma_wait3A_350 : memref<10000x128xf32, #tpu.memory_space<hbm>>) dst(%arg11 : memref<64x128xf32, #tpu.memory_space<vmem>>)
      %add3A_351 = arith.constant 3 : i32
      %add3A_352 = arith.addi %add3A_282, %add3A_351 : i32
      %mul3A_353 = arith.constant 64 : i32
      %mul3A_354 = arith.muli %add3A_352, %mul3A_353 : i32
      %dma_start3A_355 = tpu.memref_slice %arg8[%mul3A_354] : memref<2560xi32, #tpu.memory_space<vmem>> -> memref<64xi32, #tpu.memory_space<vmem>>
      %dma_start3A_356 = arith.constant 0 : i32
      %dma_start3A_357 = arith.constant 0 : i32
      %dma_start3A_358 = tpu.memref_slice %arg12[%dma_start3A_356, %dma_start3A_357] : memref<10240x128xf32, #tpu.memory_space<vmem_shared>> -> memref<10240x128xf32, #tpu.memory_space<vmem_shared>>
      tpu.enqueue_indirect_dma source(%arg11 : memref<64x128xf32, #tpu.memory_space<vmem>>) target(%dma_start3A_358 : memref<10240x128xf32, #tpu.memory_space<vmem_shared>>) offsets(%dma_start3A_355 : memref<64xi32, #tpu.memory_space<vmem>>) semaphore(%arg20 : memref<!tpu.dma_semaphore, #tpu.memory_space<semaphore_mem>>) {add = true}
      %add3A_359 = arith.constant 4 : i32
      %add3A_360 = arith.addi %add3A_282, %add3A_359 : i32
      %add3A_361 = arith.constant 0 : i32
      %add3A_362 = arith.addi %add3A_360, %add3A_361 : i32
      %lt3A = arith.constant 40 : i32
      %lt3A_363 = arith.cmpi slt, %add3A_362, %lt3A : i32
      %convert_element_type3A_364 = arith.extui %lt3A_363 : i1 to i32
      %cond3A_365 = arith.constant 0 : i32
      %cond3A_366 = arith.cmpi ne, %convert_element_type3A_364, %cond3A_365 : i32
      scf.if %cond3A_366 {
        %add3A_394 = arith.constant 0 : i32
        %add3A_395 = arith.addi %add3A_282, %add3A_394 : i32
        %mul3A_396 = arith.constant 64 : i32
        %mul3A_397 = arith.muli %add3A_395, %mul3A_396 : i32
        %dma_wait3A_398 = arith.constant 0 : i32
        %dma_wait3A_399 = arith.constant 0 : i32
        %dma_wait3A_400 = tpu.memref_slice %arg9[%dma_wait3A_398, %dma_wait3A_399] : memref<128x128xf32, #tpu.memory_space<vmem>> -> memref<64x128xf32, #tpu.memory_space<vmem>>
        %dma_wait3A_401 = tpu.memref_slice %arg8[%mul3A_397] : memref<2560xi32, #tpu.memory_space<vmem>> -> memref<64xi32, #tpu.memory_space<vmem>>
        %dma_wait3A_402 = arith.constant 0 : i32
        %dma_wait3A_403 = arith.constant 0 : i32
        %dma_wait3A_404 = tpu.memref_slice %arg12[%dma_wait3A_402, %dma_wait3A_403] : memref<10240x128xf32, #tpu.memory_space<vmem_shared>> -> memref<10240x128xf32, #tpu.memory_space<vmem_shared>>
        tpu.wait_indirect_dma semaphore(%arg17 : memref<!tpu.dma_semaphore, #tpu.memory_space<semaphore_mem>>) src(%dma_wait3A_400 : memref<64x128xf32, #tpu.memory_space<vmem>>) dst(%dma_wait3A_404 : memref<10240x128xf32, #tpu.memory_space<vmem_shared>>)
        %add3A_405 = arith.constant 4 : i32
        %add3A_406 = arith.addi %add3A_282, %add3A_405 : i32
        %add3A_407 = arith.constant 0 : i32
        %add3A_408 = arith.addi %add3A_406, %add3A_407 : i32
        %mul3A_409 = arith.constant 64 : i32
        %mul3A_410 = arith.muli %add3A_408, %mul3A_409 : i32
        %dma_start3A_411 = arith.constant 0 : i32
        %dma_start3A_412 = arith.constant 0 : i32
        %dma_start3A_413 = tpu.memref_slice %arg9[%dma_start3A_411, %dma_start3A_412] : memref<128x128xf32, #tpu.memory_space<vmem>> -> memref<64x128xf32, #tpu.memory_space<vmem>>
        %dma_start3A_414 = tpu.memref_slice %arg7[%mul3A_410] : memref<2560xi32, #tpu.memory_space<vmem>> -> memref<64xi32, #tpu.memory_space<vmem>>
        %dma_start3A_415 = arith.constant 0 : i32
        %dma_start3A_416 = arith.constant 0 : i32
        %dma_start3A_417 = tpu.memref_slice %arg2[%dma_start3A_415, %dma_start3A_416] : memref<10000x128xf32, #tpu.memory_space<hbm>> -> memref<10000x128xf32, #tpu.memory_space<hbm>>
        tpu.enqueue_indirect_dma source(%dma_start3A_417 : memref<10000x128xf32, #tpu.memory_space<hbm>>) target(%dma_start3A_413 : memref<64x128xf32, #tpu.memory_space<vmem>>) offsets(%dma_start3A_414 : memref<64xi32, #tpu.memory_space<vmem>>) semaphore(%arg13 : memref<!tpu.dma_semaphore, #tpu.memory_space<semaphore_mem>>)
      } else {
      }
      %add3A_367 = arith.constant 4 : i32
      %add3A_368 = arith.addi %add3A_282, %add3A_367 : i32
      %add3A_369 = arith.constant 1 : i32
      %add3A_370 = arith.addi %add3A_368, %add3A_369 : i32
      %lt3A_371 = arith.constant 40 : i32
      %lt3A_372 = arith.cmpi slt, %add3A_370, %lt3A_371 : i32
      %convert_element_type3A_373 = arith.extui %lt3A_372 : i1 to i32
      %cond3A_374 = arith.constant 0 : i32
      %cond3A_375 = arith.cmpi ne, %convert_element_type3A_373, %cond3A_374 : i32
      scf.if %cond3A_375 {
        %add3A_394 = arith.constant 1 : i32
        %add3A_395 = arith.addi %add3A_282, %add3A_394 : i32
        %mul3A_396 = arith.constant 64 : i32
        %mul3A_397 = arith.muli %add3A_395, %mul3A_396 : i32
        %dma_wait3A_398 = arith.constant 64 : i32
        %dma_wait3A_399 = arith.constant 0 : i32
        %dma_wait3A_400 = tpu.memref_slice %arg9[%dma_wait3A_398, %dma_wait3A_399] : memref<128x128xf32, #tpu.memory_space<vmem>> -> memref<64x128xf32, #tpu.memory_space<vmem>>
        %dma_wait3A_401 = tpu.memref_slice %arg8[%mul3A_397] : memref<2560xi32, #tpu.memory_space<vmem>> -> memref<64xi32, #tpu.memory_space<vmem>>
        %dma_wait3A_402 = arith.constant 0 : i32
        %dma_wait3A_403 = arith.constant 0 : i32
        %dma_wait3A_404 = tpu.memref_slice %arg12[%dma_wait3A_402, %dma_wait3A_403] : memref<10240x128xf32, #tpu.memory_space<vmem_shared>> -> memref<10240x128xf32, #tpu.memory_space<vmem_shared>>
        tpu.wait_indirect_dma semaphore(%arg18 : memref<!tpu.dma_semaphore, #tpu.memory_space<semaphore_mem>>) src(%dma_wait3A_400 : memref<64x128xf32, #tpu.memory_space<vmem>>) dst(%dma_wait3A_404 : memref<10240x128xf32, #tpu.memory_space<vmem_shared>>)
        %add3A_405 = arith.constant 4 : i32
        %add3A_406 = arith.addi %add3A_282, %add3A_405 : i32
        %add3A_407 = arith.constant 1 : i32
        %add3A_408 = arith.addi %add3A_406, %add3A_407 : i32
        %mul3A_409 = arith.constant 64 : i32
        %mul3A_410 = arith.muli %add3A_408, %mul3A_409 : i32
        %dma_start3A_411 = arith.constant 64 : i32
        %dma_start3A_412 = arith.constant 0 : i32
        %dma_start3A_413 = tpu.memref_slice %arg9[%dma_start3A_411, %dma_start3A_412] : memref<128x128xf32, #tpu.memory_space<vmem>> -> memref<64x128xf32, #tpu.memory_space<vmem>>
        %dma_start3A_414 = tpu.memref_slice %arg7[%mul3A_410] : memref<2560xi32, #tpu.memory_space<vmem>> -> memref<64xi32, #tpu.memory_space<vmem>>
        %dma_start3A_415 = arith.constant 0 : i32
        %dma_start3A_416 = arith.constant 0 : i32
        %dma_start3A_417 = tpu.memref_slice %arg2[%dma_start3A_415, %dma_start3A_416] : memref<10000x128xf32, #tpu.memory_space<hbm>> -> memref<10000x128xf32, #tpu.memory_space<hbm>>
        tpu.enqueue_indirect_dma source(%dma_start3A_417 : memref<10000x128xf32, #tpu.memory_space<hbm>>) target(%dma_start3A_413 : memref<64x128xf32, #tpu.memory_space<vmem>>) offsets(%dma_start3A_414 : memref<64xi32, #tpu.memory_space<vmem>>) semaphore(%arg14 : memref<!tpu.dma_semaphore, #tpu.memory_space<semaphore_mem>>)
      } else {
      }
      %add3A_376 = arith.constant 4 : i32
      %add3A_377 = arith.addi %add3A_282, %add3A_376 : i32
      %add3A_378 = arith.constant 2 : i32
      %add3A_379 = arith.addi %add3A_377, %add3A_378 : i32
      %lt3A_380 = arith.constant 40 : i32
      %lt3A_381 = arith.cmpi slt, %add3A_379, %lt3A_380 : i32
      %convert_element_type3A_382 = arith.extui %lt3A_381 : i1 to i32
      %cond3A_383 = arith.constant 0 : i32
      %cond3A_384 = arith.cmpi ne, %convert_element_type3A_382, %cond3A_383 : i32
      scf.if %cond3A_384 {
        %add3A_394 = arith.constant 2 : i32
        %add3A_395 = arith.addi %add3A_282, %add3A_394 : i32
        %mul3A_396 = arith.constant 64 : i32
        %mul3A_397 = arith.muli %add3A_395, %mul3A_396 : i32
        %dma_wait3A_398 = tpu.memref_slice %arg8[%mul3A_397] : memref<2560xi32, #tpu.memory_space<vmem>> -> memref<64xi32, #tpu.memory_space<vmem>>
        %dma_wait3A_399 = arith.constant 0 : i32
        %dma_wait3A_400 = arith.constant 0 : i32
        %dma_wait3A_401 = tpu.memref_slice %arg12[%dma_wait3A_399, %dma_wait3A_400] : memref<10240x128xf32, #tpu.memory_space<vmem_shared>> -> memref<10240x128xf32, #tpu.memory_space<vmem_shared>>
        tpu.wait_indirect_dma semaphore(%arg19 : memref<!tpu.dma_semaphore, #tpu.memory_space<semaphore_mem>>) src(%arg10 : memref<64x128xf32, #tpu.memory_space<vmem>>) dst(%dma_wait3A_401 : memref<10240x128xf32, #tpu.memory_space<vmem_shared>>)
        %add3A_402 = arith.constant 4 : i32
        %add3A_403 = arith.addi %add3A_282, %add3A_402 : i32
        %add3A_404 = arith.constant 2 : i32
        %add3A_405 = arith.addi %add3A_403, %add3A_404 : i32
        %mul3A_406 = arith.constant 64 : i32
        %mul3A_407 = arith.muli %add3A_405, %mul3A_406 : i32
        %dma_start3A_408 = tpu.memref_slice %arg7[%mul3A_407] : memref<2560xi32, #tpu.memory_space<vmem>> -> memref<64xi32, #tpu.memory_space<vmem>>
        %dma_start3A_409 = arith.constant 0 : i32
        %dma_start3A_410 = arith.constant 0 : i32
        %dma_start3A_411 = tpu.memref_slice %arg2[%dma_start3A_409, %dma_start3A_410] : memref<10000x128xf32, #tpu.memory_space<hbm>> -> memref<10000x128xf32, #tpu.memory_space<hbm>>
        tpu.enqueue_indirect_dma source(%dma_start3A_411 : memref<10000x128xf32, #tpu.memory_space<hbm>>) target(%arg10 : memref<64x128xf32, #tpu.memory_space<vmem>>) offsets(%dma_start3A_408 : memref<64xi32, #tpu.memory_space<vmem>>) semaphore(%arg15 : memref<!tpu.dma_semaphore, #tpu.memory_space<semaphore_mem>>)
      } else {
      }
      %add3A_385 = arith.constant 4 : i32
      %add3A_386 = arith.addi %add3A_282, %add3A_385 : i32
      %add3A_387 = arith.constant 3 : i32
      %add3A_388 = arith.addi %add3A_386, %add3A_387 : i32
      %lt3A_389 = arith.constant 40 : i32
      %lt3A_390 = arith.cmpi slt, %add3A_388, %lt3A_389 : i32
      %convert_element_type3A_391 = arith.extui %lt3A_390 : i1 to i32
      %cond3A_392 = arith.constant 0 : i32
      %cond3A_393 = arith.cmpi ne, %convert_element_type3A_391, %cond3A_392 : i32
      scf.if %cond3A_393 {
        %add3A_394 = arith.constant 3 : i32
        %add3A_395 = arith.addi %add3A_282, %add3A_394 : i32
        %mul3A_396 = arith.constant 64 : i32
        %mul3A_397 = arith.muli %add3A_395, %mul3A_396 : i32
        %dma_wait3A_398 = tpu.memref_slice %arg8[%mul3A_397] : memref<2560xi32, #tpu.memory_space<vmem>> -> memref<64xi32, #tpu.memory_space<vmem>>
        %dma_wait3A_399 = arith.constant 0 : i32
        %dma_wait3A_400 = arith.constant 0 : i32
        %dma_wait3A_401 = tpu.memref_slice %arg12[%dma_wait3A_399, %dma_wait3A_400] : memref<10240x128xf32, #tpu.memory_space<vmem_shared>> -> memref<10240x128xf32, #tpu.memory_space<vmem_shared>>
        tpu.wait_indirect_dma semaphore(%arg20 : memref<!tpu.dma_semaphore, #tpu.memory_space<semaphore_mem>>) src(%arg11 : memref<64x128xf32, #tpu.memory_space<vmem>>) dst(%dma_wait3A_401 : memref<10240x128xf32, #tpu.memory_space<vmem_shared>>)
        %add3A_402 = arith.constant 4 : i32
        %add3A_403 = arith.addi %add3A_282, %add3A_402 : i32
        %add3A_404 = arith.constant 3 : i32
        %add3A_405 = arith.addi %add3A_403, %add3A_404 : i32
        %mul3A_406 = arith.constant 64 : i32
        %mul3A_407 = arith.muli %add3A_405, %mul3A_406 : i32
        %dma_start3A_408 = tpu.memref_slice %arg7[%mul3A_407] : memref<2560xi32, #tpu.memory_space<vmem>> -> memref<64xi32, #tpu.memory_space<vmem>>
        %dma_start3A_409 = arith.constant 0 : i32
        %dma_start3A_410 = arith.constant 0 : i32
        %dma_start3A_411 = tpu.memref_slice %arg2[%dma_start3A_409, %dma_start3A_410] : memref<10000x128xf32, #tpu.memory_space<hbm>> -> memref<10000x128xf32, #tpu.memory_space<hbm>>
        tpu.enqueue_indirect_dma source(%dma_start3A_411 : memref<10000x128xf32, #tpu.memory_space<hbm>>) target(%arg11 : memref<64x128xf32, #tpu.memory_space<vmem>>) offsets(%dma_start3A_408 : memref<64xi32, #tpu.memory_space<vmem>>) semaphore(%arg16 : memref<!tpu.dma_semaphore, #tpu.memory_space<semaphore_mem>>)
      } else {
      }
    }
    %scan3A_241 = arith.constant 10 : i32
    %dma_wait3A_242 = arith.constant 0 : i32
    %dma_wait3A_243 = arith.constant 0 : i32
    %dma_wait3A_244 = tpu.memref_slice %arg9[%dma_wait3A_242, %dma_wait3A_243] : memref<128x128xf32, #tpu.memory_space<vmem>> -> memref<64x128xf32, #tpu.memory_space<vmem>>
    %dma_wait3A_245 = arith.constant 2304 : i32
    %dma_wait3A_246 = tpu.memref_slice %arg8[%dma_wait3A_245] : memref<2560xi32, #tpu.memory_space<vmem>> -> memref<64xi32, #tpu.memory_space<vmem>>
    %dma_wait3A_247 = arith.constant 0 : i32
    %dma_wait3A_248 = arith.constant 0 : i32
    %dma_wait3A_249 = tpu.memref_slice %arg12[%dma_wait3A_247, %dma_wait3A_248] : memref<10240x128xf32, #tpu.memory_space<vmem_shared>> -> memref<10240x128xf32, #tpu.memory_space<vmem_shared>>
    tpu.wait_indirect_dma semaphore(%arg17 : memref<!tpu.dma_semaphore, #tpu.memory_space<semaphore_mem>>) src(%dma_wait3A_244 : memref<64x128xf32, #tpu.memory_space<vmem>>) dst(%dma_wait3A_249 : memref<10240x128xf32, #tpu.memory_space<vmem_shared>>)
    %dma_wait3A_250 = arith.constant 64 : i32
    %dma_wait3A_251 = arith.constant 0 : i32
    %dma_wait3A_252 = tpu.memref_slice %arg9[%dma_wait3A_250, %dma_wait3A_251] : memref<128x128xf32, #tpu.memory_space<vmem>> -> memref<64x128xf32, #tpu.memory_space<vmem>>
    %dma_wait3A_253 = arith.constant 2368 : i32
    %dma_wait3A_254 = tpu.memref_slice %arg8[%dma_wait3A_253] : memref<2560xi32, #tpu.memory_space<vmem>> -> memref<64xi32, #tpu.memory_space<vmem>>
    %dma_wait3A_255 = arith.constant 0 : i32
    %dma_wait3A_256 = arith.constant 0 : i32
    %dma_wait3A_257 = tpu.memref_slice %arg12[%dma_wait3A_255, %dma_wait3A_256] : memref<10240x128xf32, #tpu.memory_space<vmem_shared>> -> memref<10240x128xf32, #tpu.memory_space<vmem_shared>>
    tpu.wait_indirect_dma semaphore(%arg18 : memref<!tpu.dma_semaphore, #tpu.memory_space<semaphore_mem>>) src(%dma_wait3A_252 : memref<64x128xf32, #tpu.memory_space<vmem>>) dst(%dma_wait3A_257 : memref<10240x128xf32, #tpu.memory_space<vmem_shared>>)
    %dma_wait3A_258 = arith.constant 2432 : i32
    %dma_wait3A_259 = tpu.memref_slice %arg8[%dma_wait3A_258] : memref<2560xi32, #tpu.memory_space<vmem>> -> memref<64xi32, #tpu.memory_space<vmem>>
    %dma_wait3A_260 = arith.constant 0 : i32
    %dma_wait3A_261 = arith.constant 0 : i32
    %dma_wait3A_262 = tpu.memref_slice %arg12[%dma_wait3A_260, %dma_wait3A_261] : memref<10240x128xf32, #tpu.memory_space<vmem_shared>> -> memref<10240x128xf32, #tpu.memory_space<vmem_shared>>
    tpu.wait_indirect_dma semaphore(%arg19 : memref<!tpu.dma_semaphore, #tpu.memory_space<semaphore_mem>>) src(%arg10 : memref<64x128xf32, #tpu.memory_space<vmem>>) dst(%dma_wait3A_262 : memref<10240x128xf32, #tpu.memory_space<vmem_shared>>)
    %dma_wait3A_263 = arith.constant 2496 : i32
    %dma_wait3A_264 = tpu.memref_slice %arg8[%dma_wait3A_263] : memref<2560xi32, #tpu.memory_space<vmem>> -> memref<64xi32, #tpu.memory_space<vmem>>
    %dma_wait3A_265 = arith.constant 0 : i32
    %dma_wait3A_266 = arith.constant 0 : i32
    %dma_wait3A_267 = tpu.memref_slice %arg12[%dma_wait3A_265, %dma_wait3A_266] : memref<10240x128xf32, #tpu.memory_space<vmem_shared>> -> memref<10240x128xf32, #tpu.memory_space<vmem_shared>>
    tpu.wait_indirect_dma semaphore(%arg20 : memref<!tpu.dma_semaphore, #tpu.memory_space<semaphore_mem>>) src(%arg11 : memref<64x128xf32, #tpu.memory_space<vmem>>) dst(%dma_wait3A_267 : memref<10240x128xf32, #tpu.memory_space<vmem_shared>>)
    %barrier3A_268 = arith.constant 0 : index
    tpu.barrier barrier_id(%barrier3A_268)
    %mul3A_269 = arith.constant 640 : i32
    %mul3A_270 = arith.muli %arg1, %mul3A_269 : i32
    %multiple_of3A = tpu.assume_multiple %mul3A_270, 8 : i32
    %eq3A = arith.constant 0 : i32
    %eq3A_271 = arith.cmpi eq, %arg0, %eq3A : i32
    %convert_element_type3A = arith.extui %eq3A_271 : i1 to i32
    %cond3A = arith.constant 0 : i32
    %cond3A_272 = arith.cmpi ne, %convert_element_type3A, %cond3A : i32
    scf.if %cond3A_272 {
      "tpu.region"() ({
        %run_scoped3A = tpu.sem_alloc : memref<!tpu.dma_semaphore, #tpu.memory_space<semaphore_mem>>
        %dma_start3A_278 = arith.constant 0 : i32
        %dma_start3A_279 = tpu.memref_slice %arg5[%multiple_of3A, %dma_start3A_278] : memref<10240x128xf32, #tpu.memory_space<hbm>> -> memref<640x128xf32, #tpu.memory_space<hbm>>
        %dma_start3A_280 = arith.constant 0 : i32
        %dma_start3A_281 = tpu.memref_slice %arg12[%multiple_of3A, %dma_start3A_280] : memref<10240x128xf32, #tpu.memory_space<vmem_shared>> -> memref<640x128xf32, #tpu.memory_space<vmem_shared>>
        tpu.enqueue_dma source(%dma_start3A_281 : memref<640x128xf32, #tpu.memory_space<vmem_shared>>) target(%dma_start3A_279 : memref<640x128xf32, #tpu.memory_space<hbm>>) target_semaphore(%run_scoped3A : memref<!tpu.dma_semaphore, #tpu.memory_space<semaphore_mem>>)
        %dma_wait3A_282 = arith.constant 0 : i32
        %dma_wait3A_283 = tpu.memref_slice %arg5[%multiple_of3A, %dma_wait3A_282] : memref<10240x128xf32, #tpu.memory_space<hbm>> -> memref<640x128xf32, #tpu.memory_space<hbm>>
        %dma_wait3A_284 = arith.constant 0 : i32
        %dma_wait3A_285 = tpu.memref_slice %arg12[%multiple_of3A, %dma_wait3A_284] : memref<10240x128xf32, #tpu.memory_space<vmem_shared>> -> memref<640x128xf32, #tpu.memory_space<vmem_shared>>
        tpu.wait_dma2 semaphore(%run_scoped3A : memref<!tpu.dma_semaphore, #tpu.memory_space<semaphore_mem>>) src(%dma_wait3A_285 : memref<640x128xf32, #tpu.memory_space<vmem_shared>>) dst(%dma_wait3A_283 : memref<640x128xf32, #tpu.memory_space<hbm>>)
        tpu.yield
      }) : () -> ()
    } else {
    }
    %eq3A_273 = arith.constant 1 : i32
    %eq3A_274 = arith.cmpi eq, %arg0, %eq3A_273 : i32
    %convert_element_type3A_275 = arith.extui %eq3A_274 : i1 to i32
    %cond3A_276 = arith.constant 0 : i32
    %cond3A_277 = arith.cmpi ne, %convert_element_type3A_275, %cond3A_276 : i32
    scf.if %cond3A_277 {
      "tpu.region"() ({
        %run_scoped3A = tpu.sem_alloc : memref<!tpu.dma_semaphore, #tpu.memory_space<semaphore_mem>>
        %dma_start3A_278 = arith.constant 0 : i32
        %dma_start3A_279 = tpu.memref_slice %arg6[%multiple_of3A, %dma_start3A_278] : memref<10240x128xf32, #tpu.memory_space<hbm>> -> memref<640x128xf32, #tpu.memory_space<hbm>>
        %dma_start3A_280 = arith.constant 0 : i32
        %dma_start3A_281 = tpu.memref_slice %arg12[%multiple_of3A, %dma_start3A_280] : memref<10240x128xf32, #tpu.memory_space<vmem_shared>> -> memref<640x128xf32, #tpu.memory_space<vmem_shared>>
        tpu.enqueue_dma source(%dma_start3A_281 : memref<640x128xf32, #tpu.memory_space<vmem_shared>>) target(%dma_start3A_279 : memref<640x128xf32, #tpu.memory_space<hbm>>) target_semaphore(%run_scoped3A : memref<!tpu.dma_semaphore, #tpu.memory_space<semaphore_mem>>)
        %dma_wait3A_282 = arith.constant 0 : i32
        %dma_wait3A_283 = tpu.memref_slice %arg6[%multiple_of3A, %dma_wait3A_282] : memref<10240x128xf32, #tpu.memory_space<hbm>> -> memref<640x128xf32, #tpu.memory_space<hbm>>
        %dma_wait3A_284 = arith.constant 0 : i32
        %dma_wait3A_285 = tpu.memref_slice %arg12[%multiple_of3A, %dma_wait3A_284] : memref<10240x128xf32, #tpu.memory_space<vmem_shared>> -> memref<640x128xf32, #tpu.memory_space<vmem_shared>>
        tpu.wait_dma2 semaphore(%run_scoped3A : memref<!tpu.dma_semaphore, #tpu.memory_space<semaphore_mem>>) src(%dma_wait3A_285 : memref<640x128xf32, #tpu.memory_space<vmem_shared>>) dst(%dma_wait3A_283 : memref<640x128xf32, #tpu.memory_space<hbm>>)
        tpu.yield
      }) : () -> ()
    } else {
    }
    return
  }
}

#map = affine_map<(d0, d1) -> (0)>
module attributes {stable_mosaic.version = 14 : i64} {
  func.func @_sc_degree_body(%arg0: i32, %arg1: i32, %arg2: memref<327680xi32, #tpu.memory_space<hbm>>, %arg3: memref<10240xf32, #tpu.memory_space<hbm>>, %arg4: memref<10240xf32, #tpu.memory_space<hbm>>, %arg5: memref<10240xi32, #tpu.memory_space<vmem>>, %arg6: memref<128xf32, #tpu.memory_space<vmem>>, %arg7: memref<640xf32, #tpu.memory_space<vmem>>, %arg8: memref<10240xf32, #tpu.memory_space<vmem_shared>>, %arg9: memref<!tpu.dma_semaphore, #tpu.memory_space<semaphore_mem>>) attributes {dimension_semantics = [#tpu.dimension_semantics<core_parallel>, #tpu.dimension_semantics<subcore_parallel>], iteration_bounds = array<i64: 2, 16>, scalar_prefetch = 0 : i64, scratch_operands = 5 : i64, tpu.core_type = #tpu.core_type<sc_vector_subcore>, window_params = [{transform_indices = #map}, {transform_indices = #map}, {transform_indices = #map}]} {
    %mul3A = arith.constant 16 : i32
    %mul3A_0 = arith.muli %arg0, %mul3A : i32
    %add3A = arith.addi %mul3A_0, %arg1 : i32
    %scan3A = arith.constant 0 : i32
    %scan3A_1 = arith.constant 40 : i32
    %scan3A_2 = arith.addi %scan3A, %scan3A_1 : i32
    %scan3A_3 = arith.constant 1 : i32
    scf.for %scan3A_27 = %scan3A to %scan3A_2 step %scan3A_3  : i32 {
      %mul3A_28 = arith.constant 1 : i32
      %mul3A_29 = arith.muli %scan3A_27, %mul3A_28 : i32
      %add3A_30 = arith.constant 0 : i32
      %add3A_31 = arith.addi %add3A_30, %mul3A_29 : i32
      %broadcast_in_dim3A = arith.constant 0.000000e+00 : f32
      %broadcast_in_dim3A_32 = vector.broadcast %broadcast_in_dim3A : f32 to vector<16xf32>
      %mul3A_33 = arith.constant 16 : i32
      %mul3A_34 = arith.muli %add3A_31, %mul3A_33 : i32
      %swap3A = arith.index_cast %mul3A_34 : i32 to index
      %swap3A_35 = tpu.vector_load %arg7[%swap3A] {strides = array<i32>} : memref<640xf32, #tpu.memory_space<vmem>>, vector<16xf32>,
      %swap3A_36 = vector.shape_cast %swap3A_35 : vector<16xf32> to vector<16xf32>
      %swap3A_37 = vector.shape_cast %broadcast_in_dim3A_32 : vector<16xf32> to vector<16xf32>
      tpu.vector_store %arg7[%swap3A], %swap3A_37 {strides = array<i32>} : memref<640xf32, #tpu.memory_space<vmem>>, vector<16xf32>,
    }
    %scan3A_4 = arith.constant 40 : i32
    %scan3A_5 = arith.constant 0 : i32
    %scan3A_6 = arith.constant 8 : i32
    %scan3A_7 = arith.addi %scan3A_5, %scan3A_6 : i32
    %scan3A_8 = arith.constant 1 : i32
    scf.for %scan3A_27 = %scan3A_5 to %scan3A_7 step %scan3A_8  : i32 {
      %mul3A_28 = arith.constant 1 : i32
      %mul3A_29 = arith.muli %scan3A_27, %mul3A_28 : i32
      %add3A_30 = arith.constant 0 : i32
      %add3A_31 = arith.addi %add3A_30, %mul3A_29 : i32
      %broadcast_in_dim3A = arith.constant 1.000000e+00 : f32
      %broadcast_in_dim3A_32 = vector.broadcast %broadcast_in_dim3A : f32 to vector<16xf32>
      %mul3A_33 = arith.constant 16 : i32
      %mul3A_34 = arith.muli %add3A_31, %mul3A_33 : i32
      %swap3A = arith.index_cast %mul3A_34 : i32 to index
      %swap3A_35 = tpu.vector_load %arg6[%swap3A] {strides = array<i32>} : memref<128xf32, #tpu.memory_space<vmem>>, vector<16xf32>,
      %swap3A_36 = vector.shape_cast %swap3A_35 : vector<16xf32> to vector<16xf32>
      %swap3A_37 = vector.shape_cast %broadcast_in_dim3A_32 : vector<16xf32> to vector<16xf32>
      tpu.vector_store %arg6[%swap3A], %swap3A_37 {strides = array<i32>} : memref<128xf32, #tpu.memory_space<vmem>>, vector<16xf32>,
    }
    %scan3A_9 = arith.constant 8 : i32
    %mul3A_10 = arith.constant 640 : i32
    %mul3A_11 = arith.muli %arg1, %mul3A_10 : i32
    %multiple_of3A = tpu.assume_multiple %mul3A_11, 8 : i32
    "tpu.region"() ({
      %run_scoped3A = tpu.sem_alloc : memref<!tpu.dma_semaphore, #tpu.memory_space<semaphore_mem>>
      %dma_start3A = tpu.memref_slice %arg8[%multiple_of3A] : memref<10240xf32, #tpu.memory_space<vmem_shared>> -> memref<640xf32, #tpu.memory_space<vmem_shared>>
      %dma_start3A_27 = tpu.memref_slice %arg8[%multiple_of3A] : memref<10240xf32, #tpu.memory_space<vmem_shared>> -> memref<640xf32, #tpu.memory_space<vmem_shared>>
      tpu.enqueue_dma source(%arg7 : memref<640xf32, #tpu.memory_space<vmem>>) target(%dma_start3A_27 : memref<640xf32, #tpu.memory_space<vmem_shared>>) target_semaphore(%run_scoped3A : memref<!tpu.dma_semaphore, #tpu.memory_space<semaphore_mem>>)
      %dma_wait3A = tpu.memref_slice %arg8[%multiple_of3A] : memref<10240xf32, #tpu.memory_space<vmem_shared>> -> memref<640xf32, #tpu.memory_space<vmem_shared>>
      %dma_wait3A_28 = tpu.memref_slice %arg8[%multiple_of3A] : memref<10240xf32, #tpu.memory_space<vmem_shared>> -> memref<640xf32, #tpu.memory_space<vmem_shared>>
      tpu.wait_dma2 semaphore(%run_scoped3A : memref<!tpu.dma_semaphore, #tpu.memory_space<semaphore_mem>>) src(%arg7 : memref<640xf32, #tpu.memory_space<vmem>>) dst(%dma_wait3A_28 : memref<640xf32, #tpu.memory_space<vmem_shared>>)
      tpu.yield
    }) : () -> ()
    %barrier3A = arith.constant 0 : index
    tpu.barrier barrier_id(%barrier3A)
    %mul3A_12 = arith.constant 10240 : i32
    %mul3A_13 = arith.muli %add3A, %mul3A_12 : i32
    "tpu.region"() ({
      %run_scoped3A = tpu.sem_alloc : memref<!tpu.dma_semaphore, #tpu.memory_space<semaphore_mem>>
      %dma_start3A = tpu.memref_slice %arg2[%mul3A_13] : memref<327680xi32, #tpu.memory_space<hbm>> -> memref<10240xi32, #tpu.memory_space<hbm>>
      %dma_start3A_27 = tpu.memref_slice %arg2[%mul3A_13] : memref<327680xi32, #tpu.memory_space<hbm>> -> memref<10240xi32, #tpu.memory_space<hbm>>
      tpu.enqueue_dma source(%dma_start3A_27 : memref<10240xi32, #tpu.memory_space<hbm>>) target(%arg5 : memref<10240xi32, #tpu.memory_space<vmem>>) target_semaphore(%run_scoped3A : memref<!tpu.dma_semaphore, #tpu.memory_space<semaphore_mem>>)
      %dma_wait3A = tpu.memref_slice %arg2[%mul3A_13] : memref<327680xi32, #tpu.memory_space<hbm>> -> memref<10240xi32, #tpu.memory_space<hbm>>
      %dma_wait3A_28 = tpu.memref_slice %arg2[%mul3A_13] : memref<327680xi32, #tpu.memory_space<hbm>> -> memref<10240xi32, #tpu.memory_space<hbm>>
      tpu.wait_dma2 semaphore(%run_scoped3A : memref<!tpu.dma_semaphore, #tpu.memory_space<semaphore_mem>>) src(%dma_wait3A_28 : memref<10240xi32, #tpu.memory_space<hbm>>) dst(%arg5 : memref<10240xi32, #tpu.memory_space<vmem>>)
      tpu.yield
    }) : () -> ()
    %scan3A_14 = arith.constant 0 : i32
    %scan3A_15 = arith.constant 80 : i32
    %scan3A_16 = arith.addi %scan3A_14, %scan3A_15 : i32
    %scan3A_17 = arith.constant 1 : i32
    scf.for %scan3A_27 = %scan3A_14 to %scan3A_16 step %scan3A_17  : i32 {
      %mul3A_28 = arith.constant 1 : i32
      %mul3A_29 = arith.muli %scan3A_27, %mul3A_28 : i32
      %add3A_30 = arith.constant 0 : i32
      %add3A_31 = arith.addi %add3A_30, %mul3A_29 : i32
      %mul3A_32 = arith.constant 128 : i32
      %mul3A_33 = arith.muli %add3A_31, %mul3A_32 : i32
      "tpu.region"() ({
        %run_scoped3A = tpu.sem_alloc : memref<!tpu.dma_semaphore, #tpu.memory_space<semaphore_mem>>
        %dma_start3A = tpu.memref_slice %arg5[%mul3A_33] : memref<10240xi32, #tpu.memory_space<vmem>> -> memref<128xi32, #tpu.memory_space<vmem>>
        %dma_start3A_34 = arith.constant 0 : i32
        %dma_start3A_35 = tpu.memref_slice %arg8[%dma_start3A_34] : memref<10240xf32, #tpu.memory_space<vmem_shared>> -> memref<10240xf32, #tpu.memory_space<vmem_shared>>
        tpu.enqueue_indirect_dma source(%arg6 : memref<128xf32, #tpu.memory_space<vmem>>) target(%dma_start3A_35 : memref<10240xf32, #tpu.memory_space<vmem_shared>>) offsets(%dma_start3A : memref<128xi32, #tpu.memory_space<vmem>>) semaphore(%run_scoped3A : memref<!tpu.dma_semaphore, #tpu.memory_space<semaphore_mem>>) {add = true}
        %dma_wait3A = tpu.memref_slice %arg5[%mul3A_33] : memref<10240xi32, #tpu.memory_space<vmem>> -> memref<128xi32, #tpu.memory_space<vmem>>
        %dma_wait3A_36 = arith.constant 0 : i32
        %dma_wait3A_37 = tpu.memref_slice %arg8[%dma_wait3A_36] : memref<10240xf32, #tpu.memory_space<vmem_shared>> -> memref<10240xf32, #tpu.memory_space<vmem_shared>>
        tpu.wait_indirect_dma semaphore(%run_scoped3A : memref<!tpu.dma_semaphore, #tpu.memory_space<semaphore_mem>>) src(%arg6 : memref<128xf32, #tpu.memory_space<vmem>>) dst(%dma_wait3A_37 : memref<10240xf32, #tpu.memory_space<vmem_shared>>)
        tpu.yield
      }) : () -> ()
    }
    %scan3A_18 = arith.constant 80 : i32
    %barrier3A_19 = arith.constant 0 : index
    tpu.barrier barrier_id(%barrier3A_19)
    %eq3A = arith.constant 0 : i32
    %eq3A_20 = arith.cmpi eq, %arg0, %eq3A : i32
    %convert_element_type3A = arith.extui %eq3A_20 : i1 to i32
    %cond3A = arith.constant 0 : i32
    %cond3A_21 = arith.cmpi ne, %convert_element_type3A, %cond3A : i32
    scf.if %cond3A_21 {
      "tpu.region"() ({
        %run_scoped3A = tpu.sem_alloc : memref<!tpu.dma_semaphore, #tpu.memory_space<semaphore_mem>>
        %dma_start3A = tpu.memref_slice %arg3[%multiple_of3A] : memref<10240xf32, #tpu.memory_space<hbm>> -> memref<640xf32, #tpu.memory_space<hbm>>
        %dma_start3A_27 = tpu.memref_slice %arg8[%multiple_of3A] : memref<10240xf32, #tpu.memory_space<vmem_shared>> -> memref<640xf32, #tpu.memory_space<vmem_shared>>
        tpu.enqueue_dma source(%dma_start3A_27 : memref<640xf32, #tpu.memory_space<vmem_shared>>) target(%dma_start3A : memref<640xf32, #tpu.memory_space<hbm>>) target_semaphore(%run_scoped3A : memref<!tpu.dma_semaphore, #tpu.memory_space<semaphore_mem>>)
        %dma_wait3A = tpu.memref_slice %arg3[%multiple_of3A] : memref<10240xf32, #tpu.memory_space<hbm>> -> memref<640xf32, #tpu.memory_space<hbm>>
        %dma_wait3A_28 = tpu.memref_slice %arg8[%multiple_of3A] : memref<10240xf32, #tpu.memory_space<vmem_shared>> -> memref<640xf32, #tpu.memory_space<vmem_shared>>
        tpu.wait_dma2 semaphore(%run_scoped3A : memref<!tpu.dma_semaphore, #tpu.memory_space<semaphore_mem>>) src(%dma_wait3A_28 : memref<640xf32, #tpu.memory_space<vmem_shared>>) dst(%dma_wait3A : memref<640xf32, #tpu.memory_space<hbm>>)
        tpu.yield
      }) : () -> ()
    } else {
    }
    %eq3A_22 = arith.constant 1 : i32
    %eq3A_23 = arith.cmpi eq, %arg0, %eq3A_22 : i32
    %convert_element_type3A_24 = arith.extui %eq3A_23 : i1 to i32
    %cond3A_25 = arith.constant 0 : i32
    %cond3A_26 = arith.cmpi ne, %convert_element_type3A_24, %cond3A_25 : i32
    scf.if %cond3A_26 {
      "tpu.region"() ({
        %run_scoped3A = tpu.sem_alloc : memref<!tpu.dma_semaphore, #tpu.memory_space<semaphore_mem>>
        %dma_start3A = tpu.memref_slice %arg4[%multiple_of3A] : memref<10240xf32, #tpu.memory_space<hbm>> -> memref<640xf32, #tpu.memory_space<hbm>>
        %dma_start3A_27 = tpu.memref_slice %arg8[%multiple_of3A] : memref<10240xf32, #tpu.memory_space<vmem_shared>> -> memref<640xf32, #tpu.memory_space<vmem_shared>>
        tpu.enqueue_dma source(%dma_start3A_27 : memref<640xf32, #tpu.memory_space<vmem_shared>>) target(%dma_start3A : memref<640xf32, #tpu.memory_space<hbm>>) target_semaphore(%run_scoped3A : memref<!tpu.dma_semaphore, #tpu.memory_space<semaphore_mem>>)
        %dma_wait3A = tpu.memref_slice %arg4[%multiple_of3A] : memref<10240xf32, #tpu.memory_space<hbm>> -> memref<640xf32, #tpu.memory_space<hbm>>
        %dma_wait3A_28 = tpu.memref_slice %arg8[%multiple_of3A] : memref<10240xf32, #tpu.memory_space<vmem_shared>> -> memref<640xf32, #tpu.memory_space<vmem_shared>>
        tpu.wait_dma2 semaphore(%run_scoped3A : memref<!tpu.dma_semaphore, #tpu.memory_space<semaphore_mem>>) src(%dma_wait3A_28 : memref<640xf32, #tpu.memory_space<vmem_shared>>) dst(%dma_wait3A : memref<640xf32, #tpu.memory_space<hbm>>)
        tpu.yield
      }) : () -> ()
    } else {
    }
    return
  }
}

#map = affine_map<(d0, d1) -> (0, 0)>
#map1 = affine_map<(d0, d1) -> (0)>
module attributes {stable_mosaic.version = 14 : i64} {
  func.func @_sc_aggregate_body(%arg0: i32, %arg1: i32, %arg2: memref<10000x128xf32, #tpu.memory_space<hbm>>, %arg3: memref<327680xi32, #tpu.memory_space<hbm>>, %arg4: memref<327680xi32, #tpu.memory_space<hbm>>, %arg5: memref<10240x128xf32, #tpu.memory_space<hbm>>, %arg6: memref<10240x128xf32, #tpu.memory_space<hbm>>, %arg7: memref<2560xi32, #tpu.memory_space<vmem>>, %arg8: memref<2560xi32, #tpu.memory_space<vmem>>, %arg9: memref<128x128xf32, #tpu.memory_space<vmem>>, %arg10: memref<64x128xf32, #tpu.memory_space<vmem>>, %arg11: memref<64x128xf32, #tpu.memory_space<vmem>>, %arg12: memref<10240x128xf32, #tpu.memory_space<vmem_shared>>, %arg13: memref<!tpu.dma_semaphore, #tpu.memory_space<semaphore_mem>>, %arg14: memref<!tpu.dma_semaphore, #tpu.memory_space<semaphore_mem>>, %arg15: memref<!tpu.dma_semaphore, #tpu.memory_space<semaphore_mem>>, %arg16: memref<!tpu.dma_semaphore, #tpu.memory_space<semaphore_mem>>, %arg17: memref<!tpu.dma_semaphore, #tpu.memory_space<semaphore_mem>>, %arg18: memref<!tpu.dma_semaphore, #tpu.memory_space<semaphore_mem>>, %arg19: memref<!tpu.dma_semaphore, #tpu.memory_space<semaphore_mem>>, %arg20: memref<!tpu.dma_semaphore, #tpu.memory_space<semaphore_mem>>) attributes {dimension_semantics = [#tpu.dimension_semantics<core_parallel>, #tpu.dimension_semantics<subcore_parallel>], iteration_bounds = array<i64: 2, 16>, scalar_prefetch = 0 : i64, scratch_operands = 14 : i64, tpu.core_type = #tpu.core_type<sc_vector_subcore>, window_params = [{transform_indices = #map}, {transform_indices = #map1}, {transform_indices = #map1}, {transform_indices = #map}, {transform_indices = #map}]} {
    %mul3A = arith.constant 16 : i32
    %mul3A_0 = arith.muli %arg0, %mul3A : i32
    %add3A = arith.addi %mul3A_0, %arg1 : i32
    %scan3A = arith.constant 0 : i32
    %scan3A_1 = arith.constant 128 : i32
    %scan3A_2 = arith.addi %scan3A, %scan3A_1 : i32
    %scan3A_3 = arith.constant 1 : i32
    scf.for %scan3A_278 = %scan3A to %scan3A_2 step %scan3A_3  : i32 {
      %mul3A_279 = arith.constant 1 : i32
      %mul3A_280 = arith.muli %scan3A_278, %mul3A_279 : i32
      %add3A_281 = arith.constant 0 : i32
      %add3A_282 = arith.addi %add3A_281, %mul3A_280 : i32
      %broadcast_in_dim3A = arith.constant 0.000000e+00 : f32
      %broadcast_in_dim3A_283 = vector.broadcast %broadcast_in_dim3A : f32 to vector<16xf32>
      %swap3A = arith.index_cast %add3A_282 : i32 to index
      %swap3A_284 = arith.constant 0 : index
      %swap3A_285 = tpu.vector_load %arg9[%swap3A, %swap3A_284] {strides = array<i32>} : memref<128x128xf32, #tpu.memory_space<vmem>>, vector<1x16xf32>,
      %swap3A_286 = vector.shape_cast %swap3A_285 : vector<1x16xf32> to vector<16xf32>
      %swap3A_287 = vector.shape_cast %broadcast_in_dim3A_283 : vector<16xf32> to vector<1x16xf32>
      tpu.vector_store %arg9[%swap3A, %swap3A_284], %swap3A_287 {strides = array<i32>} : memref<128x128xf32, #tpu.memory_space<vmem>>, vector<1x16xf32>,
      %broadcast_in_dim3A_288 = arith.constant 0.000000e+00 : f32
      %broadcast_in_dim3A_289 = vector.broadcast %broadcast_in_dim3A_288 : f32 to vector<16xf32>
      %swap3A_290 = arith.index_cast %add3A_282 : i32 to index
      %swap3A_291 = arith.constant 16 : index
      %swap3A_292 = tpu.vector_load %arg9[%swap3A_290, %swap3A_291] {strides = array<i32>} : memref<128x128xf32, #tpu.memory_space<vmem>>, vector<1x16xf32>,
      %swap3A_293 = vector.shape_cast %swap3A_292 : vector<1x16xf32> to vector<16xf32>
      %swap3A_294 = vector.shape_cast %broadcast_in_dim3A_289 : vector<16xf32> to vector<1x16xf32>
      tpu.vector_store %arg9[%swap3A_290, %swap3A_291], %swap3A_294 {strides = array<i32>} : memref<128x128xf32, #tpu.memory_space<vmem>>, vector<1x16xf32>,
      %broadcast_in_dim3A_295 = arith.constant 0.000000e+00 : f32
      %broadcast_in_dim3A_296 = vector.broadcast %broadcast_in_dim3A_295 : f32 to vector<16xf32>
      %swap3A_297 = arith.index_cast %add3A_282 : i32 to index
      %swap3A_298 = arith.constant 32 : index
      %swap3A_299 = tpu.vector_load %arg9[%swap3A_297, %swap3A_298] {strides = array<i32>} : memref<128x128xf32, #tpu.memory_space<vmem>>, vector<1x16xf32>,
      %swap3A_300 = vector.shape_cast %swap3A_299 : vector<1x16xf32> to vector<16xf32>
      %swap3A_301 = vector.shape_cast %broadcast_in_dim3A_296 : vector<16xf32> to vector<1x16xf32>
      tpu.vector_store %arg9[%swap3A_297, %swap3A_298], %swap3A_301 {strides = array<i32>} : memref<128x128xf32, #tpu.memory_space<vmem>>, vector<1x16xf32>,
      %broadcast_in_dim3A_302 = arith.constant 0.000000e+00 : f32
      %broadcast_in_dim3A_303 = vector.broadcast %broadcast_in_dim3A_302 : f32 to vector<16xf32>
      %swap3A_304 = arith.index_cast %add3A_282 : i32 to index
      %swap3A_305 = arith.constant 48 : index
      %swap3A_306 = tpu.vector_load %arg9[%swap3A_304, %swap3A_305] {strides = array<i32>} : memref<128x128xf32, #tpu.memory_space<vmem>>, vector<1x16xf32>,
      %swap3A_307 = vector.shape_cast %swap3A_306 : vector<1x16xf32> to vector<16xf32>
      %swap3A_308 = vector.shape_cast %broadcast_in_dim3A_303 : vector<16xf32> to vector<1x16xf32>
      tpu.vector_store %arg9[%swap3A_304, %swap3A_305], %swap3A_308 {strides = array<i32>} : memref<128x128xf32, #tpu.memory_space<vmem>>, vector<1x16xf32>,
      %broadcast_in_dim3A_309 = arith.constant 0.000000e+00 : f32
      %broadcast_in_dim3A_310 = vector.broadcast %broadcast_in_dim3A_309 : f32 to vector<16xf32>
      %swap3A_311 = arith.index_cast %add3A_282 : i32 to index
      %swap3A_312 = arith.constant 64 : index
      %swap3A_313 = tpu.vector_load %arg9[%swap3A_311, %swap3A_312] {strides = array<i32>} : memref<128x128xf32, #tpu.memory_space<vmem>>, vector<1x16xf32>,
      %swap3A_314 = vector.shape_cast %swap3A_313 : vector<1x16xf32> to vector<16xf32>
      %swap3A_315 = vector.shape_cast %broadcast_in_dim3A_310 : vector<16xf32> to vector<1x16xf32>
      tpu.vector_store %arg9[%swap3A_311, %swap3A_312], %swap3A_315 {strides = array<i32>} : memref<128x128xf32, #tpu.memory_space<vmem>>, vector<1x16xf32>,
      %broadcast_in_dim3A_316 = arith.constant 0.000000e+00 : f32
      %broadcast_in_dim3A_317 = vector.broadcast %broadcast_in_dim3A_316 : f32 to vector<16xf32>
      %swap3A_318 = arith.index_cast %add3A_282 : i32 to index
      %swap3A_319 = arith.constant 80 : index
      %swap3A_320 = tpu.vector_load %arg9[%swap3A_318, %swap3A_319] {strides = array<i32>} : memref<128x128xf32, #tpu.memory_space<vmem>>, vector<1x16xf32>,
      %swap3A_321 = vector.shape_cast %swap3A_320 : vector<1x16xf32> to vector<16xf32>
      %swap3A_322 = vector.shape_cast %broadcast_in_dim3A_317 : vector<16xf32> to vector<1x16xf32>
      tpu.vector_store %arg9[%swap3A_318, %swap3A_319], %swap3A_322 {strides = array<i32>} : memref<128x128xf32, #tpu.memory_space<vmem>>, vector<1x16xf32>,
      %broadcast_in_dim3A_323 = arith.constant 0.000000e+00 : f32
      %broadcast_in_dim3A_324 = vector.broadcast %broadcast_in_dim3A_323 : f32 to vector<16xf32>
      %swap3A_325 = arith.index_cast %add3A_282 : i32 to index
      %swap3A_326 = arith.constant 96 : index
      %swap3A_327 = tpu.vector_load %arg9[%swap3A_325, %swap3A_326] {strides = array<i32>} : memref<128x128xf32, #tpu.memory_space<vmem>>, vector<1x16xf32>,
      %swap3A_328 = vector.shape_cast %swap3A_327 : vector<1x16xf32> to vector<16xf32>
      %swap3A_329 = vector.shape_cast %broadcast_in_dim3A_324 : vector<16xf32> to vector<1x16xf32>
      tpu.vector_store %arg9[%swap3A_325, %swap3A_326], %swap3A_329 {strides = array<i32>} : memref<128x128xf32, #tpu.memory_space<vmem>>, vector<1x16xf32>,
      %broadcast_in_dim3A_330 = arith.constant 0.000000e+00 : f32
      %broadcast_in_dim3A_331 = vector.broadcast %broadcast_in_dim3A_330 : f32 to vector<16xf32>
      %swap3A_332 = arith.index_cast %add3A_282 : i32 to index
      %swap3A_333 = arith.constant 112 : index
      %swap3A_334 = tpu.vector_load %arg9[%swap3A_332, %swap3A_333] {strides = array<i32>} : memref<128x128xf32, #tpu.memory_space<vmem>>, vector<1x16xf32>,
      %swap3A_335 = vector.shape_cast %swap3A_334 : vector<1x16xf32> to vector<16xf32>
      %swap3A_336 = vector.shape_cast %broadcast_in_dim3A_331 : vector<16xf32> to vector<1x16xf32>
      tpu.vector_store %arg9[%swap3A_332, %swap3A_333], %swap3A_336 {strides = array<i32>} : memref<128x128xf32, #tpu.memory_space<vmem>>, vector<1x16xf32>,
    }
    %scan3A_4 = arith.constant 128 : i32
    %scan3A_5 = arith.constant 0 : i32
    %scan3A_6 = arith.constant 5 : i32
    %scan3A_7 = arith.addi %scan3A_5, %scan3A_6 : i32
    %scan3A_8 = arith.constant 1 : i32
    scf.for %scan3A_278 = %scan3A_5 to %scan3A_7 step %scan3A_8  : i32 {
      %mul3A_279 = arith.constant 1 : i32
      %mul3A_280 = arith.muli %scan3A_278, %mul3A_279 : i32
      %add3A_281 = arith.constant 0 : i32
      %add3A_282 = arith.addi %add3A_281, %mul3A_280 : i32
      %mul3A_283 = arith.constant 640 : i32
      %mul3A_284 = arith.muli %arg1, %mul3A_283 : i32
      %mul3A_285 = arith.constant 2 : i32
      %mul3A_286 = arith.muli %add3A_282, %mul3A_285 : i32
      %mul3A_287 = arith.constant 64 : i32
      %mul3A_288 = arith.muli %mul3A_286, %mul3A_287 : i32
      %add3A_289 = arith.addi %mul3A_284, %mul3A_288 : i32
      %multiple_of3A_290 = tpu.assume_multiple %add3A_289, 8 : i32
      "tpu.region"() ({
        %run_scoped3A = tpu.sem_alloc : memref<!tpu.dma_semaphore, #tpu.memory_space<semaphore_mem>>
        %dma_start3A_291 = arith.constant 0 : i32
        %dma_start3A_292 = tpu.memref_slice %arg12[%multiple_of3A_290, %dma_start3A_291] : memref<10240x128xf32, #tpu.memory_space<vmem_shared>> -> memref<128x128xf32, #tpu.memory_space<vmem_shared>>
        %dma_start3A_293 = arith.constant 0 : i32
        %dma_start3A_294 = tpu.memref_slice %arg12[%multiple_of3A_290, %dma_start3A_293] : memref<10240x128xf32, #tpu.memory_space<vmem_shared>> -> memref<128x128xf32, #tpu.memory_space<vmem_shared>>
        tpu.enqueue_dma source(%arg9 : memref<128x128xf32, #tpu.memory_space<vmem>>) target(%dma_start3A_294 : memref<128x128xf32, #tpu.memory_space<vmem_shared>>) target_semaphore(%run_scoped3A : memref<!tpu.dma_semaphore, #tpu.memory_space<semaphore_mem>>)
        %dma_wait3A_295 = arith.constant 0 : i32
        %dma_wait3A_296 = tpu.memref_slice %arg12[%multiple_of3A_290, %dma_wait3A_295] : memref<10240x128xf32, #tpu.memory_space<vmem_shared>> -> memref<128x128xf32, #tpu.memory_space<vmem_shared>>
        %dma_wait3A_297 = arith.constant 0 : i32
        %dma_wait3A_298 = tpu.memref_slice %arg12[%multiple_of3A_290, %dma_wait3A_297] : memref<10240x128xf32, #tpu.memory_space<vmem_shared>> -> memref<128x128xf32, #tpu.memory_space<vmem_shared>>
        tpu.wait_dma2 semaphore(%run_scoped3A : memref<!tpu.dma_semaphore, #tpu.memory_space<semaphore_mem>>) src(%arg9 : memref<128x128xf32, #tpu.memory_space<vmem>>) dst(%dma_wait3A_298 : memref<128x128xf32, #tpu.memory_space<vmem_shared>>)
        tpu.yield
      }) : () -> ()
    }
    %scan3A_9 = arith.constant 5 : i32
    %barrier3A = arith.constant 0 : index
    tpu.barrier barrier_id(%barrier3A)
    %mul3A_10 = arith.constant 160 : i32
    %mul3A_11 = arith.muli %add3A, %mul3A_10 : i32
    %add3A_12 = arith.constant 0 : i32
    %add3A_13 = arith.addi %mul3A_11, %add3A_12 : i32
    %mul3A_14 = arith.constant 64 : i32
    %mul3A_15 = arith.muli %add3A_13, %mul3A_14 : i32
    "tpu.region"() ({
      %run_scoped3A = tpu.sem_alloc : memref<!tpu.dma_semaphore, #tpu.memory_space<semaphore_mem>>
      %dma_start3A_278 = tpu.memref_slice %arg3[%mul3A_15] : memref<327680xi32, #tpu.memory_space<hbm>> -> memref<2560xi32, #tpu.memory_space<hbm>>
      %dma_start3A_279 = tpu.memref_slice %arg3[%mul3A_15] : memref<327680xi32, #tpu.memory_space<hbm>> -> memref<2560xi32, #tpu.memory_space<hbm>>
      tpu.enqueue_dma source(%dma_start3A_279 : memref<2560xi32, #tpu.memory_space<hbm>>) target(%arg7 : memref<2560xi32, #tpu.memory_space<vmem>>) target_semaphore(%run_scoped3A : memref<!tpu.dma_semaphore, #tpu.memory_space<semaphore_mem>>)
      %dma_wait3A_280 = tpu.memref_slice %arg3[%mul3A_15] : memref<327680xi32, #tpu.memory_space<hbm>> -> memref<2560xi32, #tpu.memory_space<hbm>>
      %dma_wait3A_281 = tpu.memref_slice %arg3[%mul3A_15] : memref<327680xi32, #tpu.memory_space<hbm>> -> memref<2560xi32, #tpu.memory_space<hbm>>
      tpu.wait_dma2 semaphore(%run_scoped3A : memref<!tpu.dma_semaphore, #tpu.memory_space<semaphore_mem>>) src(%dma_wait3A_281 : memref<2560xi32, #tpu.memory_space<hbm>>) dst(%arg7 : memref<2560xi32, #tpu.memory_space<vmem>>)
      tpu.yield
    }) : () -> ()
    %mul3A_16 = arith.constant 64 : i32
    %mul3A_17 = arith.muli %add3A_13, %mul3A_16 : i32
    "tpu.region"() ({
      %run_scoped3A = tpu.sem_alloc : memref<!tpu.dma_semaphore, #tpu.memory_space<semaphore_mem>>
      %dma_start3A_278 = tpu.memref_slice %arg4[%mul3A_17] : memref<327680xi32, #tpu.memory_space<hbm>> -> memref<2560xi32, #tpu.memory_space<hbm>>
      %dma_start3A_279 = tpu.memref_slice %arg4[%mul3A_17] : memref<327680xi32, #tpu.memory_space<hbm>> -> memref<2560xi32, #tpu.memory_space<hbm>>
      tpu.enqueue_dma source(%dma_start3A_279 : memref<2560xi32, #tpu.memory_space<hbm>>) target(%arg8 : memref<2560xi32, #tpu.memory_space<vmem>>) target_semaphore(%run_scoped3A : memref<!tpu.dma_semaphore, #tpu.memory_space<semaphore_mem>>)
      %dma_wait3A_280 = tpu.memref_slice %arg4[%mul3A_17] : memref<327680xi32, #tpu.memory_space<hbm>> -> memref<2560xi32, #tpu.memory_space<hbm>>
      %dma_wait3A_281 = tpu.memref_slice %arg4[%mul3A_17] : memref<327680xi32, #tpu.memory_space<hbm>> -> memref<2560xi32, #tpu.memory_space<hbm>>
      tpu.wait_dma2 semaphore(%run_scoped3A : memref<!tpu.dma_semaphore, #tpu.memory_space<semaphore_mem>>) src(%dma_wait3A_281 : memref<2560xi32, #tpu.memory_space<hbm>>) dst(%arg8 : memref<2560xi32, #tpu.memory_space<vmem>>)
      tpu.yield
    }) : () -> ()
    %dma_start3A = arith.constant 0 : i32
    %dma_start3A_18 = arith.constant 0 : i32
    %dma_start3A_19 = tpu.memref_slice %arg9[%dma_start3A, %dma_start3A_18] : memref<128x128xf32, #tpu.memory_space<vmem>> -> memref<64x128xf32, #tpu.memory_space<vmem>>
    %dma_start3A_20 = arith.constant 0 : i32
    %dma_start3A_21 = tpu.memref_slice %arg7[%dma_start3A_20] : memref<2560xi32, #tpu.memory_space<vmem>> -> memref<64xi32, #tpu.memory_space<vmem>>
    %dma_start3A_22 = arith.constant 0 : i32
    %dma_start3A_23 = arith.constant 0 : i32
    %dma_start3A_24 = tpu.memref_slice %arg2[%dma_start3A_22, %dma_start3A_23] : memref<10000x128xf32, #tpu.memory_space<hbm>> -> memref<10000x128xf32, #tpu.memory_space<hbm>>
    tpu.enqueue_indirect_dma source(%dma_start3A_24 : memref<10000x128xf32, #tpu.memory_space<hbm>>) target(%dma_start3A_19 : memref<64x128xf32, #tpu.memory_space<vmem>>) offsets(%dma_start3A_21 : memref<64xi32, #tpu.memory_space<vmem>>) semaphore(%arg13 : memref<!tpu.dma_semaphore, #tpu.memory_space<semaphore_mem>>)
    %dma_start3A_25 = arith.constant 64 : i32
    %dma_start3A_26 = arith.constant 0 : i32
    %dma_start3A_27 = tpu.memref_slice %arg9[%dma_start3A_25, %dma_start3A_26] : memref<128x128xf32, #tpu.memory_space<vmem>> -> memref<64x128xf32, #tpu.memory_space<vmem>>
    %dma_start3A_28 = arith.constant 64 : i32
    %dma_start3A_29 = tpu.memref_slice %arg7[%dma_start3A_28] : memref<2560xi32, #tpu.memory_space<vmem>> -> memref<64xi32, #tpu.memory_space<vmem>>
    %dma_start3A_30 = arith.constant 0 : i32
    %dma_start3A_31 = arith.constant 0 : i32
    %dma_start3A_32 = tpu.memref_slice %arg2[%dma_start3A_30, %dma_start3A_31] : memref<10000x128xf32, #tpu.memory_space<hbm>> -> memref<10000x128xf32, #tpu.memory_space<hbm>>
    tpu.enqueue_indirect_dma source(%dma_start3A_32 : memref<10000x128xf32, #tpu.memory_space<hbm>>) target(%dma_start3A_27 : memref<64x128xf32, #tpu.memory_space<vmem>>) offsets(%dma_start3A_29 : memref<64xi32, #tpu.memory_space<vmem>>) semaphore(%arg14 : memref<!tpu.dma_semaphore, #tpu.memory_space<semaphore_mem>>)
    %dma_start3A_33 = arith.constant 128 : i32
    %dma_start3A_34 = tpu.memref_slice %arg7[%dma_start3A_33] : memref<2560xi32, #tpu.memory_space<vmem>> -> memref<64xi32, #tpu.memory_space<vmem>>
    %dma_start3A_35 = arith.constant 0 : i32
    %dma_start3A_36 = arith.constant 0 : i32
    %dma_start3A_37 = tpu.memref_slice %arg2[%dma_start3A_35, %dma_start3A_36] : memref<10000x128xf32, #tpu.memory_space<hbm>> -> memref<10000x128xf32, #tpu.memory_space<hbm>>
    tpu.enqueue_indirect_dma source(%dma_start3A_37 : memref<10000x128xf32, #tpu.memory_space<hbm>>) target(%arg10 : memref<64x128xf32, #tpu.memory_space<vmem>>) offsets(%dma_start3A_34 : memref<64xi32, #tpu.memory_space<vmem>>) semaphore(%arg15 : memref<!tpu.dma_semaphore, #tpu.memory_space<semaphore_mem>>)
    %dma_start3A_38 = arith.constant 192 : i32
    %dma_start3A_39 = tpu.memref_slice %arg7[%dma_start3A_38] : memref<2560xi32, #tpu.memory_space<vmem>> -> memref<64xi32, #tpu.memory_space<vmem>>
    %dma_start3A_40 = arith.constant 0 : i32
    %dma_start3A_41 = arith.constant 0 : i32
    %dma_start3A_42 = tpu.memref_slice %arg2[%dma_start3A_40, %dma_start3A_41] : memref<10000x128xf32, #tpu.memory_space<hbm>> -> memref<10000x128xf32, #tpu.memory_space<hbm>>
    tpu.enqueue_indirect_dma source(%dma_start3A_42 : memref<10000x128xf32, #tpu.memory_space<hbm>>) target(%arg11 : memref<64x128xf32, #tpu.memory_space<vmem>>) offsets(%dma_start3A_39 : memref<64xi32, #tpu.memory_space<vmem>>) semaphore(%arg16 : memref<!tpu.dma_semaphore, #tpu.memory_space<semaphore_mem>>)
    %scan3A_43 = arith.constant 0 : i32
    %scan3A_44 = arith.constant 10 : i32
    %scan3A_45 = arith.addi %scan3A_43, %scan3A_44 : i32
    %scan3A_46 = arith.constant 1 : i32
    scf.for %scan3A_278 = %scan3A_43 to %scan3A_45 step %scan3A_46  : i32 {
      %mul3A_279 = arith.constant 4 : i32
      %mul3A_280 = arith.muli %scan3A_278, %mul3A_279 : i32
      %add3A_281 = arith.constant 0 : i32
      %add3A_282 = arith.addi %add3A_281, %mul3A_280 : i32
      %add3A_283 = arith.constant 0 : i32
      %add3A_284 = arith.addi %add3A_282, %add3A_283 : i32
      %mul3A_285 = arith.constant 64 : i32
      %mul3A_286 = arith.muli %add3A_284, %mul3A_285 : i32
      %dma_wait3A_287 = arith.constant 0 : i32
      %dma_wait3A_288 = arith.constant 0 : i32
      %dma_wait3A_289 = tpu.memref_slice %arg9[%dma_wait3A_287, %dma_wait3A_288] : memref<128x128xf32, #tpu.memory_space<vmem>> -> memref<64x128xf32, #tpu.memory_space<vmem>>
      %dma_wait3A_290 = tpu.memref_slice %arg7[%mul3A_286] : memref<2560xi32, #tpu.memory_space<vmem>> -> memref<64xi32, #tpu.memory_space<vmem>>
      %dma_wait3A_291 = arith.constant 0 : i32
      %dma_wait3A_292 = arith.constant 0 : i32
      %dma_wait3A_293 = tpu.memref_slice %arg2[%dma_wait3A_291, %dma_wait3A_292] : memref<10000x128xf32, #tpu.memory_space<hbm>> -> memref<10000x128xf32, #tpu.memory_space<hbm>>
      tpu.wait_indirect_dma semaphore(%arg13 : memref<!tpu.dma_semaphore, #tpu.memory_space<semaphore_mem>>) src(%dma_wait3A_293 : memref<10000x128xf32, #tpu.memory_space<hbm>>) dst(%dma_wait3A_289 : memref<64x128xf32, #tpu.memory_space<vmem>>)
      %add3A_294 = arith.constant 0 : i32
      %add3A_295 = arith.addi %add3A_282, %add3A_294 : i32
      %mul3A_296 = arith.constant 64 : i32
      %mul3A_297 = arith.muli %add3A_295, %mul3A_296 : i32
      %dma_start3A_298 = arith.constant 0 : i32
      %dma_start3A_299 = arith.constant 0 : i32
      %dma_start3A_300 = tpu.memref_slice %arg9[%dma_start3A_298, %dma_start3A_299] : memref<128x128xf32, #tpu.memory_space<vmem>> -> memref<64x128xf32, #tpu.memory_space<vmem>>
      %dma_start3A_301 = tpu.memref_slice %arg8[%mul3A_297] : memref<2560xi32, #tpu.memory_space<vmem>> -> memref<64xi32, #tpu.memory_space<vmem>>
      %dma_start3A_302 = arith.constant 0 : i32
      %dma_start3A_303 = arith.constant 0 : i32
      %dma_start3A_304 = tpu.memref_slice %arg12[%dma_start3A_302, %dma_start3A_303] : memref<10240x128xf32, #tpu.memory_space<vmem_shared>> -> memref<10240x128xf32, #tpu.memory_space<vmem_shared>>
      tpu.enqueue_indirect_dma source(%dma_start3A_300 : memref<64x128xf32, #tpu.memory_space<vmem>>) target(%dma_start3A_304 : memref<10240x128xf32, #tpu.memory_space<vmem_shared>>) offsets(%dma_start3A_301 : memref<64xi32, #tpu.memory_space<vmem>>) semaphore(%arg17 : memref<!tpu.dma_semaphore, #tpu.memory_space<semaphore_mem>>) {add = true}
      %add3A_305 = arith.constant 1 : i32
      %add3A_306 = arith.addi %add3A_282, %add3A_305 : i32
      %mul3A_307 = arith.constant 64 : i32
      %mul3A_308 = arith.muli %add3A_306, %mul3A_307 : i32
      %dma_wait3A_309 = arith.constant 64 : i32
      %dma_wait3A_310 = arith.constant 0 : i32
      %dma_wait3A_311 = tpu.memref_slice %arg9[%dma_wait3A_309, %dma_wait3A_310] : memref<128x128xf32, #tpu.memory_space<vmem>> -> memref<64x128xf32, #tpu.memory_space<vmem>>
      %dma_wait3A_312 = tpu.memref_slice %arg7[%mul3A_308] : memref<2560xi32, #tpu.memory_space<vmem>> -> memref<64xi32, #tpu.memory_space<vmem>>
      %dma_wait3A_313 = arith.constant 0 : i32
      %dma_wait3A_314 = arith.constant 0 : i32
      %dma_wait3A_315 = tpu.memref_slice %arg2[%dma_wait3A_313, %dma_wait3A_314] : memref<10000x128xf32, #tpu.memory_space<hbm>> -> memref<10000x128xf32, #tpu.memory_space<hbm>>
      tpu.wait_indirect_dma semaphore(%arg14 : memref<!tpu.dma_semaphore, #tpu.memory_space<semaphore_mem>>) src(%dma_wait3A_315 : memref<10000x128xf32, #tpu.memory_space<hbm>>) dst(%dma_wait3A_311 : memref<64x128xf32, #tpu.memory_space<vmem>>)
      %add3A_316 = arith.constant 1 : i32
      %add3A_317 = arith.addi %add3A_282, %add3A_316 : i32
      %mul3A_318 = arith.constant 64 : i32
      %mul3A_319 = arith.muli %add3A_317, %mul3A_318 : i32
      %dma_start3A_320 = arith.constant 64 : i32
      %dma_start3A_321 = arith.constant 0 : i32
      %dma_start3A_322 = tpu.memref_slice %arg9[%dma_start3A_320, %dma_start3A_321] : memref<128x128xf32, #tpu.memory_space<vmem>> -> memref<64x128xf32, #tpu.memory_space<vmem>>
      %dma_start3A_323 = tpu.memref_slice %arg8[%mul3A_319] : memref<2560xi32, #tpu.memory_space<vmem>> -> memref<64xi32, #tpu.memory_space<vmem>>
      %dma_start3A_324 = arith.constant 0 : i32
      %dma_start3A_325 = arith.constant 0 : i32
      %dma_start3A_326 = tpu.memref_slice %arg12[%dma_start3A_324, %dma_start3A_325] : memref<10240x128xf32, #tpu.memory_space<vmem_shared>> -> memref<10240x128xf32, #tpu.memory_space<vmem_shared>>
      tpu.enqueue_indirect_dma source(%dma_start3A_322 : memref<64x128xf32, #tpu.memory_space<vmem>>) target(%dma_start3A_326 : memref<10240x128xf32, #tpu.memory_space<vmem_shared>>) offsets(%dma_start3A_323 : memref<64xi32, #tpu.memory_space<vmem>>) semaphore(%arg18 : memref<!tpu.dma_semaphore, #tpu.memory_space<semaphore_mem>>) {add = true}
      %add3A_327 = arith.constant 2 : i32
      %add3A_328 = arith.addi %add3A_282, %add3A_327 : i32
      %mul3A_329 = arith.constant 64 : i32
      %mul3A_330 = arith.muli %add3A_328, %mul3A_329 : i32
      %dma_wait3A_331 = tpu.memref_slice %arg7[%mul3A_330] : memref<2560xi32, #tpu.memory_space<vmem>> -> memref<64xi32, #tpu.memory_space<vmem>>
      %dma_wait3A_332 = arith.constant 0 : i32
      %dma_wait3A_333 = arith.constant 0 : i32
      %dma_wait3A_334 = tpu.memref_slice %arg2[%dma_wait3A_332, %dma_wait3A_333] : memref<10000x128xf32, #tpu.memory_space<hbm>> -> memref<10000x128xf32, #tpu.memory_space<hbm>>
      tpu.wait_indirect_dma semaphore(%arg15 : memref<!tpu.dma_semaphore, #tpu.memory_space<semaphore_mem>>) src(%dma_wait3A_334 : memref<10000x128xf32, #tpu.memory_space<hbm>>) dst(%arg10 : memref<64x128xf32, #tpu.memory_space<vmem>>)
      %add3A_335 = arith.constant 2 : i32
      %add3A_336 = arith.addi %add3A_282, %add3A_335 : i32
      %mul3A_337 = arith.constant 64 : i32
      %mul3A_338 = arith.muli %add3A_336, %mul3A_337 : i32
      %dma_start3A_339 = tpu.memref_slice %arg8[%mul3A_338] : memref<2560xi32, #tpu.memory_space<vmem>> -> memref<64xi32, #tpu.memory_space<vmem>>
      %dma_start3A_340 = arith.constant 0 : i32
      %dma_start3A_341 = arith.constant 0 : i32
      %dma_start3A_342 = tpu.memref_slice %arg12[%dma_start3A_340, %dma_start3A_341] : memref<10240x128xf32, #tpu.memory_space<vmem_shared>> -> memref<10240x128xf32, #tpu.memory_space<vmem_shared>>
      tpu.enqueue_indirect_dma source(%arg10 : memref<64x128xf32, #tpu.memory_space<vmem>>) target(%dma_start3A_342 : memref<10240x128xf32, #tpu.memory_space<vmem_shared>>) offsets(%dma_start3A_339 : memref<64xi32, #tpu.memory_space<vmem>>) semaphore(%arg19 : memref<!tpu.dma_semaphore, #tpu.memory_space<semaphore_mem>>) {add = true}
      %add3A_343 = arith.constant 3 : i32
      %add3A_344 = arith.addi %add3A_282, %add3A_343 : i32
      %mul3A_345 = arith.constant 64 : i32
      %mul3A_346 = arith.muli %add3A_344, %mul3A_345 : i32
      %dma_wait3A_347 = tpu.memref_slice %arg7[%mul3A_346] : memref<2560xi32, #tpu.memory_space<vmem>> -> memref<64xi32, #tpu.memory_space<vmem>>
      %dma_wait3A_348 = arith.constant 0 : i32
      %dma_wait3A_349 = arith.constant 0 : i32
      %dma_wait3A_350 = tpu.memref_slice %arg2[%dma_wait3A_348, %dma_wait3A_349] : memref<10000x128xf32, #tpu.memory_space<hbm>> -> memref<10000x128xf32, #tpu.memory_space<hbm>>
      tpu.wait_indirect_dma semaphore(%arg16 : memref<!tpu.dma_semaphore, #tpu.memory_space<semaphore_mem>>) src(%dma_wait3A_350 : memref<10000x128xf32, #tpu.memory_space<hbm>>) dst(%arg11 : memref<64x128xf32, #tpu.memory_space<vmem>>)
      %add3A_351 = arith.constant 3 : i32
      %add3A_352 = arith.addi %add3A_282, %add3A_351 : i32
      %mul3A_353 = arith.constant 64 : i32
      %mul3A_354 = arith.muli %add3A_352, %mul3A_353 : i32
      %dma_start3A_355 = tpu.memref_slice %arg8[%mul3A_354] : memref<2560xi32, #tpu.memory_space<vmem>> -> memref<64xi32, #tpu.memory_space<vmem>>
      %dma_start3A_356 = arith.constant 0 : i32
      %dma_start3A_357 = arith.constant 0 : i32
      %dma_start3A_358 = tpu.memref_slice %arg12[%dma_start3A_356, %dma_start3A_357] : memref<10240x128xf32, #tpu.memory_space<vmem_shared>> -> memref<10240x128xf32, #tpu.memory_space<vmem_shared>>
      tpu.enqueue_indirect_dma source(%arg11 : memref<64x128xf32, #tpu.memory_space<vmem>>) target(%dma_start3A_358 : memref<10240x128xf32, #tpu.memory_space<vmem_shared>>) offsets(%dma_start3A_355 : memref<64xi32, #tpu.memory_space<vmem>>) semaphore(%arg20 : memref<!tpu.dma_semaphore, #tpu.memory_space<semaphore_mem>>) {add = true}
      %add3A_359 = arith.constant 4 : i32
      %add3A_360 = arith.addi %add3A_282, %add3A_359 : i32
      %add3A_361 = arith.constant 0 : i32
      %add3A_362 = arith.addi %add3A_360, %add3A_361 : i32
      %lt3A = arith.constant 40 : i32
      %lt3A_363 = arith.cmpi slt, %add3A_362, %lt3A : i32
      %convert_element_type3A_364 = arith.extui %lt3A_363 : i1 to i32
      %cond3A_365 = arith.constant 0 : i32
      %cond3A_366 = arith.cmpi ne, %convert_element_type3A_364, %cond3A_365 : i32
      scf.if %cond3A_366 {
        %add3A_394 = arith.constant 0 : i32
        %add3A_395 = arith.addi %add3A_282, %add3A_394 : i32
        %mul3A_396 = arith.constant 64 : i32
        %mul3A_397 = arith.muli %add3A_395, %mul3A_396 : i32
        %dma_wait3A_398 = arith.constant 0 : i32
        %dma_wait3A_399 = arith.constant 0 : i32
        %dma_wait3A_400 = tpu.memref_slice %arg9[%dma_wait3A_398, %dma_wait3A_399] : memref<128x128xf32, #tpu.memory_space<vmem>> -> memref<64x128xf32, #tpu.memory_space<vmem>>
        %dma_wait3A_401 = tpu.memref_slice %arg8[%mul3A_397] : memref<2560xi32, #tpu.memory_space<vmem>> -> memref<64xi32, #tpu.memory_space<vmem>>
        %dma_wait3A_402 = arith.constant 0 : i32
        %dma_wait3A_403 = arith.constant 0 : i32
        %dma_wait3A_404 = tpu.memref_slice %arg12[%dma_wait3A_402, %dma_wait3A_403] : memref<10240x128xf32, #tpu.memory_space<vmem_shared>> -> memref<10240x128xf32, #tpu.memory_space<vmem_shared>>
        tpu.wait_indirect_dma semaphore(%arg17 : memref<!tpu.dma_semaphore, #tpu.memory_space<semaphore_mem>>) src(%dma_wait3A_400 : memref<64x128xf32, #tpu.memory_space<vmem>>) dst(%dma_wait3A_404 : memref<10240x128xf32, #tpu.memory_space<vmem_shared>>)
        %add3A_405 = arith.constant 4 : i32
        %add3A_406 = arith.addi %add3A_282, %add3A_405 : i32
        %add3A_407 = arith.constant 0 : i32
        %add3A_408 = arith.addi %add3A_406, %add3A_407 : i32
        %mul3A_409 = arith.constant 64 : i32
        %mul3A_410 = arith.muli %add3A_408, %mul3A_409 : i32
        %dma_start3A_411 = arith.constant 0 : i32
        %dma_start3A_412 = arith.constant 0 : i32
        %dma_start3A_413 = tpu.memref_slice %arg9[%dma_start3A_411, %dma_start3A_412] : memref<128x128xf32, #tpu.memory_space<vmem>> -> memref<64x128xf32, #tpu.memory_space<vmem>>
        %dma_start3A_414 = tpu.memref_slice %arg7[%mul3A_410] : memref<2560xi32, #tpu.memory_space<vmem>> -> memref<64xi32, #tpu.memory_space<vmem>>
        %dma_start3A_415 = arith.constant 0 : i32
        %dma_start3A_416 = arith.constant 0 : i32
        %dma_start3A_417 = tpu.memref_slice %arg2[%dma_start3A_415, %dma_start3A_416] : memref<10000x128xf32, #tpu.memory_space<hbm>> -> memref<10000x128xf32, #tpu.memory_space<hbm>>
        tpu.enqueue_indirect_dma source(%dma_start3A_417 : memref<10000x128xf32, #tpu.memory_space<hbm>>) target(%dma_start3A_413 : memref<64x128xf32, #tpu.memory_space<vmem>>) offsets(%dma_start3A_414 : memref<64xi32, #tpu.memory_space<vmem>>) semaphore(%arg13 : memref<!tpu.dma_semaphore, #tpu.memory_space<semaphore_mem>>)
      } else {
      }
      %add3A_367 = arith.constant 4 : i32
      %add3A_368 = arith.addi %add3A_282, %add3A_367 : i32
      %add3A_369 = arith.constant 1 : i32
      %add3A_370 = arith.addi %add3A_368, %add3A_369 : i32
      %lt3A_371 = arith.constant 40 : i32
      %lt3A_372 = arith.cmpi slt, %add3A_370, %lt3A_371 : i32
      %convert_element_type3A_373 = arith.extui %lt3A_372 : i1 to i32
      %cond3A_374 = arith.constant 0 : i32
      %cond3A_375 = arith.cmpi ne, %convert_element_type3A_373, %cond3A_374 : i32
      scf.if %cond3A_375 {
        %add3A_394 = arith.constant 1 : i32
        %add3A_395 = arith.addi %add3A_282, %add3A_394 : i32
        %mul3A_396 = arith.constant 64 : i32
        %mul3A_397 = arith.muli %add3A_395, %mul3A_396 : i32
        %dma_wait3A_398 = arith.constant 64 : i32
        %dma_wait3A_399 = arith.constant 0 : i32
        %dma_wait3A_400 = tpu.memref_slice %arg9[%dma_wait3A_398, %dma_wait3A_399] : memref<128x128xf32, #tpu.memory_space<vmem>> -> memref<64x128xf32, #tpu.memory_space<vmem>>
        %dma_wait3A_401 = tpu.memref_slice %arg8[%mul3A_397] : memref<2560xi32, #tpu.memory_space<vmem>> -> memref<64xi32, #tpu.memory_space<vmem>>
        %dma_wait3A_402 = arith.constant 0 : i32
        %dma_wait3A_403 = arith.constant 0 : i32
        %dma_wait3A_404 = tpu.memref_slice %arg12[%dma_wait3A_402, %dma_wait3A_403] : memref<10240x128xf32, #tpu.memory_space<vmem_shared>> -> memref<10240x128xf32, #tpu.memory_space<vmem_shared>>
        tpu.wait_indirect_dma semaphore(%arg18 : memref<!tpu.dma_semaphore, #tpu.memory_space<semaphore_mem>>) src(%dma_wait3A_400 : memref<64x128xf32, #tpu.memory_space<vmem>>) dst(%dma_wait3A_404 : memref<10240x128xf32, #tpu.memory_space<vmem_shared>>)
        %add3A_405 = arith.constant 4 : i32
        %add3A_406 = arith.addi %add3A_282, %add3A_405 : i32
        %add3A_407 = arith.constant 1 : i32
        %add3A_408 = arith.addi %add3A_406, %add3A_407 : i32
        %mul3A_409 = arith.constant 64 : i32
        %mul3A_410 = arith.muli %add3A_408, %mul3A_409 : i32
        %dma_start3A_411 = arith.constant 64 : i32
        %dma_start3A_412 = arith.constant 0 : i32
        %dma_start3A_413 = tpu.memref_slice %arg9[%dma_start3A_411, %dma_start3A_412] : memref<128x128xf32, #tpu.memory_space<vmem>> -> memref<64x128xf32, #tpu.memory_space<vmem>>
        %dma_start3A_414 = tpu.memref_slice %arg7[%mul3A_410] : memref<2560xi32, #tpu.memory_space<vmem>> -> memref<64xi32, #tpu.memory_space<vmem>>
        %dma_start3A_415 = arith.constant 0 : i32
        %dma_start3A_416 = arith.constant 0 : i32
        %dma_start3A_417 = tpu.memref_slice %arg2[%dma_start3A_415, %dma_start3A_416] : memref<10000x128xf32, #tpu.memory_space<hbm>> -> memref<10000x128xf32, #tpu.memory_space<hbm>>
        tpu.enqueue_indirect_dma source(%dma_start3A_417 : memref<10000x128xf32, #tpu.memory_space<hbm>>) target(%dma_start3A_413 : memref<64x128xf32, #tpu.memory_space<vmem>>) offsets(%dma_start3A_414 : memref<64xi32, #tpu.memory_space<vmem>>) semaphore(%arg14 : memref<!tpu.dma_semaphore, #tpu.memory_space<semaphore_mem>>)
      } else {
      }
      %add3A_376 = arith.constant 4 : i32
      %add3A_377 = arith.addi %add3A_282, %add3A_376 : i32
      %add3A_378 = arith.constant 2 : i32
      %add3A_379 = arith.addi %add3A_377, %add3A_378 : i32
      %lt3A_380 = arith.constant 40 : i32
      %lt3A_381 = arith.cmpi slt, %add3A_379, %lt3A_380 : i32
      %convert_element_type3A_382 = arith.extui %lt3A_381 : i1 to i32
      %cond3A_383 = arith.constant 0 : i32
      %cond3A_384 = arith.cmpi ne, %convert_element_type3A_382, %cond3A_383 : i32
      scf.if %cond3A_384 {
        %add3A_394 = arith.constant 2 : i32
        %add3A_395 = arith.addi %add3A_282, %add3A_394 : i32
        %mul3A_396 = arith.constant 64 : i32
        %mul3A_397 = arith.muli %add3A_395, %mul3A_396 : i32
        %dma_wait3A_398 = tpu.memref_slice %arg8[%mul3A_397] : memref<2560xi32, #tpu.memory_space<vmem>> -> memref<64xi32, #tpu.memory_space<vmem>>
        %dma_wait3A_399 = arith.constant 0 : i32
        %dma_wait3A_400 = arith.constant 0 : i32
        %dma_wait3A_401 = tpu.memref_slice %arg12[%dma_wait3A_399, %dma_wait3A_400] : memref<10240x128xf32, #tpu.memory_space<vmem_shared>> -> memref<10240x128xf32, #tpu.memory_space<vmem_shared>>
        tpu.wait_indirect_dma semaphore(%arg19 : memref<!tpu.dma_semaphore, #tpu.memory_space<semaphore_mem>>) src(%arg10 : memref<64x128xf32, #tpu.memory_space<vmem>>) dst(%dma_wait3A_401 : memref<10240x128xf32, #tpu.memory_space<vmem_shared>>)
        %add3A_402 = arith.constant 4 : i32
        %add3A_403 = arith.addi %add3A_282, %add3A_402 : i32
        %add3A_404 = arith.constant 2 : i32
        %add3A_405 = arith.addi %add3A_403, %add3A_404 : i32
        %mul3A_406 = arith.constant 64 : i32
        %mul3A_407 = arith.muli %add3A_405, %mul3A_406 : i32
        %dma_start3A_408 = tpu.memref_slice %arg7[%mul3A_407] : memref<2560xi32, #tpu.memory_space<vmem>> -> memref<64xi32, #tpu.memory_space<vmem>>
        %dma_start3A_409 = arith.constant 0 : i32
        %dma_start3A_410 = arith.constant 0 : i32
        %dma_start3A_411 = tpu.memref_slice %arg2[%dma_start3A_409, %dma_start3A_410] : memref<10000x128xf32, #tpu.memory_space<hbm>> -> memref<10000x128xf32, #tpu.memory_space<hbm>>
        tpu.enqueue_indirect_dma source(%dma_start3A_411 : memref<10000x128xf32, #tpu.memory_space<hbm>>) target(%arg10 : memref<64x128xf32, #tpu.memory_space<vmem>>) offsets(%dma_start3A_408 : memref<64xi32, #tpu.memory_space<vmem>>) semaphore(%arg15 : memref<!tpu.dma_semaphore, #tpu.memory_space<semaphore_mem>>)
      } else {
      }
      %add3A_385 = arith.constant 4 : i32
      %add3A_386 = arith.addi %add3A_282, %add3A_385 : i32
      %add3A_387 = arith.constant 3 : i32
      %add3A_388 = arith.addi %add3A_386, %add3A_387 : i32
      %lt3A_389 = arith.constant 40 : i32
      %lt3A_390 = arith.cmpi slt, %add3A_388, %lt3A_389 : i32
      %convert_element_type3A_391 = arith.extui %lt3A_390 : i1 to i32
      %cond3A_392 = arith.constant 0 : i32
      %cond3A_393 = arith.cmpi ne, %convert_element_type3A_391, %cond3A_392 : i32
      scf.if %cond3A_393 {
        %add3A_394 = arith.constant 3 : i32
        %add3A_395 = arith.addi %add3A_282, %add3A_394 : i32
        %mul3A_396 = arith.constant 64 : i32
        %mul3A_397 = arith.muli %add3A_395, %mul3A_396 : i32
        %dma_wait3A_398 = tpu.memref_slice %arg8[%mul3A_397] : memref<2560xi32, #tpu.memory_space<vmem>> -> memref<64xi32, #tpu.memory_space<vmem>>
        %dma_wait3A_399 = arith.constant 0 : i32
        %dma_wait3A_400 = arith.constant 0 : i32
        %dma_wait3A_401 = tpu.memref_slice %arg12[%dma_wait3A_399, %dma_wait3A_400] : memref<10240x128xf32, #tpu.memory_space<vmem_shared>> -> memref<10240x128xf32, #tpu.memory_space<vmem_shared>>
        tpu.wait_indirect_dma semaphore(%arg20 : memref<!tpu.dma_semaphore, #tpu.memory_space<semaphore_mem>>) src(%arg11 : memref<64x128xf32, #tpu.memory_space<vmem>>) dst(%dma_wait3A_401 : memref<10240x128xf32, #tpu.memory_space<vmem_shared>>)
        %add3A_402 = arith.constant 4 : i32
        %add3A_403 = arith.addi %add3A_282, %add3A_402 : i32
        %add3A_404 = arith.constant 3 : i32
        %add3A_405 = arith.addi %add3A_403, %add3A_404 : i32
        %mul3A_406 = arith.constant 64 : i32
        %mul3A_407 = arith.muli %add3A_405, %mul3A_406 : i32
        %dma_start3A_408 = tpu.memref_slice %arg7[%mul3A_407] : memref<2560xi32, #tpu.memory_space<vmem>> -> memref<64xi32, #tpu.memory_space<vmem>>
        %dma_start3A_409 = arith.constant 0 : i32
        %dma_start3A_410 = arith.constant 0 : i32
        %dma_start3A_411 = tpu.memref_slice %arg2[%dma_start3A_409, %dma_start3A_410] : memref<10000x128xf32, #tpu.memory_space<hbm>> -> memref<10000x128xf32, #tpu.memory_space<hbm>>
        tpu.enqueue_indirect_dma source(%dma_start3A_411 : memref<10000x128xf32, #tpu.memory_space<hbm>>) target(%arg11 : memref<64x128xf32, #tpu.memory_space<vmem>>) offsets(%dma_start3A_408 : memref<64xi32, #tpu.memory_space<vmem>>) semaphore(%arg16 : memref<!tpu.dma_semaphore, #tpu.memory_space<semaphore_mem>>)
      } else {
      }
    }
    %scan3A_47 = arith.constant 10 : i32
    %dma_wait3A = arith.constant 0 : i32
    %dma_wait3A_48 = arith.constant 0 : i32
    %dma_wait3A_49 = tpu.memref_slice %arg9[%dma_wait3A, %dma_wait3A_48] : memref<128x128xf32, #tpu.memory_space<vmem>> -> memref<64x128xf32, #tpu.memory_space<vmem>>
    %dma_wait3A_50 = arith.constant 2304 : i32
    %dma_wait3A_51 = tpu.memref_slice %arg8[%dma_wait3A_50] : memref<2560xi32, #tpu.memory_space<vmem>> -> memref<64xi32, #tpu.memory_space<vmem>>
    %dma_wait3A_52 = arith.constant 0 : i32
    %dma_wait3A_53 = arith.constant 0 : i32
    %dma_wait3A_54 = tpu.memref_slice %arg12[%dma_wait3A_52, %dma_wait3A_53] : memref<10240x128xf32, #tpu.memory_space<vmem_shared>> -> memref<10240x128xf32, #tpu.memory_space<vmem_shared>>
    tpu.wait_indirect_dma semaphore(%arg17 : memref<!tpu.dma_semaphore, #tpu.memory_space<semaphore_mem>>) src(%dma_wait3A_49 : memref<64x128xf32, #tpu.memory_space<vmem>>) dst(%dma_wait3A_54 : memref<10240x128xf32, #tpu.memory_space<vmem_shared>>)
    %dma_wait3A_55 = arith.constant 64 : i32
    %dma_wait3A_56 = arith.constant 0 : i32
    %dma_wait3A_57 = tpu.memref_slice %arg9[%dma_wait3A_55, %dma_wait3A_56] : memref<128x128xf32, #tpu.memory_space<vmem>> -> memref<64x128xf32, #tpu.memory_space<vmem>>
    %dma_wait3A_58 = arith.constant 2368 : i32
    %dma_wait3A_59 = tpu.memref_slice %arg8[%dma_wait3A_58] : memref<2560xi32, #tpu.memory_space<vmem>> -> memref<64xi32, #tpu.memory_space<vmem>>
    %dma_wait3A_60 = arith.constant 0 : i32
    %dma_wait3A_61 = arith.constant 0 : i32
    %dma_wait3A_62 = tpu.memref_slice %arg12[%dma_wait3A_60, %dma_wait3A_61] : memref<10240x128xf32, #tpu.memory_space<vmem_shared>> -> memref<10240x128xf32, #tpu.memory_space<vmem_shared>>
    tpu.wait_indirect_dma semaphore(%arg18 : memref<!tpu.dma_semaphore, #tpu.memory_space<semaphore_mem>>) src(%dma_wait3A_57 : memref<64x128xf32, #tpu.memory_space<vmem>>) dst(%dma_wait3A_62 : memref<10240x128xf32, #tpu.memory_space<vmem_shared>>)
    %dma_wait3A_63 = arith.constant 2432 : i32
    %dma_wait3A_64 = tpu.memref_slice %arg8[%dma_wait3A_63] : memref<2560xi32, #tpu.memory_space<vmem>> -> memref<64xi32, #tpu.memory_space<vmem>>
    %dma_wait3A_65 = arith.constant 0 : i32
    %dma_wait3A_66 = arith.constant 0 : i32
    %dma_wait3A_67 = tpu.memref_slice %arg12[%dma_wait3A_65, %dma_wait3A_66] : memref<10240x128xf32, #tpu.memory_space<vmem_shared>> -> memref<10240x128xf32, #tpu.memory_space<vmem_shared>>
    tpu.wait_indirect_dma semaphore(%arg19 : memref<!tpu.dma_semaphore, #tpu.memory_space<semaphore_mem>>) src(%arg10 : memref<64x128xf32, #tpu.memory_space<vmem>>) dst(%dma_wait3A_67 : memref<10240x128xf32, #tpu.memory_space<vmem_shared>>)
    %dma_wait3A_68 = arith.constant 2496 : i32
    %dma_wait3A_69 = tpu.memref_slice %arg8[%dma_wait3A_68] : memref<2560xi32, #tpu.memory_space<vmem>> -> memref<64xi32, #tpu.memory_space<vmem>>
    %dma_wait3A_70 = arith.constant 0 : i32
    %dma_wait3A_71 = arith.constant 0 : i32
    %dma_wait3A_72 = tpu.memref_slice %arg12[%dma_wait3A_70, %dma_wait3A_71] : memref<10240x128xf32, #tpu.memory_space<vmem_shared>> -> memref<10240x128xf32, #tpu.memory_space<vmem_shared>>
    tpu.wait_indirect_dma semaphore(%arg20 : memref<!tpu.dma_semaphore, #tpu.memory_space<semaphore_mem>>) src(%arg11 : memref<64x128xf32, #tpu.memory_space<vmem>>) dst(%dma_wait3A_72 : memref<10240x128xf32, #tpu.memory_space<vmem_shared>>)
    %mul3A_73 = arith.constant 160 : i32
    %mul3A_74 = arith.muli %add3A, %mul3A_73 : i32
    %add3A_75 = arith.constant 40 : i32
    %add3A_76 = arith.addi %mul3A_74, %add3A_75 : i32
    %mul3A_77 = arith.constant 64 : i32
    %mul3A_78 = arith.muli %add3A_76, %mul3A_77 : i32
    "tpu.region"() ({
      %run_scoped3A = tpu.sem_alloc : memref<!tpu.dma_semaphore, #tpu.memory_space<semaphore_mem>>
      %dma_start3A_278 = tpu.memref_slice %arg3[%mul3A_78] : memref<327680xi32, #tpu.memory_space<hbm>> -> memref<2560xi32, #tpu.memory_space<hbm>>
      %dma_start3A_279 = tpu.memref_slice %arg3[%mul3A_78] : memref<327680xi32, #tpu.memory_space<hbm>> -> memref<2560xi32, #tpu.memory_space<hbm>>
      tpu.enqueue_dma source(%dma_start3A_279 : memref<2560xi32, #tpu.memory_space<hbm>>) target(%arg7 : memref<2560xi32, #tpu.memory_space<vmem>>) target_semaphore(%run_scoped3A : memref<!tpu.dma_semaphore, #tpu.memory_space<semaphore_mem>>)
      %dma_wait3A_280 = tpu.memref_slice %arg3[%mul3A_78] : memref<327680xi32, #tpu.memory_space<hbm>> -> memref<2560xi32, #tpu.memory_space<hbm>>
      %dma_wait3A_281 = tpu.memref_slice %arg3[%mul3A_78] : memref<327680xi32, #tpu.memory_space<hbm>> -> memref<2560xi32, #tpu.memory_space<hbm>>
      tpu.wait_dma2 semaphore(%run_scoped3A : memref<!tpu.dma_semaphore, #tpu.memory_space<semaphore_mem>>) src(%dma_wait3A_281 : memref<2560xi32, #tpu.memory_space<hbm>>) dst(%arg7 : memref<2560xi32, #tpu.memory_space<vmem>>)
      tpu.yield
    }) : () -> ()
    %mul3A_79 = arith.constant 64 : i32
    %mul3A_80 = arith.muli %add3A_76, %mul3A_79 : i32
    "tpu.region"() ({
      %run_scoped3A = tpu.sem_alloc : memref<!tpu.dma_semaphore, #tpu.memory_space<semaphore_mem>>
      %dma_start3A_278 = tpu.memref_slice %arg4[%mul3A_80] : memref<327680xi32, #tpu.memory_space<hbm>> -> memref<2560xi32, #tpu.memory_space<hbm>>
      %dma_start3A_279 = tpu.memref_slice %arg4[%mul3A_80] : memref<327680xi32, #tpu.memory_space<hbm>> -> memref<2560xi32, #tpu.memory_space<hbm>>
      tpu.enqueue_dma source(%dma_start3A_279 : memref<2560xi32, #tpu.memory_space<hbm>>) target(%arg8 : memref<2560xi32, #tpu.memory_space<vmem>>) target_semaphore(%run_scoped3A : memref<!tpu.dma_semaphore, #tpu.memory_space<semaphore_mem>>)
      %dma_wait3A_280 = tpu.memref_slice %arg4[%mul3A_80] : memref<327680xi32, #tpu.memory_space<hbm>> -> memref<2560xi32, #tpu.memory_space<hbm>>
      %dma_wait3A_281 = tpu.memref_slice %arg4[%mul3A_80] : memref<327680xi32, #tpu.memory_space<hbm>> -> memref<2560xi32, #tpu.memory_space<hbm>>
      tpu.wait_dma2 semaphore(%run_scoped3A : memref<!tpu.dma_semaphore, #tpu.memory_space<semaphore_mem>>) src(%dma_wait3A_281 : memref<2560xi32, #tpu.memory_space<hbm>>) dst(%arg8 : memref<2560xi32, #tpu.memory_space<vmem>>)
      tpu.yield
    }) : () -> ()
    %dma_start3A_81 = arith.constant 0 : i32
    %dma_start3A_82 = arith.constant 0 : i32
    %dma_start3A_83 = tpu.memref_slice %arg9[%dma_start3A_81, %dma_start3A_82] : memref<128x128xf32, #tpu.memory_space<vmem>> -> memref<64x128xf32, #tpu.memory_space<vmem>>
    %dma_start3A_84 = arith.constant 0 : i32
    %dma_start3A_85 = tpu.memref_slice %arg7[%dma_start3A_84] : memref<2560xi32, #tpu.memory_space<vmem>> -> memref<64xi32, #tpu.memory_space<vmem>>
    %dma_start3A_86 = arith.constant 0 : i32
    %dma_start3A_87 = arith.constant 0 : i32
    %dma_start3A_88 = tpu.memref_slice %arg2[%dma_start3A_86, %dma_start3A_87] : memref<10000x128xf32, #tpu.memory_space<hbm>> -> memref<10000x128xf32, #tpu.memory_space<hbm>>
    tpu.enqueue_indirect_dma source(%dma_start3A_88 : memref<10000x128xf32, #tpu.memory_space<hbm>>) target(%dma_start3A_83 : memref<64x128xf32, #tpu.memory_space<vmem>>) offsets(%dma_start3A_85 : memref<64xi32, #tpu.memory_space<vmem>>) semaphore(%arg13 : memref<!tpu.dma_semaphore, #tpu.memory_space<semaphore_mem>>)
    %dma_start3A_89 = arith.constant 64 : i32
    %dma_start3A_90 = arith.constant 0 : i32
    %dma_start3A_91 = tpu.memref_slice %arg9[%dma_start3A_89, %dma_start3A_90] : memref<128x128xf32, #tpu.memory_space<vmem>> -> memref<64x128xf32, #tpu.memory_space<vmem>>
    %dma_start3A_92 = arith.constant 64 : i32
    %dma_start3A_93 = tpu.memref_slice %arg7[%dma_start3A_92] : memref<2560xi32, #tpu.memory_space<vmem>> -> memref<64xi32, #tpu.memory_space<vmem>>
    %dma_start3A_94 = arith.constant 0 : i32
    %dma_start3A_95 = arith.constant 0 : i32
    %dma_start3A_96 = tpu.memref_slice %arg2[%dma_start3A_94, %dma_start3A_95] : memref<10000x128xf32, #tpu.memory_space<hbm>> -> memref<10000x128xf32, #tpu.memory_space<hbm>>
    tpu.enqueue_indirect_dma source(%dma_start3A_96 : memref<10000x128xf32, #tpu.memory_space<hbm>>) target(%dma_start3A_91 : memref<64x128xf32, #tpu.memory_space<vmem>>) offsets(%dma_start3A_93 : memref<64xi32, #tpu.memory_space<vmem>>) semaphore(%arg14 : memref<!tpu.dma_semaphore, #tpu.memory_space<semaphore_mem>>)
    %dma_start3A_97 = arith.constant 128 : i32
    %dma_start3A_98 = tpu.memref_slice %arg7[%dma_start3A_97] : memref<2560xi32, #tpu.memory_space<vmem>> -> memref<64xi32, #tpu.memory_space<vmem>>
    %dma_start3A_99 = arith.constant 0 : i32
    %dma_start3A_100 = arith.constant 0 : i32
    %dma_start3A_101 = tpu.memref_slice %arg2[%dma_start3A_99, %dma_start3A_100] : memref<10000x128xf32, #tpu.memory_space<hbm>> -> memref<10000x128xf32, #tpu.memory_space<hbm>>
    tpu.enqueue_indirect_dma source(%dma_start3A_101 : memref<10000x128xf32, #tpu.memory_space<hbm>>) target(%arg10 : memref<64x128xf32, #tpu.memory_space<vmem>>) offsets(%dma_start3A_98 : memref<64xi32, #tpu.memory_space<vmem>>) semaphore(%arg15 : memref<!tpu.dma_semaphore, #tpu.memory_space<semaphore_mem>>)
    %dma_start3A_102 = arith.constant 192 : i32
    %dma_start3A_103 = tpu.memref_slice %arg7[%dma_start3A_102] : memref<2560xi32, #tpu.memory_space<vmem>> -> memref<64xi32, #tpu.memory_space<vmem>>
    %dma_start3A_104 = arith.constant 0 : i32
    %dma_start3A_105 = arith.constant 0 : i32
    %dma_start3A_106 = tpu.memref_slice %arg2[%dma_start3A_104, %dma_start3A_105] : memref<10000x128xf32, #tpu.memory_space<hbm>> -> memref<10000x128xf32, #tpu.memory_space<hbm>>
    tpu.enqueue_indirect_dma source(%dma_start3A_106 : memref<10000x128xf32, #tpu.memory_space<hbm>>) target(%arg11 : memref<64x128xf32, #tpu.memory_space<vmem>>) offsets(%dma_start3A_103 : memref<64xi32, #tpu.memory_space<vmem>>) semaphore(%arg16 : memref<!tpu.dma_semaphore, #tpu.memory_space<semaphore_mem>>)
    %scan3A_107 = arith.constant 0 : i32
    %scan3A_108 = arith.constant 10 : i32
    %scan3A_109 = arith.addi %scan3A_107, %scan3A_108 : i32
    %scan3A_110 = arith.constant 1 : i32
    scf.for %scan3A_278 = %scan3A_107 to %scan3A_109 step %scan3A_110  : i32 {
      %mul3A_279 = arith.constant 4 : i32
      %mul3A_280 = arith.muli %scan3A_278, %mul3A_279 : i32
      %add3A_281 = arith.constant 0 : i32
      %add3A_282 = arith.addi %add3A_281, %mul3A_280 : i32
      %add3A_283 = arith.constant 0 : i32
      %add3A_284 = arith.addi %add3A_282, %add3A_283 : i32
      %mul3A_285 = arith.constant 64 : i32
      %mul3A_286 = arith.muli %add3A_284, %mul3A_285 : i32
      %dma_wait3A_287 = arith.constant 0 : i32
      %dma_wait3A_288 = arith.constant 0 : i32
      %dma_wait3A_289 = tpu.memref_slice %arg9[%dma_wait3A_287, %dma_wait3A_288] : memref<128x128xf32, #tpu.memory_space<vmem>> -> memref<64x128xf32, #tpu.memory_space<vmem>>
      %dma_wait3A_290 = tpu.memref_slice %arg7[%mul3A_286] : memref<2560xi32, #tpu.memory_space<vmem>> -> memref<64xi32, #tpu.memory_space<vmem>>
      %dma_wait3A_291 = arith.constant 0 : i32
      %dma_wait3A_292 = arith.constant 0 : i32
      %dma_wait3A_293 = tpu.memref_slice %arg2[%dma_wait3A_291, %dma_wait3A_292] : memref<10000x128xf32, #tpu.memory_space<hbm>> -> memref<10000x128xf32, #tpu.memory_space<hbm>>
      tpu.wait_indirect_dma semaphore(%arg13 : memref<!tpu.dma_semaphore, #tpu.memory_space<semaphore_mem>>) src(%dma_wait3A_293 : memref<10000x128xf32, #tpu.memory_space<hbm>>) dst(%dma_wait3A_289 : memref<64x128xf32, #tpu.memory_space<vmem>>)
      %add3A_294 = arith.constant 0 : i32
      %add3A_295 = arith.addi %add3A_282, %add3A_294 : i32
      %mul3A_296 = arith.constant 64 : i32
      %mul3A_297 = arith.muli %add3A_295, %mul3A_296 : i32
      %dma_start3A_298 = arith.constant 0 : i32
      %dma_start3A_299 = arith.constant 0 : i32
      %dma_start3A_300 = tpu.memref_slice %arg9[%dma_start3A_298, %dma_start3A_299] : memref<128x128xf32, #tpu.memory_space<vmem>> -> memref<64x128xf32, #tpu.memory_space<vmem>>
      %dma_start3A_301 = tpu.memref_slice %arg8[%mul3A_297] : memref<2560xi32, #tpu.memory_space<vmem>> -> memref<64xi32, #tpu.memory_space<vmem>>
      %dma_start3A_302 = arith.constant 0 : i32
      %dma_start3A_303 = arith.constant 0 : i32
      %dma_start3A_304 = tpu.memref_slice %arg12[%dma_start3A_302, %dma_start3A_303] : memref<10240x128xf32, #tpu.memory_space<vmem_shared>> -> memref<10240x128xf32, #tpu.memory_space<vmem_shared>>
      tpu.enqueue_indirect_dma source(%dma_start3A_300 : memref<64x128xf32, #tpu.memory_space<vmem>>) target(%dma_start3A_304 : memref<10240x128xf32, #tpu.memory_space<vmem_shared>>) offsets(%dma_start3A_301 : memref<64xi32, #tpu.memory_space<vmem>>) semaphore(%arg17 : memref<!tpu.dma_semaphore, #tpu.memory_space<semaphore_mem>>) {add = true}
      %add3A_305 = arith.constant 1 : i32
      %add3A_306 = arith.addi %add3A_282, %add3A_305 : i32
      %mul3A_307 = arith.constant 64 : i32
      %mul3A_308 = arith.muli %add3A_306, %mul3A_307 : i32
      %dma_wait3A_309 = arith.constant 64 : i32
      %dma_wait3A_310 = arith.constant 0 : i32
      %dma_wait3A_311 = tpu.memref_slice %arg9[%dma_wait3A_309, %dma_wait3A_310] : memref<128x128xf32, #tpu.memory_space<vmem>> -> memref<64x128xf32, #tpu.memory_space<vmem>>
      %dma_wait3A_312 = tpu.memref_slice %arg7[%mul3A_308] : memref<2560xi32, #tpu.memory_space<vmem>> -> memref<64xi32, #tpu.memory_space<vmem>>
      %dma_wait3A_313 = arith.constant 0 : i32
      %dma_wait3A_314 = arith.constant 0 : i32
      %dma_wait3A_315 = tpu.memref_slice %arg2[%dma_wait3A_313, %dma_wait3A_314] : memref<10000x128xf32, #tpu.memory_space<hbm>> -> memref<10000x128xf32, #tpu.memory_space<hbm>>
      tpu.wait_indirect_dma semaphore(%arg14 : memref<!tpu.dma_semaphore, #tpu.memory_space<semaphore_mem>>) src(%dma_wait3A_315 : memref<10000x128xf32, #tpu.memory_space<hbm>>) dst(%dma_wait3A_311 : memref<64x128xf32, #tpu.memory_space<vmem>>)
      %add3A_316 = arith.constant 1 : i32
      %add3A_317 = arith.addi %add3A_282, %add3A_316 : i32
      %mul3A_318 = arith.constant 64 : i32
      %mul3A_319 = arith.muli %add3A_317, %mul3A_318 : i32
      %dma_start3A_320 = arith.constant 64 : i32
      %dma_start3A_321 = arith.constant 0 : i32
      %dma_start3A_322 = tpu.memref_slice %arg9[%dma_start3A_320, %dma_start3A_321] : memref<128x128xf32, #tpu.memory_space<vmem>> -> memref<64x128xf32, #tpu.memory_space<vmem>>
      %dma_start3A_323 = tpu.memref_slice %arg8[%mul3A_319] : memref<2560xi32, #tpu.memory_space<vmem>> -> memref<64xi32, #tpu.memory_space<vmem>>
      %dma_start3A_324 = arith.constant 0 : i32
      %dma_start3A_325 = arith.constant 0 : i32
      %dma_start3A_326 = tpu.memref_slice %arg12[%dma_start3A_324, %dma_start3A_325] : memref<10240x128xf32, #tpu.memory_space<vmem_shared>> -> memref<10240x128xf32, #tpu.memory_space<vmem_shared>>
      tpu.enqueue_indirect_dma source(%dma_start3A_322 : memref<64x128xf32, #tpu.memory_space<vmem>>) target(%dma_start3A_326 : memref<10240x128xf32, #tpu.memory_space<vmem_shared>>) offsets(%dma_start3A_323 : memref<64xi32, #tpu.memory_space<vmem>>) semaphore(%arg18 : memref<!tpu.dma_semaphore, #tpu.memory_space<semaphore_mem>>) {add = true}
      %add3A_327 = arith.constant 2 : i32
      %add3A_328 = arith.addi %add3A_282, %add3A_327 : i32
      %mul3A_329 = arith.constant 64 : i32
      %mul3A_330 = arith.muli %add3A_328, %mul3A_329 : i32
      %dma_wait3A_331 = tpu.memref_slice %arg7[%mul3A_330] : memref<2560xi32, #tpu.memory_space<vmem>> -> memref<64xi32, #tpu.memory_space<vmem>>
      %dma_wait3A_332 = arith.constant 0 : i32
      %dma_wait3A_333 = arith.constant 0 : i32
      %dma_wait3A_334 = tpu.memref_slice %arg2[%dma_wait3A_332, %dma_wait3A_333] : memref<10000x128xf32, #tpu.memory_space<hbm>> -> memref<10000x128xf32, #tpu.memory_space<hbm>>
      tpu.wait_indirect_dma semaphore(%arg15 : memref<!tpu.dma_semaphore, #tpu.memory_space<semaphore_mem>>) src(%dma_wait3A_334 : memref<10000x128xf32, #tpu.memory_space<hbm>>) dst(%arg10 : memref<64x128xf32, #tpu.memory_space<vmem>>)
      %add3A_335 = arith.constant 2 : i32
      %add3A_336 = arith.addi %add3A_282, %add3A_335 : i32
      %mul3A_337 = arith.constant 64 : i32
      %mul3A_338 = arith.muli %add3A_336, %mul3A_337 : i32
      %dma_start3A_339 = tpu.memref_slice %arg8[%mul3A_338] : memref<2560xi32, #tpu.memory_space<vmem>> -> memref<64xi32, #tpu.memory_space<vmem>>
      %dma_start3A_340 = arith.constant 0 : i32
      %dma_start3A_341 = arith.constant 0 : i32
      %dma_start3A_342 = tpu.memref_slice %arg12[%dma_start3A_340, %dma_start3A_341] : memref<10240x128xf32, #tpu.memory_space<vmem_shared>> -> memref<10240x128xf32, #tpu.memory_space<vmem_shared>>
      tpu.enqueue_indirect_dma source(%arg10 : memref<64x128xf32, #tpu.memory_space<vmem>>) target(%dma_start3A_342 : memref<10240x128xf32, #tpu.memory_space<vmem_shared>>) offsets(%dma_start3A_339 : memref<64xi32, #tpu.memory_space<vmem>>) semaphore(%arg19 : memref<!tpu.dma_semaphore, #tpu.memory_space<semaphore_mem>>) {add = true}
      %add3A_343 = arith.constant 3 : i32
      %add3A_344 = arith.addi %add3A_282, %add3A_343 : i32
      %mul3A_345 = arith.constant 64 : i32
      %mul3A_346 = arith.muli %add3A_344, %mul3A_345 : i32
      %dma_wait3A_347 = tpu.memref_slice %arg7[%mul3A_346] : memref<2560xi32, #tpu.memory_space<vmem>> -> memref<64xi32, #tpu.memory_space<vmem>>
      %dma_wait3A_348 = arith.constant 0 : i32
      %dma_wait3A_349 = arith.constant 0 : i32
      %dma_wait3A_350 = tpu.memref_slice %arg2[%dma_wait3A_348, %dma_wait3A_349] : memref<10000x128xf32, #tpu.memory_space<hbm>> -> memref<10000x128xf32, #tpu.memory_space<hbm>>
      tpu.wait_indirect_dma semaphore(%arg16 : memref<!tpu.dma_semaphore, #tpu.memory_space<semaphore_mem>>) src(%dma_wait3A_350 : memref<10000x128xf32, #tpu.memory_space<hbm>>) dst(%arg11 : memref<64x128xf32, #tpu.memory_space<vmem>>)
      %add3A_351 = arith.constant 3 : i32
      %add3A_352 = arith.addi %add3A_282, %add3A_351 : i32
      %mul3A_353 = arith.constant 64 : i32
      %mul3A_354 = arith.muli %add3A_352, %mul3A_353 : i32
      %dma_start3A_355 = tpu.memref_slice %arg8[%mul3A_354] : memref<2560xi32, #tpu.memory_space<vmem>> -> memref<64xi32, #tpu.memory_space<vmem>>
      %dma_start3A_356 = arith.constant 0 : i32
      %dma_start3A_357 = arith.constant 0 : i32
      %dma_start3A_358 = tpu.memref_slice %arg12[%dma_start3A_356, %dma_start3A_357] : memref<10240x128xf32, #tpu.memory_space<vmem_shared>> -> memref<10240x128xf32, #tpu.memory_space<vmem_shared>>
      tpu.enqueue_indirect_dma source(%arg11 : memref<64x128xf32, #tpu.memory_space<vmem>>) target(%dma_start3A_358 : memref<10240x128xf32, #tpu.memory_space<vmem_shared>>) offsets(%dma_start3A_355 : memref<64xi32, #tpu.memory_space<vmem>>) semaphore(%arg20 : memref<!tpu.dma_semaphore, #tpu.memory_space<semaphore_mem>>) {add = true}
      %add3A_359 = arith.constant 4 : i32
      %add3A_360 = arith.addi %add3A_282, %add3A_359 : i32
      %add3A_361 = arith.constant 0 : i32
      %add3A_362 = arith.addi %add3A_360, %add3A_361 : i32
      %lt3A = arith.constant 40 : i32
      %lt3A_363 = arith.cmpi slt, %add3A_362, %lt3A : i32
      %convert_element_type3A_364 = arith.extui %lt3A_363 : i1 to i32
      %cond3A_365 = arith.constant 0 : i32
      %cond3A_366 = arith.cmpi ne, %convert_element_type3A_364, %cond3A_365 : i32
      scf.if %cond3A_366 {
        %add3A_394 = arith.constant 0 : i32
        %add3A_395 = arith.addi %add3A_282, %add3A_394 : i32
        %mul3A_396 = arith.constant 64 : i32
        %mul3A_397 = arith.muli %add3A_395, %mul3A_396 : i32
        %dma_wait3A_398 = arith.constant 0 : i32
        %dma_wait3A_399 = arith.constant 0 : i32
        %dma_wait3A_400 = tpu.memref_slice %arg9[%dma_wait3A_398, %dma_wait3A_399] : memref<128x128xf32, #tpu.memory_space<vmem>> -> memref<64x128xf32, #tpu.memory_space<vmem>>
        %dma_wait3A_401 = tpu.memref_slice %arg8[%mul3A_397] : memref<2560xi32, #tpu.memory_space<vmem>> -> memref<64xi32, #tpu.memory_space<vmem>>
        %dma_wait3A_402 = arith.constant 0 : i32
        %dma_wait3A_403 = arith.constant 0 : i32
        %dma_wait3A_404 = tpu.memref_slice %arg12[%dma_wait3A_402, %dma_wait3A_403] : memref<10240x128xf32, #tpu.memory_space<vmem_shared>> -> memref<10240x128xf32, #tpu.memory_space<vmem_shared>>
        tpu.wait_indirect_dma semaphore(%arg17 : memref<!tpu.dma_semaphore, #tpu.memory_space<semaphore_mem>>) src(%dma_wait3A_400 : memref<64x128xf32, #tpu.memory_space<vmem>>) dst(%dma_wait3A_404 : memref<10240x128xf32, #tpu.memory_space<vmem_shared>>)
        %add3A_405 = arith.constant 4 : i32
        %add3A_406 = arith.addi %add3A_282, %add3A_405 : i32
        %add3A_407 = arith.constant 0 : i32
        %add3A_408 = arith.addi %add3A_406, %add3A_407 : i32
        %mul3A_409 = arith.constant 64 : i32
        %mul3A_410 = arith.muli %add3A_408, %mul3A_409 : i32
        %dma_start3A_411 = arith.constant 0 : i32
        %dma_start3A_412 = arith.constant 0 : i32
        %dma_start3A_413 = tpu.memref_slice %arg9[%dma_start3A_411, %dma_start3A_412] : memref<128x128xf32, #tpu.memory_space<vmem>> -> memref<64x128xf32, #tpu.memory_space<vmem>>
        %dma_start3A_414 = tpu.memref_slice %arg7[%mul3A_410] : memref<2560xi32, #tpu.memory_space<vmem>> -> memref<64xi32, #tpu.memory_space<vmem>>
        %dma_start3A_415 = arith.constant 0 : i32
        %dma_start3A_416 = arith.constant 0 : i32
        %dma_start3A_417 = tpu.memref_slice %arg2[%dma_start3A_415, %dma_start3A_416] : memref<10000x128xf32, #tpu.memory_space<hbm>> -> memref<10000x128xf32, #tpu.memory_space<hbm>>
        tpu.enqueue_indirect_dma source(%dma_start3A_417 : memref<10000x128xf32, #tpu.memory_space<hbm>>) target(%dma_start3A_413 : memref<64x128xf32, #tpu.memory_space<vmem>>) offsets(%dma_start3A_414 : memref<64xi32, #tpu.memory_space<vmem>>) semaphore(%arg13 : memref<!tpu.dma_semaphore, #tpu.memory_space<semaphore_mem>>)
      } else {
      }
      %add3A_367 = arith.constant 4 : i32
      %add3A_368 = arith.addi %add3A_282, %add3A_367 : i32
      %add3A_369 = arith.constant 1 : i32
      %add3A_370 = arith.addi %add3A_368, %add3A_369 : i32
      %lt3A_371 = arith.constant 40 : i32
      %lt3A_372 = arith.cmpi slt, %add3A_370, %lt3A_371 : i32
      %convert_element_type3A_373 = arith.extui %lt3A_372 : i1 to i32
      %cond3A_374 = arith.constant 0 : i32
      %cond3A_375 = arith.cmpi ne, %convert_element_type3A_373, %cond3A_374 : i32
      scf.if %cond3A_375 {
        %add3A_394 = arith.constant 1 : i32
        %add3A_395 = arith.addi %add3A_282, %add3A_394 : i32
        %mul3A_396 = arith.constant 64 : i32
        %mul3A_397 = arith.muli %add3A_395, %mul3A_396 : i32
        %dma_wait3A_398 = arith.constant 64 : i32
        %dma_wait3A_399 = arith.constant 0 : i32
        %dma_wait3A_400 = tpu.memref_slice %arg9[%dma_wait3A_398, %dma_wait3A_399] : memref<128x128xf32, #tpu.memory_space<vmem>> -> memref<64x128xf32, #tpu.memory_space<vmem>>
        %dma_wait3A_401 = tpu.memref_slice %arg8[%mul3A_397] : memref<2560xi32, #tpu.memory_space<vmem>> -> memref<64xi32, #tpu.memory_space<vmem>>
        %dma_wait3A_402 = arith.constant 0 : i32
        %dma_wait3A_403 = arith.constant 0 : i32
        %dma_wait3A_404 = tpu.memref_slice %arg12[%dma_wait3A_402, %dma_wait3A_403] : memref<10240x128xf32, #tpu.memory_space<vmem_shared>> -> memref<10240x128xf32, #tpu.memory_space<vmem_shared>>
        tpu.wait_indirect_dma semaphore(%arg18 : memref<!tpu.dma_semaphore, #tpu.memory_space<semaphore_mem>>) src(%dma_wait3A_400 : memref<64x128xf32, #tpu.memory_space<vmem>>) dst(%dma_wait3A_404 : memref<10240x128xf32, #tpu.memory_space<vmem_shared>>)
        %add3A_405 = arith.constant 4 : i32
        %add3A_406 = arith.addi %add3A_282, %add3A_405 : i32
        %add3A_407 = arith.constant 1 : i32
        %add3A_408 = arith.addi %add3A_406, %add3A_407 : i32
        %mul3A_409 = arith.constant 64 : i32
        %mul3A_410 = arith.muli %add3A_408, %mul3A_409 : i32
        %dma_start3A_411 = arith.constant 64 : i32
        %dma_start3A_412 = arith.constant 0 : i32
        %dma_start3A_413 = tpu.memref_slice %arg9[%dma_start3A_411, %dma_start3A_412] : memref<128x128xf32, #tpu.memory_space<vmem>> -> memref<64x128xf32, #tpu.memory_space<vmem>>
        %dma_start3A_414 = tpu.memref_slice %arg7[%mul3A_410] : memref<2560xi32, #tpu.memory_space<vmem>> -> memref<64xi32, #tpu.memory_space<vmem>>
        %dma_start3A_415 = arith.constant 0 : i32
        %dma_start3A_416 = arith.constant 0 : i32
        %dma_start3A_417 = tpu.memref_slice %arg2[%dma_start3A_415, %dma_start3A_416] : memref<10000x128xf32, #tpu.memory_space<hbm>> -> memref<10000x128xf32, #tpu.memory_space<hbm>>
        tpu.enqueue_indirect_dma source(%dma_start3A_417 : memref<10000x128xf32, #tpu.memory_space<hbm>>) target(%dma_start3A_413 : memref<64x128xf32, #tpu.memory_space<vmem>>) offsets(%dma_start3A_414 : memref<64xi32, #tpu.memory_space<vmem>>) semaphore(%arg14 : memref<!tpu.dma_semaphore, #tpu.memory_space<semaphore_mem>>)
      } else {
      }
      %add3A_376 = arith.constant 4 : i32
      %add3A_377 = arith.addi %add3A_282, %add3A_376 : i32
      %add3A_378 = arith.constant 2 : i32
      %add3A_379 = arith.addi %add3A_377, %add3A_378 : i32
      %lt3A_380 = arith.constant 40 : i32
      %lt3A_381 = arith.cmpi slt, %add3A_379, %lt3A_380 : i32
      %convert_element_type3A_382 = arith.extui %lt3A_381 : i1 to i32
      %cond3A_383 = arith.constant 0 : i32
      %cond3A_384 = arith.cmpi ne, %convert_element_type3A_382, %cond3A_383 : i32
      scf.if %cond3A_384 {
        %add3A_394 = arith.constant 2 : i32
        %add3A_395 = arith.addi %add3A_282, %add3A_394 : i32
        %mul3A_396 = arith.constant 64 : i32
        %mul3A_397 = arith.muli %add3A_395, %mul3A_396 : i32
        %dma_wait3A_398 = tpu.memref_slice %arg8[%mul3A_397] : memref<2560xi32, #tpu.memory_space<vmem>> -> memref<64xi32, #tpu.memory_space<vmem>>
        %dma_wait3A_399 = arith.constant 0 : i32
        %dma_wait3A_400 = arith.constant 0 : i32
        %dma_wait3A_401 = tpu.memref_slice %arg12[%dma_wait3A_399, %dma_wait3A_400] : memref<10240x128xf32, #tpu.memory_space<vmem_shared>> -> memref<10240x128xf32, #tpu.memory_space<vmem_shared>>
        tpu.wait_indirect_dma semaphore(%arg19 : memref<!tpu.dma_semaphore, #tpu.memory_space<semaphore_mem>>) src(%arg10 : memref<64x128xf32, #tpu.memory_space<vmem>>) dst(%dma_wait3A_401 : memref<10240x128xf32, #tpu.memory_space<vmem_shared>>)
        %add3A_402 = arith.constant 4 : i32
        %add3A_403 = arith.addi %add3A_282, %add3A_402 : i32
        %add3A_404 = arith.constant 2 : i32
        %add3A_405 = arith.addi %add3A_403, %add3A_404 : i32
        %mul3A_406 = arith.constant 64 : i32
        %mul3A_407 = arith.muli %add3A_405, %mul3A_406 : i32
        %dma_start3A_408 = tpu.memref_slice %arg7[%mul3A_407] : memref<2560xi32, #tpu.memory_space<vmem>> -> memref<64xi32, #tpu.memory_space<vmem>>
        %dma_start3A_409 = arith.constant 0 : i32
        %dma_start3A_410 = arith.constant 0 : i32
        %dma_start3A_411 = tpu.memref_slice %arg2[%dma_start3A_409, %dma_start3A_410] : memref<10000x128xf32, #tpu.memory_space<hbm>> -> memref<10000x128xf32, #tpu.memory_space<hbm>>
        tpu.enqueue_indirect_dma source(%dma_start3A_411 : memref<10000x128xf32, #tpu.memory_space<hbm>>) target(%arg10 : memref<64x128xf32, #tpu.memory_space<vmem>>) offsets(%dma_start3A_408 : memref<64xi32, #tpu.memory_space<vmem>>) semaphore(%arg15 : memref<!tpu.dma_semaphore, #tpu.memory_space<semaphore_mem>>)
      } else {
      }
      %add3A_385 = arith.constant 4 : i32
      %add3A_386 = arith.addi %add3A_282, %add3A_385 : i32
      %add3A_387 = arith.constant 3 : i32
      %add3A_388 = arith.addi %add3A_386, %add3A_387 : i32
      %lt3A_389 = arith.constant 40 : i32
      %lt3A_390 = arith.cmpi slt, %add3A_388, %lt3A_389 : i32
      %convert_element_type3A_391 = arith.extui %lt3A_390 : i1 to i32
      %cond3A_392 = arith.constant 0 : i32
      %cond3A_393 = arith.cmpi ne, %convert_element_type3A_391, %cond3A_392 : i32
      scf.if %cond3A_393 {
        %add3A_394 = arith.constant 3 : i32
        %add3A_395 = arith.addi %add3A_282, %add3A_394 : i32
        %mul3A_396 = arith.constant 64 : i32
        %mul3A_397 = arith.muli %add3A_395, %mul3A_396 : i32
        %dma_wait3A_398 = tpu.memref_slice %arg8[%mul3A_397] : memref<2560xi32, #tpu.memory_space<vmem>> -> memref<64xi32, #tpu.memory_space<vmem>>
        %dma_wait3A_399 = arith.constant 0 : i32
        %dma_wait3A_400 = arith.constant 0 : i32
        %dma_wait3A_401 = tpu.memref_slice %arg12[%dma_wait3A_399, %dma_wait3A_400] : memref<10240x128xf32, #tpu.memory_space<vmem_shared>> -> memref<10240x128xf32, #tpu.memory_space<vmem_shared>>
        tpu.wait_indirect_dma semaphore(%arg20 : memref<!tpu.dma_semaphore, #tpu.memory_space<semaphore_mem>>) src(%arg11 : memref<64x128xf32, #tpu.memory_space<vmem>>) dst(%dma_wait3A_401 : memref<10240x128xf32, #tpu.memory_space<vmem_shared>>)
        %add3A_402 = arith.constant 4 : i32
        %add3A_403 = arith.addi %add3A_282, %add3A_402 : i32
        %add3A_404 = arith.constant 3 : i32
        %add3A_405 = arith.addi %add3A_403, %add3A_404 : i32
        %mul3A_406 = arith.constant 64 : i32
        %mul3A_407 = arith.muli %add3A_405, %mul3A_406 : i32
        %dma_start3A_408 = tpu.memref_slice %arg7[%mul3A_407] : memref<2560xi32, #tpu.memory_space<vmem>> -> memref<64xi32, #tpu.memory_space<vmem>>
        %dma_start3A_409 = arith.constant 0 : i32
        %dma_start3A_410 = arith.constant 0 : i32
        %dma_start3A_411 = tpu.memref_slice %arg2[%dma_start3A_409, %dma_start3A_410] : memref<10000x128xf32, #tpu.memory_space<hbm>> -> memref<10000x128xf32, #tpu.memory_space<hbm>>
        tpu.enqueue_indirect_dma source(%dma_start3A_411 : memref<10000x128xf32, #tpu.memory_space<hbm>>) target(%arg11 : memref<64x128xf32, #tpu.memory_space<vmem>>) offsets(%dma_start3A_408 : memref<64xi32, #tpu.memory_space<vmem>>) semaphore(%arg16 : memref<!tpu.dma_semaphore, #tpu.memory_space<semaphore_mem>>)
      } else {
      }
    }
    %scan3A_111 = arith.constant 10 : i32
    %dma_wait3A_112 = arith.constant 0 : i32
    %dma_wait3A_113 = arith.constant 0 : i32
    %dma_wait3A_114 = tpu.memref_slice %arg9[%dma_wait3A_112, %dma_wait3A_113] : memref<128x128xf32, #tpu.memory_space<vmem>> -> memref<64x128xf32, #tpu.memory_space<vmem>>
    %dma_wait3A_115 = arith.constant 2304 : i32
    %dma_wait3A_116 = tpu.memref_slice %arg8[%dma_wait3A_115] : memref<2560xi32, #tpu.memory_space<vmem>> -> memref<64xi32, #tpu.memory_space<vmem>>
    %dma_wait3A_117 = arith.constant 0 : i32
    %dma_wait3A_118 = arith.constant 0 : i32
    %dma_wait3A_119 = tpu.memref_slice %arg12[%dma_wait3A_117, %dma_wait3A_118] : memref<10240x128xf32, #tpu.memory_space<vmem_shared>> -> memref<10240x128xf32, #tpu.memory_space<vmem_shared>>
    tpu.wait_indirect_dma semaphore(%arg17 : memref<!tpu.dma_semaphore, #tpu.memory_space<semaphore_mem>>) src(%dma_wait3A_114 : memref<64x128xf32, #tpu.memory_space<vmem>>) dst(%dma_wait3A_119 : memref<10240x128xf32, #tpu.memory_space<vmem_shared>>)
    %dma_wait3A_120 = arith.constant 64 : i32
    %dma_wait3A_121 = arith.constant 0 : i32
    %dma_wait3A_122 = tpu.memref_slice %arg9[%dma_wait3A_120, %dma_wait3A_121] : memref<128x128xf32, #tpu.memory_space<vmem>> -> memref<64x128xf32, #tpu.memory_space<vmem>>
    %dma_wait3A_123 = arith.constant 2368 : i32
    %dma_wait3A_124 = tpu.memref_slice %arg8[%dma_wait3A_123] : memref<2560xi32, #tpu.memory_space<vmem>> -> memref<64xi32, #tpu.memory_space<vmem>>
    %dma_wait3A_125 = arith.constant 0 : i32
    %dma_wait3A_126 = arith.constant 0 : i32
    %dma_wait3A_127 = tpu.memref_slice %arg12[%dma_wait3A_125, %dma_wait3A_126] : memref<10240x128xf32, #tpu.memory_space<vmem_shared>> -> memref<10240x128xf32, #tpu.memory_space<vmem_shared>>
    tpu.wait_indirect_dma semaphore(%arg18 : memref<!tpu.dma_semaphore, #tpu.memory_space<semaphore_mem>>) src(%dma_wait3A_122 : memref<64x128xf32, #tpu.memory_space<vmem>>) dst(%dma_wait3A_127 : memref<10240x128xf32, #tpu.memory_space<vmem_shared>>)
    %dma_wait3A_128 = arith.constant 2432 : i32
    %dma_wait3A_129 = tpu.memref_slice %arg8[%dma_wait3A_128] : memref<2560xi32, #tpu.memory_space<vmem>> -> memref<64xi32, #tpu.memory_space<vmem>>
    %dma_wait3A_130 = arith.constant 0 : i32
    %dma_wait3A_131 = arith.constant 0 : i32
    %dma_wait3A_132 = tpu.memref_slice %arg12[%dma_wait3A_130, %dma_wait3A_131] : memref<10240x128xf32, #tpu.memory_space<vmem_shared>> -> memref<10240x128xf32, #tpu.memory_space<vmem_shared>>
    tpu.wait_indirect_dma semaphore(%arg19 : memref<!tpu.dma_semaphore, #tpu.memory_space<semaphore_mem>>) src(%arg10 : memref<64x128xf32, #tpu.memory_space<vmem>>) dst(%dma_wait3A_132 : memref<10240x128xf32, #tpu.memory_space<vmem_shared>>)
    %dma_wait3A_133 = arith.constant 2496 : i32
    %dma_wait3A_134 = tpu.memref_slice %arg8[%dma_wait3A_133] : memref<2560xi32, #tpu.memory_space<vmem>> -> memref<64xi32, #tpu.memory_space<vmem>>
    %dma_wait3A_135 = arith.constant 0 : i32
    %dma_wait3A_136 = arith.constant 0 : i32
    %dma_wait3A_137 = tpu.memref_slice %arg12[%dma_wait3A_135, %dma_wait3A_136] : memref<10240x128xf32, #tpu.memory_space<vmem_shared>> -> memref<10240x128xf32, #tpu.memory_space<vmem_shared>>
    tpu.wait_indirect_dma semaphore(%arg20 : memref<!tpu.dma_semaphore, #tpu.memory_space<semaphore_mem>>) src(%arg11 : memref<64x128xf32, #tpu.memory_space<vmem>>) dst(%dma_wait3A_137 : memref<10240x128xf32, #tpu.memory_space<vmem_shared>>)
    %mul3A_138 = arith.constant 160 : i32
    %mul3A_139 = arith.muli %add3A, %mul3A_138 : i32
    %add3A_140 = arith.constant 80 : i32
    %add3A_141 = arith.addi %mul3A_139, %add3A_140 : i32
    %mul3A_142 = arith.constant 64 : i32
    %mul3A_143 = arith.muli %add3A_141, %mul3A_142 : i32
    "tpu.region"() ({
      %run_scoped3A = tpu.sem_alloc : memref<!tpu.dma_semaphore, #tpu.memory_space<semaphore_mem>>
      %dma_start3A_278 = tpu.memref_slice %arg3[%mul3A_143] : memref<327680xi32, #tpu.memory_space<hbm>> -> memref<2560xi32, #tpu.memory_space<hbm>>
      %dma_start3A_279 = tpu.memref_slice %arg3[%mul3A_143] : memref<327680xi32, #tpu.memory_space<hbm>> -> memref<2560xi32, #tpu.memory_space<hbm>>
      tpu.enqueue_dma source(%dma_start3A_279 : memref<2560xi32, #tpu.memory_space<hbm>>) target(%arg7 : memref<2560xi32, #tpu.memory_space<vmem>>) target_semaphore(%run_scoped3A : memref<!tpu.dma_semaphore, #tpu.memory_space<semaphore_mem>>)
      %dma_wait3A_280 = tpu.memref_slice %arg3[%mul3A_143] : memref<327680xi32, #tpu.memory_space<hbm>> -> memref<2560xi32, #tpu.memory_space<hbm>>
      %dma_wait3A_281 = tpu.memref_slice %arg3[%mul3A_143] : memref<327680xi32, #tpu.memory_space<hbm>> -> memref<2560xi32, #tpu.memory_space<hbm>>
      tpu.wait_dma2 semaphore(%run_scoped3A : memref<!tpu.dma_semaphore, #tpu.memory_space<semaphore_mem>>) src(%dma_wait3A_281 : memref<2560xi32, #tpu.memory_space<hbm>>) dst(%arg7 : memref<2560xi32, #tpu.memory_space<vmem>>)
      tpu.yield
    }) : () -> ()
    %mul3A_144 = arith.constant 64 : i32
    %mul3A_145 = arith.muli %add3A_141, %mul3A_144 : i32
    "tpu.region"() ({
      %run_scoped3A = tpu.sem_alloc : memref<!tpu.dma_semaphore, #tpu.memory_space<semaphore_mem>>
      %dma_start3A_278 = tpu.memref_slice %arg4[%mul3A_145] : memref<327680xi32, #tpu.memory_space<hbm>> -> memref<2560xi32, #tpu.memory_space<hbm>>
      %dma_start3A_279 = tpu.memref_slice %arg4[%mul3A_145] : memref<327680xi32, #tpu.memory_space<hbm>> -> memref<2560xi32, #tpu.memory_space<hbm>>
      tpu.enqueue_dma source(%dma_start3A_279 : memref<2560xi32, #tpu.memory_space<hbm>>) target(%arg8 : memref<2560xi32, #tpu.memory_space<vmem>>) target_semaphore(%run_scoped3A : memref<!tpu.dma_semaphore, #tpu.memory_space<semaphore_mem>>)
      %dma_wait3A_280 = tpu.memref_slice %arg4[%mul3A_145] : memref<327680xi32, #tpu.memory_space<hbm>> -> memref<2560xi32, #tpu.memory_space<hbm>>
      %dma_wait3A_281 = tpu.memref_slice %arg4[%mul3A_145] : memref<327680xi32, #tpu.memory_space<hbm>> -> memref<2560xi32, #tpu.memory_space<hbm>>
      tpu.wait_dma2 semaphore(%run_scoped3A : memref<!tpu.dma_semaphore, #tpu.memory_space<semaphore_mem>>) src(%dma_wait3A_281 : memref<2560xi32, #tpu.memory_space<hbm>>) dst(%arg8 : memref<2560xi32, #tpu.memory_space<vmem>>)
      tpu.yield
    }) : () -> ()
    %dma_start3A_146 = arith.constant 0 : i32
    %dma_start3A_147 = arith.constant 0 : i32
    %dma_start3A_148 = tpu.memref_slice %arg9[%dma_start3A_146, %dma_start3A_147] : memref<128x128xf32, #tpu.memory_space<vmem>> -> memref<64x128xf32, #tpu.memory_space<vmem>>
    %dma_start3A_149 = arith.constant 0 : i32
    %dma_start3A_150 = tpu.memref_slice %arg7[%dma_start3A_149] : memref<2560xi32, #tpu.memory_space<vmem>> -> memref<64xi32, #tpu.memory_space<vmem>>
    %dma_start3A_151 = arith.constant 0 : i32
    %dma_start3A_152 = arith.constant 0 : i32
    %dma_start3A_153 = tpu.memref_slice %arg2[%dma_start3A_151, %dma_start3A_152] : memref<10000x128xf32, #tpu.memory_space<hbm>> -> memref<10000x128xf32, #tpu.memory_space<hbm>>
    tpu.enqueue_indirect_dma source(%dma_start3A_153 : memref<10000x128xf32, #tpu.memory_space<hbm>>) target(%dma_start3A_148 : memref<64x128xf32, #tpu.memory_space<vmem>>) offsets(%dma_start3A_150 : memref<64xi32, #tpu.memory_space<vmem>>) semaphore(%arg13 : memref<!tpu.dma_semaphore, #tpu.memory_space<semaphore_mem>>)
    %dma_start3A_154 = arith.constant 64 : i32
    %dma_start3A_155 = arith.constant 0 : i32
    %dma_start3A_156 = tpu.memref_slice %arg9[%dma_start3A_154, %dma_start3A_155] : memref<128x128xf32, #tpu.memory_space<vmem>> -> memref<64x128xf32, #tpu.memory_space<vmem>>
    %dma_start3A_157 = arith.constant 64 : i32
    %dma_start3A_158 = tpu.memref_slice %arg7[%dma_start3A_157] : memref<2560xi32, #tpu.memory_space<vmem>> -> memref<64xi32, #tpu.memory_space<vmem>>
    %dma_start3A_159 = arith.constant 0 : i32
    %dma_start3A_160 = arith.constant 0 : i32
    %dma_start3A_161 = tpu.memref_slice %arg2[%dma_start3A_159, %dma_start3A_160] : memref<10000x128xf32, #tpu.memory_space<hbm>> -> memref<10000x128xf32, #tpu.memory_space<hbm>>
    tpu.enqueue_indirect_dma source(%dma_start3A_161 : memref<10000x128xf32, #tpu.memory_space<hbm>>) target(%dma_start3A_156 : memref<64x128xf32, #tpu.memory_space<vmem>>) offsets(%dma_start3A_158 : memref<64xi32, #tpu.memory_space<vmem>>) semaphore(%arg14 : memref<!tpu.dma_semaphore, #tpu.memory_space<semaphore_mem>>)
    %dma_start3A_162 = arith.constant 128 : i32
    %dma_start3A_163 = tpu.memref_slice %arg7[%dma_start3A_162] : memref<2560xi32, #tpu.memory_space<vmem>> -> memref<64xi32, #tpu.memory_space<vmem>>
    %dma_start3A_164 = arith.constant 0 : i32
    %dma_start3A_165 = arith.constant 0 : i32
    %dma_start3A_166 = tpu.memref_slice %arg2[%dma_start3A_164, %dma_start3A_165] : memref<10000x128xf32, #tpu.memory_space<hbm>> -> memref<10000x128xf32, #tpu.memory_space<hbm>>
    tpu.enqueue_indirect_dma source(%dma_start3A_166 : memref<10000x128xf32, #tpu.memory_space<hbm>>) target(%arg10 : memref<64x128xf32, #tpu.memory_space<vmem>>) offsets(%dma_start3A_163 : memref<64xi32, #tpu.memory_space<vmem>>) semaphore(%arg15 : memref<!tpu.dma_semaphore, #tpu.memory_space<semaphore_mem>>)
    %dma_start3A_167 = arith.constant 192 : i32
    %dma_start3A_168 = tpu.memref_slice %arg7[%dma_start3A_167] : memref<2560xi32, #tpu.memory_space<vmem>> -> memref<64xi32, #tpu.memory_space<vmem>>
    %dma_start3A_169 = arith.constant 0 : i32
    %dma_start3A_170 = arith.constant 0 : i32
    %dma_start3A_171 = tpu.memref_slice %arg2[%dma_start3A_169, %dma_start3A_170] : memref<10000x128xf32, #tpu.memory_space<hbm>> -> memref<10000x128xf32, #tpu.memory_space<hbm>>
    tpu.enqueue_indirect_dma source(%dma_start3A_171 : memref<10000x128xf32, #tpu.memory_space<hbm>>) target(%arg11 : memref<64x128xf32, #tpu.memory_space<vmem>>) offsets(%dma_start3A_168 : memref<64xi32, #tpu.memory_space<vmem>>) semaphore(%arg16 : memref<!tpu.dma_semaphore, #tpu.memory_space<semaphore_mem>>)
    %scan3A_172 = arith.constant 0 : i32
    %scan3A_173 = arith.constant 10 : i32
    %scan3A_174 = arith.addi %scan3A_172, %scan3A_173 : i32
    %scan3A_175 = arith.constant 1 : i32
    scf.for %scan3A_278 = %scan3A_172 to %scan3A_174 step %scan3A_175  : i32 {
      %mul3A_279 = arith.constant 4 : i32
      %mul3A_280 = arith.muli %scan3A_278, %mul3A_279 : i32
      %add3A_281 = arith.constant 0 : i32
      %add3A_282 = arith.addi %add3A_281, %mul3A_280 : i32
      %add3A_283 = arith.constant 0 : i32
      %add3A_284 = arith.addi %add3A_282, %add3A_283 : i32
      %mul3A_285 = arith.constant 64 : i32
      %mul3A_286 = arith.muli %add3A_284, %mul3A_285 : i32
      %dma_wait3A_287 = arith.constant 0 : i32
      %dma_wait3A_288 = arith.constant 0 : i32
      %dma_wait3A_289 = tpu.memref_slice %arg9[%dma_wait3A_287, %dma_wait3A_288] : memref<128x128xf32, #tpu.memory_space<vmem>> -> memref<64x128xf32, #tpu.memory_space<vmem>>
      %dma_wait3A_290 = tpu.memref_slice %arg7[%mul3A_286] : memref<2560xi32, #tpu.memory_space<vmem>> -> memref<64xi32, #tpu.memory_space<vmem>>
      %dma_wait3A_291 = arith.constant 0 : i32
      %dma_wait3A_292 = arith.constant 0 : i32
      %dma_wait3A_293 = tpu.memref_slice %arg2[%dma_wait3A_291, %dma_wait3A_292] : memref<10000x128xf32, #tpu.memory_space<hbm>> -> memref<10000x128xf32, #tpu.memory_space<hbm>>
      tpu.wait_indirect_dma semaphore(%arg13 : memref<!tpu.dma_semaphore, #tpu.memory_space<semaphore_mem>>) src(%dma_wait3A_293 : memref<10000x128xf32, #tpu.memory_space<hbm>>) dst(%dma_wait3A_289 : memref<64x128xf32, #tpu.memory_space<vmem>>)
      %add3A_294 = arith.constant 0 : i32
      %add3A_295 = arith.addi %add3A_282, %add3A_294 : i32
      %mul3A_296 = arith.constant 64 : i32
      %mul3A_297 = arith.muli %add3A_295, %mul3A_296 : i32
      %dma_start3A_298 = arith.constant 0 : i32
      %dma_start3A_299 = arith.constant 0 : i32
      %dma_start3A_300 = tpu.memref_slice %arg9[%dma_start3A_298, %dma_start3A_299] : memref<128x128xf32, #tpu.memory_space<vmem>> -> memref<64x128xf32, #tpu.memory_space<vmem>>
      %dma_start3A_301 = tpu.memref_slice %arg8[%mul3A_297] : memref<2560xi32, #tpu.memory_space<vmem>> -> memref<64xi32, #tpu.memory_space<vmem>>
      %dma_start3A_302 = arith.constant 0 : i32
      %dma_start3A_303 = arith.constant 0 : i32
      %dma_start3A_304 = tpu.memref_slice %arg12[%dma_start3A_302, %dma_start3A_303] : memref<10240x128xf32, #tpu.memory_space<vmem_shared>> -> memref<10240x128xf32, #tpu.memory_space<vmem_shared>>
      tpu.enqueue_indirect_dma source(%dma_start3A_300 : memref<64x128xf32, #tpu.memory_space<vmem>>) target(%dma_start3A_304 : memref<10240x128xf32, #tpu.memory_space<vmem_shared>>) offsets(%dma_start3A_301 : memref<64xi32, #tpu.memory_space<vmem>>) semaphore(%arg17 : memref<!tpu.dma_semaphore, #tpu.memory_space<semaphore_mem>>) {add = true}
      %add3A_305 = arith.constant 1 : i32
      %add3A_306 = arith.addi %add3A_282, %add3A_305 : i32
      %mul3A_307 = arith.constant 64 : i32
      %mul3A_308 = arith.muli %add3A_306, %mul3A_307 : i32
      %dma_wait3A_309 = arith.constant 64 : i32
      %dma_wait3A_310 = arith.constant 0 : i32
      %dma_wait3A_311 = tpu.memref_slice %arg9[%dma_wait3A_309, %dma_wait3A_310] : memref<128x128xf32, #tpu.memory_space<vmem>> -> memref<64x128xf32, #tpu.memory_space<vmem>>
      %dma_wait3A_312 = tpu.memref_slice %arg7[%mul3A_308] : memref<2560xi32, #tpu.memory_space<vmem>> -> memref<64xi32, #tpu.memory_space<vmem>>
      %dma_wait3A_313 = arith.constant 0 : i32
      %dma_wait3A_314 = arith.constant 0 : i32
      %dma_wait3A_315 = tpu.memref_slice %arg2[%dma_wait3A_313, %dma_wait3A_314] : memref<10000x128xf32, #tpu.memory_space<hbm>> -> memref<10000x128xf32, #tpu.memory_space<hbm>>
      tpu.wait_indirect_dma semaphore(%arg14 : memref<!tpu.dma_semaphore, #tpu.memory_space<semaphore_mem>>) src(%dma_wait3A_315 : memref<10000x128xf32, #tpu.memory_space<hbm>>) dst(%dma_wait3A_311 : memref<64x128xf32, #tpu.memory_space<vmem>>)
      %add3A_316 = arith.constant 1 : i32
      %add3A_317 = arith.addi %add3A_282, %add3A_316 : i32
      %mul3A_318 = arith.constant 64 : i32
      %mul3A_319 = arith.muli %add3A_317, %mul3A_318 : i32
      %dma_start3A_320 = arith.constant 64 : i32
      %dma_start3A_321 = arith.constant 0 : i32
      %dma_start3A_322 = tpu.memref_slice %arg9[%dma_start3A_320, %dma_start3A_321] : memref<128x128xf32, #tpu.memory_space<vmem>> -> memref<64x128xf32, #tpu.memory_space<vmem>>
      %dma_start3A_323 = tpu.memref_slice %arg8[%mul3A_319] : memref<2560xi32, #tpu.memory_space<vmem>> -> memref<64xi32, #tpu.memory_space<vmem>>
      %dma_start3A_324 = arith.constant 0 : i32
      %dma_start3A_325 = arith.constant 0 : i32
      %dma_start3A_326 = tpu.memref_slice %arg12[%dma_start3A_324, %dma_start3A_325] : memref<10240x128xf32, #tpu.memory_space<vmem_shared>> -> memref<10240x128xf32, #tpu.memory_space<vmem_shared>>
      tpu.enqueue_indirect_dma source(%dma_start3A_322 : memref<64x128xf32, #tpu.memory_space<vmem>>) target(%dma_start3A_326 : memref<10240x128xf32, #tpu.memory_space<vmem_shared>>) offsets(%dma_start3A_323 : memref<64xi32, #tpu.memory_space<vmem>>) semaphore(%arg18 : memref<!tpu.dma_semaphore, #tpu.memory_space<semaphore_mem>>) {add = true}
      %add3A_327 = arith.constant 2 : i32
      %add3A_328 = arith.addi %add3A_282, %add3A_327 : i32
      %mul3A_329 = arith.constant 64 : i32
      %mul3A_330 = arith.muli %add3A_328, %mul3A_329 : i32
      %dma_wait3A_331 = tpu.memref_slice %arg7[%mul3A_330] : memref<2560xi32, #tpu.memory_space<vmem>> -> memref<64xi32, #tpu.memory_space<vmem>>
      %dma_wait3A_332 = arith.constant 0 : i32
      %dma_wait3A_333 = arith.constant 0 : i32
      %dma_wait3A_334 = tpu.memref_slice %arg2[%dma_wait3A_332, %dma_wait3A_333] : memref<10000x128xf32, #tpu.memory_space<hbm>> -> memref<10000x128xf32, #tpu.memory_space<hbm>>
      tpu.wait_indirect_dma semaphore(%arg15 : memref<!tpu.dma_semaphore, #tpu.memory_space<semaphore_mem>>) src(%dma_wait3A_334 : memref<10000x128xf32, #tpu.memory_space<hbm>>) dst(%arg10 : memref<64x128xf32, #tpu.memory_space<vmem>>)
      %add3A_335 = arith.constant 2 : i32
      %add3A_336 = arith.addi %add3A_282, %add3A_335 : i32
      %mul3A_337 = arith.constant 64 : i32
      %mul3A_338 = arith.muli %add3A_336, %mul3A_337 : i32
      %dma_start3A_339 = tpu.memref_slice %arg8[%mul3A_338] : memref<2560xi32, #tpu.memory_space<vmem>> -> memref<64xi32, #tpu.memory_space<vmem>>
      %dma_start3A_340 = arith.constant 0 : i32
      %dma_start3A_341 = arith.constant 0 : i32
      %dma_start3A_342 = tpu.memref_slice %arg12[%dma_start3A_340, %dma_start3A_341] : memref<10240x128xf32, #tpu.memory_space<vmem_shared>> -> memref<10240x128xf32, #tpu.memory_space<vmem_shared>>
      tpu.enqueue_indirect_dma source(%arg10 : memref<64x128xf32, #tpu.memory_space<vmem>>) target(%dma_start3A_342 : memref<10240x128xf32, #tpu.memory_space<vmem_shared>>) offsets(%dma_start3A_339 : memref<64xi32, #tpu.memory_space<vmem>>) semaphore(%arg19 : memref<!tpu.dma_semaphore, #tpu.memory_space<semaphore_mem>>) {add = true}
      %add3A_343 = arith.constant 3 : i32
      %add3A_344 = arith.addi %add3A_282, %add3A_343 : i32
      %mul3A_345 = arith.constant 64 : i32
      %mul3A_346 = arith.muli %add3A_344, %mul3A_345 : i32
      %dma_wait3A_347 = tpu.memref_slice %arg7[%mul3A_346] : memref<2560xi32, #tpu.memory_space<vmem>> -> memref<64xi32, #tpu.memory_space<vmem>>
      %dma_wait3A_348 = arith.constant 0 : i32
      %dma_wait3A_349 = arith.constant 0 : i32
      %dma_wait3A_350 = tpu.memref_slice %arg2[%dma_wait3A_348, %dma_wait3A_349] : memref<10000x128xf32, #tpu.memory_space<hbm>> -> memref<10000x128xf32, #tpu.memory_space<hbm>>
      tpu.wait_indirect_dma semaphore(%arg16 : memref<!tpu.dma_semaphore, #tpu.memory_space<semaphore_mem>>) src(%dma_wait3A_350 : memref<10000x128xf32, #tpu.memory_space<hbm>>) dst(%arg11 : memref<64x128xf32, #tpu.memory_space<vmem>>)
      %add3A_351 = arith.constant 3 : i32
      %add3A_352 = arith.addi %add3A_282, %add3A_351 : i32
      %mul3A_353 = arith.constant 64 : i32
      %mul3A_354 = arith.muli %add3A_352, %mul3A_353 : i32
      %dma_start3A_355 = tpu.memref_slice %arg8[%mul3A_354] : memref<2560xi32, #tpu.memory_space<vmem>> -> memref<64xi32, #tpu.memory_space<vmem>>
      %dma_start3A_356 = arith.constant 0 : i32
      %dma_start3A_357 = arith.constant 0 : i32
      %dma_start3A_358 = tpu.memref_slice %arg12[%dma_start3A_356, %dma_start3A_357] : memref<10240x128xf32, #tpu.memory_space<vmem_shared>> -> memref<10240x128xf32, #tpu.memory_space<vmem_shared>>
      tpu.enqueue_indirect_dma source(%arg11 : memref<64x128xf32, #tpu.memory_space<vmem>>) target(%dma_start3A_358 : memref<10240x128xf32, #tpu.memory_space<vmem_shared>>) offsets(%dma_start3A_355 : memref<64xi32, #tpu.memory_space<vmem>>) semaphore(%arg20 : memref<!tpu.dma_semaphore, #tpu.memory_space<semaphore_mem>>) {add = true}
      %add3A_359 = arith.constant 4 : i32
      %add3A_360 = arith.addi %add3A_282, %add3A_359 : i32
      %add3A_361 = arith.constant 0 : i32
      %add3A_362 = arith.addi %add3A_360, %add3A_361 : i32
      %lt3A = arith.constant 40 : i32
      %lt3A_363 = arith.cmpi slt, %add3A_362, %lt3A : i32
      %convert_element_type3A_364 = arith.extui %lt3A_363 : i1 to i32
      %cond3A_365 = arith.constant 0 : i32
      %cond3A_366 = arith.cmpi ne, %convert_element_type3A_364, %cond3A_365 : i32
      scf.if %cond3A_366 {
        %add3A_394 = arith.constant 0 : i32
        %add3A_395 = arith.addi %add3A_282, %add3A_394 : i32
        %mul3A_396 = arith.constant 64 : i32
        %mul3A_397 = arith.muli %add3A_395, %mul3A_396 : i32
        %dma_wait3A_398 = arith.constant 0 : i32
        %dma_wait3A_399 = arith.constant 0 : i32
        %dma_wait3A_400 = tpu.memref_slice %arg9[%dma_wait3A_398, %dma_wait3A_399] : memref<128x128xf32, #tpu.memory_space<vmem>> -> memref<64x128xf32, #tpu.memory_space<vmem>>
        %dma_wait3A_401 = tpu.memref_slice %arg8[%mul3A_397] : memref<2560xi32, #tpu.memory_space<vmem>> -> memref<64xi32, #tpu.memory_space<vmem>>
        %dma_wait3A_402 = arith.constant 0 : i32
        %dma_wait3A_403 = arith.constant 0 : i32
        %dma_wait3A_404 = tpu.memref_slice %arg12[%dma_wait3A_402, %dma_wait3A_403] : memref<10240x128xf32, #tpu.memory_space<vmem_shared>> -> memref<10240x128xf32, #tpu.memory_space<vmem_shared>>
        tpu.wait_indirect_dma semaphore(%arg17 : memref<!tpu.dma_semaphore, #tpu.memory_space<semaphore_mem>>) src(%dma_wait3A_400 : memref<64x128xf32, #tpu.memory_space<vmem>>) dst(%dma_wait3A_404 : memref<10240x128xf32, #tpu.memory_space<vmem_shared>>)
        %add3A_405 = arith.constant 4 : i32
        %add3A_406 = arith.addi %add3A_282, %add3A_405 : i32
        %add3A_407 = arith.constant 0 : i32
        %add3A_408 = arith.addi %add3A_406, %add3A_407 : i32
        %mul3A_409 = arith.constant 64 : i32
        %mul3A_410 = arith.muli %add3A_408, %mul3A_409 : i32
        %dma_start3A_411 = arith.constant 0 : i32
        %dma_start3A_412 = arith.constant 0 : i32
        %dma_start3A_413 = tpu.memref_slice %arg9[%dma_start3A_411, %dma_start3A_412] : memref<128x128xf32, #tpu.memory_space<vmem>> -> memref<64x128xf32, #tpu.memory_space<vmem>>
        %dma_start3A_414 = tpu.memref_slice %arg7[%mul3A_410] : memref<2560xi32, #tpu.memory_space<vmem>> -> memref<64xi32, #tpu.memory_space<vmem>>
        %dma_start3A_415 = arith.constant 0 : i32
        %dma_start3A_416 = arith.constant 0 : i32
        %dma_start3A_417 = tpu.memref_slice %arg2[%dma_start3A_415, %dma_start3A_416] : memref<10000x128xf32, #tpu.memory_space<hbm>> -> memref<10000x128xf32, #tpu.memory_space<hbm>>
        tpu.enqueue_indirect_dma source(%dma_start3A_417 : memref<10000x128xf32, #tpu.memory_space<hbm>>) target(%dma_start3A_413 : memref<64x128xf32, #tpu.memory_space<vmem>>) offsets(%dma_start3A_414 : memref<64xi32, #tpu.memory_space<vmem>>) semaphore(%arg13 : memref<!tpu.dma_semaphore, #tpu.memory_space<semaphore_mem>>)
      } else {
      }
      %add3A_367 = arith.constant 4 : i32
      %add3A_368 = arith.addi %add3A_282, %add3A_367 : i32
      %add3A_369 = arith.constant 1 : i32
      %add3A_370 = arith.addi %add3A_368, %add3A_369 : i32
      %lt3A_371 = arith.constant 40 : i32
      %lt3A_372 = arith.cmpi slt, %add3A_370, %lt3A_371 : i32
      %convert_element_type3A_373 = arith.extui %lt3A_372 : i1 to i32
      %cond3A_374 = arith.constant 0 : i32
      %cond3A_375 = arith.cmpi ne, %convert_element_type3A_373, %cond3A_374 : i32
      scf.if %cond3A_375 {
        %add3A_394 = arith.constant 1 : i32
        %add3A_395 = arith.addi %add3A_282, %add3A_394 : i32
        %mul3A_396 = arith.constant 64 : i32
        %mul3A_397 = arith.muli %add3A_395, %mul3A_396 : i32
        %dma_wait3A_398 = arith.constant 64 : i32
        %dma_wait3A_399 = arith.constant 0 : i32
        %dma_wait3A_400 = tpu.memref_slice %arg9[%dma_wait3A_398, %dma_wait3A_399] : memref<128x128xf32, #tpu.memory_space<vmem>> -> memref<64x128xf32, #tpu.memory_space<vmem>>
        %dma_wait3A_401 = tpu.memref_slice %arg8[%mul3A_397] : memref<2560xi32, #tpu.memory_space<vmem>> -> memref<64xi32, #tpu.memory_space<vmem>>
        %dma_wait3A_402 = arith.constant 0 : i32
        %dma_wait3A_403 = arith.constant 0 : i32
        %dma_wait3A_404 = tpu.memref_slice %arg12[%dma_wait3A_402, %dma_wait3A_403] : memref<10240x128xf32, #tpu.memory_space<vmem_shared>> -> memref<10240x128xf32, #tpu.memory_space<vmem_shared>>
        tpu.wait_indirect_dma semaphore(%arg18 : memref<!tpu.dma_semaphore, #tpu.memory_space<semaphore_mem>>) src(%dma_wait3A_400 : memref<64x128xf32, #tpu.memory_space<vmem>>) dst(%dma_wait3A_404 : memref<10240x128xf32, #tpu.memory_space<vmem_shared>>)
        %add3A_405 = arith.constant 4 : i32
        %add3A_406 = arith.addi %add3A_282, %add3A_405 : i32
        %add3A_407 = arith.constant 1 : i32
        %add3A_408 = arith.addi %add3A_406, %add3A_407 : i32
        %mul3A_409 = arith.constant 64 : i32
        %mul3A_410 = arith.muli %add3A_408, %mul3A_409 : i32
        %dma_start3A_411 = arith.constant 64 : i32
        %dma_start3A_412 = arith.constant 0 : i32
        %dma_start3A_413 = tpu.memref_slice %arg9[%dma_start3A_411, %dma_start3A_412] : memref<128x128xf32, #tpu.memory_space<vmem>> -> memref<64x128xf32, #tpu.memory_space<vmem>>
        %dma_start3A_414 = tpu.memref_slice %arg7[%mul3A_410] : memref<2560xi32, #tpu.memory_space<vmem>> -> memref<64xi32, #tpu.memory_space<vmem>>
        %dma_start3A_415 = arith.constant 0 : i32
        %dma_start3A_416 = arith.constant 0 : i32
        %dma_start3A_417 = tpu.memref_slice %arg2[%dma_start3A_415, %dma_start3A_416] : memref<10000x128xf32, #tpu.memory_space<hbm>> -> memref<10000x128xf32, #tpu.memory_space<hbm>>
        tpu.enqueue_indirect_dma source(%dma_start3A_417 : memref<10000x128xf32, #tpu.memory_space<hbm>>) target(%dma_start3A_413 : memref<64x128xf32, #tpu.memory_space<vmem>>) offsets(%dma_start3A_414 : memref<64xi32, #tpu.memory_space<vmem>>) semaphore(%arg14 : memref<!tpu.dma_semaphore, #tpu.memory_space<semaphore_mem>>)
      } else {
      }
      %add3A_376 = arith.constant 4 : i32
      %add3A_377 = arith.addi %add3A_282, %add3A_376 : i32
      %add3A_378 = arith.constant 2 : i32
      %add3A_379 = arith.addi %add3A_377, %add3A_378 : i32
      %lt3A_380 = arith.constant 40 : i32
      %lt3A_381 = arith.cmpi slt, %add3A_379, %lt3A_380 : i32
      %convert_element_type3A_382 = arith.extui %lt3A_381 : i1 to i32
      %cond3A_383 = arith.constant 0 : i32
      %cond3A_384 = arith.cmpi ne, %convert_element_type3A_382, %cond3A_383 : i32
      scf.if %cond3A_384 {
        %add3A_394 = arith.constant 2 : i32
        %add3A_395 = arith.addi %add3A_282, %add3A_394 : i32
        %mul3A_396 = arith.constant 64 : i32
        %mul3A_397 = arith.muli %add3A_395, %mul3A_396 : i32
        %dma_wait3A_398 = tpu.memref_slice %arg8[%mul3A_397] : memref<2560xi32, #tpu.memory_space<vmem>> -> memref<64xi32, #tpu.memory_space<vmem>>
        %dma_wait3A_399 = arith.constant 0 : i32
        %dma_wait3A_400 = arith.constant 0 : i32
        %dma_wait3A_401 = tpu.memref_slice %arg12[%dma_wait3A_399, %dma_wait3A_400] : memref<10240x128xf32, #tpu.memory_space<vmem_shared>> -> memref<10240x128xf32, #tpu.memory_space<vmem_shared>>
        tpu.wait_indirect_dma semaphore(%arg19 : memref<!tpu.dma_semaphore, #tpu.memory_space<semaphore_mem>>) src(%arg10 : memref<64x128xf32, #tpu.memory_space<vmem>>) dst(%dma_wait3A_401 : memref<10240x128xf32, #tpu.memory_space<vmem_shared>>)
        %add3A_402 = arith.constant 4 : i32
        %add3A_403 = arith.addi %add3A_282, %add3A_402 : i32
        %add3A_404 = arith.constant 2 : i32
        %add3A_405 = arith.addi %add3A_403, %add3A_404 : i32
        %mul3A_406 = arith.constant 64 : i32
        %mul3A_407 = arith.muli %add3A_405, %mul3A_406 : i32
        %dma_start3A_408 = tpu.memref_slice %arg7[%mul3A_407] : memref<2560xi32, #tpu.memory_space<vmem>> -> memref<64xi32, #tpu.memory_space<vmem>>
        %dma_start3A_409 = arith.constant 0 : i32
        %dma_start3A_410 = arith.constant 0 : i32
        %dma_start3A_411 = tpu.memref_slice %arg2[%dma_start3A_409, %dma_start3A_410] : memref<10000x128xf32, #tpu.memory_space<hbm>> -> memref<10000x128xf32, #tpu.memory_space<hbm>>
        tpu.enqueue_indirect_dma source(%dma_start3A_411 : memref<10000x128xf32, #tpu.memory_space<hbm>>) target(%arg10 : memref<64x128xf32, #tpu.memory_space<vmem>>) offsets(%dma_start3A_408 : memref<64xi32, #tpu.memory_space<vmem>>) semaphore(%arg15 : memref<!tpu.dma_semaphore, #tpu.memory_space<semaphore_mem>>)
      } else {
      }
      %add3A_385 = arith.constant 4 : i32
      %add3A_386 = arith.addi %add3A_282, %add3A_385 : i32
      %add3A_387 = arith.constant 3 : i32
      %add3A_388 = arith.addi %add3A_386, %add3A_387 : i32
      %lt3A_389 = arith.constant 40 : i32
      %lt3A_390 = arith.cmpi slt, %add3A_388, %lt3A_389 : i32
      %convert_element_type3A_391 = arith.extui %lt3A_390 : i1 to i32
      %cond3A_392 = arith.constant 0 : i32
      %cond3A_393 = arith.cmpi ne, %convert_element_type3A_391, %cond3A_392 : i32
      scf.if %cond3A_393 {
        %add3A_394 = arith.constant 3 : i32
        %add3A_395 = arith.addi %add3A_282, %add3A_394 : i32
        %mul3A_396 = arith.constant 64 : i32
        %mul3A_397 = arith.muli %add3A_395, %mul3A_396 : i32
        %dma_wait3A_398 = tpu.memref_slice %arg8[%mul3A_397] : memref<2560xi32, #tpu.memory_space<vmem>> -> memref<64xi32, #tpu.memory_space<vmem>>
        %dma_wait3A_399 = arith.constant 0 : i32
        %dma_wait3A_400 = arith.constant 0 : i32
        %dma_wait3A_401 = tpu.memref_slice %arg12[%dma_wait3A_399, %dma_wait3A_400] : memref<10240x128xf32, #tpu.memory_space<vmem_shared>> -> memref<10240x128xf32, #tpu.memory_space<vmem_shared>>
        tpu.wait_indirect_dma semaphore(%arg20 : memref<!tpu.dma_semaphore, #tpu.memory_space<semaphore_mem>>) src(%arg11 : memref<64x128xf32, #tpu.memory_space<vmem>>) dst(%dma_wait3A_401 : memref<10240x128xf32, #tpu.memory_space<vmem_shared>>)
        %add3A_402 = arith.constant 4 : i32
        %add3A_403 = arith.addi %add3A_282, %add3A_402 : i32
        %add3A_404 = arith.constant 3 : i32
        %add3A_405 = arith.addi %add3A_403, %add3A_404 : i32
        %mul3A_406 = arith.constant 64 : i32
        %mul3A_407 = arith.muli %add3A_405, %mul3A_406 : i32
        %dma_start3A_408 = tpu.memref_slice %arg7[%mul3A_407] : memref<2560xi32, #tpu.memory_space<vmem>> -> memref<64xi32, #tpu.memory_space<vmem>>
        %dma_start3A_409 = arith.constant 0 : i32
        %dma_start3A_410 = arith.constant 0 : i32
        %dma_start3A_411 = tpu.memref_slice %arg2[%dma_start3A_409, %dma_start3A_410] : memref<10000x128xf32, #tpu.memory_space<hbm>> -> memref<10000x128xf32, #tpu.memory_space<hbm>>
        tpu.enqueue_indirect_dma source(%dma_start3A_411 : memref<10000x128xf32, #tpu.memory_space<hbm>>) target(%arg11 : memref<64x128xf32, #tpu.memory_space<vmem>>) offsets(%dma_start3A_408 : memref<64xi32, #tpu.memory_space<vmem>>) semaphore(%arg16 : memref<!tpu.dma_semaphore, #tpu.memory_space<semaphore_mem>>)
      } else {
      }
    }
    %scan3A_176 = arith.constant 10 : i32
    %dma_wait3A_177 = arith.constant 0 : i32
    %dma_wait3A_178 = arith.constant 0 : i32
    %dma_wait3A_179 = tpu.memref_slice %arg9[%dma_wait3A_177, %dma_wait3A_178] : memref<128x128xf32, #tpu.memory_space<vmem>> -> memref<64x128xf32, #tpu.memory_space<vmem>>
    %dma_wait3A_180 = arith.constant 2304 : i32
    %dma_wait3A_181 = tpu.memref_slice %arg8[%dma_wait3A_180] : memref<2560xi32, #tpu.memory_space<vmem>> -> memref<64xi32, #tpu.memory_space<vmem>>
    %dma_wait3A_182 = arith.constant 0 : i32
    %dma_wait3A_183 = arith.constant 0 : i32
    %dma_wait3A_184 = tpu.memref_slice %arg12[%dma_wait3A_182, %dma_wait3A_183] : memref<10240x128xf32, #tpu.memory_space<vmem_shared>> -> memref<10240x128xf32, #tpu.memory_space<vmem_shared>>
    tpu.wait_indirect_dma semaphore(%arg17 : memref<!tpu.dma_semaphore, #tpu.memory_space<semaphore_mem>>) src(%dma_wait3A_179 : memref<64x128xf32, #tpu.memory_space<vmem>>) dst(%dma_wait3A_184 : memref<10240x128xf32, #tpu.memory_space<vmem_shared>>)
    %dma_wait3A_185 = arith.constant 64 : i32
    %dma_wait3A_186 = arith.constant 0 : i32
    %dma_wait3A_187 = tpu.memref_slice %arg9[%dma_wait3A_185, %dma_wait3A_186] : memref<128x128xf32, #tpu.memory_space<vmem>> -> memref<64x128xf32, #tpu.memory_space<vmem>>
    %dma_wait3A_188 = arith.constant 2368 : i32
    %dma_wait3A_189 = tpu.memref_slice %arg8[%dma_wait3A_188] : memref<2560xi32, #tpu.memory_space<vmem>> -> memref<64xi32, #tpu.memory_space<vmem>>
    %dma_wait3A_190 = arith.constant 0 : i32
    %dma_wait3A_191 = arith.constant 0 : i32
    %dma_wait3A_192 = tpu.memref_slice %arg12[%dma_wait3A_190, %dma_wait3A_191] : memref<10240x128xf32, #tpu.memory_space<vmem_shared>> -> memref<10240x128xf32, #tpu.memory_space<vmem_shared>>
    tpu.wait_indirect_dma semaphore(%arg18 : memref<!tpu.dma_semaphore, #tpu.memory_space<semaphore_mem>>) src(%dma_wait3A_187 : memref<64x128xf32, #tpu.memory_space<vmem>>) dst(%dma_wait3A_192 : memref<10240x128xf32, #tpu.memory_space<vmem_shared>>)
    %dma_wait3A_193 = arith.constant 2432 : i32
    %dma_wait3A_194 = tpu.memref_slice %arg8[%dma_wait3A_193] : memref<2560xi32, #tpu.memory_space<vmem>> -> memref<64xi32, #tpu.memory_space<vmem>>
    %dma_wait3A_195 = arith.constant 0 : i32
    %dma_wait3A_196 = arith.constant 0 : i32
    %dma_wait3A_197 = tpu.memref_slice %arg12[%dma_wait3A_195, %dma_wait3A_196] : memref<10240x128xf32, #tpu.memory_space<vmem_shared>> -> memref<10240x128xf32, #tpu.memory_space<vmem_shared>>
    tpu.wait_indirect_dma semaphore(%arg19 : memref<!tpu.dma_semaphore, #tpu.memory_space<semaphore_mem>>) src(%arg10 : memref<64x128xf32, #tpu.memory_space<vmem>>) dst(%dma_wait3A_197 : memref<10240x128xf32, #tpu.memory_space<vmem_shared>>)
    %dma_wait3A_198 = arith.constant 2496 : i32
    %dma_wait3A_199 = tpu.memref_slice %arg8[%dma_wait3A_198] : memref<2560xi32, #tpu.memory_space<vmem>> -> memref<64xi32, #tpu.memory_space<vmem>>
    %dma_wait3A_200 = arith.constant 0 : i32
    %dma_wait3A_201 = arith.constant 0 : i32
    %dma_wait3A_202 = tpu.memref_slice %arg12[%dma_wait3A_200, %dma_wait3A_201] : memref<10240x128xf32, #tpu.memory_space<vmem_shared>> -> memref<10240x128xf32, #tpu.memory_space<vmem_shared>>
    tpu.wait_indirect_dma semaphore(%arg20 : memref<!tpu.dma_semaphore, #tpu.memory_space<semaphore_mem>>) src(%arg11 : memref<64x128xf32, #tpu.memory_space<vmem>>) dst(%dma_wait3A_202 : memref<10240x128xf32, #tpu.memory_space<vmem_shared>>)
    %mul3A_203 = arith.constant 160 : i32
    %mul3A_204 = arith.muli %add3A, %mul3A_203 : i32
    %add3A_205 = arith.constant 120 : i32
    %add3A_206 = arith.addi %mul3A_204, %add3A_205 : i32
    %mul3A_207 = arith.constant 64 : i32
    %mul3A_208 = arith.muli %add3A_206, %mul3A_207 : i32
    "tpu.region"() ({
      %run_scoped3A = tpu.sem_alloc : memref<!tpu.dma_semaphore, #tpu.memory_space<semaphore_mem>>
      %dma_start3A_278 = tpu.memref_slice %arg3[%mul3A_208] : memref<327680xi32, #tpu.memory_space<hbm>> -> memref<2560xi32, #tpu.memory_space<hbm>>
      %dma_start3A_279 = tpu.memref_slice %arg3[%mul3A_208] : memref<327680xi32, #tpu.memory_space<hbm>> -> memref<2560xi32, #tpu.memory_space<hbm>>
      tpu.enqueue_dma source(%dma_start3A_279 : memref<2560xi32, #tpu.memory_space<hbm>>) target(%arg7 : memref<2560xi32, #tpu.memory_space<vmem>>) target_semaphore(%run_scoped3A : memref<!tpu.dma_semaphore, #tpu.memory_space<semaphore_mem>>)
      %dma_wait3A_280 = tpu.memref_slice %arg3[%mul3A_208] : memref<327680xi32, #tpu.memory_space<hbm>> -> memref<2560xi32, #tpu.memory_space<hbm>>
      %dma_wait3A_281 = tpu.memref_slice %arg3[%mul3A_208] : memref<327680xi32, #tpu.memory_space<hbm>> -> memref<2560xi32, #tpu.memory_space<hbm>>
      tpu.wait_dma2 semaphore(%run_scoped3A : memref<!tpu.dma_semaphore, #tpu.memory_space<semaphore_mem>>) src(%dma_wait3A_281 : memref<2560xi32, #tpu.memory_space<hbm>>) dst(%arg7 : memref<2560xi32, #tpu.memory_space<vmem>>)
      tpu.yield
    }) : () -> ()
    %mul3A_209 = arith.constant 64 : i32
    %mul3A_210 = arith.muli %add3A_206, %mul3A_209 : i32
    "tpu.region"() ({
      %run_scoped3A = tpu.sem_alloc : memref<!tpu.dma_semaphore, #tpu.memory_space<semaphore_mem>>
      %dma_start3A_278 = tpu.memref_slice %arg4[%mul3A_210] : memref<327680xi32, #tpu.memory_space<hbm>> -> memref<2560xi32, #tpu.memory_space<hbm>>
      %dma_start3A_279 = tpu.memref_slice %arg4[%mul3A_210] : memref<327680xi32, #tpu.memory_space<hbm>> -> memref<2560xi32, #tpu.memory_space<hbm>>
      tpu.enqueue_dma source(%dma_start3A_279 : memref<2560xi32, #tpu.memory_space<hbm>>) target(%arg8 : memref<2560xi32, #tpu.memory_space<vmem>>) target_semaphore(%run_scoped3A : memref<!tpu.dma_semaphore, #tpu.memory_space<semaphore_mem>>)
      %dma_wait3A_280 = tpu.memref_slice %arg4[%mul3A_210] : memref<327680xi32, #tpu.memory_space<hbm>> -> memref<2560xi32, #tpu.memory_space<hbm>>
      %dma_wait3A_281 = tpu.memref_slice %arg4[%mul3A_210] : memref<327680xi32, #tpu.memory_space<hbm>> -> memref<2560xi32, #tpu.memory_space<hbm>>
      tpu.wait_dma2 semaphore(%run_scoped3A : memref<!tpu.dma_semaphore, #tpu.memory_space<semaphore_mem>>) src(%dma_wait3A_281 : memref<2560xi32, #tpu.memory_space<hbm>>) dst(%arg8 : memref<2560xi32, #tpu.memory_space<vmem>>)
      tpu.yield
    }) : () -> ()
    %dma_start3A_211 = arith.constant 0 : i32
    %dma_start3A_212 = arith.constant 0 : i32
    %dma_start3A_213 = tpu.memref_slice %arg9[%dma_start3A_211, %dma_start3A_212] : memref<128x128xf32, #tpu.memory_space<vmem>> -> memref<64x128xf32, #tpu.memory_space<vmem>>
    %dma_start3A_214 = arith.constant 0 : i32
    %dma_start3A_215 = tpu.memref_slice %arg7[%dma_start3A_214] : memref<2560xi32, #tpu.memory_space<vmem>> -> memref<64xi32, #tpu.memory_space<vmem>>
    %dma_start3A_216 = arith.constant 0 : i32
    %dma_start3A_217 = arith.constant 0 : i32
    %dma_start3A_218 = tpu.memref_slice %arg2[%dma_start3A_216, %dma_start3A_217] : memref<10000x128xf32, #tpu.memory_space<hbm>> -> memref<10000x128xf32, #tpu.memory_space<hbm>>
    tpu.enqueue_indirect_dma source(%dma_start3A_218 : memref<10000x128xf32, #tpu.memory_space<hbm>>) target(%dma_start3A_213 : memref<64x128xf32, #tpu.memory_space<vmem>>) offsets(%dma_start3A_215 : memref<64xi32, #tpu.memory_space<vmem>>) semaphore(%arg13 : memref<!tpu.dma_semaphore, #tpu.memory_space<semaphore_mem>>)
    %dma_start3A_219 = arith.constant 64 : i32
    %dma_start3A_220 = arith.constant 0 : i32
    %dma_start3A_221 = tpu.memref_slice %arg9[%dma_start3A_219, %dma_start3A_220] : memref<128x128xf32, #tpu.memory_space<vmem>> -> memref<64x128xf32, #tpu.memory_space<vmem>>
    %dma_start3A_222 = arith.constant 64 : i32
    %dma_start3A_223 = tpu.memref_slice %arg7[%dma_start3A_222] : memref<2560xi32, #tpu.memory_space<vmem>> -> memref<64xi32, #tpu.memory_space<vmem>>
    %dma_start3A_224 = arith.constant 0 : i32
    %dma_start3A_225 = arith.constant 0 : i32
    %dma_start3A_226 = tpu.memref_slice %arg2[%dma_start3A_224, %dma_start3A_225] : memref<10000x128xf32, #tpu.memory_space<hbm>> -> memref<10000x128xf32, #tpu.memory_space<hbm>>
    tpu.enqueue_indirect_dma source(%dma_start3A_226 : memref<10000x128xf32, #tpu.memory_space<hbm>>) target(%dma_start3A_221 : memref<64x128xf32, #tpu.memory_space<vmem>>) offsets(%dma_start3A_223 : memref<64xi32, #tpu.memory_space<vmem>>) semaphore(%arg14 : memref<!tpu.dma_semaphore, #tpu.memory_space<semaphore_mem>>)
    %dma_start3A_227 = arith.constant 128 : i32
    %dma_start3A_228 = tpu.memref_slice %arg7[%dma_start3A_227] : memref<2560xi32, #tpu.memory_space<vmem>> -> memref<64xi32, #tpu.memory_space<vmem>>
    %dma_start3A_229 = arith.constant 0 : i32
    %dma_start3A_230 = arith.constant 0 : i32
    %dma_start3A_231 = tpu.memref_slice %arg2[%dma_start3A_229, %dma_start3A_230] : memref<10000x128xf32, #tpu.memory_space<hbm>> -> memref<10000x128xf32, #tpu.memory_space<hbm>>
    tpu.enqueue_indirect_dma source(%dma_start3A_231 : memref<10000x128xf32, #tpu.memory_space<hbm>>) target(%arg10 : memref<64x128xf32, #tpu.memory_space<vmem>>) offsets(%dma_start3A_228 : memref<64xi32, #tpu.memory_space<vmem>>) semaphore(%arg15 : memref<!tpu.dma_semaphore, #tpu.memory_space<semaphore_mem>>)
    %dma_start3A_232 = arith.constant 192 : i32
    %dma_start3A_233 = tpu.memref_slice %arg7[%dma_start3A_232] : memref<2560xi32, #tpu.memory_space<vmem>> -> memref<64xi32, #tpu.memory_space<vmem>>
    %dma_start3A_234 = arith.constant 0 : i32
    %dma_start3A_235 = arith.constant 0 : i32
    %dma_start3A_236 = tpu.memref_slice %arg2[%dma_start3A_234, %dma_start3A_235] : memref<10000x128xf32, #tpu.memory_space<hbm>> -> memref<10000x128xf32, #tpu.memory_space<hbm>>
    tpu.enqueue_indirect_dma source(%dma_start3A_236 : memref<10000x128xf32, #tpu.memory_space<hbm>>) target(%arg11 : memref<64x128xf32, #tpu.memory_space<vmem>>) offsets(%dma_start3A_233 : memref<64xi32, #tpu.memory_space<vmem>>) semaphore(%arg16 : memref<!tpu.dma_semaphore, #tpu.memory_space<semaphore_mem>>)
    %scan3A_237 = arith.constant 0 : i32
    %scan3A_238 = arith.constant 10 : i32
    %scan3A_239 = arith.addi %scan3A_237, %scan3A_238 : i32
    %scan3A_240 = arith.constant 1 : i32
    scf.for %scan3A_278 = %scan3A_237 to %scan3A_239 step %scan3A_240  : i32 {
      %mul3A_279 = arith.constant 4 : i32
      %mul3A_280 = arith.muli %scan3A_278, %mul3A_279 : i32
      %add3A_281 = arith.constant 0 : i32
      %add3A_282 = arith.addi %add3A_281, %mul3A_280 : i32
      %add3A_283 = arith.constant 0 : i32
      %add3A_284 = arith.addi %add3A_282, %add3A_283 : i32
      %mul3A_285 = arith.constant 64 : i32
      %mul3A_286 = arith.muli %add3A_284, %mul3A_285 : i32
      %dma_wait3A_287 = arith.constant 0 : i32
      %dma_wait3A_288 = arith.constant 0 : i32
      %dma_wait3A_289 = tpu.memref_slice %arg9[%dma_wait3A_287, %dma_wait3A_288] : memref<128x128xf32, #tpu.memory_space<vmem>> -> memref<64x128xf32, #tpu.memory_space<vmem>>
      %dma_wait3A_290 = tpu.memref_slice %arg7[%mul3A_286] : memref<2560xi32, #tpu.memory_space<vmem>> -> memref<64xi32, #tpu.memory_space<vmem>>
      %dma_wait3A_291 = arith.constant 0 : i32
      %dma_wait3A_292 = arith.constant 0 : i32
      %dma_wait3A_293 = tpu.memref_slice %arg2[%dma_wait3A_291, %dma_wait3A_292] : memref<10000x128xf32, #tpu.memory_space<hbm>> -> memref<10000x128xf32, #tpu.memory_space<hbm>>
      tpu.wait_indirect_dma semaphore(%arg13 : memref<!tpu.dma_semaphore, #tpu.memory_space<semaphore_mem>>) src(%dma_wait3A_293 : memref<10000x128xf32, #tpu.memory_space<hbm>>) dst(%dma_wait3A_289 : memref<64x128xf32, #tpu.memory_space<vmem>>)
      %add3A_294 = arith.constant 0 : i32
      %add3A_295 = arith.addi %add3A_282, %add3A_294 : i32
      %mul3A_296 = arith.constant 64 : i32
      %mul3A_297 = arith.muli %add3A_295, %mul3A_296 : i32
      %dma_start3A_298 = arith.constant 0 : i32
      %dma_start3A_299 = arith.constant 0 : i32
      %dma_start3A_300 = tpu.memref_slice %arg9[%dma_start3A_298, %dma_start3A_299] : memref<128x128xf32, #tpu.memory_space<vmem>> -> memref<64x128xf32, #tpu.memory_space<vmem>>
      %dma_start3A_301 = tpu.memref_slice %arg8[%mul3A_297] : memref<2560xi32, #tpu.memory_space<vmem>> -> memref<64xi32, #tpu.memory_space<vmem>>
      %dma_start3A_302 = arith.constant 0 : i32
      %dma_start3A_303 = arith.constant 0 : i32
      %dma_start3A_304 = tpu.memref_slice %arg12[%dma_start3A_302, %dma_start3A_303] : memref<10240x128xf32, #tpu.memory_space<vmem_shared>> -> memref<10240x128xf32, #tpu.memory_space<vmem_shared>>
      tpu.enqueue_indirect_dma source(%dma_start3A_300 : memref<64x128xf32, #tpu.memory_space<vmem>>) target(%dma_start3A_304 : memref<10240x128xf32, #tpu.memory_space<vmem_shared>>) offsets(%dma_start3A_301 : memref<64xi32, #tpu.memory_space<vmem>>) semaphore(%arg17 : memref<!tpu.dma_semaphore, #tpu.memory_space<semaphore_mem>>) {add = true}
      %add3A_305 = arith.constant 1 : i32
      %add3A_306 = arith.addi %add3A_282, %add3A_305 : i32
      %mul3A_307 = arith.constant 64 : i32
      %mul3A_308 = arith.muli %add3A_306, %mul3A_307 : i32
      %dma_wait3A_309 = arith.constant 64 : i32
      %dma_wait3A_310 = arith.constant 0 : i32
      %dma_wait3A_311 = tpu.memref_slice %arg9[%dma_wait3A_309, %dma_wait3A_310] : memref<128x128xf32, #tpu.memory_space<vmem>> -> memref<64x128xf32, #tpu.memory_space<vmem>>
      %dma_wait3A_312 = tpu.memref_slice %arg7[%mul3A_308] : memref<2560xi32, #tpu.memory_space<vmem>> -> memref<64xi32, #tpu.memory_space<vmem>>
      %dma_wait3A_313 = arith.constant 0 : i32
      %dma_wait3A_314 = arith.constant 0 : i32
      %dma_wait3A_315 = tpu.memref_slice %arg2[%dma_wait3A_313, %dma_wait3A_314] : memref<10000x128xf32, #tpu.memory_space<hbm>> -> memref<10000x128xf32, #tpu.memory_space<hbm>>
      tpu.wait_indirect_dma semaphore(%arg14 : memref<!tpu.dma_semaphore, #tpu.memory_space<semaphore_mem>>) src(%dma_wait3A_315 : memref<10000x128xf32, #tpu.memory_space<hbm>>) dst(%dma_wait3A_311 : memref<64x128xf32, #tpu.memory_space<vmem>>)
      %add3A_316 = arith.constant 1 : i32
      %add3A_317 = arith.addi %add3A_282, %add3A_316 : i32
      %mul3A_318 = arith.constant 64 : i32
      %mul3A_319 = arith.muli %add3A_317, %mul3A_318 : i32
      %dma_start3A_320 = arith.constant 64 : i32
      %dma_start3A_321 = arith.constant 0 : i32
      %dma_start3A_322 = tpu.memref_slice %arg9[%dma_start3A_320, %dma_start3A_321] : memref<128x128xf32, #tpu.memory_space<vmem>> -> memref<64x128xf32, #tpu.memory_space<vmem>>
      %dma_start3A_323 = tpu.memref_slice %arg8[%mul3A_319] : memref<2560xi32, #tpu.memory_space<vmem>> -> memref<64xi32, #tpu.memory_space<vmem>>
      %dma_start3A_324 = arith.constant 0 : i32
      %dma_start3A_325 = arith.constant 0 : i32
      %dma_start3A_326 = tpu.memref_slice %arg12[%dma_start3A_324, %dma_start3A_325] : memref<10240x128xf32, #tpu.memory_space<vmem_shared>> -> memref<10240x128xf32, #tpu.memory_space<vmem_shared>>
      tpu.enqueue_indirect_dma source(%dma_start3A_322 : memref<64x128xf32, #tpu.memory_space<vmem>>) target(%dma_start3A_326 : memref<10240x128xf32, #tpu.memory_space<vmem_shared>>) offsets(%dma_start3A_323 : memref<64xi32, #tpu.memory_space<vmem>>) semaphore(%arg18 : memref<!tpu.dma_semaphore, #tpu.memory_space<semaphore_mem>>) {add = true}
      %add3A_327 = arith.constant 2 : i32
      %add3A_328 = arith.addi %add3A_282, %add3A_327 : i32
      %mul3A_329 = arith.constant 64 : i32
      %mul3A_330 = arith.muli %add3A_328, %mul3A_329 : i32
      %dma_wait3A_331 = tpu.memref_slice %arg7[%mul3A_330] : memref<2560xi32, #tpu.memory_space<vmem>> -> memref<64xi32, #tpu.memory_space<vmem>>
      %dma_wait3A_332 = arith.constant 0 : i32
      %dma_wait3A_333 = arith.constant 0 : i32
      %dma_wait3A_334 = tpu.memref_slice %arg2[%dma_wait3A_332, %dma_wait3A_333] : memref<10000x128xf32, #tpu.memory_space<hbm>> -> memref<10000x128xf32, #tpu.memory_space<hbm>>
      tpu.wait_indirect_dma semaphore(%arg15 : memref<!tpu.dma_semaphore, #tpu.memory_space<semaphore_mem>>) src(%dma_wait3A_334 : memref<10000x128xf32, #tpu.memory_space<hbm>>) dst(%arg10 : memref<64x128xf32, #tpu.memory_space<vmem>>)
      %add3A_335 = arith.constant 2 : i32
      %add3A_336 = arith.addi %add3A_282, %add3A_335 : i32
      %mul3A_337 = arith.constant 64 : i32
      %mul3A_338 = arith.muli %add3A_336, %mul3A_337 : i32
      %dma_start3A_339 = tpu.memref_slice %arg8[%mul3A_338] : memref<2560xi32, #tpu.memory_space<vmem>> -> memref<64xi32, #tpu.memory_space<vmem>>
      %dma_start3A_340 = arith.constant 0 : i32
      %dma_start3A_341 = arith.constant 0 : i32
      %dma_start3A_342 = tpu.memref_slice %arg12[%dma_start3A_340, %dma_start3A_341] : memref<10240x128xf32, #tpu.memory_space<vmem_shared>> -> memref<10240x128xf32, #tpu.memory_space<vmem_shared>>
      tpu.enqueue_indirect_dma source(%arg10 : memref<64x128xf32, #tpu.memory_space<vmem>>) target(%dma_start3A_342 : memref<10240x128xf32, #tpu.memory_space<vmem_shared>>) offsets(%dma_start3A_339 : memref<64xi32, #tpu.memory_space<vmem>>) semaphore(%arg19 : memref<!tpu.dma_semaphore, #tpu.memory_space<semaphore_mem>>) {add = true}
      %add3A_343 = arith.constant 3 : i32
      %add3A_344 = arith.addi %add3A_282, %add3A_343 : i32
      %mul3A_345 = arith.constant 64 : i32
      %mul3A_346 = arith.muli %add3A_344, %mul3A_345 : i32
      %dma_wait3A_347 = tpu.memref_slice %arg7[%mul3A_346] : memref<2560xi32, #tpu.memory_space<vmem>> -> memref<64xi32, #tpu.memory_space<vmem>>
      %dma_wait3A_348 = arith.constant 0 : i32
      %dma_wait3A_349 = arith.constant 0 : i32
      %dma_wait3A_350 = tpu.memref_slice %arg2[%dma_wait3A_348, %dma_wait3A_349] : memref<10000x128xf32, #tpu.memory_space<hbm>> -> memref<10000x128xf32, #tpu.memory_space<hbm>>
      tpu.wait_indirect_dma semaphore(%arg16 : memref<!tpu.dma_semaphore, #tpu.memory_space<semaphore_mem>>) src(%dma_wait3A_350 : memref<10000x128xf32, #tpu.memory_space<hbm>>) dst(%arg11 : memref<64x128xf32, #tpu.memory_space<vmem>>)
      %add3A_351 = arith.constant 3 : i32
      %add3A_352 = arith.addi %add3A_282, %add3A_351 : i32
      %mul3A_353 = arith.constant 64 : i32
      %mul3A_354 = arith.muli %add3A_352, %mul3A_353 : i32
      %dma_start3A_355 = tpu.memref_slice %arg8[%mul3A_354] : memref<2560xi32, #tpu.memory_space<vmem>> -> memref<64xi32, #tpu.memory_space<vmem>>
      %dma_start3A_356 = arith.constant 0 : i32
      %dma_start3A_357 = arith.constant 0 : i32
      %dma_start3A_358 = tpu.memref_slice %arg12[%dma_start3A_356, %dma_start3A_357] : memref<10240x128xf32, #tpu.memory_space<vmem_shared>> -> memref<10240x128xf32, #tpu.memory_space<vmem_shared>>
      tpu.enqueue_indirect_dma source(%arg11 : memref<64x128xf32, #tpu.memory_space<vmem>>) target(%dma_start3A_358 : memref<10240x128xf32, #tpu.memory_space<vmem_shared>>) offsets(%dma_start3A_355 : memref<64xi32, #tpu.memory_space<vmem>>) semaphore(%arg20 : memref<!tpu.dma_semaphore, #tpu.memory_space<semaphore_mem>>) {add = true}
      %add3A_359 = arith.constant 4 : i32
      %add3A_360 = arith.addi %add3A_282, %add3A_359 : i32
      %add3A_361 = arith.constant 0 : i32
      %add3A_362 = arith.addi %add3A_360, %add3A_361 : i32
      %lt3A = arith.constant 40 : i32
      %lt3A_363 = arith.cmpi slt, %add3A_362, %lt3A : i32
      %convert_element_type3A_364 = arith.extui %lt3A_363 : i1 to i32
      %cond3A_365 = arith.constant 0 : i32
      %cond3A_366 = arith.cmpi ne, %convert_element_type3A_364, %cond3A_365 : i32
      scf.if %cond3A_366 {
        %add3A_394 = arith.constant 0 : i32
        %add3A_395 = arith.addi %add3A_282, %add3A_394 : i32
        %mul3A_396 = arith.constant 64 : i32
        %mul3A_397 = arith.muli %add3A_395, %mul3A_396 : i32
        %dma_wait3A_398 = arith.constant 0 : i32
        %dma_wait3A_399 = arith.constant 0 : i32
        %dma_wait3A_400 = tpu.memref_slice %arg9[%dma_wait3A_398, %dma_wait3A_399] : memref<128x128xf32, #tpu.memory_space<vmem>> -> memref<64x128xf32, #tpu.memory_space<vmem>>
        %dma_wait3A_401 = tpu.memref_slice %arg8[%mul3A_397] : memref<2560xi32, #tpu.memory_space<vmem>> -> memref<64xi32, #tpu.memory_space<vmem>>
        %dma_wait3A_402 = arith.constant 0 : i32
        %dma_wait3A_403 = arith.constant 0 : i32
        %dma_wait3A_404 = tpu.memref_slice %arg12[%dma_wait3A_402, %dma_wait3A_403] : memref<10240x128xf32, #tpu.memory_space<vmem_shared>> -> memref<10240x128xf32, #tpu.memory_space<vmem_shared>>
        tpu.wait_indirect_dma semaphore(%arg17 : memref<!tpu.dma_semaphore, #tpu.memory_space<semaphore_mem>>) src(%dma_wait3A_400 : memref<64x128xf32, #tpu.memory_space<vmem>>) dst(%dma_wait3A_404 : memref<10240x128xf32, #tpu.memory_space<vmem_shared>>)
        %add3A_405 = arith.constant 4 : i32
        %add3A_406 = arith.addi %add3A_282, %add3A_405 : i32
        %add3A_407 = arith.constant 0 : i32
        %add3A_408 = arith.addi %add3A_406, %add3A_407 : i32
        %mul3A_409 = arith.constant 64 : i32
        %mul3A_410 = arith.muli %add3A_408, %mul3A_409 : i32
        %dma_start3A_411 = arith.constant 0 : i32
        %dma_start3A_412 = arith.constant 0 : i32
        %dma_start3A_413 = tpu.memref_slice %arg9[%dma_start3A_411, %dma_start3A_412] : memref<128x128xf32, #tpu.memory_space<vmem>> -> memref<64x128xf32, #tpu.memory_space<vmem>>
        %dma_start3A_414 = tpu.memref_slice %arg7[%mul3A_410] : memref<2560xi32, #tpu.memory_space<vmem>> -> memref<64xi32, #tpu.memory_space<vmem>>
        %dma_start3A_415 = arith.constant 0 : i32
        %dma_start3A_416 = arith.constant 0 : i32
        %dma_start3A_417 = tpu.memref_slice %arg2[%dma_start3A_415, %dma_start3A_416] : memref<10000x128xf32, #tpu.memory_space<hbm>> -> memref<10000x128xf32, #tpu.memory_space<hbm>>
        tpu.enqueue_indirect_dma source(%dma_start3A_417 : memref<10000x128xf32, #tpu.memory_space<hbm>>) target(%dma_start3A_413 : memref<64x128xf32, #tpu.memory_space<vmem>>) offsets(%dma_start3A_414 : memref<64xi32, #tpu.memory_space<vmem>>) semaphore(%arg13 : memref<!tpu.dma_semaphore, #tpu.memory_space<semaphore_mem>>)
      } else {
      }
      %add3A_367 = arith.constant 4 : i32
      %add3A_368 = arith.addi %add3A_282, %add3A_367 : i32
      %add3A_369 = arith.constant 1 : i32
      %add3A_370 = arith.addi %add3A_368, %add3A_369 : i32
      %lt3A_371 = arith.constant 40 : i32
      %lt3A_372 = arith.cmpi slt, %add3A_370, %lt3A_371 : i32
      %convert_element_type3A_373 = arith.extui %lt3A_372 : i1 to i32
      %cond3A_374 = arith.constant 0 : i32
      %cond3A_375 = arith.cmpi ne, %convert_element_type3A_373, %cond3A_374 : i32
      scf.if %cond3A_375 {
        %add3A_394 = arith.constant 1 : i32
        %add3A_395 = arith.addi %add3A_282, %add3A_394 : i32
        %mul3A_396 = arith.constant 64 : i32
        %mul3A_397 = arith.muli %add3A_395, %mul3A_396 : i32
        %dma_wait3A_398 = arith.constant 64 : i32
        %dma_wait3A_399 = arith.constant 0 : i32
        %dma_wait3A_400 = tpu.memref_slice %arg9[%dma_wait3A_398, %dma_wait3A_399] : memref<128x128xf32, #tpu.memory_space<vmem>> -> memref<64x128xf32, #tpu.memory_space<vmem>>
        %dma_wait3A_401 = tpu.memref_slice %arg8[%mul3A_397] : memref<2560xi32, #tpu.memory_space<vmem>> -> memref<64xi32, #tpu.memory_space<vmem>>
        %dma_wait3A_402 = arith.constant 0 : i32
        %dma_wait3A_403 = arith.constant 0 : i32
        %dma_wait3A_404 = tpu.memref_slice %arg12[%dma_wait3A_402, %dma_wait3A_403] : memref<10240x128xf32, #tpu.memory_space<vmem_shared>> -> memref<10240x128xf32, #tpu.memory_space<vmem_shared>>
        tpu.wait_indirect_dma semaphore(%arg18 : memref<!tpu.dma_semaphore, #tpu.memory_space<semaphore_mem>>) src(%dma_wait3A_400 : memref<64x128xf32, #tpu.memory_space<vmem>>) dst(%dma_wait3A_404 : memref<10240x128xf32, #tpu.memory_space<vmem_shared>>)
        %add3A_405 = arith.constant 4 : i32
        %add3A_406 = arith.addi %add3A_282, %add3A_405 : i32
        %add3A_407 = arith.constant 1 : i32
        %add3A_408 = arith.addi %add3A_406, %add3A_407 : i32
        %mul3A_409 = arith.constant 64 : i32
        %mul3A_410 = arith.muli %add3A_408, %mul3A_409 : i32
        %dma_start3A_411 = arith.constant 64 : i32
        %dma_start3A_412 = arith.constant 0 : i32
        %dma_start3A_413 = tpu.memref_slice %arg9[%dma_start3A_411, %dma_start3A_412] : memref<128x128xf32, #tpu.memory_space<vmem>> -> memref<64x128xf32, #tpu.memory_space<vmem>>
        %dma_start3A_414 = tpu.memref_slice %arg7[%mul3A_410] : memref<2560xi32, #tpu.memory_space<vmem>> -> memref<64xi32, #tpu.memory_space<vmem>>
        %dma_start3A_415 = arith.constant 0 : i32
        %dma_start3A_416 = arith.constant 0 : i32
        %dma_start3A_417 = tpu.memref_slice %arg2[%dma_start3A_415, %dma_start3A_416] : memref<10000x128xf32, #tpu.memory_space<hbm>> -> memref<10000x128xf32, #tpu.memory_space<hbm>>
        tpu.enqueue_indirect_dma source(%dma_start3A_417 : memref<10000x128xf32, #tpu.memory_space<hbm>>) target(%dma_start3A_413 : memref<64x128xf32, #tpu.memory_space<vmem>>) offsets(%dma_start3A_414 : memref<64xi32, #tpu.memory_space<vmem>>) semaphore(%arg14 : memref<!tpu.dma_semaphore, #tpu.memory_space<semaphore_mem>>)
      } else {
      }
      %add3A_376 = arith.constant 4 : i32
      %add3A_377 = arith.addi %add3A_282, %add3A_376 : i32
      %add3A_378 = arith.constant 2 : i32
      %add3A_379 = arith.addi %add3A_377, %add3A_378 : i32
      %lt3A_380 = arith.constant 40 : i32
      %lt3A_381 = arith.cmpi slt, %add3A_379, %lt3A_380 : i32
      %convert_element_type3A_382 = arith.extui %lt3A_381 : i1 to i32
      %cond3A_383 = arith.constant 0 : i32
      %cond3A_384 = arith.cmpi ne, %convert_element_type3A_382, %cond3A_383 : i32
      scf.if %cond3A_384 {
        %add3A_394 = arith.constant 2 : i32
        %add3A_395 = arith.addi %add3A_282, %add3A_394 : i32
        %mul3A_396 = arith.constant 64 : i32
        %mul3A_397 = arith.muli %add3A_395, %mul3A_396 : i32
        %dma_wait3A_398 = tpu.memref_slice %arg8[%mul3A_397] : memref<2560xi32, #tpu.memory_space<vmem>> -> memref<64xi32, #tpu.memory_space<vmem>>
        %dma_wait3A_399 = arith.constant 0 : i32
        %dma_wait3A_400 = arith.constant 0 : i32
        %dma_wait3A_401 = tpu.memref_slice %arg12[%dma_wait3A_399, %dma_wait3A_400] : memref<10240x128xf32, #tpu.memory_space<vmem_shared>> -> memref<10240x128xf32, #tpu.memory_space<vmem_shared>>
        tpu.wait_indirect_dma semaphore(%arg19 : memref<!tpu.dma_semaphore, #tpu.memory_space<semaphore_mem>>) src(%arg10 : memref<64x128xf32, #tpu.memory_space<vmem>>) dst(%dma_wait3A_401 : memref<10240x128xf32, #tpu.memory_space<vmem_shared>>)
        %add3A_402 = arith.constant 4 : i32
        %add3A_403 = arith.addi %add3A_282, %add3A_402 : i32
        %add3A_404 = arith.constant 2 : i32
        %add3A_405 = arith.addi %add3A_403, %add3A_404 : i32
        %mul3A_406 = arith.constant 64 : i32
        %mul3A_407 = arith.muli %add3A_405, %mul3A_406 : i32
        %dma_start3A_408 = tpu.memref_slice %arg7[%mul3A_407] : memref<2560xi32, #tpu.memory_space<vmem>> -> memref<64xi32, #tpu.memory_space<vmem>>
        %dma_start3A_409 = arith.constant 0 : i32
        %dma_start3A_410 = arith.constant 0 : i32
        %dma_start3A_411 = tpu.memref_slice %arg2[%dma_start3A_409, %dma_start3A_410] : memref<10000x128xf32, #tpu.memory_space<hbm>> -> memref<10000x128xf32, #tpu.memory_space<hbm>>
        tpu.enqueue_indirect_dma source(%dma_start3A_411 : memref<10000x128xf32, #tpu.memory_space<hbm>>) target(%arg10 : memref<64x128xf32, #tpu.memory_space<vmem>>) offsets(%dma_start3A_408 : memref<64xi32, #tpu.memory_space<vmem>>) semaphore(%arg15 : memref<!tpu.dma_semaphore, #tpu.memory_space<semaphore_mem>>)
      } else {
      }
      %add3A_385 = arith.constant 4 : i32
      %add3A_386 = arith.addi %add3A_282, %add3A_385 : i32
      %add3A_387 = arith.constant 3 : i32
      %add3A_388 = arith.addi %add3A_386, %add3A_387 : i32
      %lt3A_389 = arith.constant 40 : i32
      %lt3A_390 = arith.cmpi slt, %add3A_388, %lt3A_389 : i32
      %convert_element_type3A_391 = arith.extui %lt3A_390 : i1 to i32
      %cond3A_392 = arith.constant 0 : i32
      %cond3A_393 = arith.cmpi ne, %convert_element_type3A_391, %cond3A_392 : i32
      scf.if %cond3A_393 {
        %add3A_394 = arith.constant 3 : i32
        %add3A_395 = arith.addi %add3A_282, %add3A_394 : i32
        %mul3A_396 = arith.constant 64 : i32
        %mul3A_397 = arith.muli %add3A_395, %mul3A_396 : i32
        %dma_wait3A_398 = tpu.memref_slice %arg8[%mul3A_397] : memref<2560xi32, #tpu.memory_space<vmem>> -> memref<64xi32, #tpu.memory_space<vmem>>
        %dma_wait3A_399 = arith.constant 0 : i32
        %dma_wait3A_400 = arith.constant 0 : i32
        %dma_wait3A_401 = tpu.memref_slice %arg12[%dma_wait3A_399, %dma_wait3A_400] : memref<10240x128xf32, #tpu.memory_space<vmem_shared>> -> memref<10240x128xf32, #tpu.memory_space<vmem_shared>>
        tpu.wait_indirect_dma semaphore(%arg20 : memref<!tpu.dma_semaphore, #tpu.memory_space<semaphore_mem>>) src(%arg11 : memref<64x128xf32, #tpu.memory_space<vmem>>) dst(%dma_wait3A_401 : memref<10240x128xf32, #tpu.memory_space<vmem_shared>>)
        %add3A_402 = arith.constant 4 : i32
        %add3A_403 = arith.addi %add3A_282, %add3A_402 : i32
        %add3A_404 = arith.constant 3 : i32
        %add3A_405 = arith.addi %add3A_403, %add3A_404 : i32
        %mul3A_406 = arith.constant 64 : i32
        %mul3A_407 = arith.muli %add3A_405, %mul3A_406 : i32
        %dma_start3A_408 = tpu.memref_slice %arg7[%mul3A_407] : memref<2560xi32, #tpu.memory_space<vmem>> -> memref<64xi32, #tpu.memory_space<vmem>>
        %dma_start3A_409 = arith.constant 0 : i32
        %dma_start3A_410 = arith.constant 0 : i32
        %dma_start3A_411 = tpu.memref_slice %arg2[%dma_start3A_409, %dma_start3A_410] : memref<10000x128xf32, #tpu.memory_space<hbm>> -> memref<10000x128xf32, #tpu.memory_space<hbm>>
        tpu.enqueue_indirect_dma source(%dma_start3A_411 : memref<10000x128xf32, #tpu.memory_space<hbm>>) target(%arg11 : memref<64x128xf32, #tpu.memory_space<vmem>>) offsets(%dma_start3A_408 : memref<64xi32, #tpu.memory_space<vmem>>) semaphore(%arg16 : memref<!tpu.dma_semaphore, #tpu.memory_space<semaphore_mem>>)
      } else {
      }
    }
    %scan3A_241 = arith.constant 10 : i32
    %dma_wait3A_242 = arith.constant 0 : i32
    %dma_wait3A_243 = arith.constant 0 : i32
    %dma_wait3A_244 = tpu.memref_slice %arg9[%dma_wait3A_242, %dma_wait3A_243] : memref<128x128xf32, #tpu.memory_space<vmem>> -> memref<64x128xf32, #tpu.memory_space<vmem>>
    %dma_wait3A_245 = arith.constant 2304 : i32
    %dma_wait3A_246 = tpu.memref_slice %arg8[%dma_wait3A_245] : memref<2560xi32, #tpu.memory_space<vmem>> -> memref<64xi32, #tpu.memory_space<vmem>>
    %dma_wait3A_247 = arith.constant 0 : i32
    %dma_wait3A_248 = arith.constant 0 : i32
    %dma_wait3A_249 = tpu.memref_slice %arg12[%dma_wait3A_247, %dma_wait3A_248] : memref<10240x128xf32, #tpu.memory_space<vmem_shared>> -> memref<10240x128xf32, #tpu.memory_space<vmem_shared>>
    tpu.wait_indirect_dma semaphore(%arg17 : memref<!tpu.dma_semaphore, #tpu.memory_space<semaphore_mem>>) src(%dma_wait3A_244 : memref<64x128xf32, #tpu.memory_space<vmem>>) dst(%dma_wait3A_249 : memref<10240x128xf32, #tpu.memory_space<vmem_shared>>)
    %dma_wait3A_250 = arith.constant 64 : i32
    %dma_wait3A_251 = arith.constant 0 : i32
    %dma_wait3A_252 = tpu.memref_slice %arg9[%dma_wait3A_250, %dma_wait3A_251] : memref<128x128xf32, #tpu.memory_space<vmem>> -> memref<64x128xf32, #tpu.memory_space<vmem>>
    %dma_wait3A_253 = arith.constant 2368 : i32
    %dma_wait3A_254 = tpu.memref_slice %arg8[%dma_wait3A_253] : memref<2560xi32, #tpu.memory_space<vmem>> -> memref<64xi32, #tpu.memory_space<vmem>>
    %dma_wait3A_255 = arith.constant 0 : i32
    %dma_wait3A_256 = arith.constant 0 : i32
    %dma_wait3A_257 = tpu.memref_slice %arg12[%dma_wait3A_255, %dma_wait3A_256] : memref<10240x128xf32, #tpu.memory_space<vmem_shared>> -> memref<10240x128xf32, #tpu.memory_space<vmem_shared>>
    tpu.wait_indirect_dma semaphore(%arg18 : memref<!tpu.dma_semaphore, #tpu.memory_space<semaphore_mem>>) src(%dma_wait3A_252 : memref<64x128xf32, #tpu.memory_space<vmem>>) dst(%dma_wait3A_257 : memref<10240x128xf32, #tpu.memory_space<vmem_shared>>)
    %dma_wait3A_258 = arith.constant 2432 : i32
    %dma_wait3A_259 = tpu.memref_slice %arg8[%dma_wait3A_258] : memref<2560xi32, #tpu.memory_space<vmem>> -> memref<64xi32, #tpu.memory_space<vmem>>
    %dma_wait3A_260 = arith.constant 0 : i32
    %dma_wait3A_261 = arith.constant 0 : i32
    %dma_wait3A_262 = tpu.memref_slice %arg12[%dma_wait3A_260, %dma_wait3A_261] : memref<10240x128xf32, #tpu.memory_space<vmem_shared>> -> memref<10240x128xf32, #tpu.memory_space<vmem_shared>>
    tpu.wait_indirect_dma semaphore(%arg19 : memref<!tpu.dma_semaphore, #tpu.memory_space<semaphore_mem>>) src(%arg10 : memref<64x128xf32, #tpu.memory_space<vmem>>) dst(%dma_wait3A_262 : memref<10240x128xf32, #tpu.memory_space<vmem_shared>>)
    %dma_wait3A_263 = arith.constant 2496 : i32
    %dma_wait3A_264 = tpu.memref_slice %arg8[%dma_wait3A_263] : memref<2560xi32, #tpu.memory_space<vmem>> -> memref<64xi32, #tpu.memory_space<vmem>>
    %dma_wait3A_265 = arith.constant 0 : i32
    %dma_wait3A_266 = arith.constant 0 : i32
    %dma_wait3A_267 = tpu.memref_slice %arg12[%dma_wait3A_265, %dma_wait3A_266] : memref<10240x128xf32, #tpu.memory_space<vmem_shared>> -> memref<10240x128xf32, #tpu.memory_space<vmem_shared>>
    tpu.wait_indirect_dma semaphore(%arg20 : memref<!tpu.dma_semaphore, #tpu.memory_space<semaphore_mem>>) src(%arg11 : memref<64x128xf32, #tpu.memory_space<vmem>>) dst(%dma_wait3A_267 : memref<10240x128xf32, #tpu.memory_space<vmem_shared>>)
    %barrier3A_268 = arith.constant 0 : index
    tpu.barrier barrier_id(%barrier3A_268)
    %mul3A_269 = arith.constant 640 : i32
    %mul3A_270 = arith.muli %arg1, %mul3A_269 : i32
    %multiple_of3A = tpu.assume_multiple %mul3A_270, 8 : i32
    %eq3A = arith.constant 0 : i32
    %eq3A_271 = arith.cmpi eq, %arg0, %eq3A : i32
    %convert_element_type3A = arith.extui %eq3A_271 : i1 to i32
    %cond3A = arith.constant 0 : i32
    %cond3A_272 = arith.cmpi ne, %convert_element_type3A, %cond3A : i32
    scf.if %cond3A_272 {
      "tpu.region"() ({
        %run_scoped3A = tpu.sem_alloc : memref<!tpu.dma_semaphore, #tpu.memory_space<semaphore_mem>>
        %dma_start3A_278 = arith.constant 0 : i32
        %dma_start3A_279 = tpu.memref_slice %arg5[%multiple_of3A, %dma_start3A_278] : memref<10240x128xf32, #tpu.memory_space<hbm>> -> memref<640x128xf32, #tpu.memory_space<hbm>>
        %dma_start3A_280 = arith.constant 0 : i32
        %dma_start3A_281 = tpu.memref_slice %arg12[%multiple_of3A, %dma_start3A_280] : memref<10240x128xf32, #tpu.memory_space<vmem_shared>> -> memref<640x128xf32, #tpu.memory_space<vmem_shared>>
        tpu.enqueue_dma source(%dma_start3A_281 : memref<640x128xf32, #tpu.memory_space<vmem_shared>>) target(%dma_start3A_279 : memref<640x128xf32, #tpu.memory_space<hbm>>) target_semaphore(%run_scoped3A : memref<!tpu.dma_semaphore, #tpu.memory_space<semaphore_mem>>)
        %dma_wait3A_282 = arith.constant 0 : i32
        %dma_wait3A_283 = tpu.memref_slice %arg5[%multiple_of3A, %dma_wait3A_282] : memref<10240x128xf32, #tpu.memory_space<hbm>> -> memref<640x128xf32, #tpu.memory_space<hbm>>
        %dma_wait3A_284 = arith.constant 0 : i32
        %dma_wait3A_285 = tpu.memref_slice %arg12[%multiple_of3A, %dma_wait3A_284] : memref<10240x128xf32, #tpu.memory_space<vmem_shared>> -> memref<640x128xf32, #tpu.memory_space<vmem_shared>>
        tpu.wait_dma2 semaphore(%run_scoped3A : memref<!tpu.dma_semaphore, #tpu.memory_space<semaphore_mem>>) src(%dma_wait3A_285 : memref<640x128xf32, #tpu.memory_space<vmem_shared>>) dst(%dma_wait3A_283 : memref<640x128xf32, #tpu.memory_space<hbm>>)
        tpu.yield
      }) : () -> ()
    } else {
    }
    %eq3A_273 = arith.constant 1 : i32
    %eq3A_274 = arith.cmpi eq, %arg0, %eq3A_273 : i32
    %convert_element_type3A_275 = arith.extui %eq3A_274 : i1 to i32
    %cond3A_276 = arith.constant 0 : i32
    %cond3A_277 = arith.cmpi ne, %convert_element_type3A_275, %cond3A_276 : i32
    scf.if %cond3A_277 {
      "tpu.region"() ({
        %run_scoped3A = tpu.sem_alloc : memref<!tpu.dma_semaphore, #tpu.memory_space<semaphore_mem>>
        %dma_start3A_278 = arith.constant 0 : i32
        %dma_start3A_279 = tpu.memref_slice %arg6[%multiple_of3A, %dma_start3A_278] : memref<10240x128xf32, #tpu.memory_space<hbm>> -> memref<640x128xf32, #tpu.memory_space<hbm>>
        %dma_start3A_280 = arith.constant 0 : i32
        %dma_start3A_281 = tpu.memref_slice %arg12[%multiple_of3A, %dma_start3A_280] : memref<10240x128xf32, #tpu.memory_space<vmem_shared>> -> memref<640x128xf32, #tpu.memory_space<vmem_shared>>
        tpu.enqueue_dma source(%dma_start3A_281 : memref<640x128xf32, #tpu.memory_space<vmem_shared>>) target(%dma_start3A_279 : memref<640x128xf32, #tpu.memory_space<hbm>>) target_semaphore(%run_scoped3A : memref<!tpu.dma_semaphore, #tpu.memory_space<semaphore_mem>>)
        %dma_wait3A_282 = arith.constant 0 : i32
        %dma_wait3A_283 = tpu.memref_slice %arg6[%multiple_of3A, %dma_wait3A_282] : memref<10240x128xf32, #tpu.memory_space<hbm>> -> memref<640x128xf32, #tpu.memory_space<hbm>>
        %dma_wait3A_284 = arith.constant 0 : i32
        %dma_wait3A_285 = tpu.memref_slice %arg12[%multiple_of3A, %dma_wait3A_284] : memref<10240x128xf32, #tpu.memory_space<vmem_shared>> -> memref<640x128xf32, #tpu.memory_space<vmem_shared>>
        tpu.wait_dma2 semaphore(%run_scoped3A : memref<!tpu.dma_semaphore, #tpu.memory_space<semaphore_mem>>) src(%dma_wait3A_285 : memref<640x128xf32, #tpu.memory_space<vmem_shared>>) dst(%dma_wait3A_283 : memref<640x128xf32, #tpu.memory_space<hbm>>)
        tpu.yield
      }) : () -> ()
    } else {
    }
    return
  }
}

module attributes {stable_mosaic.version = 14 : i64} {
  func.func @_tc1_body(%arg0: i32, %arg1: memref<1000x128xf32, #tpu.memory_space<vmem>>, %arg2: memref<128x128xf32, #tpu.memory_space<vmem>>, %arg3: memref<1000x1xf32, #tpu.memory_space<vmem>>, %arg4: memref<1000x1xf32, #tpu.memory_space<vmem>>, %arg5: memref<1000x128xf32, #tpu.memory_space<vmem>>, %arg6: memref<1000x1xf32, #tpu.memory_space<vmem>>) attributes {dimension_semantics = [#tpu.dimension_semantics<arbitrary>], iteration_bounds = array<i64: 10>, scalar_prefetch = 0 : i64, scratch_operands = 0 : i64, tpu.core_type = #tpu.core_type<tc>, window_params = [{transform_indices = @transform_0, window_bounds = array<i64: 1000, 128>}, {pipeline_mode = #tpu.pipeline_mode<synchronous>, transform_indices = @transform_1, window_bounds = array<i64: 128, 128>}, {transform_indices = @transform_2, window_bounds = array<i64: 1000, 1>}, {transform_indices = @transform_3, window_bounds = array<i64: 1000, 1>}, {transform_indices = @transform_4, window_bounds = array<i64: 1000, 128>}, {transform_indices = @transform_5, window_bounds = array<i64: 1000, 1>}]} {
    %get3A = arith.constant 0 : index
    %get3A_0 = arith.constant 0 : index
    %get3A_1 = vector.load %arg3[%get3A, %get3A_0] : memref<1000x1xf32, #tpu.memory_space<vmem>>, vector<1000x1xf32>
    %get3A_2 = arith.constant 0 : index
    %get3A_3 = arith.constant 0 : index
    %get3A_4 = vector.load %arg4[%get3A_2, %get3A_3] : memref<1000x1xf32, #tpu.memory_space<vmem>>, vector<1000x1xf32>
    %add3A = arith.addf %get3A_1, %get3A_4 : vector<1000x1xf32>
    %add3A_5 = arith.constant 1.000000e+00 : f32
    %add3A_6 = vector.broadcast %add3A_5 : f32 to vector<1000x1xf32>
    %add3A_7 = arith.addf %add3A, %add3A_6 : vector<1000x1xf32>
    %rsqrt3A = math.rsqrt %add3A_7 : vector<1000x1xf32>
    %get3A_8 = arith.constant 0 : index
    %get3A_9 = arith.constant 0 : index
    %get3A_10 = vector.load %arg1[%get3A_8, %get3A_9] : memref<1000x128xf32, #tpu.memory_space<vmem>>, vector<1000x128xf32>
    %get3A_11 = arith.constant 0 : index
    %get3A_12 = arith.constant 0 : index
    %get3A_13 = vector.load %arg2[%get3A_11, %get3A_12] : memref<128x128xf32, #tpu.memory_space<vmem>>, vector<128x128xf32>
    %dot_general3A = arith.constant dense<0.000000e+00> : vector<1000x128xf32>
    %dot_general3A_14 = tpu.matmul %get3A_10, %get3A_13, %dot_general3A {dimension_numbers = #tpu.dot_dimension_numbers<[1], [0], [0], [1], [0, 0, 1, 1], [], []>, transpose_lhs_hint = false} : vector<1000x128xf32>, vector<128x128xf32>, vector<1000x128xf32> -> vector<1000x128xf32>
    %mul3A = vector.broadcast %rsqrt3A : vector<1000x1xf32> to vector<1000x128xf32>
    %mul3A_15 = arith.mulf %dot_general3A_14, %mul3A : vector<1000x128xf32>
    %swap3A = arith.constant 0 : index
    %swap3A_16 = arith.constant 0 : index
    %swap3A_17 = vector.load %arg5[%swap3A, %swap3A_16] : memref<1000x128xf32, #tpu.memory_space<vmem>>, vector<1000x128xf32>
    tpu.vector_store %arg5[%swap3A, %swap3A_16], %mul3A_15 {strides = array<i32>} : memref<1000x128xf32, #tpu.memory_space<vmem>>, vector<1000x128xf32>,
    %swap3A_18 = arith.constant 0 : index
    %swap3A_19 = arith.constant 0 : index
    %swap3A_20 = vector.load %arg6[%swap3A_18, %swap3A_19] : memref<1000x1xf32, #tpu.memory_space<vmem>>, vector<1000x1xf32>
    tpu.vector_store %arg6[%swap3A_18, %swap3A_19], %rsqrt3A {strides = array<i32>} : memref<1000x1xf32, #tpu.memory_space<vmem>>, vector<1000x1xf32>,
    return
  }
  func.func @transform_0(%arg0: i32) -> (i32, i32) {
    %c0_i32 = arith.constant 0 : i32
    %c0_i32_0 = arith.constant 0 : i32
    return %arg0, %c0_i32 : i32, i32
  }
  func.func @transform_1(%arg0: i32) -> (i32, i32) {
    %c0_i32 = arith.constant 0 : i32
    %c0_i32_0 = arith.constant 0 : i32
    %c0_i32_1 = arith.constant 0 : i32
    return %c0_i32, %c0_i32_0 : i32, i32
  }
  func.func @transform_2(%arg0: i32) -> (i32, i32) {
    %c0_i32 = arith.constant 0 : i32
    %c0_i32_0 = arith.constant 0 : i32
    return %arg0, %c0_i32 : i32, i32
  }
  func.func @transform_3(%arg0: i32) -> (i32, i32) {
    %c0_i32 = arith.constant 0 : i32
    %c0_i32_0 = arith.constant 0 : i32
    return %arg0, %c0_i32 : i32, i32
  }
  func.func @transform_4(%arg0: i32) -> (i32, i32) {
    %c0_i32 = arith.constant 0 : i32
    %c0_i32_0 = arith.constant 0 : i32
    return %arg0, %c0_i32 : i32, i32
  }
  func.func @transform_5(%arg0: i32) -> (i32, i32) {
    %c0_i32 = arith.constant 0 : i32
    %c0_i32_0 = arith.constant 0 : i32
    return %arg0, %c0_i32 : i32, i32
  }
}

module attributes {stable_mosaic.version = 14 : i64} {
  func.func @_tc2_body(%arg0: i32, %arg1: memref<1000x128xf32, #tpu.memory_space<vmem>>, %arg2: memref<1000x128xf32, #tpu.memory_space<vmem>>, %arg3: memref<1000x128xf32, #tpu.memory_space<vmem>>, %arg4: memref<1000x1xf32, #tpu.memory_space<vmem>>, %arg5: memref<1x128xf32, #tpu.memory_space<vmem>>, %arg6: memref<128x128xf32, #tpu.memory_space<vmem>>, %arg7: memref<1000x128xf32, #tpu.memory_space<vmem>>) attributes {dimension_semantics = [#tpu.dimension_semantics<arbitrary>], iteration_bounds = array<i64: 10>, scalar_prefetch = 0 : i64, scratch_operands = 0 : i64, tpu.core_type = #tpu.core_type<tc>, window_params = [{transform_indices = @transform_0, window_bounds = array<i64: 1000, 128>}, {transform_indices = @transform_1, window_bounds = array<i64: 1000, 128>}, {transform_indices = @transform_2, window_bounds = array<i64: 1000, 128>}, {transform_indices = @transform_3, window_bounds = array<i64: 1000, 1>}, {pipeline_mode = #tpu.pipeline_mode<synchronous>, transform_indices = @transform_4, window_bounds = array<i64: 1, 128>}, {pipeline_mode = #tpu.pipeline_mode<synchronous>, transform_indices = @transform_5, window_bounds = array<i64: 128, 128>}, {transform_indices = @transform_6, window_bounds = array<i64: 1000, 128>}]} {
    %get3A = arith.constant 0 : index
    %get3A_0 = arith.constant 0 : index
    %get3A_1 = vector.load %arg4[%get3A, %get3A_0] : memref<1000x1xf32, #tpu.memory_space<vmem>>, vector<1000x1xf32>
    %get3A_2 = arith.constant 0 : index
    %get3A_3 = arith.constant 0 : index
    %get3A_4 = vector.load %arg1[%get3A_2, %get3A_3] : memref<1000x128xf32, #tpu.memory_space<vmem>>, vector<1000x128xf32>
    %get3A_5 = arith.constant 0 : index
    %get3A_6 = arith.constant 0 : index
    %get3A_7 = vector.load %arg2[%get3A_5, %get3A_6] : memref<1000x128xf32, #tpu.memory_space<vmem>>, vector<1000x128xf32>
    %add3A = arith.addf %get3A_4, %get3A_7 : vector<1000x128xf32>
    %get3A_8 = arith.constant 0 : index
    %get3A_9 = arith.constant 0 : index
    %get3A_10 = vector.load %arg3[%get3A_8, %get3A_9] : memref<1000x128xf32, #tpu.memory_space<vmem>>, vector<1000x128xf32>
    %add3A_11 = arith.addf %add3A, %get3A_10 : vector<1000x128xf32>
    %mul3A = vector.broadcast %get3A_1 : vector<1000x1xf32> to vector<1000x128xf32>
    %mul3A_12 = arith.mulf %add3A_11, %mul3A : vector<1000x128xf32>
    %get3A_13 = arith.constant 0 : index
    %get3A_14 = arith.constant 0 : index
    %get3A_15 = vector.load %arg5[%get3A_13, %get3A_14] : memref<1x128xf32, #tpu.memory_space<vmem>>, vector<1x128xf32>
    %add3A_16 = vector.broadcast %get3A_15 : vector<1x128xf32> to vector<1000x128xf32>
    %add3A_17 = arith.addf %mul3A_12, %add3A_16 : vector<1000x128xf32>
    %max3A = arith.constant 0.000000e+00 : f32
    %max3A_18 = vector.broadcast %max3A : f32 to vector<1000x128xf32>
    %max3A_19 = arith.maximumf %add3A_17, %max3A_18 : vector<1000x128xf32>
    %get3A_20 = arith.constant 0 : index
    %get3A_21 = arith.constant 0 : index
    %get3A_22 = vector.load %arg6[%get3A_20, %get3A_21] : memref<128x128xf32, #tpu.memory_space<vmem>>, vector<128x128xf32>
    %dot_general3A = arith.constant dense<0.000000e+00> : vector<1000x128xf32>
    %dot_general3A_23 = tpu.matmul %max3A_19, %get3A_22, %dot_general3A {dimension_numbers = #tpu.dot_dimension_numbers<[1], [0], [0], [1], [0, 0, 1, 1], [], []>, transpose_lhs_hint = false} : vector<1000x128xf32>, vector<128x128xf32>, vector<1000x128xf32> -> vector<1000x128xf32>
    %mul3A_24 = vector.broadcast %get3A_1 : vector<1000x1xf32> to vector<1000x128xf32>
    %mul3A_25 = arith.mulf %dot_general3A_23, %mul3A_24 : vector<1000x128xf32>
    %swap3A = arith.constant 0 : index
    %swap3A_26 = arith.constant 0 : index
    %swap3A_27 = vector.load %arg7[%swap3A, %swap3A_26] : memref<1000x128xf32, #tpu.memory_space<vmem>>, vector<1000x128xf32>
    tpu.vector_store %arg7[%swap3A, %swap3A_26], %mul3A_25 {strides = array<i32>} : memref<1000x128xf32, #tpu.memory_space<vmem>>, vector<1000x128xf32>,
    return
  }
  func.func @transform_0(%arg0: i32) -> (i32, i32) {
    %c0_i32 = arith.constant 0 : i32
    %c0_i32_0 = arith.constant 0 : i32
    return %arg0, %c0_i32 : i32, i32
  }
  func.func @transform_1(%arg0: i32) -> (i32, i32) {
    %c0_i32 = arith.constant 0 : i32
    %c0_i32_0 = arith.constant 0 : i32
    return %arg0, %c0_i32 : i32, i32
  }
  func.func @transform_2(%arg0: i32) -> (i32, i32) {
    %c0_i32 = arith.constant 0 : i32
    %c0_i32_0 = arith.constant 0 : i32
    return %arg0, %c0_i32 : i32, i32
  }
  func.func @transform_3(%arg0: i32) -> (i32, i32) {
    %c0_i32 = arith.constant 0 : i32
    %c0_i32_0 = arith.constant 0 : i32
    return %arg0, %c0_i32 : i32, i32
  }
  func.func @transform_4(%arg0: i32) -> (i32, i32) {
    %c0_i32 = arith.constant 0 : i32
    %c0_i32_0 = arith.constant 0 : i32
    %c0_i32_1 = arith.constant 0 : i32
    return %c0_i32, %c0_i32_0 : i32, i32
  }
  func.func @transform_5(%arg0: i32) -> (i32, i32) {
    %c0_i32 = arith.constant 0 : i32
    %c0_i32_0 = arith.constant 0 : i32
    %c0_i32_1 = arith.constant 0 : i32
    return %c0_i32, %c0_i32_0 : i32, i32
  }
  func.func @transform_6(%arg0: i32) -> (i32, i32) {
    %c0_i32 = arith.constant 0 : i32
    %c0_i32_0 = arith.constant 0 : i32
    return %arg0, %c0_i32 : i32, i32
  }
}

module attributes {stable_mosaic.version = 14 : i64} {
  func.func @_tc3_body(%arg0: i32, %arg1: memref<1000x128xf32, #tpu.memory_space<vmem>>, %arg2: memref<1000x128xf32, #tpu.memory_space<vmem>>, %arg3: memref<1000x128xf32, #tpu.memory_space<vmem>>, %arg4: memref<1000x1xf32, #tpu.memory_space<vmem>>, %arg5: memref<1x128xf32, #tpu.memory_space<vmem>>, %arg6: memref<1000x128xf32, #tpu.memory_space<vmem>>) attributes {dimension_semantics = [#tpu.dimension_semantics<arbitrary>], iteration_bounds = array<i64: 10>, scalar_prefetch = 0 : i64, scratch_operands = 0 : i64, tpu.core_type = #tpu.core_type<tc>, window_params = [{transform_indices = @transform_0, window_bounds = array<i64: 1000, 128>}, {transform_indices = @transform_1, window_bounds = array<i64: 1000, 128>}, {transform_indices = @transform_2, window_bounds = array<i64: 1000, 128>}, {transform_indices = @transform_3, window_bounds = array<i64: 1000, 1>}, {pipeline_mode = #tpu.pipeline_mode<synchronous>, transform_indices = @transform_4, window_bounds = array<i64: 1, 128>}, {transform_indices = @transform_5, window_bounds = array<i64: 1000, 128>}]} {
    %get3A = arith.constant 0 : index
    %get3A_0 = arith.constant 0 : index
    %get3A_1 = vector.load %arg1[%get3A, %get3A_0] : memref<1000x128xf32, #tpu.memory_space<vmem>>, vector<1000x128xf32>
    %get3A_2 = arith.constant 0 : index
    %get3A_3 = arith.constant 0 : index
    %get3A_4 = vector.load %arg2[%get3A_2, %get3A_3] : memref<1000x128xf32, #tpu.memory_space<vmem>>, vector<1000x128xf32>
    %add3A = arith.addf %get3A_1, %get3A_4 : vector<1000x128xf32>
    %get3A_5 = arith.constant 0 : index
    %get3A_6 = arith.constant 0 : index
    %get3A_7 = vector.load %arg3[%get3A_5, %get3A_6] : memref<1000x128xf32, #tpu.memory_space<vmem>>, vector<1000x128xf32>
    %add3A_8 = arith.addf %add3A, %get3A_7 : vector<1000x128xf32>
    %get3A_9 = arith.constant 0 : index
    %get3A_10 = arith.constant 0 : index
    %get3A_11 = vector.load %arg4[%get3A_9, %get3A_10] : memref<1000x1xf32, #tpu.memory_space<vmem>>, vector<1000x1xf32>
    %mul3A = vector.broadcast %get3A_11 : vector<1000x1xf32> to vector<1000x128xf32>
    %mul3A_12 = arith.mulf %add3A_8, %mul3A : vector<1000x128xf32>
    %get3A_13 = arith.constant 0 : index
    %get3A_14 = arith.constant 0 : index
    %get3A_15 = vector.load %arg5[%get3A_13, %get3A_14] : memref<1x128xf32, #tpu.memory_space<vmem>>, vector<1x128xf32>
    %add3A_16 = vector.broadcast %get3A_15 : vector<1x128xf32> to vector<1000x128xf32>
    %add3A_17 = arith.addf %mul3A_12, %add3A_16 : vector<1000x128xf32>
    %reduce_max3A = arith.constant dense<0xFF800000> : vector<1000xf32>
    %reduce_max3A_18 = vector.multi_reduction <maximumf>, %add3A_17, %reduce_max3A [1] : vector<1000x128xf32> to vector<1000xf32>
    %broadcast_in_dim3A = vector.shape_cast %reduce_max3A_18 : vector<1000xf32> to vector<1000x1xf32>
    %sub3A = vector.broadcast %broadcast_in_dim3A : vector<1000x1xf32> to vector<1000x128xf32>
    %sub3A_19 = arith.subf %add3A_17, %sub3A : vector<1000x128xf32>
    %exp3A = math.exp %sub3A_19 : vector<1000x128xf32>
    %reduce_sum3A = arith.constant dense<0.000000e+00> : vector<1000xf32>
    %reduce_sum3A_20 = vector.multi_reduction <add>, %exp3A, %reduce_sum3A [1] : vector<1000x128xf32> to vector<1000xf32>
    %broadcast_in_dim3A_21 = vector.shape_cast %reduce_sum3A_20 : vector<1000xf32> to vector<1000x1xf32>
    %log3A = math.log %broadcast_in_dim3A_21 : vector<1000x1xf32>
    %sub3A_22 = vector.broadcast %broadcast_in_dim3A : vector<1000x1xf32> to vector<1000x128xf32>
    %sub3A_23 = arith.subf %add3A_17, %sub3A_22 : vector<1000x128xf32>
    %sub3A_24 = vector.broadcast %log3A : vector<1000x1xf32> to vector<1000x128xf32>
    %sub3A_25 = arith.subf %sub3A_23, %sub3A_24 : vector<1000x128xf32>
    %swap3A = arith.constant 0 : index
    %swap3A_26 = arith.constant 0 : index
    %swap3A_27 = vector.load %arg6[%swap3A, %swap3A_26] : memref<1000x128xf32, #tpu.memory_space<vmem>>, vector<1000x128xf32>
    tpu.vector_store %arg6[%swap3A, %swap3A_26], %sub3A_25 {strides = array<i32>} : memref<1000x128xf32, #tpu.memory_space<vmem>>, vector<1000x128xf32>,
    return
  }
  func.func @transform_0(%arg0: i32) -> (i32, i32) {
    %c0_i32 = arith.constant 0 : i32
    %c0_i32_0 = arith.constant 0 : i32
    return %arg0, %c0_i32 : i32, i32
  }
  func.func @transform_1(%arg0: i32) -> (i32, i32) {
    %c0_i32 = arith.constant 0 : i32
    %c0_i32_0 = arith.constant 0 : i32
    return %arg0, %c0_i32 : i32, i32
  }
  func.func @transform_2(%arg0: i32) -> (i32, i32) {
    %c0_i32 = arith.constant 0 : i32
    %c0_i32_0 = arith.constant 0 : i32
    return %arg0, %c0_i32 : i32, i32
  }
  func.func @transform_3(%arg0: i32) -> (i32, i32) {
    %c0_i32 = arith.constant 0 : i32
    %c0_i32_0 = arith.constant 0 : i32
    return %arg0, %c0_i32 : i32, i32
  }
  func.func @transform_4(%arg0: i32) -> (i32, i32) {
    %c0_i32 = arith.constant 0 : i32
    %c0_i32_0 = arith.constant 0 : i32
    %c0_i32_1 = arith.constant 0 : i32
    return %c0_i32, %c0_i32_0 : i32, i32
  }
  func.func @transform_5(%arg0: i32) -> (i32, i32) {
    %c0_i32 = arith.constant 0 : i32
    %c0_i32_0 = arith.constant 0 : i32
    return %arg0, %c0_i32 : i32, i32
  }
}

</mosaic_0001>

<sc_bundles>
// kernel: kernel.11.cloned.1.call-start
scs
__scs_entry_jumppad:
0x0: {  	(pc) =	sbr.rel $0x88, $3  }
0x1: {  	(tag) =	ssettag $0x0;
	lr =	simm.s32 $0x1  }
0x2: {  	[smem:$0x3F9B] =	sst lr;
	_ =	strace $0xD0000000  }
0x3: {  	_ = 	snop  }
0x4: {  	_ = 	snop  }
0x5: {  	_ = 	snop  }
0x6: {  	_ = 	snop  }
0x7: {  	_ = 	snop  }
__scs_overlays_trampoline_lowered:
0x8: {  	[smem:$0x3FAA] =	sst s0  }
0x9: {  	[smem:$0x3FAB] =	sst s1  }
0xa: {  	[smem:$0x3FAC] =	sst s2  }
0xb: {  	[smem:$0x3FAD] =	sst s3  }
0xc: {  	[smem:$0x3FAE] =	sst s4  }
0xd: {  	[smem:$0x3FAF] =	sst s5  }
0xe: {  	[smem:$0x3FB0] =	sst s6  }
0xf: {  	[smem:$0x3FB1] =	sst s7  }
0x10: {  	[smem:$0x3FB2] =	sst s8  }
0x11: {  	[smem:$0x3FB3] =	sst s9;
	s0 =	simm.s32 @!p0 $0x0  }
0x12: {  	s1 =	sld [smem:$0x3F99];
	s0 =	simm.s32 @p0 $0x1  }
0x13: {  	[smem:$0x3FB4] =	sst s0;
	s0 =	simm.s32 @!p1 $0x0  }
0x14: {  	s2 =	sld [smem:$0x3F98];
	s0 =	simm.s32 @p1 $0x1  }
0x15: {  	[smem:$0x3FB5] =	sst s0;
	s0 =	simm.s32 @!p2 $0x0  }
0x16: {  	s3 =	sld [smem:$0x3FDB];
	s0 =	simm.s32 @p2 $0x1  }
0x17: {  	s4 =	simm.s32 $0x1BF5;
	[smem:$0x3FB7] =	sst s0  }
0x18: {  	s0 =	sld [smem:$0x3F9A];
	_ =	swait.ge [sflag:s4], $0x0  }
0x19: {  	s7 =	sld [smem:$0x3F9B]  }
0x1a: {  	s8 =	sadd.s32 $0xFFFFE003, lr  }
0x1b: {  	s9 =	sadd.s32 $0xFFFFFEF7, lr;
	s5 =	simm.s32 $0xFFFFFFFF;
	p2 =	slt.u32 s8, $0xFFFFF086  }
0x1c: {  	p1 =	slt.u32 s9, $0xF7A;
	s5 =	simm.s32 @!p2 $0x0  }
0x1d: {  	s5 =	simm.s32 @p1 $0x1;
	p0 =	seq.s32 s7, s2  }
0x1e: {  	s7 =	smul.u32 @!p0 $0xF7A, s2;
	p2 =	seq.s32 @!p0 s5, $0x0  }
0x1f: {  	s9 =	smul.u32 $0xF7A, s1;
	s8 =	simm.s32 @!p0 $0x1BF5;
	p2 =	por !p2, p0  }
0x20: {  	[sflag:s8] =	ssyncset.s32 @!p0 $0xFFFFF086;
	s6 =	sadd.s32 @!p0 s3, s7;
	s7 =	simm.s32 @!p0 $0x108  }
0x21: {  	s3 =	sadd.s32 s3, s9;
	s6 =	sadd.s32 @!p0 $0x88, s6;
	s7 =	simm.s32 @p2 $0x1082  }
0x22: {  	[simem:s7], [sflag:s8] =	dma.local @!p0 [hbm:s6], $0xF7A  }
0x23: {  	s9 =	sor.u32 $0xD0000000, s2;
	s6 =	simm.s32 $0x108;
	_ =	swait.ge @!p0 [sflag:s8], $0x0  }
0x24: {  	s3 =	sadd.s32 $0x88, s3;
	s6 =	simm.s32 @!p1 $0x1082;
	[sflag:s4] =	ssyncset.s32 $0xFFFFF086  }
0x25: {  	[simem:s6], [sflag:s4] =	dma.local [hbm:s3], $0xF7A  }
0x26: {  	[smem:$0x3F9B] =	sst s1;
	(tag) =	ssettag s2;
	_ =	strace s9  }
0x27: {  	s1 =	sld [smem:$0x3FAB]  }
0x28: {  	s2 =	sld [smem:$0x3FAC]  }
0x29: {  	s4 =	sld [smem:$0x3FAE]  }
0x2a: {  	p0 =	seq.s32 s5, $0x0;
	s5 =	sld [smem:$0x3FAF]  }
0x2b: {  	s6 =	sld [smem:$0x3FB0]  }
0x2c: {  	s7 =	sld [smem:$0x3FB1]  }
0x2d: {  	s3 =	simm.s32 $0x108;
	s8 =	sld [smem:$0x3FB2]  }
0x2e: {  	s3 =	simm.s32 @!p0 $0x1082;
	s9 =	sld [smem:$0x3FB3]  }
0x2f: {  	lr =	sadd.s32 s0, s3;
	s0 =	sld [smem:$0x3FAA]  }
0x30: {  	s3 =	sld [smem:$0x3FAD]  }
0x31: {  	[smem:$0x3FB6] =	sst s10  }
0x32: {  	s10 =	sld [smem:$0x3FB4];
	_ =	sdelay $0x3  }
0x33: {  	p0 =	seq.s32 s10, $0x1;
	s10 =	sld [smem:$0x3FB6];
	_ =	sdelay $0x3  }
0x34: {  	[smem:$0x3FB6] =	sst s10  }
0x35: {  	s10 =	sld [smem:$0x3FB5];
	_ =	sdelay $0x3  }
0x36: {  	p1 =	seq.s32 s10, $0x1;
	s10 =	sld [smem:$0x3FB6];
	_ =	sdelay $0x3  }
0x37: {  	[smem:$0x3FB6] =	sst s10  }
0x38: {  	s10 =	sld [smem:$0x3FB7]  }
0x39: {  	_ = 	snop;
	(pc) =	sbr.ind lr, $3  }
0x3a: {  	_ = 	snop  }
0x3b: {  	_ = 	snop  }
0x3c: {  	p2 =	seq.s32 s10, $0x1;
	s10 =	sld [smem:$0x3FB6]  }
0x3d: {  	_ =	shalt  }
0x3e: {  	_ =	shalt  }
0x3f: {  	_ =	shalt  }
0x40: {  	_ =	shalt  }
0x41: {  	_ =	shalt  }
0x42: {  	_ =	shalt  }
0x43: {  	_ =	shalt  }
0x44: {  	_ =	shalt  }
0x45: {  	_ =	shalt  }
0x46: {  	_ =	shalt  }
0x47: {  	_ =	shalt  }
0x48: {  	_ =	shalt  }
0x49: {  	_ =	shalt  }
0x4a: {  	_ =	shalt  }
0x4b: {  	_ =	shalt  }
0x4c: {  	_ =	shalt  }
0x4d: {  	_ =	shalt  }
0x4e: {  	_ =	shalt  }
0x4f: {  	_ =	shalt  }
0x50: {  	_ =	shalt  }
0x51: {  	_ =	shalt  }
0x52: {  	_ =	shalt  }
0x53: {  	_ =	shalt  }
0x54: {  	_ =	shalt  }
0x55: {  	_ =	shalt  }
0x56: {  	_ =	shalt  }
0x57: {  	_ =	shalt  }
0x58: {  	_ =	shalt  }
0x59: {  	_ =	shalt  }
0x5a: {  	_ =	shalt  }
0x5b: {  	_ =	shalt  }
0x5c: {  	_ =	shalt  }
0x5d: {  	_ =	shalt  }
0x5e: {  	_ =	shalt  }
0x5f: {  	_ =	shalt  }
0x60: {  	_ =	shalt  }
0x61: {  	_ =	shalt  }
0x62: {  	_ =	shalt  }
0x63: {  	_ =	shalt  }
0x64: {  	_ =	shalt  }
0x65: {  	_ =	shalt  }
0x66: {  	_ =	shalt  }
0x67: {  	_ =	shalt  }
0x68: {  	_ =	shalt  }
0x69: {  	_ =	shalt  }
0x6a: {  	_ =	shalt  }
0x6b: {  	_ =	shalt  }
0x6c: {  	_ =	shalt  }
0x6d: {  	_ =	shalt  }
0x6e: {  	_ =	shalt  }
0x6f: {  	_ =	shalt  }
0x70: {  	_ =	shalt  }
0x71: {  	_ =	shalt  }
0x72: {  	_ =	shalt  }
0x73: {  	_ =	shalt  }
0x74: {  	_ =	shalt  }
0x75: {  	_ =	shalt  }
0x76: {  	_ =	shalt  }
0x77: {  	_ =	shalt  }
0x78: {  	_ =	shalt  }
0x79: {  	_ =	shalt  }
0x7a: {  	_ =	shalt  }
0x7b: {  	_ =	shalt  }
0x7c: {  	_ =	shalt  }
0x7d: {  	_ =	shalt  }
0x7e: {  	_ =	shalt  }
0x7f: {  	_ =	shalt  }
0x80: {  	_ =	shalt  }
0x81: {  	_ =	shalt  }
0x82: {  	_ =	shalt  }
0x83: {  	_ =	shalt  }
0x84: {  	_ =	shalt  }
0x85: {  	_ =	shalt  }
0x86: {  	_ =	shalt  }
0x87: {  	_ =	shalt  }
.Lfunc_end0:
.L_simem_size_0:
called_computation.1_lowered:
.L_overlay_start_0:
0x88: {  	s2 =	sld [smem:$0x3FD9]  }
0x89: {  	s3 =	sld [smem:$0x3FFE];
	_ =	sdelay $0x1  }
0x8a: {  	s1 =	srdreg.scid  }
0x8b: {  	s0 =	sand.u32 $0x1, s1  }
0x8c: {  	s17 =	sshll.u32 s0, $0xA;
	s2 =	sadd.s32 s3, s2  }
0x8d: {  	s2 =	sadd.s32 s2, s17  }
0x8e: {  	[smem:$0x3FC2] =	sst s2  }
0x8f: {  	_ = 	snop  }
0x90: {  	s2 =	sld [smem:$0x3FD0];
	(tm) =	ssettm $0x1  }
0x91: {  	s18 =	sld [smem:$0x3FFB];
	_ =	sdelay $0x3  }
0x92: {  	_ =	strace s18  }
0x93: {  	s3 =	sld [smem:$0x3FFC];
	_ =	sdelay $0x3  }
0x94: {  	_ =	strace s3  }
0x95: {  	s3 =	sld [smem:$0x3FFD];
	_ =	sdelay $0x3  }
0x96: {  	_ =	strace s3  }
0x97: {  	_ =	strace $0x8FFFFFFF  }
0x98: {  	s19 =	sld [smem:$0x3FDB];
	_ =	sdelay $0x1  }
0x99: {  	s4 =	simm.s32 $_scs_section_size  }
0x9a: {  	s5 =	simm.s32 $_size__tile_overlayer_lowered;
	s6 =	simm.s32 $_tile_overlayer_lowered  }
0x9b: {  	s22 =	simm.s32 $0x1BFF;
	s21 =	sshll.u32 s6, $0x1;
	s3 =	sadd.s32 s4, s19  }
0x9c: {  	s7 =	simm.s32 $0x0;
	s20 =	sshll.u32 s5, $0x1;
	s5 =	sadd.s32 s21, s3  }
0x9d: {  	[timem:s7], [sflag:s22] =	dma.local [hbm:s5], s20  }
0x9e: {  	_ =	swait.ge [sflag:s22], s20  }
0x9f: {  	s4 =	ssub.s32 $0x0, s20;
	[sflag:s22] =	ssyncset.done $0x0  }
0xa0: {  	[sflag:s22] =	ssyncadd.s32 s4;
	_ =	sdelay $0x1  }
0xa1: {  	s23 =	simm.s32 $0x1B8B  }
0xa2: {  	_ =	swait.ge [sflag:s23], $0x1  }
0xa3: {  	[sflag:s23] =	ssyncset.done $0x0  }
0xa4: {  	s25 =	simm.s32 $0x1B8E;
	s24 =	sld [smem:$0x3FFE];
	[sflag:s23] =	ssyncadd.s32 $0xFFFFFFFF  }
0xa5: {  	s26 =	simm.s32 $execute0_lowered;
	[smem:$0x3FD2] =	sst s25  }
0xa6: {  	s5 =	sshll.u32 s26, $0x1;
	_ =	strace $0x80000049;
	[dreg:$0x1] =	wrdreg $0xFFFFFFFF  }
0xa7: {  	s28 =	simm.s32 $_size_execute0_lowered;
	s3 =	sadd.s32 s3, s5;
	[dreg:$0x0] =	wrdreg $0x0  }
0xa8: {  	s5 =	sshll.u32 s28, $0x1;
	[dreg:$0x2] =	wrdreg s3  }
0xa9: {  	[dreg:$0x3] =	wrdreg s5  }
0xaa: {  	[dreg:$0x4] =	wrdreg $0xC0  }
0xab: {  	_ =	task [dreg:s7], $0x5FFFF  }
0xac: {  	[dreg:$0x1] =	wrdreg $0xFFFFFFFF  }
0xad: {  	[dreg:$0x0] =	wrdreg $0x60  }
0xae: {  	[dreg:$0x2] =	wrdreg s2  }
0xaf: {  	[dreg:$0x3] =	wrdreg s24  }
0xb0: {  	[dreg:$0x4] =	wrdreg $0x94000  }
0xb1: {  	[dreg:$0x5] =	wrdreg $0x9  }
0xb2: {  	_ =	task.clear_ibuf [dreg:s7], $0x6FFFF;
	_ =	strace $0x90000049  }
0xb3: {  	s29 =	simm.s32 $0x9;
	_ =	strace $0x8000004B  }
0xb4: {  	_ =	swait.ge [sflag:s29], $0x1  }
0xb5: {  	[sflag:s29] =	ssyncadd.s32 $0xFFFFFFFF  }
0xb6: {  	_ =	strace $0x9000004B  }
0xb7: {  	_ =	sfence  }
0xb8: {  	s30 =	sld [smem:$0x0];
	_ =	sdelay $0x2  }
0xb9: {  	s31 =	sshll.u32 s1, $0xD;
	s1 =	sshrl.u32 s1, $0x2  }
0xba: {  	s3 =	sand.u32 $0x4000, s31;
	s1 =	sadd.s32 s1, s30  }
0xbb: {  	s0 =	sor.u32 s3, s0;
	s1 =	sshll.u32 s1, $0x11  }
0xbc: {  	s0 =	sor.u32 s1, s0  }
0xbd: {  	s0 =	sadd.s32 $0x8F2B, s0  }
0xbe: {  	[sflag:s0] =	ssyncadd.remote.s32 $0x1  }
0xbf: {  	_ =	sfence.sel $0xFFFF  }
0xc0: {  	[dreg:$0x0] =	wrdreg $0xFFFFFFFF;
	(pc) =	sbr.abs _section_cstart, $3  }
0xc1: {  	[dreg:$0x1] =	wrdreg $0xFFFFFFFF  }
0xc2: {  	_ =	task.clear_ibuf [dreg:s7], $0x2FFFF;
	_ =	strace $0x9FFFFFFF  }
0xc3: {  	(tm) =	ssettm $0x7FFFFFFF  }
tec
execute0_lowered:
.L_overlay_start_1:
0x0: {  	(tag) =	ssettag $0x1  }
0x1: {  	s1 =	rddreg [dreg:$0x0]  }
0x2: {  	s0 =	rddreg [dreg:$0x1]  }
0x3: {  	s2 =	rddreg [dreg:$0x2];
	s3 =	srdreg.scid  }
0x4: {  	s4 =	simm.s32 $0x0;
	s13 =	stileid.u32;
	s28 =	simm.s32 $0xC0  }
0x5: {  	s29 =	simm.s32 $0x7400;
	s30 =	simm.s32 $0x1;
	s31 =	simm.s32 $0x2  }
0x6: {  	s3 =	sand.u32 $0x1, s3;
	[smem:$0x7FF] =	sst s4;
	s6 =	smul.u32 $0x50000, s13  }
0x7: {  	s9 =	sadd.s32 $0xDC00, s0;
	s10 =	sadd.s32 $0x3C00, s0;
	s24 =	smul.u32 $0x2800, s13  }
0x8: {  	s5 =	sshll.u32 s3, $0x4;
	_ =	strace $0x8000004A;
	s7 =	ssub.s32 $0x2, s3  }
0x9: {  	p0 =	seq.s32 s3, $0x1;
	s3 =	simm.s32 $0x3FC00;
	s5 =	sor.u32 s13, s5  }
0xa: {  	s11 =	sshrl.u32 s7, $0x1;
	s6 =	sshrl.u32 s6, $0x2;
	s8 =	smul.u32 $0x2800, s5  }
0xb: {  	s3 =	simm.s32 @!p0 $0x17C00;
	s13 =	simm.s32 $0x13C0;
	s12 =	smul.u32 $0x500, s5  }
0xc: {  	s7 =	ssub.s32 s7, s11;
	s5 =	sadd.s32 s6, s2;
	s0 =	sadd.s32 s3, s0  }
0xd: {  	s3 =	simm.s32 $0x4;
	s11 =	simm.s32 $0x1340;
	s7 =	smax.u32 s7, $0x1  }
0xe: {  	s25 =	sadd.s32 $0x4000, s5;
	s26 =	sadd.s32 $0x8000, s5;
	[dreg:$0xc] =	wrdreg s7  }
0xf: {  	s8 =	sshrl.u32 s8, $0x3;
	s17 =	sadd.s32 s9, s12;
	[dreg:$0xd] =	wrdreg s25  }
0x10: {  	s18 =	sadd.s32 s10, s12;
	[dreg:$0xe] =	wrdreg s26;
	s25 =	simm.s32 $0x80  }
0x11: {  	s26 =	simm.s32 $0x5400;
	s7 =	simm.s32 $0x6;
	[dreg:$0x4] =	wrdreg s17  }
0x12: {  	s12 =	simm.s32 $0x1380;
	s16 =	sadd.s32 $0x140, s8;
	[dreg:$0x5] =	wrdreg s18  }
0x13: {  	s20 =	sadd.s32 $0x280, s8;
	s8 =	sadd.s32 $0x3C0, s8;
	s19 =	sadd.s32 s9, s16  }
0x14: {  	s17 =	sadd.s32 $0xC000, s5;
	s6 =	sadd.s32 s10, s16;
	[dreg:$0x6] =	wrdreg s19  }
0x15: {  	s18 =	sadd.s32 $0x10000, s5;
	s21 =	sadd.s32 s9, s20;
	[dreg:$0x7] =	wrdreg s6  }
0x16: {  	s22 =	sadd.s32 s9, s8;
	s23 =	sadd.s32 s10, s8;
	[dreg:$0x8] =	wrdreg s21  }
0x17: {  	s8 =	simm.s32 $0x7;
	s9 =	simm.s32 $0x8;
	[dreg:$0xa] =	wrdreg s22  }
0x18: {  	s6 =	sadd.s32 s10, s20;
	[dreg:$0xb] =	wrdreg s23;
	s19 =	sadd.s32 s0, s24  }
0x19: {  	s20 =	simm.s32 $0x1400;
	s21 =	simm.s32 $0x9;
	s22 =	simm.s32 $0xA00  }
0x1a: {  	s23 =	simm.s32 $0x40;
	s24 =	simm.s32 $0x3400;
	s0 =	simm.s32 $0x3  }
0x1b: {  	v0 =	vimm.f32 $0.0e+00;
	s10 =	simm.s32 $0x1300;
	[dreg:$0x9] =	wrdreg s6;
	s6 =	simm.s32 $0x5  }
.LBB2_1:
0x1c: {  	s14 =	simm.s32 $0x0;
	s15 =	simm.s32 $0x200  }
.LBB2_2:
0x1d: {  	p0 =	sne.s32 s15, $0xFE00;
	[tilespmem:s14+$0x1470] =	vst v0  }
0x1e: {  	[tilespmem:s14+$0x1400] =	vst v0  }
0x1f: {  	[tilespmem:s14+$0x1410] =	vst v0  }
.Ltmp0:
0x20: {  	[tilespmem:s14+$0x1420] =	vst v0;
	(pc) =	sbr.rel @p0 .LBB2_2-.Ltmp0, $4  }
0x21: {  	[tilespmem:s14+$0x1430] =	vst v0  }
0x22: {  	[tilespmem:s14+$0x1440] =	vst v0  }
0x23: {  	[tilespmem:s14+$0x1450] =	vst v0  }
0x24: {  	[tilespmem:s14+$0x1460] =	vst v0;
	s14 =	sshra.s32 s15, $0x2;
	s15 =	sadd.s32 $0x200, s15  }
0x25: {  	[tilespmem:s14+$0x1470] =	vst v0  }
0x26: {  	[tilespmem:s14+$0x1400] =	vst v0  }
0x27: {  	[tilespmem:s14+$0x1410] =	vst v0  }
0x28: {  	[tilespmem:s14+$0x1420] =	vst v0  }
0x29: {  	[tilespmem:s14+$0x1430] =	vst v0  }
0x2a: {  	[tilespmem:s14+$0x1440] =	vst v0  }
0x2b: {  	[tilespmem:s14+$0x1450] =	vst v0  }
0x2c: {  	[tilespmem:s14+$0x1460] =	vst v0  }
0x2d: {  	[spmem:s5] =	stream.linear.scatter [tilespmem:s20], [sflag:$0x9], $0x4000, $0x38;
	[tilespmem:$0x1D400] =	vst v63  }
0x2e: {  	_ =	swait.ge [sflag:s21], $0x4000  }
0x2f: {  	[sflag:s21] =	ssyncset.done $0x0  }
0x30: {  	s16 =	rddreg [dreg:$0xd];
	[sflag:s21] =	ssyncadd.s32 $0xFFFFC000  }
0x31: {  	[spmem:s16] =	stream.linear.scatter [tilespmem:s20], [sflag:$0x9], $0x4000, $0x38;
	[tilespmem:$0x1D400] =	vst v63  }
0x32: {  	_ =	swait.ge [sflag:s21], $0x4000  }
0x33: {  	[sflag:s21] =	ssyncset.done $0x0  }
0x34: {  	s15 =	rddreg [dreg:$0xe];
	[sflag:s21] =	ssyncadd.s32 $0xFFFFC000  }
0x35: {  	[spmem:s15] =	stream.linear.scatter [tilespmem:s20], [sflag:$0x9], $0x4000, $0x38;
	[tilespmem:$0x1D400] =	vst v63  }
0x36: {  	_ =	swait.ge [sflag:s21], $0x4000  }
0x37: {  	[sflag:s21] =	ssyncset.done $0x0  }
0x38: {  	[sflag:s21] =	ssyncadd.s32 $0xFFFFC000  }
0x39: {  	[spmem:s17] =	stream.linear.scatter [tilespmem:s20], [sflag:$0x9], $0x4000, $0x38;
	[tilespmem:$0x1D400] =	vst v63  }
0x3a: {  	_ =	swait.ge [sflag:s21], $0x4000  }
0x3b: {  	[sflag:s21] =	ssyncset.done $0x0  }
0x3c: {  	[sflag:s21] =	ssyncadd.s32 $0xFFFFC000  }
0x3d: {  	[spmem:s18] =	stream.linear.scatter [tilespmem:s20], [sflag:$0x9], $0x4000, $0x38;
	[tilespmem:$0x1D400] =	vst v63  }
0x3e: {  	_ =	swait.ge [sflag:s21], $0x4000  }
0x3f: {  	[sflag:s21] =	ssyncset.done $0x0  }
0x40: {  	[sflag:s21] =	ssyncadd.s32 $0xFFFFC000  }
0x41: {  	[bflag:$0x0] =	sbarrier.arrive $0xFFFF  }
0x42: {  	s14 =	simm.s32 $0x0;
	s15 =	rddreg [dreg:$0x4]  }
0x43: {  	[tilespmem:s14], [sflag:$0x9] =	stream.linear.gather [hbm4b:s15+s14], $0xA00, $0x38;
	[tilespmem:$0x1D400] =	vst v63  }
0x44: {  	_ =	swait.ge [sflag:s21], $0xA00  }
0x45: {  	[sflag:s21] =	ssyncset.done $0x0  }
0x46: {  	s16 =	rddreg [dreg:$0x5];
	[sflag:s21] =	ssyncadd.s32 $0xFFFFF600  }
0x47: {  	[tilespmem:s22], [sflag:$0x9] =	stream.linear.gather [hbm4b:s16+s14], $0xA00, $0x38;
	[tilespmem:$0x1D400] =	vst v63  }
0x48: {  	_ =	swait.ge [sflag:s21], $0xA00  }
0x49: {  	[sflag:s21] =	ssyncset.done $0x0  }
0x4a: {  	[sflag:s21] =	ssyncadd.s32 $0xFFFFF600  }
0x4b: {  	[tilespmem:s20], [sflag:$0x1] =	stream.indirect.gather [hbm4b:s1+s23], $0x80, s14, s23, $0xb8;
	[tilespmem:$0x1D400] =	vst v63  }
0x4c: {  	_ = 	snop  }
0x4d: {  	[tilespmem:s24], [sflag:$0x2] =	stream.indirect.gather [hbm4b:s1+s23], $0x80, s23, s23, $0xb8;
	[tilespmem:$0x1D400] =	vst v63  }
0x4e: {  	_ = 	snop  }
0x4f: {  	[tilespmem:s26], [sflag:$0x3] =	stream.indirect.gather [hbm4b:s1+s23], $0x80, s25, s23, $0xb8;
	[tilespmem:$0x1D400] =	vst v63  }
0x50: {  	_ = 	snop  }
0x51: {  	[tilespmem:s29], [sflag:$0x4] =	stream.indirect.gather [hbm4b:s1+s23], $0x80, s28, s23, $0xb8;
	[tilespmem:$0x1D400] =	vst v63  }
0x52: {  	_ =	swait.ge [sflag:s30], $0x2000  }
0x53: {  	[sflag:s30] =	ssyncset.done $0x0  }
0x54: {  	s16 =	simm.s32 $0xA00;
	[sflag:s30] =	ssyncadd.s32 $0xFFFFE000  }
0x55: {  	[spmem:s2] =	stream.indirect.scatter.add.f32 [tilespmem:s20], [sflag:$0x5], $0x80, s16, s23, $0xb8;
	[tilespmem:$0x1D400] =	vst v63  }
0x56: {  	_ =	swait.ge [sflag:s31], $0x2000  }
0x57: {  	[sflag:s31] =	ssyncset.done $0x0  }
0x58: {  	s15 =	simm.s32 $0xA40;
	[sflag:s31] =	ssyncadd.s32 $0xFFFFE000  }
0x59: {  	[spmem:s2] =	stream.indirect.scatter.add.f32 [tilespmem:s24], [sflag:$0x6], $0x80, s15, s23, $0xb8;
	[tilespmem:$0x1D400] =	vst v63  }
0x5a: {  	_ =	swait.ge [sflag:s0], $0x2000  }
0x5b: {  	[sflag:s0] =	ssyncset.done $0x0  }
0x5c: {  	s16 =	simm.s32 $0xA80;
	[sflag:s0] =	ssyncadd.s32 $0xFFFFE000  }
0x5d: {  	[spmem:s2] =	stream.indirect.scatter.add.f32 [tilespmem:s26], [sflag:$0x7], $0x80, s16, s23, $0xb8;
	[tilespmem:$0x1D400] =	vst v63  }
0x5e: {  	_ =	swait.ge [sflag:s3], $0x2000  }
0x5f: {  	[sflag:s3] =	ssyncset.done $0x0  }
0x60: {  	s15 =	simm.s32 $0xAC0;
	[sflag:s3] =	ssyncadd.s32 $0xFFFFE000  }
0x61: {  	[spmem:s2] =	stream.indirect.scatter.add.f32 [tilespmem:s29], [sflag:$0x8], $0x80, s15, s23, $0xb8;
	[tilespmem:$0x1D400] =	vst v63  }
0x62: {  	_ =	swait.ge [sflag:s6], $0x2000  }
0x63: {  	[sflag:s6] =	ssyncset.done $0x0  }
0x64: {  	s16 =	simm.s32 $0x100;
	[sflag:s6] =	ssyncadd.s32 $0xFFFFE000  }
0x65: {  	[tilespmem:s20], [sflag:$0x1] =	stream.indirect.gather [hbm4b:s1+s23], $0x80, s16, s23, $0xb8;
	[tilespmem:$0x1D400] =	vst v63  }
0x66: {  	_ =	swait.ge [sflag:s7], $0x2000  }
0x67: {  	[sflag:s7] =	ssyncset.done $0x0  }
0x68: {  	s15 =	simm.s32 $0x140;
	[sflag:s7] =	ssyncadd.s32 $0xFFFFE000  }
0x69: {  	[tilespmem:s24], [sflag:$0x2] =	stream.indirect.gather [hbm4b:s1+s23], $0x80, s15, s23, $0xb8;
	[tilespmem:$0x1D400] =	vst v63  }
0x6a: {  	_ =	swait.ge [sflag:s8], $0x2000  }
0x6b: {  	[sflag:s8] =	ssyncset.done $0x0  }
0x6c: {  	s16 =	simm.s32 $0x180;
	[sflag:s8] =	ssyncadd.s32 $0xFFFFE000  }
0x6d: {  	[tilespmem:s26], [sflag:$0x3] =	stream.indirect.gather [hbm4b:s1+s23], $0x80, s16, s23, $0xb8;
	[tilespmem:$0x1D400] =	vst v63  }
0x6e: {  	_ =	swait.ge [sflag:s9], $0x2000  }
0x6f: {  	[sflag:s9] =	ssyncset.done $0x0  }
0x70: {  	s14 =	simm.s32 $0x400;
	s15 =	simm.s32 $0x1C0;
	[sflag:s9] =	ssyncadd.s32 $0xFFFFE000  }
.LBB2_4:
0x71: {  	[tilespmem:s29], [sflag:$0x4] =	stream.indirect.gather [hbm4b:s1+s23], $0x80, s15, s23, $0xb8;
	[tilespmem:$0x1D400] =	vst v63  }
0x72: {  	s15 =	smov.u32 s14  }
0x73: {  	p0 =	sne.s32 s14, $0x2000;
	s14 =	sadd.s32 $0x400, s14;
	_ =	swait.ge [sflag:s30], $0x2000  }
0x74: {  	s15 =	sshra.s32 s15, $0x2;
	[sflag:s30] =	ssyncset.done $0x0  }
0x75: {  	s16 =	sadd.s32 $0xA00, s15;
	[sflag:s30] =	ssyncadd.s32 $0xFFFFE000  }
0x76: {  	[spmem:s2] =	stream.indirect.scatter.add.f32 [tilespmem:s20], [sflag:$0x5], $0x80, s16, s23, $0xb8;
	[tilespmem:$0x1D400] =	vst v63  }
0x77: {  	_ =	swait.ge [sflag:s31], $0x2000  }
0x78: {  	[sflag:s31] =	ssyncset.done $0x0  }
0x79: {  	s16 =	sadd.s32 $0xA40, s15;
	[sflag:s31] =	ssyncadd.s32 $0xFFFFE000  }
0x7a: {  	[spmem:s2] =	stream.indirect.scatter.add.f32 [tilespmem:s24], [sflag:$0x6], $0x80, s16, s23, $0xb8;
	[tilespmem:$0x1D400] =	vst v63  }
0x7b: {  	_ =	swait.ge [sflag:s0], $0x2000  }
0x7c: {  	[sflag:s0] =	ssyncset.done $0x0  }
0x7d: {  	s16 =	sadd.s32 $0xA80, s15;
	[sflag:s0] =	ssyncadd.s32 $0xFFFFE000  }
0x7e: {  	[spmem:s2] =	stream.indirect.scatter.add.f32 [tilespmem:s26], [sflag:$0x7], $0x80, s16, s23, $0xb8;
	[tilespmem:$0x1D400] =	vst v63  }
0x7f: {  	_ =	swait.ge [sflag:s3], $0x2000  }
0x80: {  	[sflag:s3] =	ssyncset.done $0x0  }
0x81: {  	s16 =	sadd.s32 $0xAC0, s15;
	[sflag:s3] =	ssyncadd.s32 $0xFFFFE000  }
0x82: {  	[spmem:s2] =	stream.indirect.scatter.add.f32 [tilespmem:s29], [sflag:$0x8], $0x80, s16, s23, $0xb8;
	[tilespmem:$0x1D400] =	vst v63  }
0x83: {  	_ =	swait.ge [sflag:s6], $0x2000  }
0x84: {  	[sflag:s6] =	ssyncset.done $0x0  }
0x85: {  	s16 =	sadd.s32 $0x100, s15;
	[sflag:s6] =	ssyncadd.s32 $0xFFFFE000  }
0x86: {  	[tilespmem:s20], [sflag:$0x1] =	stream.indirect.gather [hbm4b:s1+s23], $0x80, s16, s23, $0xb8;
	[tilespmem:$0x1D400] =	vst v63  }
0x87: {  	_ =	swait.ge [sflag:s7], $0x2000  }
0x88: {  	[sflag:s7] =	ssyncset.done $0x0  }
0x89: {  	s16 =	sadd.s32 $0x140, s15;
	[sflag:s7] =	ssyncadd.s32 $0xFFFFE000  }
0x8a: {  	[tilespmem:s24], [sflag:$0x2] =	stream.indirect.gather [hbm4b:s1+s23], $0x80, s16, s23, $0xb8;
	[tilespmem:$0x1D400] =	vst v63  }
0x8b: {  	_ =	swait.ge [sflag:s8], $0x2000  }
0x8c: {  	[sflag:s8] =	ssyncset.done $0x0  }
.Ltmp1:
0x8d: {  	s16 =	sadd.s32 $0x180, s15;
	[sflag:s8] =	ssyncadd.s32 $0xFFFFE000;
	(pc) =	sbr.rel @p0 .LBB2_4-.Ltmp1, $4  }
0x8e: {  	[tilespmem:s26], [sflag:$0x3] =	stream.indirect.gather [hbm4b:s1+s23], $0x80, s16, s23, $0xb8;
	[tilespmem:$0x1D400] =	vst v63  }
0x8f: {  	_ =	swait.ge [sflag:s9], $0x2000  }
0x90: {  	[sflag:s9] =	ssyncset.done $0x0  }
0x91: {  	s15 =	sadd.s32 $0x1C0, s15;
	[sflag:s9] =	ssyncadd.s32 $0xFFFFE000  }
0x92: {  	[tilespmem:s29], [sflag:$0x4] =	stream.indirect.gather [hbm4b:s1+s23], $0x80, s15, s23, $0xb8;
	[tilespmem:$0x1D400] =	vst v63  }
0x93: {  	_ =	swait.ge [sflag:s30], $0x2000  }
0x94: {  	[sflag:s30] =	ssyncset.done $0x0  }
0x95: {  	[sflag:s30] =	ssyncadd.s32 $0xFFFFE000  }
0x96: {  	[spmem:s2] =	stream.indirect.scatter.add.f32 [tilespmem:s20], [sflag:$0x5], $0x80, s10, s23, $0xb8;
	[tilespmem:$0x1D400] =	vst v63  }
0x97: {  	_ =	swait.ge [sflag:s31], $0x2000  }
0x98: {  	[sflag:s31] =	ssyncset.done $0x0  }
0x99: {  	[sflag:s31] =	ssyncadd.s32 $0xFFFFE000  }
0x9a: {  	[spmem:s2] =	stream.indirect.scatter.add.f32 [tilespmem:s24], [sflag:$0x6], $0x80, s11, s23, $0xb8;
	[tilespmem:$0x1D400] =	vst v63  }
0x9b: {  	_ =	swait.ge [sflag:s0], $0x2000  }
0x9c: {  	[sflag:s0] =	ssyncset.done $0x0  }
0x9d: {  	[sflag:s0] =	ssyncadd.s32 $0xFFFFE000  }
0x9e: {  	[spmem:s2] =	stream.indirect.scatter.add.f32 [tilespmem:s26], [sflag:$0x7], $0x80, s12, s23, $0xb8;
	[tilespmem:$0x1D400] =	vst v63  }
0x9f: {  	_ =	swait.ge [sflag:s3], $0x2000  }
0xa0: {  	[sflag:s3] =	ssyncset.done $0x0  }
0xa1: {  	[sflag:s3] =	ssyncadd.s32 $0xFFFFE000  }
0xa2: {  	[spmem:s2] =	stream.indirect.scatter.add.f32 [tilespmem:s29], [sflag:$0x8], $0x80, s13, s23, $0xb8;
	[tilespmem:$0x1D400] =	vst v63  }
0xa3: {  	_ =	swait.ge [sflag:s6], $0x2000  }
0xa4: {  	[sflag:s6] =	ssyncset.done $0x0  }
0xa5: {  	[sflag:s6] =	ssyncadd.s32 $0xFFFFE000  }
0xa6: {  	_ =	swait.ge [sflag:s7], $0x2000  }
0xa7: {  	[sflag:s7] =	ssyncset.done $0x0  }
0xa8: {  	[sflag:s7] =	ssyncadd.s32 $0xFFFFE000  }
0xa9: {  	_ =	swait.ge [sflag:s8], $0x2000  }
0xaa: {  	[sflag:s8] =	ssyncset.done $0x0  }
0xab: {  	[sflag:s8] =	ssyncadd.s32 $0xFFFFE000  }
0xac: {  	_ =	swait.ge [sflag:s9], $0x2000  }
0xad: {  	[sflag:s9] =	ssyncset.done $0x0  }
0xae: {  	s14 =	simm.s32 $0x0;
	s16 =	rddreg [dreg:$0x6];
	[sflag:s9] =	ssyncadd.s32 $0xFFFFE000  }
0xaf: {  	[tilespmem:s14], [sflag:$0x9] =	stream.linear.gather [hbm4b:s16+s14], $0xA00, $0x38;
	[tilespmem:$0x1D400] =	vst v63  }
0xb0: {  	_ =	swait.ge [sflag:s21], $0xA00  }
0xb1: {  	[sflag:s21] =	ssyncset.done $0x0  }
0xb2: {  	s16 =	rddreg [dreg:$0x7];
	[sflag:s21] =	ssyncadd.s32 $0xFFFFF600  }
0xb3: {  	[tilespmem:s22], [sflag:$0x9] =	stream.linear.gather [hbm4b:s16+s14], $0xA00, $0x38;
	[tilespmem:$0x1D400] =	vst v63  }
0xb4: {  	_ =	swait.ge [sflag:s21], $0xA00  }
0xb5: {  	[sflag:s21] =	ssyncset.done $0x0  }
0xb6: {  	[sflag:s21] =	ssyncadd.s32 $0xFFFFF600  }
0xb7: {  	[tilespmem:s20], [sflag:$0x1] =	stream.indirect.gather [hbm4b:s1+s23], $0x80, s14, s23, $0xb8;
	[tilespmem:$0x1D400] =	vst v63  }
0xb8: {  	_ = 	snop  }
0xb9: {  	[tilespmem:s24], [sflag:$0x2] =	stream.indirect.gather [hbm4b:s1+s23], $0x80, s23, s23, $0xb8;
	[tilespmem:$0x1D400] =	vst v63  }
0xba: {  	_ = 	snop  }
0xbb: {  	[tilespmem:s26], [sflag:$0x3] =	stream.indirect.gather [hbm4b:s1+s23], $0x80, s25, s23, $0xb8;
	[tilespmem:$0x1D400] =	vst v63  }
0xbc: {  	_ = 	snop  }
0xbd: {  	[tilespmem:s29], [sflag:$0x4] =	stream.indirect.gather [hbm4b:s1+s23], $0x80, s28, s23, $0xb8;
	[tilespmem:$0x1D400] =	vst v63  }
0xbe: {  	_ =	swait.ge [sflag:s30], $0x2000  }
0xbf: {  	[sflag:s30] =	ssyncset.done $0x0  }
0xc0: {  	s16 =	simm.s32 $0xA00;
	[sflag:s30] =	ssyncadd.s32 $0xFFFFE000  }
0xc1: {  	[spmem:s2] =	stream.indirect.scatter.add.f32 [tilespmem:s20], [sflag:$0x5], $0x80, s16, s23, $0xb8;
	[tilespmem:$0x1D400] =	vst v63  }
0xc2: {  	_ =	swait.ge [sflag:s31], $0x2000  }
0xc3: {  	[sflag:s31] =	ssyncset.done $0x0  }
0xc4: {  	s15 =	simm.s32 $0xA40;
	[sflag:s31] =	ssyncadd.s32 $0xFFFFE000  }
0xc5: {  	[spmem:s2] =	stream.indirect.scatter.add.f32 [tilespmem:s24], [sflag:$0x6], $0x80, s15, s23, $0xb8;
	[tilespmem:$0x1D400] =	vst v63  }
0xc6: {  	_ =	swait.ge [sflag:s0], $0x2000  }
0xc7: {  	[sflag:s0] =	ssyncset.done $0x0  }
0xc8: {  	s16 =	simm.s32 $0xA80;
	[sflag:s0] =	ssyncadd.s32 $0xFFFFE000  }
0xc9: {  	[spmem:s2] =	stream.indirect.scatter.add.f32 [tilespmem:s26], [sflag:$0x7], $0x80, s16, s23, $0xb8;
	[tilespmem:$0x1D400] =	vst v63  }
0xca: {  	_ =	swait.ge [sflag:s3], $0x2000  }
0xcb: {  	[sflag:s3] =	ssyncset.done $0x0  }
0xcc: {  	s15 =	simm.s32 $0xAC0;
	[sflag:s3] =	ssyncadd.s32 $0xFFFFE000  }
0xcd: {  	[spmem:s2] =	stream.indirect.scatter.add.f32 [tilespmem:s29], [sflag:$0x8], $0x80, s15, s23, $0xb8;
	[tilespmem:$0x1D400] =	vst v63  }
0xce: {  	_ =	swait.ge [sflag:s6], $0x2000  }
0xcf: {  	[sflag:s6] =	ssyncset.done $0x0  }
0xd0: {  	s16 =	simm.s32 $0x100;
	[sflag:s6] =	ssyncadd.s32 $0xFFFFE000  }
0xd1: {  	[tilespmem:s20], [sflag:$0x1] =	stream.indirect.gather [hbm4b:s1+s23], $0x80, s16, s23, $0xb8;
	[tilespmem:$0x1D400] =	vst v63  }
0xd2: {  	_ =	swait.ge [sflag:s7], $0x2000  }
0xd3: {  	[sflag:s7] =	ssyncset.done $0x0  }
0xd4: {  	s15 =	simm.s32 $0x140;
	[sflag:s7] =	ssyncadd.s32 $0xFFFFE000  }
0xd5: {  	[tilespmem:s24], [sflag:$0x2] =	stream.indirect.gather [hbm4b:s1+s23], $0x80, s15, s23, $0xb8;
	[tilespmem:$0x1D400] =	vst v63  }
0xd6: {  	_ =	swait.ge [sflag:s8], $0x2000  }
0xd7: {  	[sflag:s8] =	ssyncset.done $0x0  }
0xd8: {  	s16 =	simm.s32 $0x180;
	[sflag:s8] =	ssyncadd.s32 $0xFFFFE000  }
0xd9: {  	[tilespmem:s26], [sflag:$0x3] =	stream.indirect.gather [hbm4b:s1+s23], $0x80, s16, s23, $0xb8;
	[tilespmem:$0x1D400] =	vst v63  }
0xda: {  	_ =	swait.ge [sflag:s9], $0x2000  }
0xdb: {  	[sflag:s9] =	ssyncset.done $0x0  }
0xdc: {  	s14 =	simm.s32 $0x400;
	s15 =	simm.s32 $0x1C0;
	[sflag:s9] =	ssyncadd.s32 $0xFFFFE000  }
.LBB2_6:
0xdd: {  	[tilespmem:s29], [sflag:$0x4] =	stream.indirect.gather [hbm4b:s1+s23], $0x80, s15, s23, $0xb8;
	[tilespmem:$0x1D400] =	vst v63  }
0xde: {  	s15 =	smov.u32 s14  }
0xdf: {  	p0 =	sne.s32 s14, $0x2000;
	s14 =	sadd.s32 $0x400, s14;
	_ =	swait.ge [sflag:s30], $0x2000  }
0xe0: {  	s15 =	sshra.s32 s15, $0x2;
	[sflag:s30] =	ssyncset.done $0x0  }
0xe1: {  	s16 =	sadd.s32 $0xA00, s15;
	[sflag:s30] =	ssyncadd.s32 $0xFFFFE000  }
0xe2: {  	[spmem:s2] =	stream.indirect.scatter.add.f32 [tilespmem:s20], [sflag:$0x5], $0x80, s16, s23, $0xb8;
	[tilespmem:$0x1D400] =	vst v63  }
0xe3: {  	_ =	swait.ge [sflag:s31], $0x2000  }
0xe4: {  	[sflag:s31] =	ssyncset.done $0x0  }
0xe5: {  	s16 =	sadd.s32 $0xA40, s15;
	[sflag:s31] =	ssyncadd.s32 $0xFFFFE000  }
0xe6: {  	[spmem:s2] =	stream.indirect.scatter.add.f32 [tilespmem:s24], [sflag:$0x6], $0x80, s16, s23, $0xb8;
	[tilespmem:$0x1D400] =	vst v63  }
0xe7: {  	_ =	swait.ge [sflag:s0], $0x2000  }
0xe8: {  	[sflag:s0] =	ssyncset.done $0x0  }
0xe9: {  	s16 =	sadd.s32 $0xA80, s15;
	[sflag:s0] =	ssyncadd.s32 $0xFFFFE000  }
0xea: {  	[spmem:s2] =	stream.indirect.scatter.add.f32 [tilespmem:s26], [sflag:$0x7], $0x80, s16, s23, $0xb8;
	[tilespmem:$0x1D400] =	vst v63  }
0xeb: {  	_ =	swait.ge [sflag:s3], $0x2000  }
0xec: {  	[sflag:s3] =	ssyncset.done $0x0  }
0xed: {  	s16 =	sadd.s32 $0xAC0, s15;
	[sflag:s3] =	ssyncadd.s32 $0xFFFFE000  }
0xee: {  	[spmem:s2] =	stream.indirect.scatter.add.f32 [tilespmem:s29], [sflag:$0x8], $0x80, s16, s23, $0xb8;
	[tilespmem:$0x1D400] =	vst v63  }
0xef: {  	_ =	swait.ge [sflag:s6], $0x2000  }
0xf0: {  	[sflag:s6] =	ssyncset.done $0x0  }
0xf1: {  	s16 =	sadd.s32 $0x100, s15;
	[sflag:s6] =	ssyncadd.s32 $0xFFFFE000  }
0xf2: {  	[tilespmem:s20], [sflag:$0x1] =	stream.indirect.gather [hbm4b:s1+s23], $0x80, s16, s23, $0xb8;
	[tilespmem:$0x1D400] =	vst v63  }
0xf3: {  	_ =	swait.ge [sflag:s7], $0x2000  }
0xf4: {  	[sflag:s7] =	ssyncset.done $0x0  }
0xf5: {  	s16 =	sadd.s32 $0x140, s15;
	[sflag:s7] =	ssyncadd.s32 $0xFFFFE000  }
0xf6: {  	[tilespmem:s24], [sflag:$0x2] =	stream.indirect.gather [hbm4b:s1+s23], $0x80, s16, s23, $0xb8;
	[tilespmem:$0x1D400] =	vst v63  }
0xf7: {  	_ =	swait.ge [sflag:s8], $0x2000  }
0xf8: {  	[sflag:s8] =	ssyncset.done $0x0  }
.Ltmp2:
0xf9: {  	s16 =	sadd.s32 $0x180, s15;
	[sflag:s8] =	ssyncadd.s32 $0xFFFFE000;
	(pc) =	sbr.rel @p0 .LBB2_6-.Ltmp2, $4  }
0xfa: {  	[tilespmem:s26], [sflag:$0x3] =	stream.indirect.gather [hbm4b:s1+s23], $0x80, s16, s23, $0xb8;
	[tilespmem:$0x1D400] =	vst v63  }
0xfb: {  	_ =	swait.ge [sflag:s9], $0x2000  }
0xfc: {  	[sflag:s9] =	ssyncset.done $0x0  }
0xfd: {  	s15 =	sadd.s32 $0x1C0, s15;
	[sflag:s9] =	ssyncadd.s32 $0xFFFFE000  }
0xfe: {  	[tilespmem:s29], [sflag:$0x4] =	stream.indirect.gather [hbm4b:s1+s23], $0x80, s15, s23, $0xb8;
	[tilespmem:$0x1D400] =	vst v63  }
0xff: {  	_ =	swait.ge [sflag:s30], $0x2000  }
0x100: {  	[sflag:s30] =	ssyncset.done $0x0  }
0x101: {  	[sflag:s30] =	ssyncadd.s32 $0xFFFFE000  }
0x102: {  	[spmem:s2] =	stream.indirect.scatter.add.f32 [tilespmem:s20], [sflag:$0x5], $0x80, s10, s23, $0xb8;
	[tilespmem:$0x1D400] =	vst v63  }
0x103: {  	_ =	swait.ge [sflag:s31], $0x2000  }
0x104: {  	[sflag:s31] =	ssyncset.done $0x0  }
0x105: {  	[sflag:s31] =	ssyncadd.s32 $0xFFFFE000  }
0x106: {  	[spmem:s2] =	stream.indirect.scatter.add.f32 [tilespmem:s24], [sflag:$0x6], $0x80, s11, s23, $0xb8;
	[tilespmem:$0x1D400] =	vst v63  }
0x107: {  	_ =	swait.ge [sflag:s0], $0x2000  }
0x108: {  	[sflag:s0] =	ssyncset.done $0x0  }
0x109: {  	[sflag:s0] =	ssyncadd.s32 $0xFFFFE000  }
0x10a: {  	[spmem:s2] =	stream.indirect.scatter.add.f32 [tilespmem:s26], [sflag:$0x7], $0x80, s12, s23, $0xb8;
	[tilespmem:$0x1D400] =	vst v63  }
0x10b: {  	_ =	swait.ge [sflag:s3], $0x2000  }
0x10c: {  	[sflag:s3] =	ssyncset.done $0x0  }
0x10d: {  	[sflag:s3] =	ssyncadd.s32 $0xFFFFE000  }
0x10e: {  	[spmem:s2] =	stream.indirect.scatter.add.f32 [tilespmem:s29], [sflag:$0x8], $0x80, s13, s23, $0xb8;
	[tilespmem:$0x1D400] =	vst v63  }
0x10f: {  	_ =	swait.ge [sflag:s6], $0x2000  }
0x110: {  	[sflag:s6] =	ssyncset.done $0x0  }
0x111: {  	[sflag:s6] =	ssyncadd.s32 $0xFFFFE000  }
0x112: {  	_ =	swait.ge [sflag:s7], $0x2000  }
0x113: {  	[sflag:s7] =	ssyncset.done $0x0  }
0x114: {  	[sflag:s7] =	ssyncadd.s32 $0xFFFFE000  }
0x115: {  	_ =	swait.ge [sflag:s8], $0x2000  }
0x116: {  	[sflag:s8] =	ssyncset.done $0x0  }
0x117: {  	[sflag:s8] =	ssyncadd.s32 $0xFFFFE000  }
0x118: {  	_ =	swait.ge [sflag:s9], $0x2000  }
0x119: {  	[sflag:s9] =	ssyncset.done $0x0  }
0x11a: {  	s14 =	simm.s32 $0x0;
	s16 =	rddreg [dreg:$0x8];
	[sflag:s9] =	ssyncadd.s32 $0xFFFFE000  }
0x11b: {  	[tilespmem:s14], [sflag:$0x9] =	stream.linear.gather [hbm4b:s16+s14], $0xA00, $0x38;
	[tilespmem:$0x1D400] =	vst v63  }
0x11c: {  	_ =	swait.ge [sflag:s21], $0xA00  }
0x11d: {  	[sflag:s21] =	ssyncset.done $0x0  }
0x11e: {  	s16 =	rddreg [dreg:$0x9];
	[sflag:s21] =	ssyncadd.s32 $0xFFFFF600  }
0x11f: {  	[tilespmem:s22], [sflag:$0x9] =	stream.linear.gather [hbm4b:s16+s14], $0xA00, $0x38;
	[tilespmem:$0x1D400] =	vst v63  }
0x120: {  	_ =	swait.ge [sflag:s21], $0xA00  }
0x121: {  	[sflag:s21] =	ssyncset.done $0x0  }
0x122: {  	[sflag:s21] =	ssyncadd.s32 $0xFFFFF600  }
0x123: {  	[tilespmem:s20], [sflag:$0x1] =	stream.indirect.gather [hbm4b:s1+s23], $0x80, s14, s23, $0xb8;
	[tilespmem:$0x1D400] =	vst v63  }
0x124: {  	_ = 	snop  }
0x125: {  	[tilespmem:s24], [sflag:$0x2] =	stream.indirect.gather [hbm4b:s1+s23], $0x80, s23, s23, $0xb8;
	[tilespmem:$0x1D400] =	vst v63  }
0x126: {  	_ = 	snop  }
0x127: {  	[tilespmem:s26], [sflag:$0x3] =	stream.indirect.gather [hbm4b:s1+s23], $0x80, s25, s23, $0xb8;
	[tilespmem:$0x1D400] =	vst v63  }
0x128: {  	_ = 	snop  }
0x129: {  	[tilespmem:s29], [sflag:$0x4] =	stream.indirect.gather [hbm4b:s1+s23], $0x80, s28, s23, $0xb8;
	[tilespmem:$0x1D400] =	vst v63  }
0x12a: {  	_ =	swait.ge [sflag:s30], $0x2000  }
0x12b: {  	[sflag:s30] =	ssyncset.done $0x0  }
0x12c: {  	s16 =	simm.s32 $0xA00;
	[sflag:s30] =	ssyncadd.s32 $0xFFFFE000  }
0x12d: {  	[spmem:s2] =	stream.indirect.scatter.add.f32 [tilespmem:s20], [sflag:$0x5], $0x80, s16, s23, $0xb8;
	[tilespmem:$0x1D400] =	vst v63  }
0x12e: {  	_ =	swait.ge [sflag:s31], $0x2000  }
0x12f: {  	[sflag:s31] =	ssyncset.done $0x0  }
0x130: {  	s15 =	simm.s32 $0xA40;
	[sflag:s31] =	ssyncadd.s32 $0xFFFFE000  }
0x131: {  	[spmem:s2] =	stream.indirect.scatter.add.f32 [tilespmem:s24], [sflag:$0x6], $0x80, s15, s23, $0xb8;
	[tilespmem:$0x1D400] =	vst v63  }
0x132: {  	_ =	swait.ge [sflag:s0], $0x2000  }
0x133: {  	[sflag:s0] =	ssyncset.done $0x0  }
0x134: {  	s16 =	simm.s32 $0xA80;
	[sflag:s0] =	ssyncadd.s32 $0xFFFFE000  }
0x135: {  	[spmem:s2] =	stream.indirect.scatter.add.f32 [tilespmem:s26], [sflag:$0x7], $0x80, s16, s23, $0xb8;
	[tilespmem:$0x1D400] =	vst v63  }
0x136: {  	_ =	swait.ge [sflag:s3], $0x2000  }
0x137: {  	[sflag:s3] =	ssyncset.done $0x0  }
0x138: {  	s15 =	simm.s32 $0xAC0;
	[sflag:s3] =	ssyncadd.s32 $0xFFFFE000  }
0x139: {  	[spmem:s2] =	stream.indirect.scatter.add.f32 [tilespmem:s29], [sflag:$0x8], $0x80, s15, s23, $0xb8;
	[tilespmem:$0x1D400] =	vst v63  }
0x13a: {  	_ =	swait.ge [sflag:s6], $0x2000  }
0x13b: {  	[sflag:s6] =	ssyncset.done $0x0  }
0x13c: {  	s16 =	simm.s32 $0x100;
	[sflag:s6] =	ssyncadd.s32 $0xFFFFE000  }
0x13d: {  	[tilespmem:s20], [sflag:$0x1] =	stream.indirect.gather [hbm4b:s1+s23], $0x80, s16, s23, $0xb8;
	[tilespmem:$0x1D400] =	vst v63  }
0x13e: {  	_ =	swait.ge [sflag:s7], $0x2000  }
0x13f: {  	[sflag:s7] =	ssyncset.done $0x0  }
0x140: {  	s15 =	simm.s32 $0x140;
	[sflag:s7] =	ssyncadd.s32 $0xFFFFE000  }
0x141: {  	[tilespmem:s24], [sflag:$0x2] =	stream.indirect.gather [hbm4b:s1+s23], $0x80, s15, s23, $0xb8;
	[tilespmem:$0x1D400] =	vst v63  }
0x142: {  	_ =	swait.ge [sflag:s8], $0x2000  }
0x143: {  	[sflag:s8] =	ssyncset.done $0x0  }
0x144: {  	s16 =	simm.s32 $0x180;
	[sflag:s8] =	ssyncadd.s32 $0xFFFFE000  }
0x145: {  	[tilespmem:s26], [sflag:$0x3] =	stream.indirect.gather [hbm4b:s1+s23], $0x80, s16, s23, $0xb8;
	[tilespmem:$0x1D400] =	vst v63  }
0x146: {  	_ =	swait.ge [sflag:s9], $0x2000  }
0x147: {  	[sflag:s9] =	ssyncset.done $0x0  }
0x148: {  	s14 =	simm.s32 $0x400;
	s15 =	simm.s32 $0x1C0;
	[sflag:s9] =	ssyncadd.s32 $0xFFFFE000  }
.LBB2_8:
0x149: {  	[tilespmem:s29], [sflag:$0x4] =	stream.indirect.gather [hbm4b:s1+s23], $0x80, s15, s23, $0xb8;
	[tilespmem:$0x1D400] =	vst v63  }
0x14a: {  	s15 =	smov.u32 s14  }
0x14b: {  	p0 =	sne.s32 s14, $0x2000;
	s14 =	sadd.s32 $0x400, s14;
	_ =	swait.ge [sflag:s30], $0x2000  }
0x14c: {  	s15 =	sshra.s32 s15, $0x2;
	[sflag:s30] =	ssyncset.done $0x0  }
0x14d: {  	s16 =	sadd.s32 $0xA00, s15;
	[sflag:s30] =	ssyncadd.s32 $0xFFFFE000  }
0x14e: {  	[spmem:s2] =	stream.indirect.scatter.add.f32 [tilespmem:s20], [sflag:$0x5], $0x80, s16, s23, $0xb8;
	[tilespmem:$0x1D400] =	vst v63  }
0x14f: {  	_ =	swait.ge [sflag:s31], $0x2000  }
0x150: {  	[sflag:s31] =	ssyncset.done $0x0  }
0x151: {  	s16 =	sadd.s32 $0xA40, s15;
	[sflag:s31] =	ssyncadd.s32 $0xFFFFE000  }
0x152: {  	[spmem:s2] =	stream.indirect.scatter.add.f32 [tilespmem:s24], [sflag:$0x6], $0x80, s16, s23, $0xb8;
	[tilespmem:$0x1D400] =	vst v63  }
0x153: {  	_ =	swait.ge [sflag:s0], $0x2000  }
0x154: {  	[sflag:s0] =	ssyncset.done $0x0  }
0x155: {  	s16 =	sadd.s32 $0xA80, s15;
	[sflag:s0] =	ssyncadd.s32 $0xFFFFE000  }
0x156: {  	[spmem:s2] =	stream.indirect.scatter.add.f32 [tilespmem:s26], [sflag:$0x7], $0x80, s16, s23, $0xb8;
	[tilespmem:$0x1D400] =	vst v63  }
0x157: {  	_ =	swait.ge [sflag:s3], $0x2000  }
0x158: {  	[sflag:s3] =	ssyncset.done $0x0  }
0x159: {  	s16 =	sadd.s32 $0xAC0, s15;
	[sflag:s3] =	ssyncadd.s32 $0xFFFFE000  }
0x15a: {  	[spmem:s2] =	stream.indirect.scatter.add.f32 [tilespmem:s29], [sflag:$0x8], $0x80, s16, s23, $0xb8;
	[tilespmem:$0x1D400] =	vst v63  }
0x15b: {  	_ =	swait.ge [sflag:s6], $0x2000  }
0x15c: {  	[sflag:s6] =	ssyncset.done $0x0  }
0x15d: {  	s16 =	sadd.s32 $0x100, s15;
	[sflag:s6] =	ssyncadd.s32 $0xFFFFE000  }
0x15e: {  	[tilespmem:s20], [sflag:$0x1] =	stream.indirect.gather [hbm4b:s1+s23], $0x80, s16, s23, $0xb8;
	[tilespmem:$0x1D400] =	vst v63  }
0x15f: {  	_ =	swait.ge [sflag:s7], $0x2000  }
0x160: {  	[sflag:s7] =	ssyncset.done $0x0  }
0x161: {  	s16 =	sadd.s32 $0x140, s15;
	[sflag:s7] =	ssyncadd.s32 $0xFFFFE000  }
0x162: {  	[tilespmem:s24], [sflag:$0x2] =	stream.indirect.gather [hbm4b:s1+s23], $0x80, s16, s23, $0xb8;
	[tilespmem:$0x1D400] =	vst v63  }
0x163: {  	_ =	swait.ge [sflag:s8], $0x2000  }
0x164: {  	[sflag:s8] =	ssyncset.done $0x0  }
.Ltmp3:
0x165: {  	s16 =	sadd.s32 $0x180, s15;
	[sflag:s8] =	ssyncadd.s32 $0xFFFFE000;
	(pc) =	sbr.rel @p0 .LBB2_8-.Ltmp3, $4  }
0x166: {  	[tilespmem:s26], [sflag:$0x3] =	stream.indirect.gather [hbm4b:s1+s23], $0x80, s16, s23, $0xb8;
	[tilespmem:$0x1D400] =	vst v63  }
0x167: {  	_ =	swait.ge [sflag:s9], $0x2000  }
0x168: {  	[sflag:s9] =	ssyncset.done $0x0  }
0x169: {  	s15 =	sadd.s32 $0x1C0, s15;
	[sflag:s9] =	ssyncadd.s32 $0xFFFFE000  }
0x16a: {  	[tilespmem:s29], [sflag:$0x4] =	stream.indirect.gather [hbm4b:s1+s23], $0x80, s15, s23, $0xb8;
	[tilespmem:$0x1D400] =	vst v63  }
0x16b: {  	_ =	swait.ge [sflag:s30], $0x2000  }
0x16c: {  	[sflag:s30] =	ssyncset.done $0x0  }
0x16d: {  	[sflag:s30] =	ssyncadd.s32 $0xFFFFE000  }
0x16e: {  	[spmem:s2] =	stream.indirect.scatter.add.f32 [tilespmem:s20], [sflag:$0x5], $0x80, s10, s23, $0xb8;
	[tilespmem:$0x1D400] =	vst v63  }
0x16f: {  	_ =	swait.ge [sflag:s31], $0x2000  }
0x170: {  	[sflag:s31] =	ssyncset.done $0x0  }
0x171: {  	[sflag:s31] =	ssyncadd.s32 $0xFFFFE000  }
0x172: {  	[spmem:s2] =	stream.indirect.scatter.add.f32 [tilespmem:s24], [sflag:$0x6], $0x80, s11, s23, $0xb8;
	[tilespmem:$0x1D400] =	vst v63  }
0x173: {  	_ =	swait.ge [sflag:s0], $0x2000  }
0x174: {  	[sflag:s0] =	ssyncset.done $0x0  }
0x175: {  	[sflag:s0] =	ssyncadd.s32 $0xFFFFE000  }
0x176: {  	[spmem:s2] =	stream.indirect.scatter.add.f32 [tilespmem:s26], [sflag:$0x7], $0x80, s12, s23, $0xb8;
	[tilespmem:$0x1D400] =	vst v63  }
0x177: {  	_ =	swait.ge [sflag:s3], $0x2000  }
0x178: {  	[sflag:s3] =	ssyncset.done $0x0  }
0x179: {  	[sflag:s3] =	ssyncadd.s32 $0xFFFFE000  }
0x17a: {  	[spmem:s2] =	stream.indirect.scatter.add.f32 [tilespmem:s29], [sflag:$0x8], $0x80, s13, s23, $0xb8;
	[tilespmem:$0x1D400] =	vst v63  }
0x17b: {  	_ =	swait.ge [sflag:s6], $0x2000  }
0x17c: {  	[sflag:s6] =	ssyncset.done $0x0  }
0x17d: {  	[sflag:s6] =	ssyncadd.s32 $0xFFFFE000  }
0x17e: {  	_ =	swait.ge [sflag:s7], $0x2000  }
0x17f: {  	[sflag:s7] =	ssyncset.done $0x0  }
0x180: {  	[sflag:s7] =	ssyncadd.s32 $0xFFFFE000  }
0x181: {  	_ =	swait.ge [sflag:s8], $0x2000  }
0x182: {  	[sflag:s8] =	ssyncset.done $0x0  }
0x183: {  	[sflag:s8] =	ssyncadd.s32 $0xFFFFE000  }
0x184: {  	_ =	swait.ge [sflag:s9], $0x2000  }
0x185: {  	[sflag:s9] =	ssyncset.done $0x0  }
0x186: {  	s14 =	simm.s32 $0x0;
	s16 =	rddreg [dreg:$0xa];
	[sflag:s9] =	ssyncadd.s32 $0xFFFFE000  }
0x187: {  	[tilespmem:s14], [sflag:$0x9] =	stream.linear.gather [hbm4b:s16+s14], $0xA00, $0x38;
	[tilespmem:$0x1D400] =	vst v63  }
0x188: {  	_ =	swait.ge [sflag:s21], $0xA00  }
0x189: {  	[sflag:s21] =	ssyncset.done $0x0  }
0x18a: {  	s16 =	rddreg [dreg:$0xb];
	[sflag:s21] =	ssyncadd.s32 $0xFFFFF600  }
0x18b: {  	[tilespmem:s22], [sflag:$0x9] =	stream.linear.gather [hbm4b:s16+s14], $0xA00, $0x38;
	[tilespmem:$0x1D400] =	vst v63  }
0x18c: {  	_ =	swait.ge [sflag:s21], $0xA00  }
0x18d: {  	[sflag:s21] =	ssyncset.done $0x0  }
0x18e: {  	[sflag:s21] =	ssyncadd.s32 $0xFFFFF600  }
0x18f: {  	[tilespmem:s20], [sflag:$0x1] =	stream.indirect.gather [hbm4b:s1+s23], $0x80, s14, s23, $0xb8;
	[tilespmem:$0x1D400] =	vst v63  }
0x190: {  	_ = 	snop  }
0x191: {  	[tilespmem:s24], [sflag:$0x2] =	stream.indirect.gather [hbm4b:s1+s23], $0x80, s23, s23, $0xb8;
	[tilespmem:$0x1D400] =	vst v63  }
0x192: {  	_ = 	snop  }
0x193: {  	[tilespmem:s26], [sflag:$0x3] =	stream.indirect.gather [hbm4b:s1+s23], $0x80, s25, s23, $0xb8;
	[tilespmem:$0x1D400] =	vst v63  }
0x194: {  	_ = 	snop  }
0x195: {  	[tilespmem:s29], [sflag:$0x4] =	stream.indirect.gather [hbm4b:s1+s23], $0x80, s28, s23, $0xb8;
	[tilespmem:$0x1D400] =	vst v63  }
0x196: {  	_ =	swait.ge [sflag:s30], $0x2000  }
0x197: {  	[sflag:s30] =	ssyncset.done $0x0  }
0x198: {  	s16 =	simm.s32 $0xA00;
	[sflag:s30] =	ssyncadd.s32 $0xFFFFE000  }
0x199: {  	[spmem:s2] =	stream.indirect.scatter.add.f32 [tilespmem:s20], [sflag:$0x5], $0x80, s16, s23, $0xb8;
	[tilespmem:$0x1D400] =	vst v63  }
0x19a: {  	_ =	swait.ge [sflag:s31], $0x2000  }
0x19b: {  	[sflag:s31] =	ssyncset.done $0x0  }
0x19c: {  	s15 =	simm.s32 $0xA40;
	[sflag:s31] =	ssyncadd.s32 $0xFFFFE000  }
0x19d: {  	[spmem:s2] =	stream.indirect.scatter.add.f32 [tilespmem:s24], [sflag:$0x6], $0x80, s15, s23, $0xb8;
	[tilespmem:$0x1D400] =	vst v63  }
0x19e: {  	_ =	swait.ge [sflag:s0], $0x2000  }
0x19f: {  	[sflag:s0] =	ssyncset.done $0x0  }
0x1a0: {  	s16 =	simm.s32 $0xA80;
	[sflag:s0] =	ssyncadd.s32 $0xFFFFE000  }
0x1a1: {  	[spmem:s2] =	stream.indirect.scatter.add.f32 [tilespmem:s26], [sflag:$0x7], $0x80, s16, s23, $0xb8;
	[tilespmem:$0x1D400] =	vst v63  }
0x1a2: {  	_ =	swait.ge [sflag:s3], $0x2000  }
0x1a3: {  	[sflag:s3] =	ssyncset.done $0x0  }
0x1a4: {  	s15 =	simm.s32 $0xAC0;
	[sflag:s3] =	ssyncadd.s32 $0xFFFFE000  }
0x1a5: {  	[spmem:s2] =	stream.indirect.scatter.add.f32 [tilespmem:s29], [sflag:$0x8], $0x80, s15, s23, $0xb8;
	[tilespmem:$0x1D400] =	vst v63  }
0x1a6: {  	_ =	swait.ge [sflag:s6], $0x2000  }
0x1a7: {  	[sflag:s6] =	ssyncset.done $0x0  }
0x1a8: {  	s16 =	simm.s32 $0x100;
	[sflag:s6] =	ssyncadd.s32 $0xFFFFE000  }
0x1a9: {  	[tilespmem:s20], [sflag:$0x1] =	stream.indirect.gather [hbm4b:s1+s23], $0x80, s16, s23, $0xb8;
	[tilespmem:$0x1D400] =	vst v63  }
0x1aa: {  	_ =	swait.ge [sflag:s7], $0x2000  }
0x1ab: {  	[sflag:s7] =	ssyncset.done $0x0  }
0x1ac: {  	s15 =	simm.s32 $0x140;
	[sflag:s7] =	ssyncadd.s32 $0xFFFFE000  }
0x1ad: {  	[tilespmem:s24], [sflag:$0x2] =	stream.indirect.gather [hbm4b:s1+s23], $0x80, s15, s23, $0xb8;
	[tilespmem:$0x1D400] =	vst v63  }
0x1ae: {  	_ =	swait.ge [sflag:s8], $0x2000  }
0x1af: {  	[sflag:s8] =	ssyncset.done $0x0  }
0x1b0: {  	s16 =	simm.s32 $0x180;
	[sflag:s8] =	ssyncadd.s32 $0xFFFFE000  }
0x1b1: {  	[tilespmem:s26], [sflag:$0x3] =	stream.indirect.gather [hbm4b:s1+s23], $0x80, s16, s23, $0xb8;
	[tilespmem:$0x1D400] =	vst v63  }
0x1b2: {  	_ =	swait.ge [sflag:s9], $0x2000  }
0x1b3: {  	[sflag:s9] =	ssyncset.done $0x0  }
0x1b4: {  	s14 =	simm.s32 $0x400;
	s15 =	simm.s32 $0x1C0;
	[sflag:s9] =	ssyncadd.s32 $0xFFFFE000  }
.LBB2_10:
0x1b5: {  	[tilespmem:s29], [sflag:$0x4] =	stream.indirect.gather [hbm4b:s1+s23], $0x80, s15, s23, $0xb8;
	[tilespmem:$0x1D400] =	vst v63  }
0x1b6: {  	s15 =	smov.u32 s14  }
0x1b7: {  	p0 =	sne.s32 s14, $0x2000;
	s14 =	sadd.s32 $0x400, s14;
	_ =	swait.ge [sflag:s30], $0x2000  }
0x1b8: {  	s15 =	sshra.s32 s15, $0x2;
	[sflag:s30] =	ssyncset.done $0x0  }
0x1b9: {  	s16 =	sadd.s32 $0xA00, s15;
	[sflag:s30] =	ssyncadd.s32 $0xFFFFE000  }
0x1ba: {  	[spmem:s2] =	stream.indirect.scatter.add.f32 [tilespmem:s20], [sflag:$0x5], $0x80, s16, s23, $0xb8;
	[tilespmem:$0x1D400] =	vst v63  }
0x1bb: {  	_ =	swait.ge [sflag:s31], $0x2000  }
0x1bc: {  	[sflag:s31] =	ssyncset.done $0x0  }
0x1bd: {  	s16 =	sadd.s32 $0xA40, s15;
	[sflag:s31] =	ssyncadd.s32 $0xFFFFE000  }
0x1be: {  	[spmem:s2] =	stream.indirect.scatter.add.f32 [tilespmem:s24], [sflag:$0x6], $0x80, s16, s23, $0xb8;
	[tilespmem:$0x1D400] =	vst v63  }
0x1bf: {  	_ =	swait.ge [sflag:s0], $0x2000  }
0x1c0: {  	[sflag:s0] =	ssyncset.done $0x0  }
0x1c1: {  	s16 =	sadd.s32 $0xA80, s15;
	[sflag:s0] =	ssyncadd.s32 $0xFFFFE000  }
0x1c2: {  	[spmem:s2] =	stream.indirect.scatter.add.f32 [tilespmem:s26], [sflag:$0x7], $0x80, s16, s23, $0xb8;
	[tilespmem:$0x1D400] =	vst v63  }
0x1c3: {  	_ =	swait.ge [sflag:s3], $0x2000  }
0x1c4: {  	[sflag:s3] =	ssyncset.done $0x0  }
0x1c5: {  	s16 =	sadd.s32 $0xAC0, s15;
	[sflag:s3] =	ssyncadd.s32 $0xFFFFE000  }
0x1c6: {  	[spmem:s2] =	stream.indirect.scatter.add.f32 [tilespmem:s29], [sflag:$0x8], $0x80, s16, s23, $0xb8;
	[tilespmem:$0x1D400] =	vst v63  }
0x1c7: {  	_ =	swait.ge [sflag:s6], $0x2000  }
0x1c8: {  	[sflag:s6] =	ssyncset.done $0x0  }
0x1c9: {  	s16 =	sadd.s32 $0x100, s15;
	[sflag:s6] =	ssyncadd.s32 $0xFFFFE000  }
0x1ca: {  	[tilespmem:s20], [sflag:$0x1] =	stream.indirect.gather [hbm4b:s1+s23], $0x80, s16, s23, $0xb8;
	[tilespmem:$0x1D400] =	vst v63  }
0x1cb: {  	_ =	swait.ge [sflag:s7], $0x2000  }
0x1cc: {  	[sflag:s7] =	ssyncset.done $0x0  }
0x1cd: {  	s16 =	sadd.s32 $0x140, s15;
	[sflag:s7] =	ssyncadd.s32 $0xFFFFE000  }
0x1ce: {  	[tilespmem:s24], [sflag:$0x2] =	stream.indirect.gather [hbm4b:s1+s23], $0x80, s16, s23, $0xb8;
	[tilespmem:$0x1D400] =	vst v63  }
0x1cf: {  	_ =	swait.ge [sflag:s8], $0x2000  }
0x1d0: {  	[sflag:s8] =	ssyncset.done $0x0  }
.Ltmp4:
0x1d1: {  	s16 =	sadd.s32 $0x180, s15;
	[sflag:s8] =	ssyncadd.s32 $0xFFFFE000;
	(pc) =	sbr.rel @p0 .LBB2_10-.Ltmp4, $4  }
0x1d2: {  	[tilespmem:s26], [sflag:$0x3] =	stream.indirect.gather [hbm4b:s1+s23], $0x80, s16, s23, $0xb8;
	[tilespmem:$0x1D400] =	vst v63  }
0x1d3: {  	_ =	swait.ge [sflag:s9], $0x2000  }
0x1d4: {  	[sflag:s9] =	ssyncset.done $0x0  }
0x1d5: {  	s15 =	sadd.s32 $0x1C0, s15;
	[sflag:s9] =	ssyncadd.s32 $0xFFFFE000  }
0x1d6: {  	[tilespmem:s29], [sflag:$0x4] =	stream.indirect.gather [hbm4b:s1+s23], $0x80, s15, s23, $0xb8;
	[tilespmem:$0x1D400] =	vst v63  }
0x1d7: {  	_ =	swait.ge [sflag:s30], $0x2000  }
0x1d8: {  	[sflag:s30] =	ssyncset.done $0x0  }
0x1d9: {  	[sflag:s30] =	ssyncadd.s32 $0xFFFFE000  }
0x1da: {  	[spmem:s2] =	stream.indirect.scatter.add.f32 [tilespmem:s20], [sflag:$0x5], $0x80, s10, s23, $0xb8;
	[tilespmem:$0x1D400] =	vst v63  }
0x1db: {  	_ =	swait.ge [sflag:s31], $0x2000  }
0x1dc: {  	[sflag:s31] =	ssyncset.done $0x0  }
0x1dd: {  	[sflag:s31] =	ssyncadd.s32 $0xFFFFE000  }
0x1de: {  	[spmem:s2] =	stream.indirect.scatter.add.f32 [tilespmem:s24], [sflag:$0x6], $0x80, s11, s23, $0xb8;
	[tilespmem:$0x1D400] =	vst v63  }
0x1df: {  	_ =	swait.ge [sflag:s0], $0x2000  }
0x1e0: {  	[sflag:s0] =	ssyncset.done $0x0  }
0x1e1: {  	[sflag:s0] =	ssyncadd.s32 $0xFFFFE000  }
0x1e2: {  	[spmem:s2] =	stream.indirect.scatter.add.f32 [tilespmem:s26], [sflag:$0x7], $0x80, s12, s23, $0xb8;
	[tilespmem:$0x1D400] =	vst v63  }
0x1e3: {  	_ =	swait.ge [sflag:s3], $0x2000  }
0x1e4: {  	[sflag:s3] =	ssyncset.done $0x0  }
0x1e5: {  	[sflag:s3] =	ssyncadd.s32 $0xFFFFE000  }
0x1e6: {  	[spmem:s2] =	stream.indirect.scatter.add.f32 [tilespmem:s29], [sflag:$0x8], $0x80, s13, s23, $0xb8;
	[tilespmem:$0x1D400] =	vst v63  }
0x1e7: {  	_ =	swait.ge [sflag:s6], $0x2000  }
0x1e8: {  	[sflag:s6] =	ssyncset.done $0x0  }
0x1e9: {  	[sflag:s6] =	ssyncadd.s32 $0xFFFFE000  }
0x1ea: {  	_ =	swait.ge [sflag:s7], $0x2000  }
0x1eb: {  	[sflag:s7] =	ssyncset.done $0x0  }
0x1ec: {  	[sflag:s7] =	ssyncadd.s32 $0xFFFFE000  }
0x1ed: {  	_ =	swait.ge [sflag:s8], $0x2000  }
0x1ee: {  	[sflag:s8] =	ssyncset.done $0x0  }
0x1ef: {  	[sflag:s8] =	ssyncadd.s32 $0xFFFFE000  }
0x1f0: {  	_ =	swait.ge [sflag:s9], $0x2000  }
0x1f1: {  	s14 =	stileid.u32;
	[sflag:s9] =	ssyncset.done $0x0  }
0x1f2: {  	s14 =	sshll.u32 s14, $0x6;
	[sflag:s9] =	ssyncadd.s32 $0xFFFFE000  }
0x1f3: {  	s16 =	sshrl.u32 s5, $0x3;
	s14 =	sor.u32 $0x1C09, s14;
	[bflag:$0x0] =	sbarrier.arrive $0xFFFF  }
0x1f4: {  	[hbm:s19], [sflag:s14] =	dma.local [spmem:s16], $0x2800  }
0x1f5: {  	_ =	swait.ge [sflag:s21], $0x2800  }
0x1f6: {  	s4 =	sadd.s32 $0x1, s4;
	s16 =	rddreg [dreg:$0xc]  }
0x1f7: {  	p0 =	sne.s32 s4, s16  }
.Ltmp5:
0x1f8: {  	_ = 	snop;
	(pc) =	sbr.rel @p0 .LBB2_1-.Ltmp5, $3  }
0x1f9: {  	_ =	sdelay $0x1  }
0x1fa: {  	[sflag:s21] =	ssyncset.done $0x0  }
0x1fb: {  	[sflag:s21] =	ssyncadd.s32 $0xFFFFD800  }
0x1fc: {  	_ =	sfence.sel $0x180000  }
0x1fd: {  	[bflag:$0x0] =	sbarrier.arrive $0xFFFF  }
0x1fe: {  	_ =	strace $0x9000004A  }
0x1ff: {  	s0 =	stileid.u32;
	[bflag:$0x2] =	sbarrier.arrive $0xFFFF  }
0x200: {  	p0 =	sne.s32 s0, $0x0;
	s0 =	rddreg [dreg:$0x3]  }
0x201: {  	s0 =	sadd.s32 @!p0 $0x100000, s0  }
0x202: {  	[sflag:s0] =	ssyncadd.tile.s32 @!p0 $0x1;
	_ =	shalt  }
.Lfunc_end2:
_tile_overlayer_lowered:
.L_overlay_start_2:
0x203: {  	(tag) =	ssettag $0x2  }
0x204: {  	s0 =	rddreg [dreg:$0x0];
	s2 =	stileid.u32  }
0x205: {  	s1 =	rddreg [dreg:$0x1];
	p0 =	sne.s32 s2, $0x0  }
0x206: {  	s3 =	rddreg [dreg:$0x2];
	[bflag:$0x3] =	sbarrier.arrive $0xFFFF;
	s2 =	simm.s32 @!p0 $0x1C09  }
0x207: {  	[timem:s3], [sflag:s2] =	dma.local @!p0 [hbm:s0], s1  }
0x208: {  	s0 =	simm.s32 @!p0 $0x9  }
0x209: {  	_ =	swait.ge @!p0 [sflag:s0], s1  }
0x20a: {  	s1 =	ssub.s32 @!p0 $0x0, s1;
	[sflag:s0] =	ssyncset.done @!p0 $0x0  }
0x20b: {  	[sflag:s0] =	ssyncadd.s32 @!p0 s1  }
0x20c: {  	[bflag:$0x3] =	sbarrier.arrive $0xFFFF  }
0x20d: {  	_ =	shalt  }

// kernel: kernel.14.cloned.1.call-start
scs
__scs_entry_jumppad:
0x0: {  	(pc) =	sbr.rel $0x88, $3  }
0x1: {  	(tag) =	ssettag $0x0;
	lr =	simm.s32 $0x1  }
0x2: {  	[smem:$0x3F9B] =	sst lr;
	_ =	strace $0xD0000000  }
0x3: {  	_ = 	snop  }
0x4: {  	_ = 	snop  }
0x5: {  	_ = 	snop  }
0x6: {  	_ = 	snop  }
0x7: {  	_ = 	snop  }
__scs_overlays_trampoline_lowered:
0x8: {  	[smem:$0x3FAA] =	sst s0  }
0x9: {  	[smem:$0x3FAB] =	sst s1  }
0xa: {  	[smem:$0x3FAC] =	sst s2  }
0xb: {  	[smem:$0x3FAD] =	sst s3  }
0xc: {  	[smem:$0x3FAE] =	sst s4  }
0xd: {  	[smem:$0x3FAF] =	sst s5  }
0xe: {  	[smem:$0x3FB0] =	sst s6  }
0xf: {  	[smem:$0x3FB1] =	sst s7  }
0x10: {  	[smem:$0x3FB2] =	sst s8  }
0x11: {  	[smem:$0x3FB3] =	sst s9;
	s0 =	simm.s32 @!p0 $0x0  }
0x12: {  	s1 =	sld [smem:$0x3F99];
	s0 =	simm.s32 @p0 $0x1  }
0x13: {  	[smem:$0x3FB4] =	sst s0;
	s0 =	simm.s32 @!p1 $0x0  }
0x14: {  	s2 =	sld [smem:$0x3F98];
	s0 =	simm.s32 @p1 $0x1  }
0x15: {  	[smem:$0x3FB5] =	sst s0;
	s0 =	simm.s32 @!p2 $0x0  }
0x16: {  	s3 =	sld [smem:$0x3FDB];
	s0 =	simm.s32 @p2 $0x1  }
0x17: {  	s4 =	simm.s32 $0x1BF5;
	[smem:$0x3FB7] =	sst s0  }
0x18: {  	s0 =	sld [smem:$0x3F9A];
	_ =	swait.ge [sflag:s4], $0x0  }
0x19: {  	s7 =	sld [smem:$0x3F9B]  }
0x1a: {  	s8 =	sadd.s32 $0xFFFFE003, lr  }
0x1b: {  	s9 =	sadd.s32 $0xFFFFFEF7, lr;
	s5 =	simm.s32 $0xFFFFFFFF;
	p2 =	slt.u32 s8, $0xFFFFF086  }
0x1c: {  	p1 =	slt.u32 s9, $0xF7A;
	s5 =	simm.s32 @!p2 $0x0  }
0x1d: {  	s5 =	simm.s32 @p1 $0x1;
	p0 =	seq.s32 s7, s2  }
0x1e: {  	s7 =	smul.u32 @!p0 $0xF7A, s2;
	p2 =	seq.s32 @!p0 s5, $0x0  }
0x1f: {  	s9 =	smul.u32 $0xF7A, s1;
	s8 =	simm.s32 @!p0 $0x1BF5;
	p2 =	por !p2, p0  }
0x20: {  	[sflag:s8] =	ssyncset.s32 @!p0 $0xFFFFF086;
	s6 =	sadd.s32 @!p0 s3, s7;
	s7 =	simm.s32 @!p0 $0x108  }
0x21: {  	s3 =	sadd.s32 s3, s9;
	s6 =	sadd.s32 @!p0 $0x88, s6;
	s7 =	simm.s32 @p2 $0x1082  }
0x22: {  	[simem:s7], [sflag:s8] =	dma.local @!p0 [hbm:s6], $0xF7A  }
0x23: {  	s9 =	sor.u32 $0xD0000000, s2;
	s6 =	simm.s32 $0x108;
	_ =	swait.ge @!p0 [sflag:s8], $0x0  }
0x24: {  	s3 =	sadd.s32 $0x88, s3;
	s6 =	simm.s32 @!p1 $0x1082;
	[sflag:s4] =	ssyncset.s32 $0xFFFFF086  }
0x25: {  	[simem:s6], [sflag:s4] =	dma.local [hbm:s3], $0xF7A  }
0x26: {  	[smem:$0x3F9B] =	sst s1;
	(tag) =	ssettag s2;
	_ =	strace s9  }
0x27: {  	s1 =	sld [smem:$0x3FAB]  }
0x28: {  	s2 =	sld [smem:$0x3FAC]  }
0x29: {  	s4 =	sld [smem:$0x3FAE]  }
0x2a: {  	p0 =	seq.s32 s5, $0x0;
	s5 =	sld [smem:$0x3FAF]  }
0x2b: {  	s6 =	sld [smem:$0x3FB0]  }
0x2c: {  	s7 =	sld [smem:$0x3FB1]  }
0x2d: {  	s3 =	simm.s32 $0x108;
	s8 =	sld [smem:$0x3FB2]  }
0x2e: {  	s3 =	simm.s32 @!p0 $0x1082;
	s9 =	sld [smem:$0x3FB3]  }
0x2f: {  	lr =	sadd.s32 s0, s3;
	s0 =	sld [smem:$0x3FAA]  }
0x30: {  	s3 =	sld [smem:$0x3FAD]  }
0x31: {  	[smem:$0x3FB6] =	sst s10  }
0x32: {  	s10 =	sld [smem:$0x3FB4];
	_ =	sdelay $0x3  }
0x33: {  	p0 =	seq.s32 s10, $0x1;
	s10 =	sld [smem:$0x3FB6];
	_ =	sdelay $0x3  }
0x34: {  	[smem:$0x3FB6] =	sst s10  }
0x35: {  	s10 =	sld [smem:$0x3FB5];
	_ =	sdelay $0x3  }
0x36: {  	p1 =	seq.s32 s10, $0x1;
	s10 =	sld [smem:$0x3FB6];
	_ =	sdelay $0x3  }
0x37: {  	[smem:$0x3FB6] =	sst s10  }
0x38: {  	s10 =	sld [smem:$0x3FB7]  }
0x39: {  	_ = 	snop;
	(pc) =	sbr.ind lr, $3  }
0x3a: {  	_ = 	snop  }
0x3b: {  	_ = 	snop  }
0x3c: {  	p2 =	seq.s32 s10, $0x1;
	s10 =	sld [smem:$0x3FB6]  }
0x3d: {  	_ =	shalt  }
0x3e: {  	_ =	shalt  }
0x3f: {  	_ =	shalt  }
0x40: {  	_ =	shalt  }
0x41: {  	_ =	shalt  }
0x42: {  	_ =	shalt  }
0x43: {  	_ =	shalt  }
0x44: {  	_ =	shalt  }
0x45: {  	_ =	shalt  }
0x46: {  	_ =	shalt  }
0x47: {  	_ =	shalt  }
0x48: {  	_ =	shalt  }
0x49: {  	_ =	shalt  }
0x4a: {  	_ =	shalt  }
0x4b: {  	_ =	shalt  }
0x4c: {  	_ =	shalt  }
0x4d: {  	_ =	shalt  }
0x4e: {  	_ =	shalt  }
0x4f: {  	_ =	shalt  }
0x50: {  	_ =	shalt  }
0x51: {  	_ =	shalt  }
0x52: {  	_ =	shalt  }
0x53: {  	_ =	shalt  }
0x54: {  	_ =	shalt  }
0x55: {  	_ =	shalt  }
0x56: {  	_ =	shalt  }
0x57: {  	_ =	shalt  }
0x58: {  	_ =	shalt  }
0x59: {  	_ =	shalt  }
0x5a: {  	_ =	shalt  }
0x5b: {  	_ =	shalt  }
0x5c: {  	_ =	shalt  }
0x5d: {  	_ =	shalt  }
0x5e: {  	_ =	shalt  }
0x5f: {  	_ =	shalt  }
0x60: {  	_ =	shalt  }
0x61: {  	_ =	shalt  }
0x62: {  	_ =	shalt  }
0x63: {  	_ =	shalt  }
0x64: {  	_ =	shalt  }
0x65: {  	_ =	shalt  }
0x66: {  	_ =	shalt  }
0x67: {  	_ =	shalt  }
0x68: {  	_ =	shalt  }
0x69: {  	_ =	shalt  }
0x6a: {  	_ =	shalt  }
0x6b: {  	_ =	shalt  }
0x6c: {  	_ =	shalt  }
0x6d: {  	_ =	shalt  }
0x6e: {  	_ =	shalt  }
0x6f: {  	_ =	shalt  }
0x70: {  	_ =	shalt  }
0x71: {  	_ =	shalt  }
0x72: {  	_ =	shalt  }
0x73: {  	_ =	shalt  }
0x74: {  	_ =	shalt  }
0x75: {  	_ =	shalt  }
0x76: {  	_ =	shalt  }
0x77: {  	_ =	shalt  }
0x78: {  	_ =	shalt  }
0x79: {  	_ =	shalt  }
0x7a: {  	_ =	shalt  }
0x7b: {  	_ =	shalt  }
0x7c: {  	_ =	shalt  }
0x7d: {  	_ =	shalt  }
0x7e: {  	_ =	shalt  }
0x7f: {  	_ =	shalt  }
0x80: {  	_ =	shalt  }
0x81: {  	_ =	shalt  }
0x82: {  	_ =	shalt  }
0x83: {  	_ =	shalt  }
0x84: {  	_ =	shalt  }
0x85: {  	_ =	shalt  }
0x86: {  	_ =	shalt  }
0x87: {  	_ =	shalt  }
.Lfunc_end0:
.L_simem_size_0:
called_computation.2_lowered:
.L_overlay_start_0:
0x88: {  	s2 =	sld [smem:$0x3FD9]  }
0x89: {  	s3 =	sld [smem:$0x3FFE];
	_ =	sdelay $0x1  }
0x8a: {  	s1 =	srdreg.scid  }
0x8b: {  	s0 =	sand.u32 $0x1, s1  }
0x8c: {  	s17 =	sshll.u32 s0, $0xA;
	s2 =	sadd.s32 s3, s2  }
0x8d: {  	s2 =	sadd.s32 s2, s17  }
0x8e: {  	[smem:$0x3FC2] =	sst s2  }
0x8f: {  	_ = 	snop  }
0x90: {  	s2 =	sld [smem:$0x3FD0];
	(tm) =	ssettm $0x1  }
0x91: {  	s18 =	sld [smem:$0x3FFB];
	_ =	sdelay $0x3  }
0x92: {  	_ =	strace s18  }
0x93: {  	s3 =	sld [smem:$0x3FFC];
	_ =	sdelay $0x3  }
0x94: {  	_ =	strace s3  }
0x95: {  	s3 =	sld [smem:$0x3FFD];
	_ =	sdelay $0x3  }
0x96: {  	_ =	strace s3  }
0x97: {  	_ =	strace $0x8FFFFFFF  }
0x98: {  	s19 =	sld [smem:$0x3FDB];
	_ =	sdelay $0x1  }
0x99: {  	s4 =	simm.s32 $_scs_section_size  }
0x9a: {  	s5 =	simm.s32 $_size__tile_overlayer_lowered;
	s6 =	simm.s32 $_tile_overlayer_lowered  }
0x9b: {  	s22 =	simm.s32 $0x1BFF;
	s21 =	sshll.u32 s6, $0x1;
	s3 =	sadd.s32 s4, s19  }
0x9c: {  	s7 =	simm.s32 $0x0;
	s20 =	sshll.u32 s5, $0x1;
	s5 =	sadd.s32 s21, s3  }
0x9d: {  	[timem:s7], [sflag:s22] =	dma.local [hbm:s5], s20  }
0x9e: {  	_ =	swait.ge [sflag:s22], s20  }
0x9f: {  	s4 =	ssub.s32 $0x0, s20;
	[sflag:s22] =	ssyncset.done $0x0  }
0xa0: {  	[sflag:s22] =	ssyncadd.s32 s4;
	_ =	sdelay $0x1  }
0xa1: {  	s23 =	simm.s32 $0x1B8B  }
0xa2: {  	_ =	swait.ge [sflag:s23], $0x1  }
0xa3: {  	[sflag:s23] =	ssyncset.done $0x0  }
0xa4: {  	s25 =	simm.s32 $0x1B8E;
	s24 =	sld [smem:$0x3FFE];
	[sflag:s23] =	ssyncadd.s32 $0xFFFFFFFF  }
0xa5: {  	s26 =	simm.s32 $execute0_lowered;
	[smem:$0x3FD2] =	sst s25  }
0xa6: {  	s5 =	sshll.u32 s26, $0x1;
	_ =	strace $0x8000004C;
	[dreg:$0x1] =	wrdreg $0xFFFFFFFF  }
0xa7: {  	s28 =	simm.s32 $_size_execute0_lowered;
	s3 =	sadd.s32 s3, s5;
	[dreg:$0x0] =	wrdreg $0x0  }
0xa8: {  	s5 =	sshll.u32 s28, $0x1;
	[dreg:$0x2] =	wrdreg s3  }
0xa9: {  	[dreg:$0x3] =	wrdreg s5  }
0xaa: {  	[dreg:$0x4] =	wrdreg $0xC0  }
0xab: {  	_ =	task [dreg:s7], $0x5FFFF  }
0xac: {  	[dreg:$0x1] =	wrdreg $0xFFFFFFFF  }
0xad: {  	[dreg:$0x0] =	wrdreg $0x60  }
0xae: {  	[dreg:$0x2] =	wrdreg s2  }
0xaf: {  	[dreg:$0x3] =	wrdreg s24  }
0xb0: {  	[dreg:$0x4] =	wrdreg $0x94000  }
0xb1: {  	[dreg:$0x5] =	wrdreg $0x9  }
0xb2: {  	_ =	task.clear_ibuf [dreg:s7], $0x6FFFF;
	_ =	strace $0x9000004C  }
0xb3: {  	s29 =	simm.s32 $0x9;
	_ =	strace $0x8000004E  }
0xb4: {  	_ =	swait.ge [sflag:s29], $0x1  }
0xb5: {  	[sflag:s29] =	ssyncadd.s32 $0xFFFFFFFF  }
0xb6: {  	_ =	strace $0x9000004E  }
0xb7: {  	_ =	sfence  }
0xb8: {  	s30 =	sld [smem:$0x0];
	_ =	sdelay $0x2  }
0xb9: {  	s31 =	sshll.u32 s1, $0xD;
	s1 =	sshrl.u32 s1, $0x2  }
0xba: {  	s3 =	sand.u32 $0x4000, s31;
	s1 =	sadd.s32 s1, s30  }
0xbb: {  	s0 =	sor.u32 s3, s0;
	s1 =	sshll.u32 s1, $0x11  }
0xbc: {  	s0 =	sor.u32 s1, s0  }
0xbd: {  	s0 =	sadd.s32 $0x8F2B, s0  }
0xbe: {  	[sflag:s0] =	ssyncadd.remote.s32 $0x1  }
0xbf: {  	_ =	sfence.sel $0xFFFF  }
0xc0: {  	[dreg:$0x0] =	wrdreg $0xFFFFFFFF;
	(pc) =	sbr.abs _section_cstart, $3  }
0xc1: {  	[dreg:$0x1] =	wrdreg $0xFFFFFFFF  }
0xc2: {  	_ =	task.clear_ibuf [dreg:s7], $0x2FFFF;
	_ =	strace $0x9FFFFFFF  }
0xc3: {  	(tm) =	ssettm $0x7FFFFFFF  }
tec
execute0_lowered:
.L_overlay_start_1:
0x0: {  	(tag) =	ssettag $0x1  }
0x1: {  	s1 =	rddreg [dreg:$0x0]  }
0x2: {  	s0 =	rddreg [dreg:$0x1]  }
0x3: {  	s2 =	rddreg [dreg:$0x2];
	s3 =	srdreg.scid  }
0x4: {  	s4 =	simm.s32 $0x0;
	s13 =	stileid.u32;
	s28 =	simm.s32 $0xC0  }
0x5: {  	s29 =	simm.s32 $0x7400;
	s30 =	simm.s32 $0x1;
	s31 =	simm.s32 $0x2  }
0x6: {  	s3 =	sand.u32 $0x1, s3;
	[smem:$0x7FF] =	sst s4;
	s6 =	smul.u32 $0x50000, s13  }
0x7: {  	s9 =	sadd.s32 $0xDC00, s0;
	s10 =	sadd.s32 $0x3C00, s0;
	s24 =	smul.u32 $0x2800, s13  }
0x8: {  	s5 =	sshll.u32 s3, $0x4;
	_ =	strace $0x8000004D;
	s7 =	ssub.s32 $0x2, s3  }
0x9: {  	p0 =	seq.s32 s3, $0x1;
	s3 =	simm.s32 $0x3FC00;
	s5 =	sor.u32 s13, s5  }
0xa: {  	s11 =	sshrl.u32 s7, $0x1;
	s6 =	sshrl.u32 s6, $0x2;
	s8 =	smul.u32 $0x2800, s5  }
0xb: {  	s3 =	simm.s32 @!p0 $0x17C00;
	s13 =	simm.s32 $0x13C0;
	s12 =	smul.u32 $0x500, s5  }
0xc: {  	s7 =	ssub.s32 s7, s11;
	s5 =	sadd.s32 s6, s2;
	s0 =	sadd.s32 s3, s0  }
0xd: {  	s3 =	simm.s32 $0x4;
	s11 =	simm.s32 $0x1340;
	s7 =	smax.u32 s7, $0x1  }
0xe: {  	s25 =	sadd.s32 $0x4000, s5;
	s26 =	sadd.s32 $0x8000, s5;
	[dreg:$0xc] =	wrdreg s7  }
0xf: {  	s8 =	sshrl.u32 s8, $0x3;
	s17 =	sadd.s32 s9, s12;
	[dreg:$0xd] =	wrdreg s25  }
0x10: {  	s18 =	sadd.s32 s10, s12;
	[dreg:$0xe] =	wrdreg s26;
	s25 =	simm.s32 $0x80  }
0x11: {  	s26 =	simm.s32 $0x5400;
	s7 =	simm.s32 $0x6;
	[dreg:$0x4] =	wrdreg s17  }
0x12: {  	s12 =	simm.s32 $0x1380;
	s16 =	sadd.s32 $0x140, s8;
	[dreg:$0x5] =	wrdreg s18  }
0x13: {  	s20 =	sadd.s32 $0x280, s8;
	s8 =	sadd.s32 $0x3C0, s8;
	s19 =	sadd.s32 s9, s16  }
0x14: {  	s17 =	sadd.s32 $0xC000, s5;
	s6 =	sadd.s32 s10, s16;
	[dreg:$0x6] =	wrdreg s19  }
0x15: {  	s18 =	sadd.s32 $0x10000, s5;
	s21 =	sadd.s32 s9, s20;
	[dreg:$0x7] =	wrdreg s6  }
0x16: {  	s22 =	sadd.s32 s9, s8;
	s23 =	sadd.s32 s10, s8;
	[dreg:$0x8] =	wrdreg s21  }
0x17: {  	s8 =	simm.s32 $0x7;
	s9 =	simm.s32 $0x8;
	[dreg:$0xa] =	wrdreg s22  }
0x18: {  	s6 =	sadd.s32 s10, s20;
	[dreg:$0xb] =	wrdreg s23;
	s19 =	sadd.s32 s0, s24  }
0x19: {  	s20 =	simm.s32 $0x1400;
	s21 =	simm.s32 $0x9;
	s22 =	simm.s32 $0xA00  }
0x1a: {  	s23 =	simm.s32 $0x40;
	s24 =	simm.s32 $0x3400;
	s0 =	simm.s32 $0x3  }
0x1b: {  	v0 =	vimm.f32 $0.0e+00;
	s10 =	simm.s32 $0x1300;
	[dreg:$0x9] =	wrdreg s6;
	s6 =	simm.s32 $0x5  }
.LBB2_1:
0x1c: {  	s14 =	simm.s32 $0x0;
	s15 =	simm.s32 $0x200  }
.LBB2_2:
0x1d: {  	p0 =	sne.s32 s15, $0xFE00;
	[tilespmem:s14+$0x1470] =	vst v0  }
0x1e: {  	[tilespmem:s14+$0x1400] =	vst v0  }
0x1f: {  	[tilespmem:s14+$0x1410] =	vst v0  }
.Ltmp0:
0x20: {  	[tilespmem:s14+$0x1420] =	vst v0;
	(pc) =	sbr.rel @p0 .LBB2_2-.Ltmp0, $4  }
0x21: {  	[tilespmem:s14+$0x1430] =	vst v0  }
0x22: {  	[tilespmem:s14+$0x1440] =	vst v0  }
0x23: {  	[tilespmem:s14+$0x1450] =	vst v0  }
0x24: {  	[tilespmem:s14+$0x1460] =	vst v0;
	s14 =	sshra.s32 s15, $0x2;
	s15 =	sadd.s32 $0x200, s15  }
0x25: {  	[tilespmem:s14+$0x1470] =	vst v0  }
0x26: {  	[tilespmem:s14+$0x1400] =	vst v0  }
0x27: {  	[tilespmem:s14+$0x1410] =	vst v0  }
0x28: {  	[tilespmem:s14+$0x1420] =	vst v0  }
0x29: {  	[tilespmem:s14+$0x1430] =	vst v0  }
0x2a: {  	[tilespmem:s14+$0x1440] =	vst v0  }
0x2b: {  	[tilespmem:s14+$0x1450] =	vst v0  }
0x2c: {  	[tilespmem:s14+$0x1460] =	vst v0  }
0x2d: {  	[spmem:s5] =	stream.linear.scatter [tilespmem:s20], [sflag:$0x9], $0x4000, $0x38;
	[tilespmem:$0x1D400] =	vst v63  }
0x2e: {  	_ =	swait.ge [sflag:s21], $0x4000  }
0x2f: {  	[sflag:s21] =	ssyncset.done $0x0  }
0x30: {  	s16 =	rddreg [dreg:$0xd];
	[sflag:s21] =	ssyncadd.s32 $0xFFFFC000  }
0x31: {  	[spmem:s16] =	stream.linear.scatter [tilespmem:s20], [sflag:$0x9], $0x4000, $0x38;
	[tilespmem:$0x1D400] =	vst v63  }
0x32: {  	_ =	swait.ge [sflag:s21], $0x4000  }
0x33: {  	[sflag:s21] =	ssyncset.done $0x0  }
0x34: {  	s15 =	rddreg [dreg:$0xe];
	[sflag:s21] =	ssyncadd.s32 $0xFFFFC000  }
0x35: {  	[spmem:s15] =	stream.linear.scatter [tilespmem:s20], [sflag:$0x9], $0x4000, $0x38;
	[tilespmem:$0x1D400] =	vst v63  }
0x36: {  	_ =	swait.ge [sflag:s21], $0x4000  }
0x37: {  	[sflag:s21] =	ssyncset.done $0x0  }
0x38: {  	[sflag:s21] =	ssyncadd.s32 $0xFFFFC000  }
0x39: {  	[spmem:s17] =	stream.linear.scatter [tilespmem:s20], [sflag:$0x9], $0x4000, $0x38;
	[tilespmem:$0x1D400] =	vst v63  }
0x3a: {  	_ =	swait.ge [sflag:s21], $0x4000  }
0x3b: {  	[sflag:s21] =	ssyncset.done $0x0  }
0x3c: {  	[sflag:s21] =	ssyncadd.s32 $0xFFFFC000  }
0x3d: {  	[spmem:s18] =	stream.linear.scatter [tilespmem:s20], [sflag:$0x9], $0x4000, $0x38;
	[tilespmem:$0x1D400] =	vst v63  }
0x3e: {  	_ =	swait.ge [sflag:s21], $0x4000  }
0x3f: {  	[sflag:s21] =	ssyncset.done $0x0  }
0x40: {  	[sflag:s21] =	ssyncadd.s32 $0xFFFFC000  }
0x41: {  	[bflag:$0x0] =	sbarrier.arrive $0xFFFF  }
0x42: {  	s14 =	simm.s32 $0x0;
	s15 =	rddreg [dreg:$0x4]  }
0x43: {  	[tilespmem:s14], [sflag:$0x9] =	stream.linear.gather [hbm4b:s15+s14], $0xA00, $0x38;
	[tilespmem:$0x1D400] =	vst v63  }
0x44: {  	_ =	swait.ge [sflag:s21], $0xA00  }
0x45: {  	[sflag:s21] =	ssyncset.done $0x0  }
0x46: {  	s16 =	rddreg [dreg:$0x5];
	[sflag:s21] =	ssyncadd.s32 $0xFFFFF600  }
0x47: {  	[tilespmem:s22], [sflag:$0x9] =	stream.linear.gather [hbm4b:s16+s14], $0xA00, $0x38;
	[tilespmem:$0x1D400] =	vst v63  }
0x48: {  	_ =	swait.ge [sflag:s21], $0xA00  }
0x49: {  	[sflag:s21] =	ssyncset.done $0x0  }
0x4a: {  	[sflag:s21] =	ssyncadd.s32 $0xFFFFF600  }
0x4b: {  	[tilespmem:s20], [sflag:$0x1] =	stream.indirect.gather [hbm4b:s1+s23], $0x80, s14, s23, $0xb8;
	[tilespmem:$0x1D400] =	vst v63  }
0x4c: {  	_ = 	snop  }
0x4d: {  	[tilespmem:s24], [sflag:$0x2] =	stream.indirect.gather [hbm4b:s1+s23], $0x80, s23, s23, $0xb8;
	[tilespmem:$0x1D400] =	vst v63  }
0x4e: {  	_ = 	snop  }
0x4f: {  	[tilespmem:s26], [sflag:$0x3] =	stream.indirect.gather [hbm4b:s1+s23], $0x80, s25, s23, $0xb8;
	[tilespmem:$0x1D400] =	vst v63  }
0x50: {  	_ = 	snop  }
0x51: {  	[tilespmem:s29], [sflag:$0x4] =	stream.indirect.gather [hbm4b:s1+s23], $0x80, s28, s23, $0xb8;
	[tilespmem:$0x1D400] =	vst v63  }
0x52: {  	_ =	swait.ge [sflag:s30], $0x2000  }
0x53: {  	[sflag:s30] =	ssyncset.done $0x0  }
0x54: {  	s16 =	simm.s32 $0xA00;
	[sflag:s30] =	ssyncadd.s32 $0xFFFFE000  }
0x55: {  	[spmem:s2] =	stream.indirect.scatter.add.f32 [tilespmem:s20], [sflag:$0x5], $0x80, s16, s23, $0xb8;
	[tilespmem:$0x1D400] =	vst v63  }
0x56: {  	_ =	swait.ge [sflag:s31], $0x2000  }
0x57: {  	[sflag:s31] =	ssyncset.done $0x0  }
0x58: {  	s15 =	simm.s32 $0xA40;
	[sflag:s31] =	ssyncadd.s32 $0xFFFFE000  }
0x59: {  	[spmem:s2] =	stream.indirect.scatter.add.f32 [tilespmem:s24], [sflag:$0x6], $0x80, s15, s23, $0xb8;
	[tilespmem:$0x1D400] =	vst v63  }
0x5a: {  	_ =	swait.ge [sflag:s0], $0x2000  }
0x5b: {  	[sflag:s0] =	ssyncset.done $0x0  }
0x5c: {  	s16 =	simm.s32 $0xA80;
	[sflag:s0] =	ssyncadd.s32 $0xFFFFE000  }
0x5d: {  	[spmem:s2] =	stream.indirect.scatter.add.f32 [tilespmem:s26], [sflag:$0x7], $0x80, s16, s23, $0xb8;
	[tilespmem:$0x1D400] =	vst v63  }
0x5e: {  	_ =	swait.ge [sflag:s3], $0x2000  }
0x5f: {  	[sflag:s3] =	ssyncset.done $0x0  }
0x60: {  	s15 =	simm.s32 $0xAC0;
	[sflag:s3] =	ssyncadd.s32 $0xFFFFE000  }
0x61: {  	[spmem:s2] =	stream.indirect.scatter.add.f32 [tilespmem:s29], [sflag:$0x8], $0x80, s15, s23, $0xb8;
	[tilespmem:$0x1D400] =	vst v63  }
0x62: {  	_ =	swait.ge [sflag:s6], $0x2000  }
0x63: {  	[sflag:s6] =	ssyncset.done $0x0  }
0x64: {  	s16 =	simm.s32 $0x100;
	[sflag:s6] =	ssyncadd.s32 $0xFFFFE000  }
0x65: {  	[tilespmem:s20], [sflag:$0x1] =	stream.indirect.gather [hbm4b:s1+s23], $0x80, s16, s23, $0xb8;
	[tilespmem:$0x1D400] =	vst v63  }
0x66: {  	_ =	swait.ge [sflag:s7], $0x2000  }
0x67: {  	[sflag:s7] =	ssyncset.done $0x0  }
0x68: {  	s15 =	simm.s32 $0x140;
	[sflag:s7] =	ssyncadd.s32 $0xFFFFE000  }
0x69: {  	[tilespmem:s24], [sflag:$0x2] =	stream.indirect.gather [hbm4b:s1+s23], $0x80, s15, s23, $0xb8;
	[tilespmem:$0x1D400] =	vst v63  }
0x6a: {  	_ =	swait.ge [sflag:s8], $0x2000  }
0x6b: {  	[sflag:s8] =	ssyncset.done $0x0  }
0x6c: {  	s16 =	simm.s32 $0x180;
	[sflag:s8] =	ssyncadd.s32 $0xFFFFE000  }
0x6d: {  	[tilespmem:s26], [sflag:$0x3] =	stream.indirect.gather [hbm4b:s1+s23], $0x80, s16, s23, $0xb8;
	[tilespmem:$0x1D400] =	vst v63  }
0x6e: {  	_ =	swait.ge [sflag:s9], $0x2000  }
0x6f: {  	[sflag:s9] =	ssyncset.done $0x0  }
0x70: {  	s14 =	simm.s32 $0x400;
	s15 =	simm.s32 $0x1C0;
	[sflag:s9] =	ssyncadd.s32 $0xFFFFE000  }
.LBB2_4:
0x71: {  	[tilespmem:s29], [sflag:$0x4] =	stream.indirect.gather [hbm4b:s1+s23], $0x80, s15, s23, $0xb8;
	[tilespmem:$0x1D400] =	vst v63  }
0x72: {  	s15 =	smov.u32 s14  }
0x73: {  	p0 =	sne.s32 s14, $0x2000;
	s14 =	sadd.s32 $0x400, s14;
	_ =	swait.ge [sflag:s30], $0x2000  }
0x74: {  	s15 =	sshra.s32 s15, $0x2;
	[sflag:s30] =	ssyncset.done $0x0  }
0x75: {  	s16 =	sadd.s32 $0xA00, s15;
	[sflag:s30] =	ssyncadd.s32 $0xFFFFE000  }
0x76: {  	[spmem:s2] =	stream.indirect.scatter.add.f32 [tilespmem:s20], [sflag:$0x5], $0x80, s16, s23, $0xb8;
	[tilespmem:$0x1D400] =	vst v63  }
0x77: {  	_ =	swait.ge [sflag:s31], $0x2000  }
0x78: {  	[sflag:s31] =	ssyncset.done $0x0  }
0x79: {  	s16 =	sadd.s32 $0xA40, s15;
	[sflag:s31] =	ssyncadd.s32 $0xFFFFE000  }
0x7a: {  	[spmem:s2] =	stream.indirect.scatter.add.f32 [tilespmem:s24], [sflag:$0x6], $0x80, s16, s23, $0xb8;
	[tilespmem:$0x1D400] =	vst v63  }
0x7b: {  	_ =	swait.ge [sflag:s0], $0x2000  }
0x7c: {  	[sflag:s0] =	ssyncset.done $0x0  }
0x7d: {  	s16 =	sadd.s32 $0xA80, s15;
	[sflag:s0] =	ssyncadd.s32 $0xFFFFE000  }
0x7e: {  	[spmem:s2] =	stream.indirect.scatter.add.f32 [tilespmem:s26], [sflag:$0x7], $0x80, s16, s23, $0xb8;
	[tilespmem:$0x1D400] =	vst v63  }
0x7f: {  	_ =	swait.ge [sflag:s3], $0x2000  }
0x80: {  	[sflag:s3] =	ssyncset.done $0x0  }
0x81: {  	s16 =	sadd.s32 $0xAC0, s15;
	[sflag:s3] =	ssyncadd.s32 $0xFFFFE000  }
0x82: {  	[spmem:s2] =	stream.indirect.scatter.add.f32 [tilespmem:s29], [sflag:$0x8], $0x80, s16, s23, $0xb8;
	[tilespmem:$0x1D400] =	vst v63  }
0x83: {  	_ =	swait.ge [sflag:s6], $0x2000  }
0x84: {  	[sflag:s6] =	ssyncset.done $0x0  }
0x85: {  	s16 =	sadd.s32 $0x100, s15;
	[sflag:s6] =	ssyncadd.s32 $0xFFFFE000  }
0x86: {  	[tilespmem:s20], [sflag:$0x1] =	stream.indirect.gather [hbm4b:s1+s23], $0x80, s16, s23, $0xb8;
	[tilespmem:$0x1D400] =	vst v63  }
0x87: {  	_ =	swait.ge [sflag:s7], $0x2000  }
0x88: {  	[sflag:s7] =	ssyncset.done $0x0  }
0x89: {  	s16 =	sadd.s32 $0x140, s15;
	[sflag:s7] =	ssyncadd.s32 $0xFFFFE000  }
0x8a: {  	[tilespmem:s24], [sflag:$0x2] =	stream.indirect.gather [hbm4b:s1+s23], $0x80, s16, s23, $0xb8;
	[tilespmem:$0x1D400] =	vst v63  }
0x8b: {  	_ =	swait.ge [sflag:s8], $0x2000  }
0x8c: {  	[sflag:s8] =	ssyncset.done $0x0  }
.Ltmp1:
0x8d: {  	s16 =	sadd.s32 $0x180, s15;
	[sflag:s8] =	ssyncadd.s32 $0xFFFFE000;
	(pc) =	sbr.rel @p0 .LBB2_4-.Ltmp1, $4  }
0x8e: {  	[tilespmem:s26], [sflag:$0x3] =	stream.indirect.gather [hbm4b:s1+s23], $0x80, s16, s23, $0xb8;
	[tilespmem:$0x1D400] =	vst v63  }
0x8f: {  	_ =	swait.ge [sflag:s9], $0x2000  }
0x90: {  	[sflag:s9] =	ssyncset.done $0x0  }
0x91: {  	s15 =	sadd.s32 $0x1C0, s15;
	[sflag:s9] =	ssyncadd.s32 $0xFFFFE000  }
0x92: {  	[tilespmem:s29], [sflag:$0x4] =	stream.indirect.gather [hbm4b:s1+s23], $0x80, s15, s23, $0xb8;
	[tilespmem:$0x1D400] =	vst v63  }
0x93: {  	_ =	swait.ge [sflag:s30], $0x2000  }
0x94: {  	[sflag:s30] =	ssyncset.done $0x0  }
0x95: {  	[sflag:s30] =	ssyncadd.s32 $0xFFFFE000  }
0x96: {  	[spmem:s2] =	stream.indirect.scatter.add.f32 [tilespmem:s20], [sflag:$0x5], $0x80, s10, s23, $0xb8;
	[tilespmem:$0x1D400] =	vst v63  }
0x97: {  	_ =	swait.ge [sflag:s31], $0x2000  }
0x98: {  	[sflag:s31] =	ssyncset.done $0x0  }
0x99: {  	[sflag:s31] =	ssyncadd.s32 $0xFFFFE000  }
0x9a: {  	[spmem:s2] =	stream.indirect.scatter.add.f32 [tilespmem:s24], [sflag:$0x6], $0x80, s11, s23, $0xb8;
	[tilespmem:$0x1D400] =	vst v63  }
0x9b: {  	_ =	swait.ge [sflag:s0], $0x2000  }
0x9c: {  	[sflag:s0] =	ssyncset.done $0x0  }
0x9d: {  	[sflag:s0] =	ssyncadd.s32 $0xFFFFE000  }
0x9e: {  	[spmem:s2] =	stream.indirect.scatter.add.f32 [tilespmem:s26], [sflag:$0x7], $0x80, s12, s23, $0xb8;
	[tilespmem:$0x1D400] =	vst v63  }
0x9f: {  	_ =	swait.ge [sflag:s3], $0x2000  }
0xa0: {  	[sflag:s3] =	ssyncset.done $0x0  }
0xa1: {  	[sflag:s3] =	ssyncadd.s32 $0xFFFFE000  }
0xa2: {  	[spmem:s2] =	stream.indirect.scatter.add.f32 [tilespmem:s29], [sflag:$0x8], $0x80, s13, s23, $0xb8;
	[tilespmem:$0x1D400] =	vst v63  }
0xa3: {  	_ =	swait.ge [sflag:s6], $0x2000  }
0xa4: {  	[sflag:s6] =	ssyncset.done $0x0  }
0xa5: {  	[sflag:s6] =	ssyncadd.s32 $0xFFFFE000  }
0xa6: {  	_ =	swait.ge [sflag:s7], $0x2000  }
0xa7: {  	[sflag:s7] =	ssyncset.done $0x0  }
0xa8: {  	[sflag:s7] =	ssyncadd.s32 $0xFFFFE000  }
0xa9: {  	_ =	swait.ge [sflag:s8], $0x2000  }
0xaa: {  	[sflag:s8] =	ssyncset.done $0x0  }
0xab: {  	[sflag:s8] =	ssyncadd.s32 $0xFFFFE000  }
0xac: {  	_ =	swait.ge [sflag:s9], $0x2000  }
0xad: {  	[sflag:s9] =	ssyncset.done $0x0  }
0xae: {  	s14 =	simm.s32 $0x0;
	s16 =	rddreg [dreg:$0x6];
	[sflag:s9] =	ssyncadd.s32 $0xFFFFE000  }
0xaf: {  	[tilespmem:s14], [sflag:$0x9] =	stream.linear.gather [hbm4b:s16+s14], $0xA00, $0x38;
	[tilespmem:$0x1D400] =	vst v63  }
0xb0: {  	_ =	swait.ge [sflag:s21], $0xA00  }
0xb1: {  	[sflag:s21] =	ssyncset.done $0x0  }
0xb2: {  	s16 =	rddreg [dreg:$0x7];
	[sflag:s21] =	ssyncadd.s32 $0xFFFFF600  }
0xb3: {  	[tilespmem:s22], [sflag:$0x9] =	stream.linear.gather [hbm4b:s16+s14], $0xA00, $0x38;
	[tilespmem:$0x1D400] =	vst v63  }
0xb4: {  	_ =	swait.ge [sflag:s21], $0xA00  }
0xb5: {  	[sflag:s21] =	ssyncset.done $0x0  }
0xb6: {  	[sflag:s21] =	ssyncadd.s32 $0xFFFFF600  }
0xb7: {  	[tilespmem:s20], [sflag:$0x1] =	stream.indirect.gather [hbm4b:s1+s23], $0x80, s14, s23, $0xb8;
	[tilespmem:$0x1D400] =	vst v63  }
0xb8: {  	_ = 	snop  }
0xb9: {  	[tilespmem:s24], [sflag:$0x2] =	stream.indirect.gather [hbm4b:s1+s23], $0x80, s23, s23, $0xb8;
	[tilespmem:$0x1D400] =	vst v63  }
0xba: {  	_ = 	snop  }
0xbb: {  	[tilespmem:s26], [sflag:$0x3] =	stream.indirect.gather [hbm4b:s1+s23], $0x80, s25, s23, $0xb8;
	[tilespmem:$0x1D400] =	vst v63  }
0xbc: {  	_ = 	snop  }
0xbd: {  	[tilespmem:s29], [sflag:$0x4] =	stream.indirect.gather [hbm4b:s1+s23], $0x80, s28, s23, $0xb8;
	[tilespmem:$0x1D400] =	vst v63  }
0xbe: {  	_ =	swait.ge [sflag:s30], $0x2000  }
0xbf: {  	[sflag:s30] =	ssyncset.done $0x0  }
0xc0: {  	s16 =	simm.s32 $0xA00;
	[sflag:s30] =	ssyncadd.s32 $0xFFFFE000  }
0xc1: {  	[spmem:s2] =	stream.indirect.scatter.add.f32 [tilespmem:s20], [sflag:$0x5], $0x80, s16, s23, $0xb8;
	[tilespmem:$0x1D400] =	vst v63  }
0xc2: {  	_ =	swait.ge [sflag:s31], $0x2000  }
0xc3: {  	[sflag:s31] =	ssyncset.done $0x0  }
0xc4: {  	s15 =	simm.s32 $0xA40;
	[sflag:s31] =	ssyncadd.s32 $0xFFFFE000  }
0xc5: {  	[spmem:s2] =	stream.indirect.scatter.add.f32 [tilespmem:s24], [sflag:$0x6], $0x80, s15, s23, $0xb8;
	[tilespmem:$0x1D400] =	vst v63  }
0xc6: {  	_ =	swait.ge [sflag:s0], $0x2000  }
0xc7: {  	[sflag:s0] =	ssyncset.done $0x0  }
0xc8: {  	s16 =	simm.s32 $0xA80;
	[sflag:s0] =	ssyncadd.s32 $0xFFFFE000  }
0xc9: {  	[spmem:s2] =	stream.indirect.scatter.add.f32 [tilespmem:s26], [sflag:$0x7], $0x80, s16, s23, $0xb8;
	[tilespmem:$0x1D400] =	vst v63  }
0xca: {  	_ =	swait.ge [sflag:s3], $0x2000  }
0xcb: {  	[sflag:s3] =	ssyncset.done $0x0  }
0xcc: {  	s15 =	simm.s32 $0xAC0;
	[sflag:s3] =	ssyncadd.s32 $0xFFFFE000  }
0xcd: {  	[spmem:s2] =	stream.indirect.scatter.add.f32 [tilespmem:s29], [sflag:$0x8], $0x80, s15, s23, $0xb8;
	[tilespmem:$0x1D400] =	vst v63  }
0xce: {  	_ =	swait.ge [sflag:s6], $0x2000  }
0xcf: {  	[sflag:s6] =	ssyncset.done $0x0  }
0xd0: {  	s16 =	simm.s32 $0x100;
	[sflag:s6] =	ssyncadd.s32 $0xFFFFE000  }
0xd1: {  	[tilespmem:s20], [sflag:$0x1] =	stream.indirect.gather [hbm4b:s1+s23], $0x80, s16, s23, $0xb8;
	[tilespmem:$0x1D400] =	vst v63  }
0xd2: {  	_ =	swait.ge [sflag:s7], $0x2000  }
0xd3: {  	[sflag:s7] =	ssyncset.done $0x0  }
0xd4: {  	s15 =	simm.s32 $0x140;
	[sflag:s7] =	ssyncadd.s32 $0xFFFFE000  }
0xd5: {  	[tilespmem:s24], [sflag:$0x2] =	stream.indirect.gather [hbm4b:s1+s23], $0x80, s15, s23, $0xb8;
	[tilespmem:$0x1D400] =	vst v63  }
0xd6: {  	_ =	swait.ge [sflag:s8], $0x2000  }
0xd7: {  	[sflag:s8] =	ssyncset.done $0x0  }
0xd8: {  	s16 =	simm.s32 $0x180;
	[sflag:s8] =	ssyncadd.s32 $0xFFFFE000  }
0xd9: {  	[tilespmem:s26], [sflag:$0x3] =	stream.indirect.gather [hbm4b:s1+s23], $0x80, s16, s23, $0xb8;
	[tilespmem:$0x1D400] =	vst v63  }
0xda: {  	_ =	swait.ge [sflag:s9], $0x2000  }
0xdb: {  	[sflag:s9] =	ssyncset.done $0x0  }
0xdc: {  	s14 =	simm.s32 $0x400;
	s15 =	simm.s32 $0x1C0;
	[sflag:s9] =	ssyncadd.s32 $0xFFFFE000  }
.LBB2_6:
0xdd: {  	[tilespmem:s29], [sflag:$0x4] =	stream.indirect.gather [hbm4b:s1+s23], $0x80, s15, s23, $0xb8;
	[tilespmem:$0x1D400] =	vst v63  }
0xde: {  	s15 =	smov.u32 s14  }
0xdf: {  	p0 =	sne.s32 s14, $0x2000;
	s14 =	sadd.s32 $0x400, s14;
	_ =	swait.ge [sflag:s30], $0x2000  }
0xe0: {  	s15 =	sshra.s32 s15, $0x2;
	[sflag:s30] =	ssyncset.done $0x0  }
0xe1: {  	s16 =	sadd.s32 $0xA00, s15;
	[sflag:s30] =	ssyncadd.s32 $0xFFFFE000  }
0xe2: {  	[spmem:s2] =	stream.indirect.scatter.add.f32 [tilespmem:s20], [sflag:$0x5], $0x80, s16, s23, $0xb8;
	[tilespmem:$0x1D400] =	vst v63  }
0xe3: {  	_ =	swait.ge [sflag:s31], $0x2000  }
0xe4: {  	[sflag:s31] =	ssyncset.done $0x0  }
0xe5: {  	s16 =	sadd.s32 $0xA40, s15;
	[sflag:s31] =	ssyncadd.s32 $0xFFFFE000  }
0xe6: {  	[spmem:s2] =	stream.indirect.scatter.add.f32 [tilespmem:s24], [sflag:$0x6], $0x80, s16, s23, $0xb8;
	[tilespmem:$0x1D400] =	vst v63  }
0xe7: {  	_ =	swait.ge [sflag:s0], $0x2000  }
0xe8: {  	[sflag:s0] =	ssyncset.done $0x0  }
0xe9: {  	s16 =	sadd.s32 $0xA80, s15;
	[sflag:s0] =	ssyncadd.s32 $0xFFFFE000  }
0xea: {  	[spmem:s2] =	stream.indirect.scatter.add.f32 [tilespmem:s26], [sflag:$0x7], $0x80, s16, s23, $0xb8;
	[tilespmem:$0x1D400] =	vst v63  }
0xeb: {  	_ =	swait.ge [sflag:s3], $0x2000  }
0xec: {  	[sflag:s3] =	ssyncset.done $0x0  }
0xed: {  	s16 =	sadd.s32 $0xAC0, s15;
	[sflag:s3] =	ssyncadd.s32 $0xFFFFE000  }
0xee: {  	[spmem:s2] =	stream.indirect.scatter.add.f32 [tilespmem:s29], [sflag:$0x8], $0x80, s16, s23, $0xb8;
	[tilespmem:$0x1D400] =	vst v63  }
0xef: {  	_ =	swait.ge [sflag:s6], $0x2000  }
0xf0: {  	[sflag:s6] =	ssyncset.done $0x0  }
0xf1: {  	s16 =	sadd.s32 $0x100, s15;
	[sflag:s6] =	ssyncadd.s32 $0xFFFFE000  }
0xf2: {  	[tilespmem:s20], [sflag:$0x1] =	stream.indirect.gather [hbm4b:s1+s23], $0x80, s16, s23, $0xb8;
	[tilespmem:$0x1D400] =	vst v63  }
0xf3: {  	_ =	swait.ge [sflag:s7], $0x2000  }
0xf4: {  	[sflag:s7] =	ssyncset.done $0x0  }
0xf5: {  	s16 =	sadd.s32 $0x140, s15;
	[sflag:s7] =	ssyncadd.s32 $0xFFFFE000  }
0xf6: {  	[tilespmem:s24], [sflag:$0x2] =	stream.indirect.gather [hbm4b:s1+s23], $0x80, s16, s23, $0xb8;
	[tilespmem:$0x1D400] =	vst v63  }
0xf7: {  	_ =	swait.ge [sflag:s8], $0x2000  }
0xf8: {  	[sflag:s8] =	ssyncset.done $0x0  }
.Ltmp2:
0xf9: {  	s16 =	sadd.s32 $0x180, s15;
	[sflag:s8] =	ssyncadd.s32 $0xFFFFE000;
	(pc) =	sbr.rel @p0 .LBB2_6-.Ltmp2, $4  }
0xfa: {  	[tilespmem:s26], [sflag:$0x3] =	stream.indirect.gather [hbm4b:s1+s23], $0x80, s16, s23, $0xb8;
	[tilespmem:$0x1D400] =	vst v63  }
0xfb: {  	_ =	swait.ge [sflag:s9], $0x2000  }
0xfc: {  	[sflag:s9] =	ssyncset.done $0x0  }
0xfd: {  	s15 =	sadd.s32 $0x1C0, s15;
	[sflag:s9] =	ssyncadd.s32 $0xFFFFE000  }
0xfe: {  	[tilespmem:s29], [sflag:$0x4] =	stream.indirect.gather [hbm4b:s1+s23], $0x80, s15, s23, $0xb8;
	[tilespmem:$0x1D400] =	vst v63  }
0xff: {  	_ =	swait.ge [sflag:s30], $0x2000  }
0x100: {  	[sflag:s30] =	ssyncset.done $0x0  }
0x101: {  	[sflag:s30] =	ssyncadd.s32 $0xFFFFE000  }
0x102: {  	[spmem:s2] =	stream.indirect.scatter.add.f32 [tilespmem:s20], [sflag:$0x5], $0x80, s10, s23, $0xb8;
	[tilespmem:$0x1D400] =	vst v63  }
0x103: {  	_ =	swait.ge [sflag:s31], $0x2000  }
0x104: {  	[sflag:s31] =	ssyncset.done $0x0  }
0x105: {  	[sflag:s31] =	ssyncadd.s32 $0xFFFFE000  }
0x106: {  	[spmem:s2] =	stream.indirect.scatter.add.f32 [tilespmem:s24], [sflag:$0x6], $0x80, s11, s23, $0xb8;
	[tilespmem:$0x1D400] =	vst v63  }
0x107: {  	_ =	swait.ge [sflag:s0], $0x2000  }
0x108: {  	[sflag:s0] =	ssyncset.done $0x0  }
0x109: {  	[sflag:s0] =	ssyncadd.s32 $0xFFFFE000  }
0x10a: {  	[spmem:s2] =	stream.indirect.scatter.add.f32 [tilespmem:s26], [sflag:$0x7], $0x80, s12, s23, $0xb8;
	[tilespmem:$0x1D400] =	vst v63  }
0x10b: {  	_ =	swait.ge [sflag:s3], $0x2000  }
0x10c: {  	[sflag:s3] =	ssyncset.done $0x0  }
0x10d: {  	[sflag:s3] =	ssyncadd.s32 $0xFFFFE000  }
0x10e: {  	[spmem:s2] =	stream.indirect.scatter.add.f32 [tilespmem:s29], [sflag:$0x8], $0x80, s13, s23, $0xb8;
	[tilespmem:$0x1D400] =	vst v63  }
0x10f: {  	_ =	swait.ge [sflag:s6], $0x2000  }
0x110: {  	[sflag:s6] =	ssyncset.done $0x0  }
0x111: {  	[sflag:s6] =	ssyncadd.s32 $0xFFFFE000  }
0x112: {  	_ =	swait.ge [sflag:s7], $0x2000  }
0x113: {  	[sflag:s7] =	ssyncset.done $0x0  }
0x114: {  	[sflag:s7] =	ssyncadd.s32 $0xFFFFE000  }
0x115: {  	_ =	swait.ge [sflag:s8], $0x2000  }
0x116: {  	[sflag:s8] =	ssyncset.done $0x0  }
0x117: {  	[sflag:s8] =	ssyncadd.s32 $0xFFFFE000  }
0x118: {  	_ =	swait.ge [sflag:s9], $0x2000  }
0x119: {  	[sflag:s9] =	ssyncset.done $0x0  }
0x11a: {  	s14 =	simm.s32 $0x0;
	s16 =	rddreg [dreg:$0x8];
	[sflag:s9] =	ssyncadd.s32 $0xFFFFE000  }
0x11b: {  	[tilespmem:s14], [sflag:$0x9] =	stream.linear.gather [hbm4b:s16+s14], $0xA00, $0x38;
	[tilespmem:$0x1D400] =	vst v63  }
0x11c: {  	_ =	swait.ge [sflag:s21], $0xA00  }
0x11d: {  	[sflag:s21] =	ssyncset.done $0x0  }
0x11e: {  	s16 =	rddreg [dreg:$0x9];
	[sflag:s21] =	ssyncadd.s32 $0xFFFFF600  }
0x11f: {  	[tilespmem:s22], [sflag:$0x9] =	stream.linear.gather [hbm4b:s16+s14], $0xA00, $0x38;
	[tilespmem:$0x1D400] =	vst v63  }
0x120: {  	_ =	swait.ge [sflag:s21], $0xA00  }
0x121: {  	[sflag:s21] =	ssyncset.done $0x0  }
0x122: {  	[sflag:s21] =	ssyncadd.s32 $0xFFFFF600  }
0x123: {  	[tilespmem:s20], [sflag:$0x1] =	stream.indirect.gather [hbm4b:s1+s23], $0x80, s14, s23, $0xb8;
	[tilespmem:$0x1D400] =	vst v63  }
0x124: {  	_ = 	snop  }
0x125: {  	[tilespmem:s24], [sflag:$0x2] =	stream.indirect.gather [hbm4b:s1+s23], $0x80, s23, s23, $0xb8;
	[tilespmem:$0x1D400] =	vst v63  }
0x126: {  	_ = 	snop  }
0x127: {  	[tilespmem:s26], [sflag:$0x3] =	stream.indirect.gather [hbm4b:s1+s23], $0x80, s25, s23, $0xb8;
	[tilespmem:$0x1D400] =	vst v63  }
0x128: {  	_ = 	snop  }
0x129: {  	[tilespmem:s29], [sflag:$0x4] =	stream.indirect.gather [hbm4b:s1+s23], $0x80, s28, s23, $0xb8;
	[tilespmem:$0x1D400] =	vst v63  }
0x12a: {  	_ =	swait.ge [sflag:s30], $0x2000  }
0x12b: {  	[sflag:s30] =	ssyncset.done $0x0  }
0x12c: {  	s16 =	simm.s32 $0xA00;
	[sflag:s30] =	ssyncadd.s32 $0xFFFFE000  }
0x12d: {  	[spmem:s2] =	stream.indirect.scatter.add.f32 [tilespmem:s20], [sflag:$0x5], $0x80, s16, s23, $0xb8;
	[tilespmem:$0x1D400] =	vst v63  }
0x12e: {  	_ =	swait.ge [sflag:s31], $0x2000  }
0x12f: {  	[sflag:s31] =	ssyncset.done $0x0  }
0x130: {  	s15 =	simm.s32 $0xA40;
	[sflag:s31] =	ssyncadd.s32 $0xFFFFE000  }
0x131: {  	[spmem:s2] =	stream.indirect.scatter.add.f32 [tilespmem:s24], [sflag:$0x6], $0x80, s15, s23, $0xb8;
	[tilespmem:$0x1D400] =	vst v63  }
0x132: {  	_ =	swait.ge [sflag:s0], $0x2000  }
0x133: {  	[sflag:s0] =	ssyncset.done $0x0  }
0x134: {  	s16 =	simm.s32 $0xA80;
	[sflag:s0] =	ssyncadd.s32 $0xFFFFE000  }
0x135: {  	[spmem:s2] =	stream.indirect.scatter.add.f32 [tilespmem:s26], [sflag:$0x7], $0x80, s16, s23, $0xb8;
	[tilespmem:$0x1D400] =	vst v63  }
0x136: {  	_ =	swait.ge [sflag:s3], $0x2000  }
0x137: {  	[sflag:s3] =	ssyncset.done $0x0  }
0x138: {  	s15 =	simm.s32 $0xAC0;
	[sflag:s3] =	ssyncadd.s32 $0xFFFFE000  }
0x139: {  	[spmem:s2] =	stream.indirect.scatter.add.f32 [tilespmem:s29], [sflag:$0x8], $0x80, s15, s23, $0xb8;
	[tilespmem:$0x1D400] =	vst v63  }
0x13a: {  	_ =	swait.ge [sflag:s6], $0x2000  }
0x13b: {  	[sflag:s6] =	ssyncset.done $0x0  }
0x13c: {  	s16 =	simm.s32 $0x100;
	[sflag:s6] =	ssyncadd.s32 $0xFFFFE000  }
0x13d: {  	[tilespmem:s20], [sflag:$0x1] =	stream.indirect.gather [hbm4b:s1+s23], $0x80, s16, s23, $0xb8;
	[tilespmem:$0x1D400] =	vst v63  }
0x13e: {  	_ =	swait.ge [sflag:s7], $0x2000  }
0x13f: {  	[sflag:s7] =	ssyncset.done $0x0  }
0x140: {  	s15 =	simm.s32 $0x140;
	[sflag:s7] =	ssyncadd.s32 $0xFFFFE000  }
0x141: {  	[tilespmem:s24], [sflag:$0x2] =	stream.indirect.gather [hbm4b:s1+s23], $0x80, s15, s23, $0xb8;
	[tilespmem:$0x1D400] =	vst v63  }
0x142: {  	_ =	swait.ge [sflag:s8], $0x2000  }
0x143: {  	[sflag:s8] =	ssyncset.done $0x0  }
0x144: {  	s16 =	simm.s32 $0x180;
	[sflag:s8] =	ssyncadd.s32 $0xFFFFE000  }
0x145: {  	[tilespmem:s26], [sflag:$0x3] =	stream.indirect.gather [hbm4b:s1+s23], $0x80, s16, s23, $0xb8;
	[tilespmem:$0x1D400] =	vst v63  }
0x146: {  	_ =	swait.ge [sflag:s9], $0x2000  }
0x147: {  	[sflag:s9] =	ssyncset.done $0x0  }
0x148: {  	s14 =	simm.s32 $0x400;
	s15 =	simm.s32 $0x1C0;
	[sflag:s9] =	ssyncadd.s32 $0xFFFFE000  }
.LBB2_8:
0x149: {  	[tilespmem:s29], [sflag:$0x4] =	stream.indirect.gather [hbm4b:s1+s23], $0x80, s15, s23, $0xb8;
	[tilespmem:$0x1D400] =	vst v63  }
0x14a: {  	s15 =	smov.u32 s14  }
0x14b: {  	p0 =	sne.s32 s14, $0x2000;
	s14 =	sadd.s32 $0x400, s14;
	_ =	swait.ge [sflag:s30], $0x2000  }
0x14c: {  	s15 =	sshra.s32 s15, $0x2;
	[sflag:s30] =	ssyncset.done $0x0  }
0x14d: {  	s16 =	sadd.s32 $0xA00, s15;
	[sflag:s30] =	ssyncadd.s32 $0xFFFFE000  }
0x14e: {  	[spmem:s2] =	stream.indirect.scatter.add.f32 [tilespmem:s20], [sflag:$0x5], $0x80, s16, s23, $0xb8;
	[tilespmem:$0x1D400] =	vst v63  }
0x14f: {  	_ =	swait.ge [sflag:s31], $0x2000  }
0x150: {  	[sflag:s31] =	ssyncset.done $0x0  }
0x151: {  	s16 =	sadd.s32 $0xA40, s15;
	[sflag:s31] =	ssyncadd.s32 $0xFFFFE000  }
0x152: {  	[spmem:s2] =	stream.indirect.scatter.add.f32 [tilespmem:s24], [sflag:$0x6], $0x80, s16, s23, $0xb8;
	[tilespmem:$0x1D400] =	vst v63  }
0x153: {  	_ =	swait.ge [sflag:s0], $0x2000  }
0x154: {  	[sflag:s0] =	ssyncset.done $0x0  }
0x155: {  	s16 =	sadd.s32 $0xA80, s15;
	[sflag:s0] =	ssyncadd.s32 $0xFFFFE000  }
0x156: {  	[spmem:s2] =	stream.indirect.scatter.add.f32 [tilespmem:s26], [sflag:$0x7], $0x80, s16, s23, $0xb8;
	[tilespmem:$0x1D400] =	vst v63  }
0x157: {  	_ =	swait.ge [sflag:s3], $0x2000  }
0x158: {  	[sflag:s3] =	ssyncset.done $0x0  }
0x159: {  	s16 =	sadd.s32 $0xAC0, s15;
	[sflag:s3] =	ssyncadd.s32 $0xFFFFE000  }
0x15a: {  	[spmem:s2] =	stream.indirect.scatter.add.f32 [tilespmem:s29], [sflag:$0x8], $0x80, s16, s23, $0xb8;
	[tilespmem:$0x1D400] =	vst v63  }
0x15b: {  	_ =	swait.ge [sflag:s6], $0x2000  }
0x15c: {  	[sflag:s6] =	ssyncset.done $0x0  }
0x15d: {  	s16 =	sadd.s32 $0x100, s15;
	[sflag:s6] =	ssyncadd.s32 $0xFFFFE000  }
0x15e: {  	[tilespmem:s20], [sflag:$0x1] =	stream.indirect.gather [hbm4b:s1+s23], $0x80, s16, s23, $0xb8;
	[tilespmem:$0x1D400] =	vst v63  }
0x15f: {  	_ =	swait.ge [sflag:s7], $0x2000  }
0x160: {  	[sflag:s7] =	ssyncset.done $0x0  }
0x161: {  	s16 =	sadd.s32 $0x140, s15;
	[sflag:s7] =	ssyncadd.s32 $0xFFFFE000  }
0x162: {  	[tilespmem:s24], [sflag:$0x2] =	stream.indirect.gather [hbm4b:s1+s23], $0x80, s16, s23, $0xb8;
	[tilespmem:$0x1D400] =	vst v63  }
0x163: {  	_ =	swait.ge [sflag:s8], $0x2000  }
0x164: {  	[sflag:s8] =	ssyncset.done $0x0  }
.Ltmp3:
0x165: {  	s16 =	sadd.s32 $0x180, s15;
	[sflag:s8] =	ssyncadd.s32 $0xFFFFE000;
	(pc) =	sbr.rel @p0 .LBB2_8-.Ltmp3, $4  }
0x166: {  	[tilespmem:s26], [sflag:$0x3] =	stream.indirect.gather [hbm4b:s1+s23], $0x80, s16, s23, $0xb8;
	[tilespmem:$0x1D400] =	vst v63  }
0x167: {  	_ =	swait.ge [sflag:s9], $0x2000  }
0x168: {  	[sflag:s9] =	ssyncset.done $0x0  }
0x169: {  	s15 =	sadd.s32 $0x1C0, s15;
	[sflag:s9] =	ssyncadd.s32 $0xFFFFE000  }
0x16a: {  	[tilespmem:s29], [sflag:$0x4] =	stream.indirect.gather [hbm4b:s1+s23], $0x80, s15, s23, $0xb8;
	[tilespmem:$0x1D400] =	vst v63  }
0x16b: {  	_ =	swait.ge [sflag:s30], $0x2000  }
0x16c: {  	[sflag:s30] =	ssyncset.done $0x0  }
0x16d: {  	[sflag:s30] =	ssyncadd.s32 $0xFFFFE000  }
0x16e: {  	[spmem:s2] =	stream.indirect.scatter.add.f32 [tilespmem:s20], [sflag:$0x5], $0x80, s10, s23, $0xb8;
	[tilespmem:$0x1D400] =	vst v63  }
0x16f: {  	_ =	swait.ge [sflag:s31], $0x2000  }
0x170: {  	[sflag:s31] =	ssyncset.done $0x0  }
0x171: {  	[sflag:s31] =	ssyncadd.s32 $0xFFFFE000  }
0x172: {  	[spmem:s2] =	stream.indirect.scatter.add.f32 [tilespmem:s24], [sflag:$0x6], $0x80, s11, s23, $0xb8;
	[tilespmem:$0x1D400] =	vst v63  }
0x173: {  	_ =	swait.ge [sflag:s0], $0x2000  }
0x174: {  	[sflag:s0] =	ssyncset.done $0x0  }
0x175: {  	[sflag:s0] =	ssyncadd.s32 $0xFFFFE000  }
0x176: {  	[spmem:s2] =	stream.indirect.scatter.add.f32 [tilespmem:s26], [sflag:$0x7], $0x80, s12, s23, $0xb8;
	[tilespmem:$0x1D400] =	vst v63  }
0x177: {  	_ =	swait.ge [sflag:s3], $0x2000  }
0x178: {  	[sflag:s3] =	ssyncset.done $0x0  }
0x179: {  	[sflag:s3] =	ssyncadd.s32 $0xFFFFE000  }
0x17a: {  	[spmem:s2] =	stream.indirect.scatter.add.f32 [tilespmem:s29], [sflag:$0x8], $0x80, s13, s23, $0xb8;
	[tilespmem:$0x1D400] =	vst v63  }
0x17b: {  	_ =	swait.ge [sflag:s6], $0x2000  }
0x17c: {  	[sflag:s6] =	ssyncset.done $0x0  }
0x17d: {  	[sflag:s6] =	ssyncadd.s32 $0xFFFFE000  }
0x17e: {  	_ =	swait.ge [sflag:s7], $0x2000  }
0x17f: {  	[sflag:s7] =	ssyncset.done $0x0  }
0x180: {  	[sflag:s7] =	ssyncadd.s32 $0xFFFFE000  }
0x181: {  	_ =	swait.ge [sflag:s8], $0x2000  }
0x182: {  	[sflag:s8] =	ssyncset.done $0x0  }
0x183: {  	[sflag:s8] =	ssyncadd.s32 $0xFFFFE000  }
0x184: {  	_ =	swait.ge [sflag:s9], $0x2000  }
0x185: {  	[sflag:s9] =	ssyncset.done $0x0  }
0x186: {  	s14 =	simm.s32 $0x0;
	s16 =	rddreg [dreg:$0xa];
	[sflag:s9] =	ssyncadd.s32 $0xFFFFE000  }
0x187: {  	[tilespmem:s14], [sflag:$0x9] =	stream.linear.gather [hbm4b:s16+s14], $0xA00, $0x38;
	[tilespmem:$0x1D400] =	vst v63  }
0x188: {  	_ =	swait.ge [sflag:s21], $0xA00  }
0x189: {  	[sflag:s21] =	ssyncset.done $0x0  }
0x18a: {  	s16 =	rddreg [dreg:$0xb];
	[sflag:s21] =	ssyncadd.s32 $0xFFFFF600  }
0x18b: {  	[tilespmem:s22], [sflag:$0x9] =	stream.linear.gather [hbm4b:s16+s14], $0xA00, $0x38;
	[tilespmem:$0x1D400] =	vst v63  }
0x18c: {  	_ =	swait.ge [sflag:s21], $0xA00  }
0x18d: {  	[sflag:s21] =	ssyncset.done $0x0  }
0x18e: {  	[sflag:s21] =	ssyncadd.s32 $0xFFFFF600  }
0x18f: {  	[tilespmem:s20], [sflag:$0x1] =	stream.indirect.gather [hbm4b:s1+s23], $0x80, s14, s23, $0xb8;
	[tilespmem:$0x1D400] =	vst v63  }
0x190: {  	_ = 	snop  }
0x191: {  	[tilespmem:s24], [sflag:$0x2] =	stream.indirect.gather [hbm4b:s1+s23], $0x80, s23, s23, $0xb8;
	[tilespmem:$0x1D400] =	vst v63  }
0x192: {  	_ = 	snop  }
0x193: {  	[tilespmem:s26], [sflag:$0x3] =	stream.indirect.gather [hbm4b:s1+s23], $0x80, s25, s23, $0xb8;
	[tilespmem:$0x1D400] =	vst v63  }
0x194: {  	_ = 	snop  }
0x195: {  	[tilespmem:s29], [sflag:$0x4] =	stream.indirect.gather [hbm4b:s1+s23], $0x80, s28, s23, $0xb8;
	[tilespmem:$0x1D400] =	vst v63  }
0x196: {  	_ =	swait.ge [sflag:s30], $0x2000  }
0x197: {  	[sflag:s30] =	ssyncset.done $0x0  }
0x198: {  	s16 =	simm.s32 $0xA00;
	[sflag:s30] =	ssyncadd.s32 $0xFFFFE000  }
0x199: {  	[spmem:s2] =	stream.indirect.scatter.add.f32 [tilespmem:s20], [sflag:$0x5], $0x80, s16, s23, $0xb8;
	[tilespmem:$0x1D400] =	vst v63  }
0x19a: {  	_ =	swait.ge [sflag:s31], $0x2000  }
0x19b: {  	[sflag:s31] =	ssyncset.done $0x0  }
0x19c: {  	s15 =	simm.s32 $0xA40;
	[sflag:s31] =	ssyncadd.s32 $0xFFFFE000  }
0x19d: {  	[spmem:s2] =	stream.indirect.scatter.add.f32 [tilespmem:s24], [sflag:$0x6], $0x80, s15, s23, $0xb8;
	[tilespmem:$0x1D400] =	vst v63  }
0x19e: {  	_ =	swait.ge [sflag:s0], $0x2000  }
0x19f: {  	[sflag:s0] =	ssyncset.done $0x0  }
0x1a0: {  	s16 =	simm.s32 $0xA80;
	[sflag:s0] =	ssyncadd.s32 $0xFFFFE000  }
0x1a1: {  	[spmem:s2] =	stream.indirect.scatter.add.f32 [tilespmem:s26], [sflag:$0x7], $0x80, s16, s23, $0xb8;
	[tilespmem:$0x1D400] =	vst v63  }
0x1a2: {  	_ =	swait.ge [sflag:s3], $0x2000  }
0x1a3: {  	[sflag:s3] =	ssyncset.done $0x0  }
0x1a4: {  	s15 =	simm.s32 $0xAC0;
	[sflag:s3] =	ssyncadd.s32 $0xFFFFE000  }
0x1a5: {  	[spmem:s2] =	stream.indirect.scatter.add.f32 [tilespmem:s29], [sflag:$0x8], $0x80, s15, s23, $0xb8;
	[tilespmem:$0x1D400] =	vst v63  }
0x1a6: {  	_ =	swait.ge [sflag:s6], $0x2000  }
0x1a7: {  	[sflag:s6] =	ssyncset.done $0x0  }
0x1a8: {  	s16 =	simm.s32 $0x100;
	[sflag:s6] =	ssyncadd.s32 $0xFFFFE000  }
0x1a9: {  	[tilespmem:s20], [sflag:$0x1] =	stream.indirect.gather [hbm4b:s1+s23], $0x80, s16, s23, $0xb8;
	[tilespmem:$0x1D400] =	vst v63  }
0x1aa: {  	_ =	swait.ge [sflag:s7], $0x2000  }
0x1ab: {  	[sflag:s7] =	ssyncset.done $0x0  }
0x1ac: {  	s15 =	simm.s32 $0x140;
	[sflag:s7] =	ssyncadd.s32 $0xFFFFE000  }
0x1ad: {  	[tilespmem:s24], [sflag:$0x2] =	stream.indirect.gather [hbm4b:s1+s23], $0x80, s15, s23, $0xb8;
	[tilespmem:$0x1D400] =	vst v63  }
0x1ae: {  	_ =	swait.ge [sflag:s8], $0x2000  }
0x1af: {  	[sflag:s8] =	ssyncset.done $0x0  }
0x1b0: {  	s16 =	simm.s32 $0x180;
	[sflag:s8] =	ssyncadd.s32 $0xFFFFE000  }
0x1b1: {  	[tilespmem:s26], [sflag:$0x3] =	stream.indirect.gather [hbm4b:s1+s23], $0x80, s16, s23, $0xb8;
	[tilespmem:$0x1D400] =	vst v63  }
0x1b2: {  	_ =	swait.ge [sflag:s9], $0x2000  }
0x1b3: {  	[sflag:s9] =	ssyncset.done $0x0  }
0x1b4: {  	s14 =	simm.s32 $0x400;
	s15 =	simm.s32 $0x1C0;
	[sflag:s9] =	ssyncadd.s32 $0xFFFFE000  }
.LBB2_10:
0x1b5: {  	[tilespmem:s29], [sflag:$0x4] =	stream.indirect.gather [hbm4b:s1+s23], $0x80, s15, s23, $0xb8;
	[tilespmem:$0x1D400] =	vst v63  }
0x1b6: {  	s15 =	smov.u32 s14  }
0x1b7: {  	p0 =	sne.s32 s14, $0x2000;
	s14 =	sadd.s32 $0x400, s14;
	_ =	swait.ge [sflag:s30], $0x2000  }
0x1b8: {  	s15 =	sshra.s32 s15, $0x2;
	[sflag:s30] =	ssyncset.done $0x0  }
0x1b9: {  	s16 =	sadd.s32 $0xA00, s15;
	[sflag:s30] =	ssyncadd.s32 $0xFFFFE000  }
0x1ba: {  	[spmem:s2] =	stream.indirect.scatter.add.f32 [tilespmem:s20], [sflag:$0x5], $0x80, s16, s23, $0xb8;
	[tilespmem:$0x1D400] =	vst v63  }
0x1bb: {  	_ =	swait.ge [sflag:s31], $0x2000  }
0x1bc: {  	[sflag:s31] =	ssyncset.done $0x0  }
0x1bd: {  	s16 =	sadd.s32 $0xA40, s15;
	[sflag:s31] =	ssyncadd.s32 $0xFFFFE000  }
0x1be: {  	[spmem:s2] =	stream.indirect.scatter.add.f32 [tilespmem:s24], [sflag:$0x6], $0x80, s16, s23, $0xb8;
	[tilespmem:$0x1D400] =	vst v63  }
0x1bf: {  	_ =	swait.ge [sflag:s0], $0x2000  }
0x1c0: {  	[sflag:s0] =	ssyncset.done $0x0  }
0x1c1: {  	s16 =	sadd.s32 $0xA80, s15;
	[sflag:s0] =	ssyncadd.s32 $0xFFFFE000  }
0x1c2: {  	[spmem:s2] =	stream.indirect.scatter.add.f32 [tilespmem:s26], [sflag:$0x7], $0x80, s16, s23, $0xb8;
	[tilespmem:$0x1D400] =	vst v63  }
0x1c3: {  	_ =	swait.ge [sflag:s3], $0x2000  }
0x1c4: {  	[sflag:s3] =	ssyncset.done $0x0  }
0x1c5: {  	s16 =	sadd.s32 $0xAC0, s15;
	[sflag:s3] =	ssyncadd.s32 $0xFFFFE000  }
0x1c6: {  	[spmem:s2] =	stream.indirect.scatter.add.f32 [tilespmem:s29], [sflag:$0x8], $0x80, s16, s23, $0xb8;
	[tilespmem:$0x1D400] =	vst v63  }
0x1c7: {  	_ =	swait.ge [sflag:s6], $0x2000  }
0x1c8: {  	[sflag:s6] =	ssyncset.done $0x0  }
0x1c9: {  	s16 =	sadd.s32 $0x100, s15;
	[sflag:s6] =	ssyncadd.s32 $0xFFFFE000  }
0x1ca: {  	[tilespmem:s20], [sflag:$0x1] =	stream.indirect.gather [hbm4b:s1+s23], $0x80, s16, s23, $0xb8;
	[tilespmem:$0x1D400] =	vst v63  }
0x1cb: {  	_ =	swait.ge [sflag:s7], $0x2000  }
0x1cc: {  	[sflag:s7] =	ssyncset.done $0x0  }
0x1cd: {  	s16 =	sadd.s32 $0x140, s15;
	[sflag:s7] =	ssyncadd.s32 $0xFFFFE000  }
0x1ce: {  	[tilespmem:s24], [sflag:$0x2] =	stream.indirect.gather [hbm4b:s1+s23], $0x80, s16, s23, $0xb8;
	[tilespmem:$0x1D400] =	vst v63  }
0x1cf: {  	_ =	swait.ge [sflag:s8], $0x2000  }
0x1d0: {  	[sflag:s8] =	ssyncset.done $0x0  }
.Ltmp4:
0x1d1: {  	s16 =	sadd.s32 $0x180, s15;
	[sflag:s8] =	ssyncadd.s32 $0xFFFFE000;
	(pc) =	sbr.rel @p0 .LBB2_10-.Ltmp4, $4  }
0x1d2: {  	[tilespmem:s26], [sflag:$0x3] =	stream.indirect.gather [hbm4b:s1+s23], $0x80, s16, s23, $0xb8;
	[tilespmem:$0x1D400] =	vst v63  }
0x1d3: {  	_ =	swait.ge [sflag:s9], $0x2000  }
0x1d4: {  	[sflag:s9] =	ssyncset.done $0x0  }
0x1d5: {  	s15 =	sadd.s32 $0x1C0, s15;
	[sflag:s9] =	ssyncadd.s32 $0xFFFFE000  }
0x1d6: {  	[tilespmem:s29], [sflag:$0x4] =	stream.indirect.gather [hbm4b:s1+s23], $0x80, s15, s23, $0xb8;
	[tilespmem:$0x1D400] =	vst v63  }
0x1d7: {  	_ =	swait.ge [sflag:s30], $0x2000  }
0x1d8: {  	[sflag:s30] =	ssyncset.done $0x0  }
0x1d9: {  	[sflag:s30] =	ssyncadd.s32 $0xFFFFE000  }
0x1da: {  	[spmem:s2] =	stream.indirect.scatter.add.f32 [tilespmem:s20], [sflag:$0x5], $0x80, s10, s23, $0xb8;
	[tilespmem:$0x1D400] =	vst v63  }
0x1db: {  	_ =	swait.ge [sflag:s31], $0x2000  }
0x1dc: {  	[sflag:s31] =	ssyncset.done $0x0  }
0x1dd: {  	[sflag:s31] =	ssyncadd.s32 $0xFFFFE000  }
0x1de: {  	[spmem:s2] =	stream.indirect.scatter.add.f32 [tilespmem:s24], [sflag:$0x6], $0x80, s11, s23, $0xb8;
	[tilespmem:$0x1D400] =	vst v63  }
0x1df: {  	_ =	swait.ge [sflag:s0], $0x2000  }
0x1e0: {  	[sflag:s0] =	ssyncset.done $0x0  }
0x1e1: {  	[sflag:s0] =	ssyncadd.s32 $0xFFFFE000  }
0x1e2: {  	[spmem:s2] =	stream.indirect.scatter.add.f32 [tilespmem:s26], [sflag:$0x7], $0x80, s12, s23, $0xb8;
	[tilespmem:$0x1D400] =	vst v63  }
0x1e3: {  	_ =	swait.ge [sflag:s3], $0x2000  }
0x1e4: {  	[sflag:s3] =	ssyncset.done $0x0  }
0x1e5: {  	[sflag:s3] =	ssyncadd.s32 $0xFFFFE000  }
0x1e6: {  	[spmem:s2] =	stream.indirect.scatter.add.f32 [tilespmem:s29], [sflag:$0x8], $0x80, s13, s23, $0xb8;
	[tilespmem:$0x1D400] =	vst v63  }
0x1e7: {  	_ =	swait.ge [sflag:s6], $0x2000  }
0x1e8: {  	[sflag:s6] =	ssyncset.done $0x0  }
0x1e9: {  	[sflag:s6] =	ssyncadd.s32 $0xFFFFE000  }
0x1ea: {  	_ =	swait.ge [sflag:s7], $0x2000  }
0x1eb: {  	[sflag:s7] =	ssyncset.done $0x0  }
0x1ec: {  	[sflag:s7] =	ssyncadd.s32 $0xFFFFE000  }
0x1ed: {  	_ =	swait.ge [sflag:s8], $0x2000  }
0x1ee: {  	[sflag:s8] =	ssyncset.done $0x0  }
0x1ef: {  	[sflag:s8] =	ssyncadd.s32 $0xFFFFE000  }
0x1f0: {  	_ =	swait.ge [sflag:s9], $0x2000  }
0x1f1: {  	s14 =	stileid.u32;
	[sflag:s9] =	ssyncset.done $0x0  }
0x1f2: {  	s14 =	sshll.u32 s14, $0x6;
	[sflag:s9] =	ssyncadd.s32 $0xFFFFE000  }
0x1f3: {  	s16 =	sshrl.u32 s5, $0x3;
	s14 =	sor.u32 $0x1C09, s14;
	[bflag:$0x0] =	sbarrier.arrive $0xFFFF  }
0x1f4: {  	[hbm:s19], [sflag:s14] =	dma.local [spmem:s16], $0x2800  }
0x1f5: {  	_ =	swait.ge [sflag:s21], $0x2800  }
0x1f6: {  	s4 =	sadd.s32 $0x1, s4;
	s16 =	rddreg [dreg:$0xc]  }
0x1f7: {  	p0 =	sne.s32 s4, s16  }
.Ltmp5:
0x1f8: {  	_ = 	snop;
	(pc) =	sbr.rel @p0 .LBB2_1-.Ltmp5, $3  }
0x1f9: {  	_ =	sdelay $0x1  }
0x1fa: {  	[sflag:s21] =	ssyncset.done $0x0  }
0x1fb: {  	[sflag:s21] =	ssyncadd.s32 $0xFFFFD800  }
0x1fc: {  	_ =	sfence.sel $0x180000  }
0x1fd: {  	[bflag:$0x0] =	sbarrier.arrive $0xFFFF  }
0x1fe: {  	_ =	strace $0x9000004D  }
0x1ff: {  	s0 =	stileid.u32;
	[bflag:$0x2] =	sbarrier.arrive $0xFFFF  }
0x200: {  	p0 =	sne.s32 s0, $0x0;
	s0 =	rddreg [dreg:$0x3]  }
0x201: {  	s0 =	sadd.s32 @!p0 $0x100000, s0  }
0x202: {  	[sflag:s0] =	ssyncadd.tile.s32 @!p0 $0x1;
	_ =	shalt  }
.Lfunc_end2:
_tile_overlayer_lowered:
.L_overlay_start_2:
0x203: {  	(tag) =	ssettag $0x2  }
0x204: {  	s0 =	rddreg [dreg:$0x0];
	s2 =	stileid.u32  }
0x205: {  	s1 =	rddreg [dreg:$0x1];
	p0 =	sne.s32 s2, $0x0  }
0x206: {  	s3 =	rddreg [dreg:$0x2];
	[bflag:$0x3] =	sbarrier.arrive $0xFFFF;
	s2 =	simm.s32 @!p0 $0x1C09  }
0x207: {  	[timem:s3], [sflag:s2] =	dma.local @!p0 [hbm:s0], s1  }
0x208: {  	s0 =	simm.s32 @!p0 $0x9  }
0x209: {  	_ =	swait.ge @!p0 [sflag:s0], s1  }
0x20a: {  	s1 =	ssub.s32 @!p0 $0x0, s1;
	[sflag:s0] =	ssyncset.done @!p0 $0x0  }
0x20b: {  	[sflag:s0] =	ssyncadd.s32 @!p0 s1  }
0x20c: {  	[bflag:$0x3] =	sbarrier.arrive $0xFFFF  }
0x20d: {  	_ =	shalt  }

// kernel: kernel.8.cloned.1.call-start
scs
__scs_entry_jumppad:
0x0: {  	(pc) =	sbr.rel $0x88, $3  }
0x1: {  	(tag) =	ssettag $0x0;
	lr =	simm.s32 $0x1  }
0x2: {  	[smem:$0x3F9B] =	sst lr;
	_ =	strace $0xD0000000  }
0x3: {  	_ = 	snop  }
0x4: {  	_ = 	snop  }
0x5: {  	_ = 	snop  }
0x6: {  	_ = 	snop  }
0x7: {  	_ = 	snop  }
__scs_overlays_trampoline_lowered:
0x8: {  	[smem:$0x3FAA] =	sst s0  }
0x9: {  	[smem:$0x3FAB] =	sst s1  }
0xa: {  	[smem:$0x3FAC] =	sst s2  }
0xb: {  	[smem:$0x3FAD] =	sst s3  }
0xc: {  	[smem:$0x3FAE] =	sst s4  }
0xd: {  	[smem:$0x3FAF] =	sst s5  }
0xe: {  	[smem:$0x3FB0] =	sst s6  }
0xf: {  	[smem:$0x3FB1] =	sst s7  }
0x10: {  	[smem:$0x3FB2] =	sst s8  }
0x11: {  	[smem:$0x3FB3] =	sst s9;
	s0 =	simm.s32 @!p0 $0x0  }
0x12: {  	s1 =	sld [smem:$0x3F99];
	s0 =	simm.s32 @p0 $0x1  }
0x13: {  	[smem:$0x3FB4] =	sst s0;
	s0 =	simm.s32 @!p1 $0x0  }
0x14: {  	s2 =	sld [smem:$0x3F98];
	s0 =	simm.s32 @p1 $0x1  }
0x15: {  	[smem:$0x3FB5] =	sst s0;
	s0 =	simm.s32 @!p2 $0x0  }
0x16: {  	s3 =	sld [smem:$0x3FDB];
	s0 =	simm.s32 @p2 $0x1  }
0x17: {  	s4 =	simm.s32 $0x1BF5;
	[smem:$0x3FB7] =	sst s0  }
0x18: {  	s0 =	sld [smem:$0x3F9A];
	_ =	swait.ge [sflag:s4], $0x0  }
0x19: {  	s7 =	sld [smem:$0x3F9B]  }
0x1a: {  	s8 =	sadd.s32 $0xFFFFE003, lr  }
0x1b: {  	s9 =	sadd.s32 $0xFFFFFEF7, lr;
	s5 =	simm.s32 $0xFFFFFFFF;
	p2 =	slt.u32 s8, $0xFFFFF086  }
0x1c: {  	p1 =	slt.u32 s9, $0xF7A;
	s5 =	simm.s32 @!p2 $0x0  }
0x1d: {  	s5 =	simm.s32 @p1 $0x1;
	p0 =	seq.s32 s7, s2  }
0x1e: {  	s7 =	smul.u32 @!p0 $0xF7A, s2;
	p2 =	seq.s32 @!p0 s5, $0x0  }
0x1f: {  	s9 =	smul.u32 $0xF7A, s1;
	s8 =	simm.s32 @!p0 $0x1BF5;
	p2 =	por !p2, p0  }
0x20: {  	[sflag:s8] =	ssyncset.s32 @!p0 $0xFFFFF086;
	s6 =	sadd.s32 @!p0 s3, s7;
	s7 =	simm.s32 @!p0 $0x108  }
0x21: {  	s3 =	sadd.s32 s3, s9;
	s6 =	sadd.s32 @!p0 $0x88, s6;
	s7 =	simm.s32 @p2 $0x1082  }
0x22: {  	[simem:s7], [sflag:s8] =	dma.local @!p0 [hbm:s6], $0xF7A  }
0x23: {  	s9 =	sor.u32 $0xD0000000, s2;
	s6 =	simm.s32 $0x108;
	_ =	swait.ge @!p0 [sflag:s8], $0x0  }
0x24: {  	s3 =	sadd.s32 $0x88, s3;
	s6 =	simm.s32 @!p1 $0x1082;
	[sflag:s4] =	ssyncset.s32 $0xFFFFF086  }
0x25: {  	[simem:s6], [sflag:s4] =	dma.local [hbm:s3], $0xF7A  }
0x26: {  	[smem:$0x3F9B] =	sst s1;
	(tag) =	ssettag s2;
	_ =	strace s9  }
0x27: {  	s1 =	sld [smem:$0x3FAB]  }
0x28: {  	s2 =	sld [smem:$0x3FAC]  }
0x29: {  	s4 =	sld [smem:$0x3FAE]  }
0x2a: {  	p0 =	seq.s32 s5, $0x0;
	s5 =	sld [smem:$0x3FAF]  }
0x2b: {  	s6 =	sld [smem:$0x3FB0]  }
0x2c: {  	s7 =	sld [smem:$0x3FB1]  }
0x2d: {  	s3 =	simm.s32 $0x108;
	s8 =	sld [smem:$0x3FB2]  }
0x2e: {  	s3 =	simm.s32 @!p0 $0x1082;
	s9 =	sld [smem:$0x3FB3]  }
0x2f: {  	lr =	sadd.s32 s0, s3;
	s0 =	sld [smem:$0x3FAA]  }
0x30: {  	s3 =	sld [smem:$0x3FAD]  }
0x31: {  	[smem:$0x3FB6] =	sst s10  }
0x32: {  	s10 =	sld [smem:$0x3FB4];
	_ =	sdelay $0x3  }
0x33: {  	p0 =	seq.s32 s10, $0x1;
	s10 =	sld [smem:$0x3FB6];
	_ =	sdelay $0x3  }
0x34: {  	[smem:$0x3FB6] =	sst s10  }
0x35: {  	s10 =	sld [smem:$0x3FB5];
	_ =	sdelay $0x3  }
0x36: {  	p1 =	seq.s32 s10, $0x1;
	s10 =	sld [smem:$0x3FB6];
	_ =	sdelay $0x3  }
0x37: {  	[smem:$0x3FB6] =	sst s10  }
0x38: {  	s10 =	sld [smem:$0x3FB7]  }
0x39: {  	_ = 	snop;
	(pc) =	sbr.ind lr, $3  }
0x3a: {  	_ = 	snop  }
0x3b: {  	_ = 	snop  }
0x3c: {  	p2 =	seq.s32 s10, $0x1;
	s10 =	sld [smem:$0x3FB6]  }
0x3d: {  	_ =	shalt  }
0x3e: {  	_ =	shalt  }
0x3f: {  	_ =	shalt  }
0x40: {  	_ =	shalt  }
0x41: {  	_ =	shalt  }
0x42: {  	_ =	shalt  }
0x43: {  	_ =	shalt  }
0x44: {  	_ =	shalt  }
0x45: {  	_ =	shalt  }
0x46: {  	_ =	shalt  }
0x47: {  	_ =	shalt  }
0x48: {  	_ =	shalt  }
0x49: {  	_ =	shalt  }
0x4a: {  	_ =	shalt  }
0x4b: {  	_ =	shalt  }
0x4c: {  	_ =	shalt  }
0x4d: {  	_ =	shalt  }
0x4e: {  	_ =	shalt  }
0x4f: {  	_ =	shalt  }
0x50: {  	_ =	shalt  }
0x51: {  	_ =	shalt  }
0x52: {  	_ =	shalt  }
0x53: {  	_ =	shalt  }
0x54: {  	_ =	shalt  }
0x55: {  	_ =	shalt  }
0x56: {  	_ =	shalt  }
0x57: {  	_ =	shalt  }
0x58: {  	_ =	shalt  }
0x59: {  	_ =	shalt  }
0x5a: {  	_ =	shalt  }
0x5b: {  	_ =	shalt  }
0x5c: {  	_ =	shalt  }
0x5d: {  	_ =	shalt  }
0x5e: {  	_ =	shalt  }
0x5f: {  	_ =	shalt  }
0x60: {  	_ =	shalt  }
0x61: {  	_ =	shalt  }
0x62: {  	_ =	shalt  }
0x63: {  	_ =	shalt  }
0x64: {  	_ =	shalt  }
0x65: {  	_ =	shalt  }
0x66: {  	_ =	shalt  }
0x67: {  	_ =	shalt  }
0x68: {  	_ =	shalt  }
0x69: {  	_ =	shalt  }
0x6a: {  	_ =	shalt  }
0x6b: {  	_ =	shalt  }
0x6c: {  	_ =	shalt  }
0x6d: {  	_ =	shalt  }
0x6e: {  	_ =	shalt  }
0x6f: {  	_ =	shalt  }
0x70: {  	_ =	shalt  }
0x71: {  	_ =	shalt  }
0x72: {  	_ =	shalt  }
0x73: {  	_ =	shalt  }
0x74: {  	_ =	shalt  }
0x75: {  	_ =	shalt  }
0x76: {  	_ =	shalt  }
0x77: {  	_ =	shalt  }
0x78: {  	_ =	shalt  }
0x79: {  	_ =	shalt  }
0x7a: {  	_ =	shalt  }
0x7b: {  	_ =	shalt  }
0x7c: {  	_ =	shalt  }
0x7d: {  	_ =	shalt  }
0x7e: {  	_ =	shalt  }
0x7f: {  	_ =	shalt  }
0x80: {  	_ =	shalt  }
0x81: {  	_ =	shalt  }
0x82: {  	_ =	shalt  }
0x83: {  	_ =	shalt  }
0x84: {  	_ =	shalt  }
0x85: {  	_ =	shalt  }
0x86: {  	_ =	shalt  }
0x87: {  	_ =	shalt  }
.Lfunc_end0:
.L_simem_size_0:
called_computation_lowered:
.L_overlay_start_0:
0x88: {  	s2 =	sld [smem:$0x3FD9]  }
0x89: {  	s3 =	sld [smem:$0x3FFE];
	_ =	sdelay $0x1  }
0x8a: {  	s1 =	srdreg.scid  }
0x8b: {  	s0 =	sand.u32 $0x1, s1  }
0x8c: {  	s17 =	sshll.u32 s0, $0xA;
	s2 =	sadd.s32 s3, s2  }
0x8d: {  	s2 =	sadd.s32 s2, s17  }
0x8e: {  	[smem:$0x3FC2] =	sst s2  }
0x8f: {  	_ = 	snop  }
0x90: {  	s2 =	sld [smem:$0x3FD0];
	(tm) =	ssettm $0x1  }
0x91: {  	s18 =	sld [smem:$0x3FFB];
	_ =	sdelay $0x3  }
0x92: {  	_ =	strace s18  }
0x93: {  	s3 =	sld [smem:$0x3FFC];
	_ =	sdelay $0x3  }
0x94: {  	_ =	strace s3  }
0x95: {  	s3 =	sld [smem:$0x3FFD];
	_ =	sdelay $0x3  }
0x96: {  	_ =	strace s3  }
0x97: {  	_ =	strace $0x8FFFFFFF  }
0x98: {  	s19 =	sld [smem:$0x3FDB];
	_ =	sdelay $0x1  }
0x99: {  	s4 =	simm.s32 $_scs_section_size  }
0x9a: {  	s5 =	simm.s32 $_size__tile_overlayer_lowered;
	s6 =	simm.s32 $_tile_overlayer_lowered  }
0x9b: {  	s22 =	simm.s32 $0x1BFF;
	s21 =	sshll.u32 s6, $0x1;
	s3 =	sadd.s32 s4, s19  }
0x9c: {  	s7 =	simm.s32 $0x0;
	s20 =	sshll.u32 s5, $0x1;
	s5 =	sadd.s32 s21, s3  }
0x9d: {  	[timem:s7], [sflag:s22] =	dma.local [hbm:s5], s20  }
0x9e: {  	_ =	swait.ge [sflag:s22], s20  }
0x9f: {  	s4 =	ssub.s32 $0x0, s20;
	[sflag:s22] =	ssyncset.done $0x0  }
0xa0: {  	[sflag:s22] =	ssyncadd.s32 s4;
	_ =	sdelay $0x1  }
0xa1: {  	s23 =	simm.s32 $0x1B8B  }
0xa2: {  	_ =	swait.ge [sflag:s23], $0x1  }
0xa3: {  	[sflag:s23] =	ssyncset.done $0x0  }
0xa4: {  	s25 =	simm.s32 $0x1B8E;
	s24 =	sld [smem:$0x3FFE];
	[sflag:s23] =	ssyncadd.s32 $0xFFFFFFFF  }
0xa5: {  	s26 =	simm.s32 $execute0_lowered;
	[smem:$0x3FD2] =	sst s25  }
0xa6: {  	s5 =	sshll.u32 s26, $0x1;
	_ =	strace $0x80000046;
	[dreg:$0x1] =	wrdreg $0xFFFFFFFF  }
0xa7: {  	s28 =	simm.s32 $_size_execute0_lowered;
	s3 =	sadd.s32 s3, s5;
	[dreg:$0x0] =	wrdreg $0x0  }
0xa8: {  	s5 =	sshll.u32 s28, $0x1;
	[dreg:$0x2] =	wrdreg s3  }
0xa9: {  	[dreg:$0x3] =	wrdreg s5  }
0xaa: {  	[dreg:$0x4] =	wrdreg $0xC0  }
0xab: {  	_ =	task [dreg:s7], $0x5FFFF  }
0xac: {  	[dreg:$0x1] =	wrdreg $0xFFFFFFFF  }
0xad: {  	[dreg:$0x0] =	wrdreg $0x60  }
0xae: {  	[dreg:$0x2] =	wrdreg s24  }
0xaf: {  	[dreg:$0x3] =	wrdreg s2  }
0xb0: {  	[dreg:$0x4] =	wrdreg $0x2B000  }
0xb1: {  	[dreg:$0x5] =	wrdreg $0x9  }
0xb2: {  	_ =	task.clear_ibuf [dreg:s7], $0x6FFFF;
	_ =	strace $0x90000046  }
0xb3: {  	s29 =	simm.s32 $0x9;
	_ =	strace $0x80000048  }
0xb4: {  	_ =	swait.ge [sflag:s29], $0x1  }
0xb5: {  	[sflag:s29] =	ssyncadd.s32 $0xFFFFFFFF  }
0xb6: {  	_ =	strace $0x90000048  }
0xb7: {  	_ =	sfence  }
0xb8: {  	s30 =	sld [smem:$0x0];
	_ =	sdelay $0x2  }
0xb9: {  	s31 =	sshll.u32 s1, $0xD;
	s1 =	sshrl.u32 s1, $0x2  }
0xba: {  	s3 =	sand.u32 $0x4000, s31;
	s1 =	sadd.s32 s1, s30  }
0xbb: {  	s0 =	sor.u32 s3, s0;
	s1 =	sshll.u32 s1, $0x11  }
0xbc: {  	s0 =	sor.u32 s1, s0  }
0xbd: {  	s0 =	sadd.s32 $0x8F2B, s0  }
0xbe: {  	[sflag:s0] =	ssyncadd.remote.s32 $0x1  }
0xbf: {  	_ =	sfence.sel $0xFFFF  }
0xc0: {  	[dreg:$0x0] =	wrdreg $0xFFFFFFFF;
	(pc) =	sbr.abs _section_cstart, $3  }
0xc1: {  	[dreg:$0x1] =	wrdreg $0xFFFFFFFF  }
0xc2: {  	_ =	task.clear_ibuf [dreg:s7], $0x2FFFF;
	_ =	strace $0x9FFFFFFF  }
0xc3: {  	(tm) =	ssettm $0x7FFFFFFF  }
tec
execute0_lowered:
.L_overlay_start_1:
0x0: {  	(tag) =	ssettag $0x1  }
0x1: {  	s4 =	rddreg [dreg:$0x0]  }
0x2: {  	s7 =	rddreg [dreg:$0x1]  }
0x3: {  	s0 =	srdreg.scid;
	s2 =	rddreg [dreg:$0x2]  }
0x4: {  	s3 =	simm.s32 $0x0;
	s6 =	sand.u32 $0x1, s0;
	s0 =	rddreg [dreg:$0x3]  }
0x5: {  	s1 =	stileid.u32;
	s14 =	simm.s32 $0x0;
	[smem:$0x7FF] =	sst s3  }
0x6: {  	s10 =	smul.u32 $0x280, s1;
	s11 =	sadd.s32 $0x17C00, s4;
	s12 =	sshll.u32 s1, $0x6  }
0x7: {  	s5 =	sshll.u32 s6, $0x4;
	s8 =	ssub.s32 $0x2, s6;
	_ =	strace $0x80000047  }
0x8: {  	p0 =	seq.s32 s6, $0x1;
	s12 =	sor.u32 $0x1C01, s12;
	s5 =	sor.u32 s1, s5  }
0x9: {  	s9 =	sshrl.u32 s8, $0x1;
	s31 =	sshrl.u32 s10, $0x3;
	s7 =	smov.u32 @p0 s11  }
0xa: {  	s11 =	simm.s32 $0x2800;
	s5 =	smul.u32 $0x500, s5;
	s8 =	ssub.s32 s8, s9  }
0xb: {  	s7 =	sadd.s32 s7, s31;
	s9 =	simm.s32 $0x1;
	s6 =	smax.u32 s8, $0x1  }
0xc: {  	s8 =	simm.s32 $0x2880;
	s5 =	sadd.s32 s5, s4;
	s4 =	sadd.s32 s10, s2  }
0xd: {  	v0 =	vimm.f32 $0.0e+00;
	v1 =	vimm.f32 $1.000000000e+00;
	s10 =	simm.s32 $0x80;
	s5 =	sadd.s32 $0x3C00, s5;
	s13 =	sshrl.u32 s4, $0x3  }
.LBB2_1:
0xe: {  	[tilespmem:$0x2880] =	vst v0  }
0xf: {  	[tilespmem:$0x2890] =	vst v0  }
0x10: {  	[tilespmem:$0x28A0] =	vst v0  }
0x11: {  	[tilespmem:$0x28B0] =	vst v0  }
0x12: {  	[tilespmem:$0x28C0] =	vst v0  }
0x13: {  	[tilespmem:$0x28D0] =	vst v0  }
0x14: {  	[tilespmem:$0x28E0] =	vst v0  }
0x15: {  	[tilespmem:$0x28F0] =	vst v0  }
0x16: {  	[tilespmem:$0x2900] =	vst v0  }
0x17: {  	[tilespmem:$0x2910] =	vst v0  }
0x18: {  	[tilespmem:$0x2920] =	vst v0  }
0x19: {  	[tilespmem:$0x2930] =	vst v0  }
0x1a: {  	[tilespmem:$0x2940] =	vst v0  }
0x1b: {  	[tilespmem:$0x2950] =	vst v0  }
0x1c: {  	[tilespmem:$0x2960] =	vst v0  }
0x1d: {  	[tilespmem:$0x2970] =	vst v0  }
0x1e: {  	[tilespmem:$0x2980] =	vst v0  }
0x1f: {  	[tilespmem:$0x2990] =	vst v0  }
0x20: {  	[tilespmem:$0x29A0] =	vst v0  }
0x21: {  	[tilespmem:$0x29B0] =	vst v0  }
0x22: {  	[tilespmem:$0x29C0] =	vst v0  }
0x23: {  	[tilespmem:$0x29D0] =	vst v0  }
0x24: {  	[tilespmem:$0x29E0] =	vst v0  }
0x25: {  	[tilespmem:$0x29F0] =	vst v0  }
0x26: {  	[tilespmem:$0x2A00] =	vst v0  }
0x27: {  	[tilespmem:$0x2A10] =	vst v0  }
0x28: {  	[tilespmem:$0x2A20] =	vst v0  }
0x29: {  	[tilespmem:$0x2A30] =	vst v0  }
0x2a: {  	[tilespmem:$0x2A40] =	vst v0  }
0x2b: {  	[tilespmem:$0x2A50] =	vst v0  }
0x2c: {  	[tilespmem:$0x2A60] =	vst v0  }
0x2d: {  	[tilespmem:$0x2A70] =	vst v0  }
0x2e: {  	[tilespmem:$0x2A80] =	vst v0  }
0x2f: {  	[tilespmem:$0x2A90] =	vst v0  }
0x30: {  	[tilespmem:$0x2AA0] =	vst v0  }
0x31: {  	[tilespmem:$0x2AB0] =	vst v0  }
0x32: {  	[tilespmem:$0x2AC0] =	vst v0  }
0x33: {  	[tilespmem:$0x2AD0] =	vst v0  }
0x34: {  	[tilespmem:$0x2AE0] =	vst v0  }
0x35: {  	[tilespmem:$0x2AF0] =	vst v0  }
0x36: {  	[tilespmem:$0x2800] =	vst v1  }
0x37: {  	[tilespmem:$0x2810] =	vst v1  }
0x38: {  	[tilespmem:$0x2820] =	vst v1  }
0x39: {  	[tilespmem:$0x2830] =	vst v1  }
0x3a: {  	[tilespmem:$0x2840] =	vst v1  }
0x3b: {  	[tilespmem:$0x2850] =	vst v1  }
0x3c: {  	[tilespmem:$0x2860] =	vst v1  }
0x3d: {  	[tilespmem:$0x2870] =	vst v1  }
0x3e: {  	[spmem:s4] =	stream.linear.scatter [tilespmem:s8], [sflag:$0x1], $0x280, $0x38;
	[tilespmem:$0x2D80] =	vst v63  }
0x3f: {  	_ =	swait.ge [sflag:s9], $0x280  }
0x40: {  	[sflag:s9] =	ssyncset.done $0x0  }
0x41: {  	[sflag:s9] =	ssyncadd.s32 $0xFFFFFD80  }
0x42: {  	[bflag:$0x0] =	sbarrier.arrive $0xFFFF  }
0x43: {  	[tilespmem:s3], [sflag:$0x1] =	stream.linear.gather [hbm4b:s5+s3], $0x2800, $0x38;
	[tilespmem:$0x2D80] =	vst v63  }
0x44: {  	_ =	swait.ge [sflag:s9], $0x2800  }
0x45: {  	[sflag:s9] =	ssyncset.done $0x0  }
0x46: {  	s15 =	simm.s32 $0x0;
	[sflag:s9] =	ssyncadd.s32 $0xFFFFD800  }
0x47: {  	[spmem:s2] =	stream.indirect.scatter.add.f32 [tilespmem:s11], [sflag:$0x1], $0x1, s15, s10, $0xb8;
	[tilespmem:$0x2D80] =	vst v63  }
0x48: {  	_ =	swait.ge [sflag:s9], $0x80  }
0x49: {  	s15 =	simm.s32 $0x200;
	[sflag:s9] =	ssyncset.done $0x0  }
.LBB2_2:
0x4a: {  	s16 =	sshra.s32 s15, $0x2;
	[sflag:s9] =	ssyncadd.s32 $0xFFFFFF80;
	p0 =	sne.s32 s15, $0x9E00  }
0x4b: {  	[spmem:s2] =	stream.indirect.scatter.add.f32 [tilespmem:s11], [sflag:$0x1], $0x1, s16, s10, $0xb8;
	[tilespmem:$0x2D80] =	vst v63  }
.Ltmp0:
0x4c: {  	_ = 	snop;
	(pc) =	sbr.rel @p0 .LBB2_2-.Ltmp0, $4  }
0x4d: {  	_ = 	snop  }
0x4e: {  	s15 =	sadd.s32 $0x200, s15  }
0x4f: {  	_ =	swait.ge [sflag:s9], $0x80  }
0x50: {  	[sflag:s9] =	ssyncset.done $0x0  }
0x51: {  	s14 =	sadd.s32 $0x1, s14  }
0x52: {  	[sflag:s9] =	ssyncadd.s32 $0xFFFFFF80;
	p0 =	sne.s32 s14, s6  }
.Ltmp1:
0x53: {  	[bflag:$0x0] =	sbarrier.arrive $0xFFFF;
	(pc) =	sbr.rel @p0 .LBB2_1-.Ltmp1, $4  }
0x54: {  	[hbm:s7], [sflag:s12] =	dma.local [spmem:s13], $0x50  }
0x55: {  	_ =	swait.ge [sflag:s9], $0x50  }
0x56: {  	[sflag:s9] =	ssyncset.done $0x0  }
0x57: {  	[sflag:s9] =	ssyncadd.s32 $0xFFFFFFB0  }
0x58: {  	_ =	sfence.sel $0x180000  }
0x59: {  	[bflag:$0x0] =	sbarrier.arrive $0xFFFF  }
0x5a: {  	p0 =	sne.s32 s1, $0x0;
	_ =	strace $0x90000047  }
0x5b: {  	s0 =	sadd.s32 @!p0 $0x100000, s0;
	[bflag:$0x2] =	sbarrier.arrive $0xFFFF  }
0x5c: {  	[sflag:s0] =	ssyncadd.tile.s32 @!p0 $0x1;
	_ =	shalt  }
.Lfunc_end2:
_tile_overlayer_lowered:
.L_overlay_start_2:
0x5d: {  	(tag) =	ssettag $0x2  }
0x5e: {  	s0 =	rddreg [dreg:$0x0];
	s2 =	stileid.u32  }
0x5f: {  	s1 =	rddreg [dreg:$0x1];
	p0 =	sne.s32 s2, $0x0  }
0x60: {  	s3 =	rddreg [dreg:$0x2];
	[bflag:$0x3] =	sbarrier.arrive $0xFFFF;
	s2 =	simm.s32 @!p0 $0x1C01  }
0x61: {  	[timem:s3], [sflag:s2] =	dma.local @!p0 [hbm:s0], s1  }
0x62: {  	s0 =	simm.s32 @!p0 $0x1  }
0x63: {  	_ =	swait.ge @!p0 [sflag:s0], s1  }
0x64: {  	s1 =	ssub.s32 @!p0 $0x0, s1;
	[sflag:s0] =	ssyncset.done @!p0 $0x0  }
0x65: {  	[sflag:s0] =	ssyncadd.s32 @!p0 s1  }
0x66: {  	[bflag:$0x3] =	sbarrier.arrive $0xFFFF  }
0x67: {  	_ =	shalt  }

</sc_bundles>
